<compile_context>
chip_gen: v7x
topology: tpu7x:2x2x1
jax: 0.10.2.dev20260603
libtpu: 0.0.44.dev20260713+nightly
codegen_flags: <defaults>
</compile_context>

<pallas_src>
import functools

import jax
import jax.numpy as jnp
from jax import lax
from jax.experimental import pallas as pl
from jax.experimental.pallas import tpu as pltpu
from jax.experimental.pallas import tpu_sc as plsc

_N = 10000
_E = 320000
_NC, _NS = 2, 16
_NW = _NC * _NS
_EPT = _E // _NW
_B = 100
_NBLK = _EPT // _B
_PROP_B = {128: 100, 48: 100}
_PROP_RING = {128: 2, 48: 5}
_NP = 10240
_RPT = _NP // _NS

_ROWBLK = 1000
_G = _N // _ROWBLK

@functools.cache
def _get_mesh():
  return plsc.VectorSubcoreMesh(core_axis_name="c", subcore_axis_name="s")


_SC_PARAMS = pltpu.CompilerParams(use_tc_tiling_on_sc=False)


@functools.cache
def _make_prop(F):
  B = _PROP_B[F]
  NBLK = _EPT // B
  RING = _PROP_RING[F]

  @functools.partial(
      pl.kernel,
      out_type=jax.ShapeDtypeStruct((_NC, _NP, F), jnp.float32),
      mesh=_get_mesh(),
      compiler_params=_SC_PARAMS,
      scratch_types=[
          pltpu.VMEM((NBLK, B), jnp.int32),
          pltpu.VMEM((NBLK, B), jnp.int32),
          pltpu.VMEM((RING, B, F), jnp.float32),
          pltpu.VMEM_SHARED((_NP, F), jnp.float32),
          pltpu.SemaphoreType.DMA((RING,)),
          pltpu.SemaphoreType.DMA((RING,)),
      ],
  )
  def prop(h_hbm, e_hbm, z_hbm, out_hbm, src_v, dst_v, rows_v, acc_sh,
           gsem, ssem):
    cid = lax.axis_index("c")
    sid = lax.axis_index("s")
    wid = cid * _NS + sid
    pltpu.sync_copy(e_hbm.at[0, wid], src_v)
    pltpu.sync_copy(e_hbm.at[1, wid], dst_v)
    pltpu.async_copy(h_hbm.at[src_v.at[0]], rows_v.at[0], gsem.at[0])
    pltpu.async_copy(h_hbm.at[src_v.at[1]], rows_v.at[1], gsem.at[1])
    pltpu.sync_copy(z_hbm, acc_sh.at[pl.ds(sid * _RPT, _RPT)])
    plsc.subcore_barrier()

    @pl.loop(0, NBLK // RING)
    def _(i):
      for j in range(RING):
        b = RING * i + j
        k = (j + 2) % RING
        pltpu.make_async_copy(h_hbm.at[src_v.at[b]], rows_v.at[j],
                              gsem.at[j]).wait()
        pltpu.async_copy(rows_v.at[j], acc_sh.at[dst_v.at[b]], ssem.at[j],
                         add=True)

        @pl.when(b + 2 < NBLK)
        def _():
          @pl.when(b >= RING - 2)
          def _():
            pltpu.make_async_copy(rows_v.at[k], acc_sh.at[dst_v.at[b]],
                                  ssem.at[k]).wait()

          pltpu.async_copy(h_hbm.at[src_v.at[b + 2]], rows_v.at[k],
                           gsem.at[k])

    for j in range(RING):
      pltpu.make_async_copy(rows_v.at[j], acc_sh.at[dst_v.at[0]],
                            ssem.at[j]).wait()
    plsc.subcore_barrier()
    pltpu.sync_copy(acc_sh.at[pl.ds(sid * _RPT, _RPT)],
                    out_hbm.at[cid, pl.ds(sid * _RPT, _RPT)])

  return prop


@functools.cache
def _make_deg():

  @functools.partial(
      pl.kernel,
      out_type=jax.ShapeDtypeStruct((_NC, _NP, 16), jnp.float32),
      mesh=_get_mesh(),
      compiler_params=_SC_PARAMS,
      scratch_types=[
          pltpu.VMEM((_NBLK, _B), jnp.int32),
          pltpu.VMEM((_B, 16), jnp.float32),
          pltpu.VMEM_SHARED((_NP, 16), jnp.float32),
          pltpu.SemaphoreType.DMA,
      ],
  )
  def deg(e_hbm, ones_hbm, z_hbm, out_hbm, src_v, ones_v, acc_sh, dsem):
    cid = lax.axis_index("c")
    sid = lax.axis_index("s")
    wid = cid * _NS + sid
    pltpu.sync_copy(e_hbm.at[0, wid], src_v)
    pltpu.sync_copy(ones_hbm, ones_v)
    pltpu.sync_copy(z_hbm, acc_sh.at[pl.ds(sid * _RPT, _RPT)])
    plsc.subcore_barrier()

    @pl.loop(0, _NBLK)
    def _(b):
      pltpu.async_copy(ones_v, acc_sh.at[src_v.at[b]], dsem, add=True)

    @pl.loop(0, _NBLK)
    def _(b):
      pltpu.make_async_copy(ones_v, acc_sh.at[src_v.at[0]], dsem).wait()

    plsc.subcore_barrier()
    pltpu.sync_copy(acc_sh.at[pl.ds(sid * _RPT, _RPT)],
                    out_hbm.at[cid, pl.ds(sid * _RPT, _RPT)])

  return deg


def _tc_matmul1(x, W1):

  def body(x_ref, w_ref, a_ref, c_ref, d_ref):
    xb = x_ref[...]
    w = w_ref[...]
    a_ref[...] = jnp.dot(xb, w[1], preferred_element_type=jnp.float32)
    c_ref[...] = 2.0 * jnp.dot(xb, w[2], preferred_element_type=jnp.float32)
    d_ref[...] = jnp.dot(xb, w[0] - w[2], preferred_element_type=jnp.float32)

  return pl.pallas_call(
      body,
      grid=(_G,),
      in_specs=[
          pl.BlockSpec((_ROWBLK, 128), lambda i: (i, 0)),
          pl.BlockSpec((3, 128, 128), lambda i: (0, 0, 0)),
      ],
      out_specs=[
          pl.BlockSpec((_ROWBLK, 128), lambda i: (i, 0)),
          pl.BlockSpec((_ROWBLK, 128), lambda i: (i, 0)),
          pl.BlockSpec((_ROWBLK, 128), lambda i: (i, 0)),
      ],
      out_shape=[
          jax.ShapeDtypeStruct((_N, 128), jnp.float32),
          jax.ShapeDtypeStruct((_N, 128), jnp.float32),
          jax.ShapeDtypeStruct((_N, 128), jnp.float32),
      ],
  )(x, W1)


def _tc_scale1(c1, degp):

  def body(c_ref, degp_ref, p_ref, dis_ref):
    deg = degp_ref[0, :, 0:1] + degp_ref[1, :, 0:1]
    dis2 = jnp.where(deg > 0.0, lax.rsqrt(jnp.maximum(deg, 1.0)), 0.0)
    p_ref[...] = dis2 * c_ref[...]
    dis_ref[...] = dis2

  return pl.pallas_call(
      body,
      grid=(_G,),
      in_specs=[
          pl.BlockSpec((_ROWBLK, 128), lambda i: (i, 0)),
          pl.BlockSpec((2, _ROWBLK, 16), lambda i: (0, i, 0)),
      ],
      out_specs=[
          pl.BlockSpec((_ROWBLK, 128), lambda i: (i, 0)),
          pl.BlockSpec((_ROWBLK, 1), lambda i: (i, 0)),
      ],
      out_shape=[
          jax.ShapeDtypeStruct((_N, 128), jnp.float32),
          jax.ShapeDtypeStruct((_N, 1), jnp.float32),
      ],
  )(c1, degp)


def _make_tc_combine(F):

  def body(p_ref, a_ref, dis_ref, o_ref):
    dis2 = dis_ref[...]
    s = p_ref[0] + p_ref[1]
    o_ref[...] = dis2 * a_ref[...] - (dis2 * dis2) * s

  def run(Pp, a, dis):
    return pl.pallas_call(
        body,
        grid=(_G,),
        in_specs=[
            pl.BlockSpec((2, _ROWBLK, F), lambda i: (0, i, 0)),
            pl.BlockSpec((_ROWBLK, F), lambda i: (i, 0)),
            pl.BlockSpec((_ROWBLK, 1), lambda i: (i, 0)),
        ],
        out_specs=pl.BlockSpec((_ROWBLK, F), lambda i: (i, 0)),
        out_shape=jax.ShapeDtypeStruct((_N, F), jnp.float32),
    )(Pp, a, dis)

  return run


_combine128 = _make_tc_combine(128)
_combine48 = _make_tc_combine(48)


def _tc_layer2(P2, d1, dis, b1r, W2p):

  def body(p_ref, d1_ref, dis_ref, b1_ref, w_ref, a_ref, p3_ref, d2_ref):
    dis2 = dis_ref[...]
    v = -dis2 * (p_ref[0] + p_ref[1])
    h = jnp.maximum(d1_ref[...] + v + b1_ref[...], 0.0)
    w = w_ref[...]
    a_ref[...] = jnp.dot(h, w[1], preferred_element_type=jnp.float32)
    p3_ref[...] = dis2 * (2.0 * jnp.dot(h, w[2],
                                        preferred_element_type=jnp.float32))
    d2_ref[...] = jnp.dot(h, w[0] - w[2], preferred_element_type=jnp.float32)

  return pl.pallas_call(
      body,
      grid=(_G,),
      in_specs=[
          pl.BlockSpec((2, _ROWBLK, 128), lambda i: (0, i, 0)),
          pl.BlockSpec((_ROWBLK, 128), lambda i: (i, 0)),
          pl.BlockSpec((_ROWBLK, 1), lambda i: (i, 0)),
          pl.BlockSpec((1, 128), lambda i: (0, 0)),
          pl.BlockSpec((3, 128, 48), lambda i: (0, 0, 0)),
      ],
      out_specs=[
          pl.BlockSpec((_ROWBLK, 48), lambda i: (i, 0)),
          pl.BlockSpec((_ROWBLK, 48), lambda i: (i, 0)),
          pl.BlockSpec((_ROWBLK, 48), lambda i: (i, 0)),
      ],
      out_shape=[
          jax.ShapeDtypeStruct((_N, 48), jnp.float32),
          jax.ShapeDtypeStruct((_N, 48), jnp.float32),
          jax.ShapeDtypeStruct((_N, 48), jnp.float32),
      ],
  )(P2, d1, dis, b1r, W2p)


def _tc_final(P4, d2, dis, b2r):
  def body(p_ref, d2_ref, dis_ref, b2_ref, o_ref):
    dis2 = dis_ref[...]
    o_ref[...] = d2_ref[...] - dis2 * (p_ref[0] + p_ref[1]) + b2_ref[...]

  return pl.pallas_call(
      body,
      grid=(_G,),
      in_specs=[
          pl.BlockSpec((2, _ROWBLK, 48), lambda i: (0, i, 0)),
          pl.BlockSpec((_ROWBLK, 48), lambda i: (i, 0)),
          pl.BlockSpec((_ROWBLK, 1), lambda i: (i, 0)),
          pl.BlockSpec((1, 48), lambda i: (0, 0)),
      ],
      out_specs=pl.BlockSpec((_ROWBLK, 48), lambda i: (i, 0)),
      out_shape=jax.ShapeDtypeStruct((_N, 48), jnp.float32),
  )(P4, d2, dis, b2r)


def kernel(x, edge_index, W1, b1, W2, b2):
  e4 = edge_index.reshape(2, _NW, _NBLK, _B)
  e4_128 = edge_index.reshape(2, _NW, _EPT // _PROP_B[128], _PROP_B[128])
  e4_48 = edge_index.reshape(2, _NW, _EPT // _PROP_B[48], _PROP_B[48])
  zeros128 = jnp.zeros((_RPT, 128), jnp.float32)
  zeros48 = jnp.zeros((_RPT, 48), jnp.float32)
  zeros16 = jnp.zeros((_RPT, 16), jnp.float32)
  ones16 = jnp.ones((_B, 16), jnp.float32)
  W2p = jnp.pad(W2, ((0, 0), (0, 0), (0, 8)))
  b1r = b1.reshape(1, 128)
  b2r = jnp.pad(b2, (0, 8)).reshape(1, 48)

  degp = _make_deg()(e4, ones16, zeros16)
  a1, c1, d1 = _tc_matmul1(x, W1)
  p1, dis = _tc_scale1(c1, degp)
  P1 = _make_prop(128)(p1, e4_128, zeros128)
  p2 = _combine128(P1, a1, dis)
  P2 = _make_prop(128)(p2, e4_128, zeros128)
  a2, p3, d2 = _tc_layer2(P2, d1, dis, b1r, W2p)
  P3 = _make_prop(48)(p3, e4_48, zeros48)
  p4 = _combine48(P3, a2, dis)
  P4 = _make_prop(48)(p4, e4_48, zeros48)
  o48 = _tc_final(P4, d2, dis, b2r)
  return o48[:, :40]

# --- scband reference (transcript-rebuilt; emitter-appended) ---
"""Pipeline reference for scband-cheb-net-67542655697003 (READ-ONLY COPY).

The authoritative reference and input builder live on the scoring server;
editing this copy changes nothing except your own understanding.
"""

import jax, jax.numpy as jnp
import numpy as np

N = 10000
E = 320000
IN_DIM = 128
HID = 128
NUM_CLASSES = 40
K = 3


def setup_inputs(seed: int = 0):
    key = jax.random.key(seed)
    k1, k2, k3, k4, k5, k6 = jax.random.split(key, 6)
    x = jax.random.normal(k1, (N, IN_DIM), dtype=jnp.float32)
    edge_index = jax.random.randint(k2, (2, E), 0, N, dtype=jnp.int32)
    # Learned parameters: ChebConv has K weight matrices [in, out] plus bias per layer.
    W1 = jax.random.normal(k3, (K, IN_DIM, HID), dtype=jnp.float32) * (1.0 / np.sqrt(IN_DIM))
    b1 = jnp.zeros((HID,), dtype=jnp.float32)
    W2 = jax.random.normal(k4, (K, HID, NUM_CLASSES), dtype=jnp.float32) * (1.0 / np.sqrt(HID))
    b2 = jnp.zeros((NUM_CLASSES,), dtype=jnp.float32)
    return {"x": x, "edge_index": edge_index, "W1": W1, "b1": b1, "W2": W2, "b2": b2}


def cheb_layer(x, edge_index, W, b):
    # Faithful PyG ChebConv with normalization='sym', lambda_max defaulting to 2.0,
    # which makes L_hat = 2L/lambda_max - I = -D^{-1/2} A D^{-1/2} (diagonal cancels).
    src = edge_index[0]
    dst = edge_index[1]
    n = x.shape[0]
    ones = jnp.ones(src.shape[0], dtype=x.dtype)
    deg = jnp.zeros((n,), dtype=x.dtype).at[src].add(ones)
    deg_inv_sqrt = jnp.where(deg > 0, 1.0 / jnp.sqrt(jnp.where(deg > 0, deg, 1.0)), 0.0)
    norm = -deg_inv_sqrt[src] * deg_inv_sqrt[dst]

    def prop(h):
        msgs = norm[:, None] * jnp.take(h, src, axis=0)
        return jnp.zeros((n, h.shape[1]), dtype=h.dtype).at[dst].add(msgs)

    Tx0 = x
    out = Tx0 @ W[0]
    Tx1 = prop(Tx0)
    out = out + Tx1 @ W[1]
    for k in range(2, W.shape[0]):
        Tx2 = 2.0 * prop(Tx1) - Tx0
        out = out + Tx2 @ W[k]
        Tx0, Tx1 = Tx1, Tx2
    return out + b


def reference(x, edge_index, W1, b1, W2, b2):
    h = jax.nn.relu(cheb_layer(x, edge_index, W1, b1))
    # F.dropout with training=False is the identity (inference reference)
    return cheb_layer(h, edge_index, W2, b2)

if __name__ == "__main__":
    import jax
    _d = setup_inputs()
    print(jax.jit(kernel)(*tuple(_d.values())))

</pallas_src>

<mosaic_0001>
#map = affine_map<(d0, d1) -> (0, 0)>
#map1 = affine_map<(d0, d1) -> (0, 0, 0, 0)>
#map2 = affine_map<(d0, d1) -> (0, 0, 0)>
module attributes {stable_mosaic.version = 14 : i64} {
  func.func @prop(%arg0: i32, %arg1: i32, %arg2: memref<10000x48xf32, #tpu.memory_space<hbm>>, %arg3: memref<2x32x100x100xi32, #tpu.memory_space<hbm>>, %arg4: memref<640x48xf32, #tpu.memory_space<hbm>>, %arg5: memref<2x10240x48xf32, #tpu.memory_space<hbm>>, %arg6: memref<100x100xi32, #tpu.memory_space<vmem>>, %arg7: memref<100x100xi32, #tpu.memory_space<vmem>>, %arg8: memref<5x100x48xf32, #tpu.memory_space<vmem>>, %arg9: memref<10240x48xf32, #tpu.memory_space<vmem_shared>>, %arg10: memref<5x!tpu.dma_semaphore, #tpu.memory_space<semaphore_mem>>, %arg11: memref<5x!tpu.dma_semaphore, #tpu.memory_space<semaphore_mem>>) attributes {dimension_semantics = [#tpu.dimension_semantics<core_parallel>, #tpu.dimension_semantics<subcore_parallel>], iteration_bounds = array<i64: 2, 16>, scalar_prefetch = 0 : i64, scratch_operands = 6 : i64, tpu.core_type = #tpu.core_type<sc_vector_subcore>, window_params = [{transform_indices = #map}, {transform_indices = #map1}, {transform_indices = #map}, {transform_indices = #map2}]} {
    %mul3A = arith.constant 16 : i32
    %mul3A_0 = arith.muli %arg0, %mul3A : i32
    %add3A = arith.addi %mul3A_0, %arg1 : i32
    %run_scoped3A = arith.constant 0 : i32
    "tpu.region"() ({
      %run_scoped3A_116 = tpu.sem_alloc : memref<!tpu.dma_semaphore, #tpu.memory_space<semaphore_mem>>
      %dma_start3A_117 = arith.constant 0 : i32
      %dma_start3A_118 = arith.constant 0 : i32
      %dma_start3A_119 = tpu.memref_slice %arg3[%run_scoped3A, %add3A, %dma_start3A_117, %dma_start3A_118] : memref<2x32x100x100xi32, #tpu.memory_space<hbm>> -> memref<1x1x100x100xi32, #tpu.memory_space<hbm>>
      %dma_start3A_120 = tpu.memref_squeeze %dma_start3A_119 : memref<1x1x100x100xi32, #tpu.memory_space<hbm>> -> memref<100x100xi32, #tpu.memory_space<hbm>>
      %dma_start3A_121 = arith.constant 0 : i32
      %dma_start3A_122 = arith.constant 0 : i32
      %dma_start3A_123 = tpu.memref_slice %arg3[%run_scoped3A, %add3A, %dma_start3A_121, %dma_start3A_122] : memref<2x32x100x100xi32, #tpu.memory_space<hbm>> -> memref<1x1x100x100xi32, #tpu.memory_space<hbm>>
      %dma_start3A_124 = tpu.memref_squeeze %dma_start3A_123 : memref<1x1x100x100xi32, #tpu.memory_space<hbm>> -> memref<100x100xi32, #tpu.memory_space<hbm>>
      tpu.enqueue_dma source(%dma_start3A_124 : memref<100x100xi32, #tpu.memory_space<hbm>>) target(%arg6 : memref<100x100xi32, #tpu.memory_space<vmem>>) target_semaphore(%run_scoped3A_116 : memref<!tpu.dma_semaphore, #tpu.memory_space<semaphore_mem>>)
      %dma_wait3A_125 = arith.constant 0 : i32
      %dma_wait3A_126 = arith.constant 0 : i32
      %dma_wait3A_127 = tpu.memref_slice %arg3[%run_scoped3A, %add3A, %dma_wait3A_125, %dma_wait3A_126] : memref<2x32x100x100xi32, #tpu.memory_space<hbm>> -> memref<1x1x100x100xi32, #tpu.memory_space<hbm>>
      %dma_wait3A_128 = tpu.memref_squeeze %dma_wait3A_127 : memref<1x1x100x100xi32, #tpu.memory_space<hbm>> -> memref<100x100xi32, #tpu.memory_space<hbm>>
      %dma_wait3A_129 = arith.constant 0 : i32
      %dma_wait3A_130 = arith.constant 0 : i32
      %dma_wait3A_131 = tpu.memref_slice %arg3[%run_scoped3A, %add3A, %dma_wait3A_129, %dma_wait3A_130] : memref<2x32x100x100xi32, #tpu.memory_space<hbm>> -> memref<1x1x100x100xi32, #tpu.memory_space<hbm>>
      %dma_wait3A_132 = tpu.memref_squeeze %dma_wait3A_131 : memref<1x1x100x100xi32, #tpu.memory_space<hbm>> -> memref<100x100xi32, #tpu.memory_space<hbm>>
      tpu.wait_dma2 semaphore(%run_scoped3A_116 : memref<!tpu.dma_semaphore, #tpu.memory_space<semaphore_mem>>) src(%dma_wait3A_132 : memref<100x100xi32, #tpu.memory_space<hbm>>) dst(%arg6 : memref<100x100xi32, #tpu.memory_space<vmem>>)
      tpu.yield
    }) : () -> ()
    %run_scoped3A_1 = arith.constant 1 : i32
    "tpu.region"() ({
      %run_scoped3A_116 = tpu.sem_alloc : memref<!tpu.dma_semaphore, #tpu.memory_space<semaphore_mem>>
      %dma_start3A_117 = arith.constant 0 : i32
      %dma_start3A_118 = arith.constant 0 : i32
      %dma_start3A_119 = tpu.memref_slice %arg3[%run_scoped3A_1, %add3A, %dma_start3A_117, %dma_start3A_118] : memref<2x32x100x100xi32, #tpu.memory_space<hbm>> -> memref<1x1x100x100xi32, #tpu.memory_space<hbm>>
      %dma_start3A_120 = tpu.memref_squeeze %dma_start3A_119 : memref<1x1x100x100xi32, #tpu.memory_space<hbm>> -> memref<100x100xi32, #tpu.memory_space<hbm>>
      %dma_start3A_121 = arith.constant 0 : i32
      %dma_start3A_122 = arith.constant 0 : i32
      %dma_start3A_123 = tpu.memref_slice %arg3[%run_scoped3A_1, %add3A, %dma_start3A_121, %dma_start3A_122] : memref<2x32x100x100xi32, #tpu.memory_space<hbm>> -> memref<1x1x100x100xi32, #tpu.memory_space<hbm>>
      %dma_start3A_124 = tpu.memref_squeeze %dma_start3A_123 : memref<1x1x100x100xi32, #tpu.memory_space<hbm>> -> memref<100x100xi32, #tpu.memory_space<hbm>>
      tpu.enqueue_dma source(%dma_start3A_124 : memref<100x100xi32, #tpu.memory_space<hbm>>) target(%arg7 : memref<100x100xi32, #tpu.memory_space<vmem>>) target_semaphore(%run_scoped3A_116 : memref<!tpu.dma_semaphore, #tpu.memory_space<semaphore_mem>>)
      %dma_wait3A_125 = arith.constant 0 : i32
      %dma_wait3A_126 = arith.constant 0 : i32
      %dma_wait3A_127 = tpu.memref_slice %arg3[%run_scoped3A_1, %add3A, %dma_wait3A_125, %dma_wait3A_126] : memref<2x32x100x100xi32, #tpu.memory_space<hbm>> -> memref<1x1x100x100xi32, #tpu.memory_space<hbm>>
      %dma_wait3A_128 = tpu.memref_squeeze %dma_wait3A_127 : memref<1x1x100x100xi32, #tpu.memory_space<hbm>> -> memref<100x100xi32, #tpu.memory_space<hbm>>
      %dma_wait3A_129 = arith.constant 0 : i32
      %dma_wait3A_130 = arith.constant 0 : i32
      %dma_wait3A_131 = tpu.memref_slice %arg3[%run_scoped3A_1, %add3A, %dma_wait3A_129, %dma_wait3A_130] : memref<2x32x100x100xi32, #tpu.memory_space<hbm>> -> memref<1x1x100x100xi32, #tpu.memory_space<hbm>>
      %dma_wait3A_132 = tpu.memref_squeeze %dma_wait3A_131 : memref<1x1x100x100xi32, #tpu.memory_space<hbm>> -> memref<100x100xi32, #tpu.memory_space<hbm>>
      tpu.wait_dma2 semaphore(%run_scoped3A_116 : memref<!tpu.dma_semaphore, #tpu.memory_space<semaphore_mem>>) src(%dma_wait3A_132 : memref<100x100xi32, #tpu.memory_space<hbm>>) dst(%arg7 : memref<100x100xi32, #tpu.memory_space<vmem>>)
      tpu.yield
    }) : () -> ()
    %dma_start3A = arith.constant 0 : i32
    %dma_start3A_2 = arith.constant 0 : i32
    %dma_start3A_3 = arith.constant 0 : i32
    %dma_start3A_4 = arith.constant 0 : i32
    %dma_start3A_5 = arith.constant 0 : i32
    %dma_start3A_6 = tpu.memref_slice %arg8[%dma_start3A_2, %dma_start3A_4, %dma_start3A_5] : memref<5x100x48xf32, #tpu.memory_space<vmem>> -> memref<1x100x48xf32, #tpu.memory_space<vmem>>
    %dma_start3A_7 = tpu.memref_squeeze %dma_start3A_6 : memref<1x100x48xf32, #tpu.memory_space<vmem>> -> memref<100x48xf32, #tpu.memory_space<vmem>>
    %dma_start3A_8 = arith.constant 0 : i32
    %dma_start3A_9 = tpu.memref_slice %arg6[%dma_start3A, %dma_start3A_8] : memref<100x100xi32, #tpu.memory_space<vmem>> -> memref<1x100xi32, #tpu.memory_space<vmem>>
    %dma_start3A_10 = tpu.memref_squeeze %dma_start3A_9 : memref<1x100xi32, #tpu.memory_space<vmem>> -> memref<100xi32, #tpu.memory_space<vmem>>
    %dma_start3A_11 = arith.constant 0 : i32
    %dma_start3A_12 = arith.constant 0 : i32
    %dma_start3A_13 = tpu.memref_slice %arg2[%dma_start3A_11, %dma_start3A_12] : memref<10000x48xf32, #tpu.memory_space<hbm>> -> memref<10000x48xf32, #tpu.memory_space<hbm>>
    %dma_start3A_14 = tpu.memref_slice %arg10[%dma_start3A_3] : memref<5x!tpu.dma_semaphore, #tpu.memory_space<semaphore_mem>> -> memref<1x!tpu.dma_semaphore, #tpu.memory_space<semaphore_mem>>
    %dma_start3A_15 = tpu.memref_squeeze %dma_start3A_14 : memref<1x!tpu.dma_semaphore, #tpu.memory_space<semaphore_mem>> -> memref<!tpu.dma_semaphore, #tpu.memory_space<semaphore_mem>>
    tpu.enqueue_indirect_dma source(%dma_start3A_13 : memref<10000x48xf32, #tpu.memory_space<hbm>>) target(%dma_start3A_7 : memref<100x48xf32, #tpu.memory_space<vmem>>) offsets(%dma_start3A_10 : memref<100xi32, #tpu.memory_space<vmem>>) semaphore(%dma_start3A_15 : memref<!tpu.dma_semaphore, #tpu.memory_space<semaphore_mem>>)
    %dma_start3A_16 = arith.constant 1 : i32
    %dma_start3A_17 = arith.constant 1 : i32
    %dma_start3A_18 = arith.constant 1 : i32
    %dma_start3A_19 = arith.constant 0 : i32
    %dma_start3A_20 = arith.constant 0 : i32
    %dma_start3A_21 = tpu.memref_slice %arg8[%dma_start3A_17, %dma_start3A_19, %dma_start3A_20] : memref<5x100x48xf32, #tpu.memory_space<vmem>> -> memref<1x100x48xf32, #tpu.memory_space<vmem>>
    %dma_start3A_22 = tpu.memref_squeeze %dma_start3A_21 : memref<1x100x48xf32, #tpu.memory_space<vmem>> -> memref<100x48xf32, #tpu.memory_space<vmem>>
    %dma_start3A_23 = arith.constant 0 : i32
    %dma_start3A_24 = tpu.memref_slice %arg6[%dma_start3A_16, %dma_start3A_23] : memref<100x100xi32, #tpu.memory_space<vmem>> -> memref<1x100xi32, #tpu.memory_space<vmem>>
    %dma_start3A_25 = tpu.memref_squeeze %dma_start3A_24 : memref<1x100xi32, #tpu.memory_space<vmem>> -> memref<100xi32, #tpu.memory_space<vmem>>
    %dma_start3A_26 = arith.constant 0 : i32
    %dma_start3A_27 = arith.constant 0 : i32
    %dma_start3A_28 = tpu.memref_slice %arg2[%dma_start3A_26, %dma_start3A_27] : memref<10000x48xf32, #tpu.memory_space<hbm>> -> memref<10000x48xf32, #tpu.memory_space<hbm>>
    %dma_start3A_29 = tpu.memref_slice %arg10[%dma_start3A_18] : memref<5x!tpu.dma_semaphore, #tpu.memory_space<semaphore_mem>> -> memref<1x!tpu.dma_semaphore, #tpu.memory_space<semaphore_mem>>
    %dma_start3A_30 = tpu.memref_squeeze %dma_start3A_29 : memref<1x!tpu.dma_semaphore, #tpu.memory_space<semaphore_mem>> -> memref<!tpu.dma_semaphore, #tpu.memory_space<semaphore_mem>>
    tpu.enqueue_indirect_dma source(%dma_start3A_28 : memref<10000x48xf32, #tpu.memory_space<hbm>>) target(%dma_start3A_22 : memref<100x48xf32, #tpu.memory_space<vmem>>) offsets(%dma_start3A_25 : memref<100xi32, #tpu.memory_space<vmem>>) semaphore(%dma_start3A_30 : memref<!tpu.dma_semaphore, #tpu.memory_space<semaphore_mem>>)
    %mul3A_31 = arith.constant 640 : i32
    %mul3A_32 = arith.muli %arg1, %mul3A_31 : i32
    "tpu.region"() ({
      %run_scoped3A_116 = tpu.sem_alloc : memref<!tpu.dma_semaphore, #tpu.memory_space<semaphore_mem>>
      %dma_start3A_117 = arith.constant 0 : i32
      %dma_start3A_118 = tpu.memref_slice %arg9[%mul3A_32, %dma_start3A_117] : memref<10240x48xf32, #tpu.memory_space<vmem_shared>> -> memref<640x48xf32, #tpu.memory_space<vmem_shared>>
      tpu.enqueue_dma source(%arg4 : memref<640x48xf32, #tpu.memory_space<hbm>>) target(%dma_start3A_118 : memref<640x48xf32, #tpu.memory_space<vmem_shared>>) target_semaphore(%run_scoped3A_116 : memref<!tpu.dma_semaphore, #tpu.memory_space<semaphore_mem>>)
      %dma_wait3A_119 = arith.constant 0 : i32
      %dma_wait3A_120 = tpu.memref_slice %arg9[%mul3A_32, %dma_wait3A_119] : memref<10240x48xf32, #tpu.memory_space<vmem_shared>> -> memref<640x48xf32, #tpu.memory_space<vmem_shared>>
      tpu.wait_dma2 semaphore(%run_scoped3A_116 : memref<!tpu.dma_semaphore, #tpu.memory_space<semaphore_mem>>) src(%arg4 : memref<640x48xf32, #tpu.memory_space<hbm>>) dst(%dma_wait3A_120 : memref<640x48xf32, #tpu.memory_space<vmem_shared>>)
      tpu.yield
    }) : () -> ()
    %barrier3A = arith.constant 0 : index
    tpu.barrier barrier_id(%barrier3A)
    %scan3A = arith.constant 0 : i32
    %scan3A_33 = arith.constant 20 : i32
    %scan3A_34 = arith.addi %scan3A, %scan3A_33 : i32
    %scan3A_35 = arith.constant 1 : i32
    scf.for %scan3A_116 = %scan3A to %scan3A_34 step %scan3A_35  : i32 {
      %mul3A_117 = arith.constant 1 : i32
      %mul3A_118 = arith.muli %scan3A_116, %mul3A_117 : i32
      %add3A_119 = arith.constant 0 : i32
      %add3A_120 = arith.addi %add3A_119, %mul3A_118 : i32
      %mul3A_121 = arith.constant 5 : i32
      %mul3A_122 = arith.muli %mul3A_121, %add3A_120 : i32
      %add3A_123 = arith.constant 0 : i32
      %add3A_124 = arith.addi %mul3A_122, %add3A_123 : i32
      %dma_wait3A_125 = arith.constant 0 : i32
      %dma_wait3A_126 = arith.constant 0 : i32
      %dma_wait3A_127 = arith.constant 0 : i32
      %dma_wait3A_128 = arith.constant 0 : i32
      %dma_wait3A_129 = tpu.memref_slice %arg8[%dma_wait3A_125, %dma_wait3A_127, %dma_wait3A_128] : memref<5x100x48xf32, #tpu.memory_space<vmem>> -> memref<1x100x48xf32, #tpu.memory_space<vmem>>
      %dma_wait3A_130 = tpu.memref_squeeze %dma_wait3A_129 : memref<1x100x48xf32, #tpu.memory_space<vmem>> -> memref<100x48xf32, #tpu.memory_space<vmem>>
      %dma_wait3A_131 = arith.constant 0 : i32
      %dma_wait3A_132 = tpu.memref_slice %arg6[%add3A_124, %dma_wait3A_131] : memref<100x100xi32, #tpu.memory_space<vmem>> -> memref<1x100xi32, #tpu.memory_space<vmem>>
      %dma_wait3A_133 = tpu.memref_squeeze %dma_wait3A_132 : memref<1x100xi32, #tpu.memory_space<vmem>> -> memref<100xi32, #tpu.memory_space<vmem>>
      %dma_wait3A_134 = arith.constant 0 : i32
      %dma_wait3A_135 = arith.constant 0 : i32
      %dma_wait3A_136 = tpu.memref_slice %arg2[%dma_wait3A_134, %dma_wait3A_135] : memref<10000x48xf32, #tpu.memory_space<hbm>> -> memref<10000x48xf32, #tpu.memory_space<hbm>>
      %dma_wait3A_137 = tpu.memref_slice %arg10[%dma_wait3A_126] : memref<5x!tpu.dma_semaphore, #tpu.memory_space<semaphore_mem>> -> memref<1x!tpu.dma_semaphore, #tpu.memory_space<semaphore_mem>>
      %dma_wait3A_138 = tpu.memref_squeeze %dma_wait3A_137 : memref<1x!tpu.dma_semaphore, #tpu.memory_space<semaphore_mem>> -> memref<!tpu.dma_semaphore, #tpu.memory_space<semaphore_mem>>
      tpu.wait_indirect_dma semaphore(%dma_wait3A_138 : memref<!tpu.dma_semaphore, #tpu.memory_space<semaphore_mem>>) src(%dma_wait3A_136 : memref<10000x48xf32, #tpu.memory_space<hbm>>) dst(%dma_wait3A_130 : memref<100x48xf32, #tpu.memory_space<vmem>>)
      %dma_start3A_139 = arith.constant 0 : i32
      %dma_start3A_140 = arith.constant 0 : i32
      %dma_start3A_141 = arith.constant 0 : i32
      %dma_start3A_142 = arith.constant 0 : i32
      %dma_start3A_143 = tpu.memref_slice %arg8[%dma_start3A_139, %dma_start3A_141, %dma_start3A_142] : memref<5x100x48xf32, #tpu.memory_space<vmem>> -> memref<1x100x48xf32, #tpu.memory_space<vmem>>
      %dma_start3A_144 = tpu.memref_squeeze %dma_start3A_143 : memref<1x100x48xf32, #tpu.memory_space<vmem>> -> memref<100x48xf32, #tpu.memory_space<vmem>>
      %dma_start3A_145 = arith.constant 0 : i32
      %dma_start3A_146 = tpu.memref_slice %arg7[%add3A_124, %dma_start3A_145] : memref<100x100xi32, #tpu.memory_space<vmem>> -> memref<1x100xi32, #tpu.memory_space<vmem>>
      %dma_start3A_147 = tpu.memref_squeeze %dma_start3A_146 : memref<1x100xi32, #tpu.memory_space<vmem>> -> memref<100xi32, #tpu.memory_space<vmem>>
      %dma_start3A_148 = arith.constant 0 : i32
      %dma_start3A_149 = arith.constant 0 : i32
      %dma_start3A_150 = tpu.memref_slice %arg9[%dma_start3A_148, %dma_start3A_149] : memref<10240x48xf32, #tpu.memory_space<vmem_shared>> -> memref<10240x48xf32, #tpu.memory_space<vmem_shared>>
      %dma_start3A_151 = tpu.memref_slice %arg11[%dma_start3A_140] : memref<5x!tpu.dma_semaphore, #tpu.memory_space<semaphore_mem>> -> memref<1x!tpu.dma_semaphore, #tpu.memory_space<semaphore_mem>>
      %dma_start3A_152 = tpu.memref_squeeze %dma_start3A_151 : memref<1x!tpu.dma_semaphore, #tpu.memory_space<semaphore_mem>> -> memref<!tpu.dma_semaphore, #tpu.memory_space<semaphore_mem>>
      tpu.enqueue_indirect_dma source(%dma_start3A_144 : memref<100x48xf32, #tpu.memory_space<vmem>>) target(%dma_start3A_150 : memref<10240x48xf32, #tpu.memory_space<vmem_shared>>) offsets(%dma_start3A_147 : memref<100xi32, #tpu.memory_space<vmem>>) semaphore(%dma_start3A_152 : memref<!tpu.dma_semaphore, #tpu.memory_space<semaphore_mem>>) {add = true}
      %add3A_153 = arith.constant 2 : i32
      %add3A_154 = arith.addi %add3A_124, %add3A_153 : i32
      %lt3A = arith.constant 100 : i32
      %lt3A_155 = arith.cmpi slt, %add3A_154, %lt3A : i32
      %convert_element_type3A = arith.extui %lt3A_155 : i1 to i32
      %cond3A = arith.constant 0 : i32
      %cond3A_156 = arith.cmpi ne, %convert_element_type3A, %cond3A : i32
      scf.if %cond3A_156 {
        %ge3A = arith.constant 3 : i32
        %ge3A_313 = arith.cmpi sge, %add3A_124, %ge3A : i32
        %convert_element_type3A_314 = arith.extui %ge3A_313 : i1 to i32
        %cond3A_315 = arith.constant 0 : i32
        %cond3A_316 = arith.cmpi ne, %convert_element_type3A_314, %cond3A_315 : i32
        scf.if %cond3A_316 {
          %dma_wait3A_333 = arith.constant 2 : i32
          %dma_wait3A_334 = arith.constant 2 : i32
          %dma_wait3A_335 = arith.constant 0 : i32
          %dma_wait3A_336 = arith.constant 0 : i32
          %dma_wait3A_337 = tpu.memref_slice %arg8[%dma_wait3A_333, %dma_wait3A_335, %dma_wait3A_336] : memref<5x100x48xf32, #tpu.memory_space<vmem>> -> memref<1x100x48xf32, #tpu.memory_space<vmem>>
          %dma_wait3A_338 = tpu.memref_squeeze %dma_wait3A_337 : memref<1x100x48xf32, #tpu.memory_space<vmem>> -> memref<100x48xf32, #tpu.memory_space<vmem>>
          %dma_wait3A_339 = arith.constant 0 : i32
          %dma_wait3A_340 = tpu.memref_slice %arg7[%add3A_124, %dma_wait3A_339] : memref<100x100xi32, #tpu.memory_space<vmem>> -> memref<1x100xi32, #tpu.memory_space<vmem>>
          %dma_wait3A_341 = tpu.memref_squeeze %dma_wait3A_340 : memref<1x100xi32, #tpu.memory_space<vmem>> -> memref<100xi32, #tpu.memory_space<vmem>>
          %dma_wait3A_342 = arith.constant 0 : i32
          %dma_wait3A_343 = arith.constant 0 : i32
          %dma_wait3A_344 = tpu.memref_slice %arg9[%dma_wait3A_342, %dma_wait3A_343] : memref<10240x48xf32, #tpu.memory_space<vmem_shared>> -> memref<10240x48xf32, #tpu.memory_space<vmem_shared>>
          %dma_wait3A_345 = tpu.memref_slice %arg11[%dma_wait3A_334] : memref<5x!tpu.dma_semaphore, #tpu.memory_space<semaphore_mem>> -> memref<1x!tpu.dma_semaphore, #tpu.memory_space<semaphore_mem>>
          %dma_wait3A_346 = tpu.memref_squeeze %dma_wait3A_345 : memref<1x!tpu.dma_semaphore, #tpu.memory_space<semaphore_mem>> -> memref<!tpu.dma_semaphore, #tpu.memory_space<semaphore_mem>>
          tpu.wait_indirect_dma semaphore(%dma_wait3A_346 : memref<!tpu.dma_semaphore, #tpu.memory_space<semaphore_mem>>) src(%dma_wait3A_338 : memref<100x48xf32, #tpu.memory_space<vmem>>) dst(%dma_wait3A_344 : memref<10240x48xf32, #tpu.memory_space<vmem_shared>>)
        } else {
        }
        %add3A_317 = arith.constant 2 : i32
        %add3A_318 = arith.addi %add3A_124, %add3A_317 : i32
        %dma_start3A_319 = arith.constant 2 : i32
        %dma_start3A_320 = arith.constant 2 : i32
        %dma_start3A_321 = arith.constant 0 : i32
        %dma_start3A_322 = arith.constant 0 : i32
        %dma_start3A_323 = tpu.memref_slice %arg8[%dma_start3A_319, %dma_start3A_321, %dma_start3A_322] : memref<5x100x48xf32, #tpu.memory_space<vmem>> -> memref<1x100x48xf32, #tpu.memory_space<vmem>>
        %dma_start3A_324 = tpu.memref_squeeze %dma_start3A_323 : memref<1x100x48xf32, #tpu.memory_space<vmem>> -> memref<100x48xf32, #tpu.memory_space<vmem>>
        %dma_start3A_325 = arith.constant 0 : i32
        %dma_start3A_326 = tpu.memref_slice %arg6[%add3A_318, %dma_start3A_325] : memref<100x100xi32, #tpu.memory_space<vmem>> -> memref<1x100xi32, #tpu.memory_space<vmem>>
        %dma_start3A_327 = tpu.memref_squeeze %dma_start3A_326 : memref<1x100xi32, #tpu.memory_space<vmem>> -> memref<100xi32, #tpu.memory_space<vmem>>
        %dma_start3A_328 = arith.constant 0 : i32
        %dma_start3A_329 = arith.constant 0 : i32
        %dma_start3A_330 = tpu.memref_slice %arg2[%dma_start3A_328, %dma_start3A_329] : memref<10000x48xf32, #tpu.memory_space<hbm>> -> memref<10000x48xf32, #tpu.memory_space<hbm>>
        %dma_start3A_331 = tpu.memref_slice %arg10[%dma_start3A_320] : memref<5x!tpu.dma_semaphore, #tpu.memory_space<semaphore_mem>> -> memref<1x!tpu.dma_semaphore, #tpu.memory_space<semaphore_mem>>
        %dma_start3A_332 = tpu.memref_squeeze %dma_start3A_331 : memref<1x!tpu.dma_semaphore, #tpu.memory_space<semaphore_mem>> -> memref<!tpu.dma_semaphore, #tpu.memory_space<semaphore_mem>>
        tpu.enqueue_indirect_dma source(%dma_start3A_330 : memref<10000x48xf32, #tpu.memory_space<hbm>>) target(%dma_start3A_324 : memref<100x48xf32, #tpu.memory_space<vmem>>) offsets(%dma_start3A_327 : memref<100xi32, #tpu.memory_space<vmem>>) semaphore(%dma_start3A_332 : memref<!tpu.dma_semaphore, #tpu.memory_space<semaphore_mem>>)
      } else {
      }
      %mul3A_157 = arith.constant 5 : i32
      %mul3A_158 = arith.muli %mul3A_157, %add3A_120 : i32
      %add3A_159 = arith.constant 1 : i32
      %add3A_160 = arith.addi %mul3A_158, %add3A_159 : i32
      %dma_wait3A_161 = arith.constant 1 : i32
      %dma_wait3A_162 = arith.constant 1 : i32
      %dma_wait3A_163 = arith.constant 0 : i32
      %dma_wait3A_164 = arith.constant 0 : i32
      %dma_wait3A_165 = tpu.memref_slice %arg8[%dma_wait3A_161, %dma_wait3A_163, %dma_wait3A_164] : memref<5x100x48xf32, #tpu.memory_space<vmem>> -> memref<1x100x48xf32, #tpu.memory_space<vmem>>
      %dma_wait3A_166 = tpu.memref_squeeze %dma_wait3A_165 : memref<1x100x48xf32, #tpu.memory_space<vmem>> -> memref<100x48xf32, #tpu.memory_space<vmem>>
      %dma_wait3A_167 = arith.constant 0 : i32
      %dma_wait3A_168 = tpu.memref_slice %arg6[%add3A_160, %dma_wait3A_167] : memref<100x100xi32, #tpu.memory_space<vmem>> -> memref<1x100xi32, #tpu.memory_space<vmem>>
      %dma_wait3A_169 = tpu.memref_squeeze %dma_wait3A_168 : memref<1x100xi32, #tpu.memory_space<vmem>> -> memref<100xi32, #tpu.memory_space<vmem>>
      %dma_wait3A_170 = arith.constant 0 : i32
      %dma_wait3A_171 = arith.constant 0 : i32
      %dma_wait3A_172 = tpu.memref_slice %arg2[%dma_wait3A_170, %dma_wait3A_171] : memref<10000x48xf32, #tpu.memory_space<hbm>> -> memref<10000x48xf32, #tpu.memory_space<hbm>>
      %dma_wait3A_173 = tpu.memref_slice %arg10[%dma_wait3A_162] : memref<5x!tpu.dma_semaphore, #tpu.memory_space<semaphore_mem>> -> memref<1x!tpu.dma_semaphore, #tpu.memory_space<semaphore_mem>>
      %dma_wait3A_174 = tpu.memref_squeeze %dma_wait3A_173 : memref<1x!tpu.dma_semaphore, #tpu.memory_space<semaphore_mem>> -> memref<!tpu.dma_semaphore, #tpu.memory_space<semaphore_mem>>
      tpu.wait_indirect_dma semaphore(%dma_wait3A_174 : memref<!tpu.dma_semaphore, #tpu.memory_space<semaphore_mem>>) src(%dma_wait3A_172 : memref<10000x48xf32, #tpu.memory_space<hbm>>) dst(%dma_wait3A_166 : memref<100x48xf32, #tpu.memory_space<vmem>>)
      %dma_start3A_175 = arith.constant 1 : i32
      %dma_start3A_176 = arith.constant 1 : i32
      %dma_start3A_177 = arith.constant 0 : i32
      %dma_start3A_178 = arith.constant 0 : i32
      %dma_start3A_179 = tpu.memref_slice %arg8[%dma_start3A_175, %dma_start3A_177, %dma_start3A_178] : memref<5x100x48xf32, #tpu.memory_space<vmem>> -> memref<1x100x48xf32, #tpu.memory_space<vmem>>
      %dma_start3A_180 = tpu.memref_squeeze %dma_start3A_179 : memref<1x100x48xf32, #tpu.memory_space<vmem>> -> memref<100x48xf32, #tpu.memory_space<vmem>>
      %dma_start3A_181 = arith.constant 0 : i32
      %dma_start3A_182 = tpu.memref_slice %arg7[%add3A_160, %dma_start3A_181] : memref<100x100xi32, #tpu.memory_space<vmem>> -> memref<1x100xi32, #tpu.memory_space<vmem>>
      %dma_start3A_183 = tpu.memref_squeeze %dma_start3A_182 : memref<1x100xi32, #tpu.memory_space<vmem>> -> memref<100xi32, #tpu.memory_space<vmem>>
      %dma_start3A_184 = arith.constant 0 : i32
      %dma_start3A_185 = arith.constant 0 : i32
      %dma_start3A_186 = tpu.memref_slice %arg9[%dma_start3A_184, %dma_start3A_185] : memref<10240x48xf32, #tpu.memory_space<vmem_shared>> -> memref<10240x48xf32, #tpu.memory_space<vmem_shared>>
      %dma_start3A_187 = tpu.memref_slice %arg11[%dma_start3A_176] : memref<5x!tpu.dma_semaphore, #tpu.memory_space<semaphore_mem>> -> memref<1x!tpu.dma_semaphore, #tpu.memory_space<semaphore_mem>>
      %dma_start3A_188 = tpu.memref_squeeze %dma_start3A_187 : memref<1x!tpu.dma_semaphore, #tpu.memory_space<semaphore_mem>> -> memref<!tpu.dma_semaphore, #tpu.memory_space<semaphore_mem>>
      tpu.enqueue_indirect_dma source(%dma_start3A_180 : memref<100x48xf32, #tpu.memory_space<vmem>>) target(%dma_start3A_186 : memref<10240x48xf32, #tpu.memory_space<vmem_shared>>) offsets(%dma_start3A_183 : memref<100xi32, #tpu.memory_space<vmem>>) semaphore(%dma_start3A_188 : memref<!tpu.dma_semaphore, #tpu.memory_space<semaphore_mem>>) {add = true}
      %add3A_189 = arith.constant 2 : i32
      %add3A_190 = arith.addi %add3A_160, %add3A_189 : i32
      %lt3A_191 = arith.constant 100 : i32
      %lt3A_192 = arith.cmpi slt, %add3A_190, %lt3A_191 : i32
      %convert_element_type3A_193 = arith.extui %lt3A_192 : i1 to i32
      %cond3A_194 = arith.constant 0 : i32
      %cond3A_195 = arith.cmpi ne, %convert_element_type3A_193, %cond3A_194 : i32
      scf.if %cond3A_195 {
        %ge3A = arith.constant 3 : i32
        %ge3A_313 = arith.cmpi sge, %add3A_160, %ge3A : i32
        %convert_element_type3A_314 = arith.extui %ge3A_313 : i1 to i32
        %cond3A_315 = arith.constant 0 : i32
        %cond3A_316 = arith.cmpi ne, %convert_element_type3A_314, %cond3A_315 : i32
        scf.if %cond3A_316 {
          %dma_wait3A_333 = arith.constant 3 : i32
          %dma_wait3A_334 = arith.constant 3 : i32
          %dma_wait3A_335 = arith.constant 0 : i32
          %dma_wait3A_336 = arith.constant 0 : i32
          %dma_wait3A_337 = tpu.memref_slice %arg8[%dma_wait3A_333, %dma_wait3A_335, %dma_wait3A_336] : memref<5x100x48xf32, #tpu.memory_space<vmem>> -> memref<1x100x48xf32, #tpu.memory_space<vmem>>
          %dma_wait3A_338 = tpu.memref_squeeze %dma_wait3A_337 : memref<1x100x48xf32, #tpu.memory_space<vmem>> -> memref<100x48xf32, #tpu.memory_space<vmem>>
          %dma_wait3A_339 = arith.constant 0 : i32
          %dma_wait3A_340 = tpu.memref_slice %arg7[%add3A_160, %dma_wait3A_339] : memref<100x100xi32, #tpu.memory_space<vmem>> -> memref<1x100xi32, #tpu.memory_space<vmem>>
          %dma_wait3A_341 = tpu.memref_squeeze %dma_wait3A_340 : memref<1x100xi32, #tpu.memory_space<vmem>> -> memref<100xi32, #tpu.memory_space<vmem>>
          %dma_wait3A_342 = arith.constant 0 : i32
          %dma_wait3A_343 = arith.constant 0 : i32
          %dma_wait3A_344 = tpu.memref_slice %arg9[%dma_wait3A_342, %dma_wait3A_343] : memref<10240x48xf32, #tpu.memory_space<vmem_shared>> -> memref<10240x48xf32, #tpu.memory_space<vmem_shared>>
          %dma_wait3A_345 = tpu.memref_slice %arg11[%dma_wait3A_334] : memref<5x!tpu.dma_semaphore, #tpu.memory_space<semaphore_mem>> -> memref<1x!tpu.dma_semaphore, #tpu.memory_space<semaphore_mem>>
          %dma_wait3A_346 = tpu.memref_squeeze %dma_wait3A_345 : memref<1x!tpu.dma_semaphore, #tpu.memory_space<semaphore_mem>> -> memref<!tpu.dma_semaphore, #tpu.memory_space<semaphore_mem>>
          tpu.wait_indirect_dma semaphore(%dma_wait3A_346 : memref<!tpu.dma_semaphore, #tpu.memory_space<semaphore_mem>>) src(%dma_wait3A_338 : memref<100x48xf32, #tpu.memory_space<vmem>>) dst(%dma_wait3A_344 : memref<10240x48xf32, #tpu.memory_space<vmem_shared>>)
        } else {
        }
        %add3A_317 = arith.constant 2 : i32
        %add3A_318 = arith.addi %add3A_160, %add3A_317 : i32
        %dma_start3A_319 = arith.constant 3 : i32
        %dma_start3A_320 = arith.constant 3 : i32
        %dma_start3A_321 = arith.constant 0 : i32
        %dma_start3A_322 = arith.constant 0 : i32
        %dma_start3A_323 = tpu.memref_slice %arg8[%dma_start3A_319, %dma_start3A_321, %dma_start3A_322] : memref<5x100x48xf32, #tpu.memory_space<vmem>> -> memref<1x100x48xf32, #tpu.memory_space<vmem>>
        %dma_start3A_324 = tpu.memref_squeeze %dma_start3A_323 : memref<1x100x48xf32, #tpu.memory_space<vmem>> -> memref<100x48xf32, #tpu.memory_space<vmem>>
        %dma_start3A_325 = arith.constant 0 : i32
        %dma_start3A_326 = tpu.memref_slice %arg6[%add3A_318, %dma_start3A_325] : memref<100x100xi32, #tpu.memory_space<vmem>> -> memref<1x100xi32, #tpu.memory_space<vmem>>
        %dma_start3A_327 = tpu.memref_squeeze %dma_start3A_326 : memref<1x100xi32, #tpu.memory_space<vmem>> -> memref<100xi32, #tpu.memory_space<vmem>>
        %dma_start3A_328 = arith.constant 0 : i32
        %dma_start3A_329 = arith.constant 0 : i32
        %dma_start3A_330 = tpu.memref_slice %arg2[%dma_start3A_328, %dma_start3A_329] : memref<10000x48xf32, #tpu.memory_space<hbm>> -> memref<10000x48xf32, #tpu.memory_space<hbm>>
        %dma_start3A_331 = tpu.memref_slice %arg10[%dma_start3A_320] : memref<5x!tpu.dma_semaphore, #tpu.memory_space<semaphore_mem>> -> memref<1x!tpu.dma_semaphore, #tpu.memory_space<semaphore_mem>>
        %dma_start3A_332 = tpu.memref_squeeze %dma_start3A_331 : memref<1x!tpu.dma_semaphore, #tpu.memory_space<semaphore_mem>> -> memref<!tpu.dma_semaphore, #tpu.memory_space<semaphore_mem>>
        tpu.enqueue_indirect_dma source(%dma_start3A_330 : memref<10000x48xf32, #tpu.memory_space<hbm>>) target(%dma_start3A_324 : memref<100x48xf32, #tpu.memory_space<vmem>>) offsets(%dma_start3A_327 : memref<100xi32, #tpu.memory_space<vmem>>) semaphore(%dma_start3A_332 : memref<!tpu.dma_semaphore, #tpu.memory_space<semaphore_mem>>)
      } else {
      }
      %mul3A_196 = arith.constant 5 : i32
      %mul3A_197 = arith.muli %mul3A_196, %add3A_120 : i32
      %add3A_198 = arith.constant 2 : i32
      %add3A_199 = arith.addi %mul3A_197, %add3A_198 : i32
      %dma_wait3A_200 = arith.constant 2 : i32
      %dma_wait3A_201 = arith.constant 2 : i32
      %dma_wait3A_202 = arith.constant 0 : i32
      %dma_wait3A_203 = arith.constant 0 : i32
      %dma_wait3A_204 = tpu.memref_slice %arg8[%dma_wait3A_200, %dma_wait3A_202, %dma_wait3A_203] : memref<5x100x48xf32, #tpu.memory_space<vmem>> -> memref<1x100x48xf32, #tpu.memory_space<vmem>>
      %dma_wait3A_205 = tpu.memref_squeeze %dma_wait3A_204 : memref<1x100x48xf32, #tpu.memory_space<vmem>> -> memref<100x48xf32, #tpu.memory_space<vmem>>
      %dma_wait3A_206 = arith.constant 0 : i32
      %dma_wait3A_207 = tpu.memref_slice %arg6[%add3A_199, %dma_wait3A_206] : memref<100x100xi32, #tpu.memory_space<vmem>> -> memref<1x100xi32, #tpu.memory_space<vmem>>
      %dma_wait3A_208 = tpu.memref_squeeze %dma_wait3A_207 : memref<1x100xi32, #tpu.memory_space<vmem>> -> memref<100xi32, #tpu.memory_space<vmem>>
      %dma_wait3A_209 = arith.constant 0 : i32
      %dma_wait3A_210 = arith.constant 0 : i32
      %dma_wait3A_211 = tpu.memref_slice %arg2[%dma_wait3A_209, %dma_wait3A_210] : memref<10000x48xf32, #tpu.memory_space<hbm>> -> memref<10000x48xf32, #tpu.memory_space<hbm>>
      %dma_wait3A_212 = tpu.memref_slice %arg10[%dma_wait3A_201] : memref<5x!tpu.dma_semaphore, #tpu.memory_space<semaphore_mem>> -> memref<1x!tpu.dma_semaphore, #tpu.memory_space<semaphore_mem>>
      %dma_wait3A_213 = tpu.memref_squeeze %dma_wait3A_212 : memref<1x!tpu.dma_semaphore, #tpu.memory_space<semaphore_mem>> -> memref<!tpu.dma_semaphore, #tpu.memory_space<semaphore_mem>>
      tpu.wait_indirect_dma semaphore(%dma_wait3A_213 : memref<!tpu.dma_semaphore, #tpu.memory_space<semaphore_mem>>) src(%dma_wait3A_211 : memref<10000x48xf32, #tpu.memory_space<hbm>>) dst(%dma_wait3A_205 : memref<100x48xf32, #tpu.memory_space<vmem>>)
      %dma_start3A_214 = arith.constant 2 : i32
      %dma_start3A_215 = arith.constant 2 : i32
      %dma_start3A_216 = arith.constant 0 : i32
      %dma_start3A_217 = arith.constant 0 : i32
      %dma_start3A_218 = tpu.memref_slice %arg8[%dma_start3A_214, %dma_start3A_216, %dma_start3A_217] : memref<5x100x48xf32, #tpu.memory_space<vmem>> -> memref<1x100x48xf32, #tpu.memory_space<vmem>>
      %dma_start3A_219 = tpu.memref_squeeze %dma_start3A_218 : memref<1x100x48xf32, #tpu.memory_space<vmem>> -> memref<100x48xf32, #tpu.memory_space<vmem>>
      %dma_start3A_220 = arith.constant 0 : i32
      %dma_start3A_221 = tpu.memref_slice %arg7[%add3A_199, %dma_start3A_220] : memref<100x100xi32, #tpu.memory_space<vmem>> -> memref<1x100xi32, #tpu.memory_space<vmem>>
      %dma_start3A_222 = tpu.memref_squeeze %dma_start3A_221 : memref<1x100xi32, #tpu.memory_space<vmem>> -> memref<100xi32, #tpu.memory_space<vmem>>
      %dma_start3A_223 = arith.constant 0 : i32
      %dma_start3A_224 = arith.constant 0 : i32
      %dma_start3A_225 = tpu.memref_slice %arg9[%dma_start3A_223, %dma_start3A_224] : memref<10240x48xf32, #tpu.memory_space<vmem_shared>> -> memref<10240x48xf32, #tpu.memory_space<vmem_shared>>
      %dma_start3A_226 = tpu.memref_slice %arg11[%dma_start3A_215] : memref<5x!tpu.dma_semaphore, #tpu.memory_space<semaphore_mem>> -> memref<1x!tpu.dma_semaphore, #tpu.memory_space<semaphore_mem>>
      %dma_start3A_227 = tpu.memref_squeeze %dma_start3A_226 : memref<1x!tpu.dma_semaphore, #tpu.memory_space<semaphore_mem>> -> memref<!tpu.dma_semaphore, #tpu.memory_space<semaphore_mem>>
      tpu.enqueue_indirect_dma source(%dma_start3A_219 : memref<100x48xf32, #tpu.memory_space<vmem>>) target(%dma_start3A_225 : memref<10240x48xf32, #tpu.memory_space<vmem_shared>>) offsets(%dma_start3A_222 : memref<100xi32, #tpu.memory_space<vmem>>) semaphore(%dma_start3A_227 : memref<!tpu.dma_semaphore, #tpu.memory_space<semaphore_mem>>) {add = true}
      %add3A_228 = arith.constant 2 : i32
      %add3A_229 = arith.addi %add3A_199, %add3A_228 : i32
      %lt3A_230 = arith.constant 100 : i32
      %lt3A_231 = arith.cmpi slt, %add3A_229, %lt3A_230 : i32
      %convert_element_type3A_232 = arith.extui %lt3A_231 : i1 to i32
      %cond3A_233 = arith.constant 0 : i32
      %cond3A_234 = arith.cmpi ne, %convert_element_type3A_232, %cond3A_233 : i32
      scf.if %cond3A_234 {
        %ge3A = arith.constant 3 : i32
        %ge3A_313 = arith.cmpi sge, %add3A_199, %ge3A : i32
        %convert_element_type3A_314 = arith.extui %ge3A_313 : i1 to i32
        %cond3A_315 = arith.constant 0 : i32
        %cond3A_316 = arith.cmpi ne, %convert_element_type3A_314, %cond3A_315 : i32
        scf.if %cond3A_316 {
          %dma_wait3A_333 = arith.constant 4 : i32
          %dma_wait3A_334 = arith.constant 4 : i32
          %dma_wait3A_335 = arith.constant 0 : i32
          %dma_wait3A_336 = arith.constant 0 : i32
          %dma_wait3A_337 = tpu.memref_slice %arg8[%dma_wait3A_333, %dma_wait3A_335, %dma_wait3A_336] : memref<5x100x48xf32, #tpu.memory_space<vmem>> -> memref<1x100x48xf32, #tpu.memory_space<vmem>>
          %dma_wait3A_338 = tpu.memref_squeeze %dma_wait3A_337 : memref<1x100x48xf32, #tpu.memory_space<vmem>> -> memref<100x48xf32, #tpu.memory_space<vmem>>
          %dma_wait3A_339 = arith.constant 0 : i32
          %dma_wait3A_340 = tpu.memref_slice %arg7[%add3A_199, %dma_wait3A_339] : memref<100x100xi32, #tpu.memory_space<vmem>> -> memref<1x100xi32, #tpu.memory_space<vmem>>
          %dma_wait3A_341 = tpu.memref_squeeze %dma_wait3A_340 : memref<1x100xi32, #tpu.memory_space<vmem>> -> memref<100xi32, #tpu.memory_space<vmem>>
          %dma_wait3A_342 = arith.constant 0 : i32
          %dma_wait3A_343 = arith.constant 0 : i32
          %dma_wait3A_344 = tpu.memref_slice %arg9[%dma_wait3A_342, %dma_wait3A_343] : memref<10240x48xf32, #tpu.memory_space<vmem_shared>> -> memref<10240x48xf32, #tpu.memory_space<vmem_shared>>
          %dma_wait3A_345 = tpu.memref_slice %arg11[%dma_wait3A_334] : memref<5x!tpu.dma_semaphore, #tpu.memory_space<semaphore_mem>> -> memref<1x!tpu.dma_semaphore, #tpu.memory_space<semaphore_mem>>
          %dma_wait3A_346 = tpu.memref_squeeze %dma_wait3A_345 : memref<1x!tpu.dma_semaphore, #tpu.memory_space<semaphore_mem>> -> memref<!tpu.dma_semaphore, #tpu.memory_space<semaphore_mem>>
          tpu.wait_indirect_dma semaphore(%dma_wait3A_346 : memref<!tpu.dma_semaphore, #tpu.memory_space<semaphore_mem>>) src(%dma_wait3A_338 : memref<100x48xf32, #tpu.memory_space<vmem>>) dst(%dma_wait3A_344 : memref<10240x48xf32, #tpu.memory_space<vmem_shared>>)
        } else {
        }
        %add3A_317 = arith.constant 2 : i32
        %add3A_318 = arith.addi %add3A_199, %add3A_317 : i32
        %dma_start3A_319 = arith.constant 4 : i32
        %dma_start3A_320 = arith.constant 4 : i32
        %dma_start3A_321 = arith.constant 0 : i32
        %dma_start3A_322 = arith.constant 0 : i32
        %dma_start3A_323 = tpu.memref_slice %arg8[%dma_start3A_319, %dma_start3A_321, %dma_start3A_322] : memref<5x100x48xf32, #tpu.memory_space<vmem>> -> memref<1x100x48xf32, #tpu.memory_space<vmem>>
        %dma_start3A_324 = tpu.memref_squeeze %dma_start3A_323 : memref<1x100x48xf32, #tpu.memory_space<vmem>> -> memref<100x48xf32, #tpu.memory_space<vmem>>
        %dma_start3A_325 = arith.constant 0 : i32
        %dma_start3A_326 = tpu.memref_slice %arg6[%add3A_318, %dma_start3A_325] : memref<100x100xi32, #tpu.memory_space<vmem>> -> memref<1x100xi32, #tpu.memory_space<vmem>>
        %dma_start3A_327 = tpu.memref_squeeze %dma_start3A_326 : memref<1x100xi32, #tpu.memory_space<vmem>> -> memref<100xi32, #tpu.memory_space<vmem>>
        %dma_start3A_328 = arith.constant 0 : i32
        %dma_start3A_329 = arith.constant 0 : i32
        %dma_start3A_330 = tpu.memref_slice %arg2[%dma_start3A_328, %dma_start3A_329] : memref<10000x48xf32, #tpu.memory_space<hbm>> -> memref<10000x48xf32, #tpu.memory_space<hbm>>
        %dma_start3A_331 = tpu.memref_slice %arg10[%dma_start3A_320] : memref<5x!tpu.dma_semaphore, #tpu.memory_space<semaphore_mem>> -> memref<1x!tpu.dma_semaphore, #tpu.memory_space<semaphore_mem>>
        %dma_start3A_332 = tpu.memref_squeeze %dma_start3A_331 : memref<1x!tpu.dma_semaphore, #tpu.memory_space<semaphore_mem>> -> memref<!tpu.dma_semaphore, #tpu.memory_space<semaphore_mem>>
        tpu.enqueue_indirect_dma source(%dma_start3A_330 : memref<10000x48xf32, #tpu.memory_space<hbm>>) target(%dma_start3A_324 : memref<100x48xf32, #tpu.memory_space<vmem>>) offsets(%dma_start3A_327 : memref<100xi32, #tpu.memory_space<vmem>>) semaphore(%dma_start3A_332 : memref<!tpu.dma_semaphore, #tpu.memory_space<semaphore_mem>>)
      } else {
      }
      %mul3A_235 = arith.constant 5 : i32
      %mul3A_236 = arith.muli %mul3A_235, %add3A_120 : i32
      %add3A_237 = arith.constant 3 : i32
      %add3A_238 = arith.addi %mul3A_236, %add3A_237 : i32
      %dma_wait3A_239 = arith.constant 3 : i32
      %dma_wait3A_240 = arith.constant 3 : i32
      %dma_wait3A_241 = arith.constant 0 : i32
      %dma_wait3A_242 = arith.constant 0 : i32
      %dma_wait3A_243 = tpu.memref_slice %arg8[%dma_wait3A_239, %dma_wait3A_241, %dma_wait3A_242] : memref<5x100x48xf32, #tpu.memory_space<vmem>> -> memref<1x100x48xf32, #tpu.memory_space<vmem>>
      %dma_wait3A_244 = tpu.memref_squeeze %dma_wait3A_243 : memref<1x100x48xf32, #tpu.memory_space<vmem>> -> memref<100x48xf32, #tpu.memory_space<vmem>>
      %dma_wait3A_245 = arith.constant 0 : i32
      %dma_wait3A_246 = tpu.memref_slice %arg6[%add3A_238, %dma_wait3A_245] : memref<100x100xi32, #tpu.memory_space<vmem>> -> memref<1x100xi32, #tpu.memory_space<vmem>>
      %dma_wait3A_247 = tpu.memref_squeeze %dma_wait3A_246 : memref<1x100xi32, #tpu.memory_space<vmem>> -> memref<100xi32, #tpu.memory_space<vmem>>
      %dma_wait3A_248 = arith.constant 0 : i32
      %dma_wait3A_249 = arith.constant 0 : i32
      %dma_wait3A_250 = tpu.memref_slice %arg2[%dma_wait3A_248, %dma_wait3A_249] : memref<10000x48xf32, #tpu.memory_space<hbm>> -> memref<10000x48xf32, #tpu.memory_space<hbm>>
      %dma_wait3A_251 = tpu.memref_slice %arg10[%dma_wait3A_240] : memref<5x!tpu.dma_semaphore, #tpu.memory_space<semaphore_mem>> -> memref<1x!tpu.dma_semaphore, #tpu.memory_space<semaphore_mem>>
      %dma_wait3A_252 = tpu.memref_squeeze %dma_wait3A_251 : memref<1x!tpu.dma_semaphore, #tpu.memory_space<semaphore_mem>> -> memref<!tpu.dma_semaphore, #tpu.memory_space<semaphore_mem>>
      tpu.wait_indirect_dma semaphore(%dma_wait3A_252 : memref<!tpu.dma_semaphore, #tpu.memory_space<semaphore_mem>>) src(%dma_wait3A_250 : memref<10000x48xf32, #tpu.memory_space<hbm>>) dst(%dma_wait3A_244 : memref<100x48xf32, #tpu.memory_space<vmem>>)
      %dma_start3A_253 = arith.constant 3 : i32
      %dma_start3A_254 = arith.constant 3 : i32
      %dma_start3A_255 = arith.constant 0 : i32
      %dma_start3A_256 = arith.constant 0 : i32
      %dma_start3A_257 = tpu.memref_slice %arg8[%dma_start3A_253, %dma_start3A_255, %dma_start3A_256] : memref<5x100x48xf32, #tpu.memory_space<vmem>> -> memref<1x100x48xf32, #tpu.memory_space<vmem>>
      %dma_start3A_258 = tpu.memref_squeeze %dma_start3A_257 : memref<1x100x48xf32, #tpu.memory_space<vmem>> -> memref<100x48xf32, #tpu.memory_space<vmem>>
      %dma_start3A_259 = arith.constant 0 : i32
      %dma_start3A_260 = tpu.memref_slice %arg7[%add3A_238, %dma_start3A_259] : memref<100x100xi32, #tpu.memory_space<vmem>> -> memref<1x100xi32, #tpu.memory_space<vmem>>
      %dma_start3A_261 = tpu.memref_squeeze %dma_start3A_260 : memref<1x100xi32, #tpu.memory_space<vmem>> -> memref<100xi32, #tpu.memory_space<vmem>>
      %dma_start3A_262 = arith.constant 0 : i32
      %dma_start3A_263 = arith.constant 0 : i32
      %dma_start3A_264 = tpu.memref_slice %arg9[%dma_start3A_262, %dma_start3A_263] : memref<10240x48xf32, #tpu.memory_space<vmem_shared>> -> memref<10240x48xf32, #tpu.memory_space<vmem_shared>>
      %dma_start3A_265 = tpu.memref_slice %arg11[%dma_start3A_254] : memref<5x!tpu.dma_semaphore, #tpu.memory_space<semaphore_mem>> -> memref<1x!tpu.dma_semaphore, #tpu.memory_space<semaphore_mem>>
      %dma_start3A_266 = tpu.memref_squeeze %dma_start3A_265 : memref<1x!tpu.dma_semaphore, #tpu.memory_space<semaphore_mem>> -> memref<!tpu.dma_semaphore, #tpu.memory_space<semaphore_mem>>
      tpu.enqueue_indirect_dma source(%dma_start3A_258 : memref<100x48xf32, #tpu.memory_space<vmem>>) target(%dma_start3A_264 : memref<10240x48xf32, #tpu.memory_space<vmem_shared>>) offsets(%dma_start3A_261 : memref<100xi32, #tpu.memory_space<vmem>>) semaphore(%dma_start3A_266 : memref<!tpu.dma_semaphore, #tpu.memory_space<semaphore_mem>>) {add = true}
      %add3A_267 = arith.constant 2 : i32
      %add3A_268 = arith.addi %add3A_238, %add3A_267 : i32
      %lt3A_269 = arith.constant 100 : i32
      %lt3A_270 = arith.cmpi slt, %add3A_268, %lt3A_269 : i32
      %convert_element_type3A_271 = arith.extui %lt3A_270 : i1 to i32
      %cond3A_272 = arith.constant 0 : i32
      %cond3A_273 = arith.cmpi ne, %convert_element_type3A_271, %cond3A_272 : i32
      scf.if %cond3A_273 {
        %ge3A = arith.constant 3 : i32
        %ge3A_313 = arith.cmpi sge, %add3A_238, %ge3A : i32
        %convert_element_type3A_314 = arith.extui %ge3A_313 : i1 to i32
        %cond3A_315 = arith.constant 0 : i32
        %cond3A_316 = arith.cmpi ne, %convert_element_type3A_314, %cond3A_315 : i32
        scf.if %cond3A_316 {
          %dma_wait3A_333 = arith.constant 0 : i32
          %dma_wait3A_334 = arith.constant 0 : i32
          %dma_wait3A_335 = arith.constant 0 : i32
          %dma_wait3A_336 = arith.constant 0 : i32
          %dma_wait3A_337 = tpu.memref_slice %arg8[%dma_wait3A_333, %dma_wait3A_335, %dma_wait3A_336] : memref<5x100x48xf32, #tpu.memory_space<vmem>> -> memref<1x100x48xf32, #tpu.memory_space<vmem>>
          %dma_wait3A_338 = tpu.memref_squeeze %dma_wait3A_337 : memref<1x100x48xf32, #tpu.memory_space<vmem>> -> memref<100x48xf32, #tpu.memory_space<vmem>>
          %dma_wait3A_339 = arith.constant 0 : i32
          %dma_wait3A_340 = tpu.memref_slice %arg7[%add3A_238, %dma_wait3A_339] : memref<100x100xi32, #tpu.memory_space<vmem>> -> memref<1x100xi32, #tpu.memory_space<vmem>>
          %dma_wait3A_341 = tpu.memref_squeeze %dma_wait3A_340 : memref<1x100xi32, #tpu.memory_space<vmem>> -> memref<100xi32, #tpu.memory_space<vmem>>
          %dma_wait3A_342 = arith.constant 0 : i32
          %dma_wait3A_343 = arith.constant 0 : i32
          %dma_wait3A_344 = tpu.memref_slice %arg9[%dma_wait3A_342, %dma_wait3A_343] : memref<10240x48xf32, #tpu.memory_space<vmem_shared>> -> memref<10240x48xf32, #tpu.memory_space<vmem_shared>>
          %dma_wait3A_345 = tpu.memref_slice %arg11[%dma_wait3A_334] : memref<5x!tpu.dma_semaphore, #tpu.memory_space<semaphore_mem>> -> memref<1x!tpu.dma_semaphore, #tpu.memory_space<semaphore_mem>>
          %dma_wait3A_346 = tpu.memref_squeeze %dma_wait3A_345 : memref<1x!tpu.dma_semaphore, #tpu.memory_space<semaphore_mem>> -> memref<!tpu.dma_semaphore, #tpu.memory_space<semaphore_mem>>
          tpu.wait_indirect_dma semaphore(%dma_wait3A_346 : memref<!tpu.dma_semaphore, #tpu.memory_space<semaphore_mem>>) src(%dma_wait3A_338 : memref<100x48xf32, #tpu.memory_space<vmem>>) dst(%dma_wait3A_344 : memref<10240x48xf32, #tpu.memory_space<vmem_shared>>)
        } else {
        }
        %add3A_317 = arith.constant 2 : i32
        %add3A_318 = arith.addi %add3A_238, %add3A_317 : i32
        %dma_start3A_319 = arith.constant 0 : i32
        %dma_start3A_320 = arith.constant 0 : i32
        %dma_start3A_321 = arith.constant 0 : i32
        %dma_start3A_322 = arith.constant 0 : i32
        %dma_start3A_323 = tpu.memref_slice %arg8[%dma_start3A_319, %dma_start3A_321, %dma_start3A_322] : memref<5x100x48xf32, #tpu.memory_space<vmem>> -> memref<1x100x48xf32, #tpu.memory_space<vmem>>
        %dma_start3A_324 = tpu.memref_squeeze %dma_start3A_323 : memref<1x100x48xf32, #tpu.memory_space<vmem>> -> memref<100x48xf32, #tpu.memory_space<vmem>>
        %dma_start3A_325 = arith.constant 0 : i32
        %dma_start3A_326 = tpu.memref_slice %arg6[%add3A_318, %dma_start3A_325] : memref<100x100xi32, #tpu.memory_space<vmem>> -> memref<1x100xi32, #tpu.memory_space<vmem>>
        %dma_start3A_327 = tpu.memref_squeeze %dma_start3A_326 : memref<1x100xi32, #tpu.memory_space<vmem>> -> memref<100xi32, #tpu.memory_space<vmem>>
        %dma_start3A_328 = arith.constant 0 : i32
        %dma_start3A_329 = arith.constant 0 : i32
        %dma_start3A_330 = tpu.memref_slice %arg2[%dma_start3A_328, %dma_start3A_329] : memref<10000x48xf32, #tpu.memory_space<hbm>> -> memref<10000x48xf32, #tpu.memory_space<hbm>>
        %dma_start3A_331 = tpu.memref_slice %arg10[%dma_start3A_320] : memref<5x!tpu.dma_semaphore, #tpu.memory_space<semaphore_mem>> -> memref<1x!tpu.dma_semaphore, #tpu.memory_space<semaphore_mem>>
        %dma_start3A_332 = tpu.memref_squeeze %dma_start3A_331 : memref<1x!tpu.dma_semaphore, #tpu.memory_space<semaphore_mem>> -> memref<!tpu.dma_semaphore, #tpu.memory_space<semaphore_mem>>
        tpu.enqueue_indirect_dma source(%dma_start3A_330 : memref<10000x48xf32, #tpu.memory_space<hbm>>) target(%dma_start3A_324 : memref<100x48xf32, #tpu.memory_space<vmem>>) offsets(%dma_start3A_327 : memref<100xi32, #tpu.memory_space<vmem>>) semaphore(%dma_start3A_332 : memref<!tpu.dma_semaphore, #tpu.memory_space<semaphore_mem>>)
      } else {
      }
      %mul3A_274 = arith.constant 5 : i32
      %mul3A_275 = arith.muli %mul3A_274, %add3A_120 : i32
      %add3A_276 = arith.constant 4 : i32
      %add3A_277 = arith.addi %mul3A_275, %add3A_276 : i32
      %dma_wait3A_278 = arith.constant 4 : i32
      %dma_wait3A_279 = arith.constant 4 : i32
      %dma_wait3A_280 = arith.constant 0 : i32
      %dma_wait3A_281 = arith.constant 0 : i32
      %dma_wait3A_282 = tpu.memref_slice %arg8[%dma_wait3A_278, %dma_wait3A_280, %dma_wait3A_281] : memref<5x100x48xf32, #tpu.memory_space<vmem>> -> memref<1x100x48xf32, #tpu.memory_space<vmem>>
      %dma_wait3A_283 = tpu.memref_squeeze %dma_wait3A_282 : memref<1x100x48xf32, #tpu.memory_space<vmem>> -> memref<100x48xf32, #tpu.memory_space<vmem>>
      %dma_wait3A_284 = arith.constant 0 : i32
      %dma_wait3A_285 = tpu.memref_slice %arg6[%add3A_277, %dma_wait3A_284] : memref<100x100xi32, #tpu.memory_space<vmem>> -> memref<1x100xi32, #tpu.memory_space<vmem>>
      %dma_wait3A_286 = tpu.memref_squeeze %dma_wait3A_285 : memref<1x100xi32, #tpu.memory_space<vmem>> -> memref<100xi32, #tpu.memory_space<vmem>>
      %dma_wait3A_287 = arith.constant 0 : i32
      %dma_wait3A_288 = arith.constant 0 : i32
      %dma_wait3A_289 = tpu.memref_slice %arg2[%dma_wait3A_287, %dma_wait3A_288] : memref<10000x48xf32, #tpu.memory_space<hbm>> -> memref<10000x48xf32, #tpu.memory_space<hbm>>
      %dma_wait3A_290 = tpu.memref_slice %arg10[%dma_wait3A_279] : memref<5x!tpu.dma_semaphore, #tpu.memory_space<semaphore_mem>> -> memref<1x!tpu.dma_semaphore, #tpu.memory_space<semaphore_mem>>
      %dma_wait3A_291 = tpu.memref_squeeze %dma_wait3A_290 : memref<1x!tpu.dma_semaphore, #tpu.memory_space<semaphore_mem>> -> memref<!tpu.dma_semaphore, #tpu.memory_space<semaphore_mem>>
      tpu.wait_indirect_dma semaphore(%dma_wait3A_291 : memref<!tpu.dma_semaphore, #tpu.memory_space<semaphore_mem>>) src(%dma_wait3A_289 : memref<10000x48xf32, #tpu.memory_space<hbm>>) dst(%dma_wait3A_283 : memref<100x48xf32, #tpu.memory_space<vmem>>)
      %dma_start3A_292 = arith.constant 4 : i32
      %dma_start3A_293 = arith.constant 4 : i32
      %dma_start3A_294 = arith.constant 0 : i32
      %dma_start3A_295 = arith.constant 0 : i32
      %dma_start3A_296 = tpu.memref_slice %arg8[%dma_start3A_292, %dma_start3A_294, %dma_start3A_295] : memref<5x100x48xf32, #tpu.memory_space<vmem>> -> memref<1x100x48xf32, #tpu.memory_space<vmem>>
      %dma_start3A_297 = tpu.memref_squeeze %dma_start3A_296 : memref<1x100x48xf32, #tpu.memory_space<vmem>> -> memref<100x48xf32, #tpu.memory_space<vmem>>
      %dma_start3A_298 = arith.constant 0 : i32
      %dma_start3A_299 = tpu.memref_slice %arg7[%add3A_277, %dma_start3A_298] : memref<100x100xi32, #tpu.memory_space<vmem>> -> memref<1x100xi32, #tpu.memory_space<vmem>>
      %dma_start3A_300 = tpu.memref_squeeze %dma_start3A_299 : memref<1x100xi32, #tpu.memory_space<vmem>> -> memref<100xi32, #tpu.memory_space<vmem>>
      %dma_start3A_301 = arith.constant 0 : i32
      %dma_start3A_302 = arith.constant 0 : i32
      %dma_start3A_303 = tpu.memref_slice %arg9[%dma_start3A_301, %dma_start3A_302] : memref<10240x48xf32, #tpu.memory_space<vmem_shared>> -> memref<10240x48xf32, #tpu.memory_space<vmem_shared>>
      %dma_start3A_304 = tpu.memref_slice %arg11[%dma_start3A_293] : memref<5x!tpu.dma_semaphore, #tpu.memory_space<semaphore_mem>> -> memref<1x!tpu.dma_semaphore, #tpu.memory_space<semaphore_mem>>
      %dma_start3A_305 = tpu.memref_squeeze %dma_start3A_304 : memref<1x!tpu.dma_semaphore, #tpu.memory_space<semaphore_mem>> -> memref<!tpu.dma_semaphore, #tpu.memory_space<semaphore_mem>>
      tpu.enqueue_indirect_dma source(%dma_start3A_297 : memref<100x48xf32, #tpu.memory_space<vmem>>) target(%dma_start3A_303 : memref<10240x48xf32, #tpu.memory_space<vmem_shared>>) offsets(%dma_start3A_300 : memref<100xi32, #tpu.memory_space<vmem>>) semaphore(%dma_start3A_305 : memref<!tpu.dma_semaphore, #tpu.memory_space<semaphore_mem>>) {add = true}
      %add3A_306 = arith.constant 2 : i32
      %add3A_307 = arith.addi %add3A_277, %add3A_306 : i32
      %lt3A_308 = arith.constant 100 : i32
      %lt3A_309 = arith.cmpi slt, %add3A_307, %lt3A_308 : i32
      %convert_element_type3A_310 = arith.extui %lt3A_309 : i1 to i32
      %cond3A_311 = arith.constant 0 : i32
      %cond3A_312 = arith.cmpi ne, %convert_element_type3A_310, %cond3A_311 : i32
      scf.if %cond3A_312 {
        %ge3A = arith.constant 3 : i32
        %ge3A_313 = arith.cmpi sge, %add3A_277, %ge3A : i32
        %convert_element_type3A_314 = arith.extui %ge3A_313 : i1 to i32
        %cond3A_315 = arith.constant 0 : i32
        %cond3A_316 = arith.cmpi ne, %convert_element_type3A_314, %cond3A_315 : i32
        scf.if %cond3A_316 {
          %dma_wait3A_333 = arith.constant 1 : i32
          %dma_wait3A_334 = arith.constant 1 : i32
          %dma_wait3A_335 = arith.constant 0 : i32
          %dma_wait3A_336 = arith.constant 0 : i32
          %dma_wait3A_337 = tpu.memref_slice %arg8[%dma_wait3A_333, %dma_wait3A_335, %dma_wait3A_336] : memref<5x100x48xf32, #tpu.memory_space<vmem>> -> memref<1x100x48xf32, #tpu.memory_space<vmem>>
          %dma_wait3A_338 = tpu.memref_squeeze %dma_wait3A_337 : memref<1x100x48xf32, #tpu.memory_space<vmem>> -> memref<100x48xf32, #tpu.memory_space<vmem>>
          %dma_wait3A_339 = arith.constant 0 : i32
          %dma_wait3A_340 = tpu.memref_slice %arg7[%add3A_277, %dma_wait3A_339] : memref<100x100xi32, #tpu.memory_space<vmem>> -> memref<1x100xi32, #tpu.memory_space<vmem>>
          %dma_wait3A_341 = tpu.memref_squeeze %dma_wait3A_340 : memref<1x100xi32, #tpu.memory_space<vmem>> -> memref<100xi32, #tpu.memory_space<vmem>>
          %dma_wait3A_342 = arith.constant 0 : i32
          %dma_wait3A_343 = arith.constant 0 : i32
          %dma_wait3A_344 = tpu.memref_slice %arg9[%dma_wait3A_342, %dma_wait3A_343] : memref<10240x48xf32, #tpu.memory_space<vmem_shared>> -> memref<10240x48xf32, #tpu.memory_space<vmem_shared>>
          %dma_wait3A_345 = tpu.memref_slice %arg11[%dma_wait3A_334] : memref<5x!tpu.dma_semaphore, #tpu.memory_space<semaphore_mem>> -> memref<1x!tpu.dma_semaphore, #tpu.memory_space<semaphore_mem>>
          %dma_wait3A_346 = tpu.memref_squeeze %dma_wait3A_345 : memref<1x!tpu.dma_semaphore, #tpu.memory_space<semaphore_mem>> -> memref<!tpu.dma_semaphore, #tpu.memory_space<semaphore_mem>>
          tpu.wait_indirect_dma semaphore(%dma_wait3A_346 : memref<!tpu.dma_semaphore, #tpu.memory_space<semaphore_mem>>) src(%dma_wait3A_338 : memref<100x48xf32, #tpu.memory_space<vmem>>) dst(%dma_wait3A_344 : memref<10240x48xf32, #tpu.memory_space<vmem_shared>>)
        } else {
        }
        %add3A_317 = arith.constant 2 : i32
        %add3A_318 = arith.addi %add3A_277, %add3A_317 : i32
        %dma_start3A_319 = arith.constant 1 : i32
        %dma_start3A_320 = arith.constant 1 : i32
        %dma_start3A_321 = arith.constant 0 : i32
        %dma_start3A_322 = arith.constant 0 : i32
        %dma_start3A_323 = tpu.memref_slice %arg8[%dma_start3A_319, %dma_start3A_321, %dma_start3A_322] : memref<5x100x48xf32, #tpu.memory_space<vmem>> -> memref<1x100x48xf32, #tpu.memory_space<vmem>>
        %dma_start3A_324 = tpu.memref_squeeze %dma_start3A_323 : memref<1x100x48xf32, #tpu.memory_space<vmem>> -> memref<100x48xf32, #tpu.memory_space<vmem>>
        %dma_start3A_325 = arith.constant 0 : i32
        %dma_start3A_326 = tpu.memref_slice %arg6[%add3A_318, %dma_start3A_325] : memref<100x100xi32, #tpu.memory_space<vmem>> -> memref<1x100xi32, #tpu.memory_space<vmem>>
        %dma_start3A_327 = tpu.memref_squeeze %dma_start3A_326 : memref<1x100xi32, #tpu.memory_space<vmem>> -> memref<100xi32, #tpu.memory_space<vmem>>
        %dma_start3A_328 = arith.constant 0 : i32
        %dma_start3A_329 = arith.constant 0 : i32
        %dma_start3A_330 = tpu.memref_slice %arg2[%dma_start3A_328, %dma_start3A_329] : memref<10000x48xf32, #tpu.memory_space<hbm>> -> memref<10000x48xf32, #tpu.memory_space<hbm>>
        %dma_start3A_331 = tpu.memref_slice %arg10[%dma_start3A_320] : memref<5x!tpu.dma_semaphore, #tpu.memory_space<semaphore_mem>> -> memref<1x!tpu.dma_semaphore, #tpu.memory_space<semaphore_mem>>
        %dma_start3A_332 = tpu.memref_squeeze %dma_start3A_331 : memref<1x!tpu.dma_semaphore, #tpu.memory_space<semaphore_mem>> -> memref<!tpu.dma_semaphore, #tpu.memory_space<semaphore_mem>>
        tpu.enqueue_indirect_dma source(%dma_start3A_330 : memref<10000x48xf32, #tpu.memory_space<hbm>>) target(%dma_start3A_324 : memref<100x48xf32, #tpu.memory_space<vmem>>) offsets(%dma_start3A_327 : memref<100xi32, #tpu.memory_space<vmem>>) semaphore(%dma_start3A_332 : memref<!tpu.dma_semaphore, #tpu.memory_space<semaphore_mem>>)
      } else {
      }
    }
    %scan3A_36 = arith.constant 20 : i32
    %dma_wait3A = arith.constant 0 : i32
    %dma_wait3A_37 = arith.constant 0 : i32
    %dma_wait3A_38 = arith.constant 0 : i32
    %dma_wait3A_39 = arith.constant 0 : i32
    %dma_wait3A_40 = arith.constant 0 : i32
    %dma_wait3A_41 = tpu.memref_slice %arg8[%dma_wait3A, %dma_wait3A_39, %dma_wait3A_40] : memref<5x100x48xf32, #tpu.memory_space<vmem>> -> memref<1x100x48xf32, #tpu.memory_space<vmem>>
    %dma_wait3A_42 = tpu.memref_squeeze %dma_wait3A_41 : memref<1x100x48xf32, #tpu.memory_space<vmem>> -> memref<100x48xf32, #tpu.memory_space<vmem>>
    %dma_wait3A_43 = arith.constant 0 : i32
    %dma_wait3A_44 = tpu.memref_slice %arg7[%dma_wait3A_37, %dma_wait3A_43] : memref<100x100xi32, #tpu.memory_space<vmem>> -> memref<1x100xi32, #tpu.memory_space<vmem>>
    %dma_wait3A_45 = tpu.memref_squeeze %dma_wait3A_44 : memref<1x100xi32, #tpu.memory_space<vmem>> -> memref<100xi32, #tpu.memory_space<vmem>>
    %dma_wait3A_46 = arith.constant 0 : i32
    %dma_wait3A_47 = arith.constant 0 : i32
    %dma_wait3A_48 = tpu.memref_slice %arg9[%dma_wait3A_46, %dma_wait3A_47] : memref<10240x48xf32, #tpu.memory_space<vmem_shared>> -> memref<10240x48xf32, #tpu.memory_space<vmem_shared>>
    %dma_wait3A_49 = tpu.memref_slice %arg11[%dma_wait3A_38] : memref<5x!tpu.dma_semaphore, #tpu.memory_space<semaphore_mem>> -> memref<1x!tpu.dma_semaphore, #tpu.memory_space<semaphore_mem>>
    %dma_wait3A_50 = tpu.memref_squeeze %dma_wait3A_49 : memref<1x!tpu.dma_semaphore, #tpu.memory_space<semaphore_mem>> -> memref<!tpu.dma_semaphore, #tpu.memory_space<semaphore_mem>>
    tpu.wait_indirect_dma semaphore(%dma_wait3A_50 : memref<!tpu.dma_semaphore, #tpu.memory_space<semaphore_mem>>) src(%dma_wait3A_42 : memref<100x48xf32, #tpu.memory_space<vmem>>) dst(%dma_wait3A_48 : memref<10240x48xf32, #tpu.memory_space<vmem_shared>>)
    %dma_wait3A_51 = arith.constant 1 : i32
    %dma_wait3A_52 = arith.constant 0 : i32
    %dma_wait3A_53 = arith.constant 1 : i32
    %dma_wait3A_54 = arith.constant 0 : i32
    %dma_wait3A_55 = arith.constant 0 : i32
    %dma_wait3A_56 = tpu.memref_slice %arg8[%dma_wait3A_51, %dma_wait3A_54, %dma_wait3A_55] : memref<5x100x48xf32, #tpu.memory_space<vmem>> -> memref<1x100x48xf32, #tpu.memory_space<vmem>>
    %dma_wait3A_57 = tpu.memref_squeeze %dma_wait3A_56 : memref<1x100x48xf32, #tpu.memory_space<vmem>> -> memref<100x48xf32, #tpu.memory_space<vmem>>
    %dma_wait3A_58 = arith.constant 0 : i32
    %dma_wait3A_59 = tpu.memref_slice %arg7[%dma_wait3A_52, %dma_wait3A_58] : memref<100x100xi32, #tpu.memory_space<vmem>> -> memref<1x100xi32, #tpu.memory_space<vmem>>
    %dma_wait3A_60 = tpu.memref_squeeze %dma_wait3A_59 : memref<1x100xi32, #tpu.memory_space<vmem>> -> memref<100xi32, #tpu.memory_space<vmem>>
    %dma_wait3A_61 = arith.constant 0 : i32
    %dma_wait3A_62 = arith.constant 0 : i32
    %dma_wait3A_63 = tpu.memref_slice %arg9[%dma_wait3A_61, %dma_wait3A_62] : memref<10240x48xf32, #tpu.memory_space<vmem_shared>> -> memref<10240x48xf32, #tpu.memory_space<vmem_shared>>
    %dma_wait3A_64 = tpu.memref_slice %arg11[%dma_wait3A_53] : memref<5x!tpu.dma_semaphore, #tpu.memory_space<semaphore_mem>> -> memref<1x!tpu.dma_semaphore, #tpu.memory_space<semaphore_mem>>
    %dma_wait3A_65 = tpu.memref_squeeze %dma_wait3A_64 : memref<1x!tpu.dma_semaphore, #tpu.memory_space<semaphore_mem>> -> memref<!tpu.dma_semaphore, #tpu.memory_space<semaphore_mem>>
    tpu.wait_indirect_dma semaphore(%dma_wait3A_65 : memref<!tpu.dma_semaphore, #tpu.memory_space<semaphore_mem>>) src(%dma_wait3A_57 : memref<100x48xf32, #tpu.memory_space<vmem>>) dst(%dma_wait3A_63 : memref<10240x48xf32, #tpu.memory_space<vmem_shared>>)
    %dma_wait3A_66 = arith.constant 2 : i32
    %dma_wait3A_67 = arith.constant 0 : i32
    %dma_wait3A_68 = arith.constant 2 : i32
    %dma_wait3A_69 = arith.constant 0 : i32
    %dma_wait3A_70 = arith.constant 0 : i32
    %dma_wait3A_71 = tpu.memref_slice %arg8[%dma_wait3A_66, %dma_wait3A_69, %dma_wait3A_70] : memref<5x100x48xf32, #tpu.memory_space<vmem>> -> memref<1x100x48xf32, #tpu.memory_space<vmem>>
    %dma_wait3A_72 = tpu.memref_squeeze %dma_wait3A_71 : memref<1x100x48xf32, #tpu.memory_space<vmem>> -> memref<100x48xf32, #tpu.memory_space<vmem>>
    %dma_wait3A_73 = arith.constant 0 : i32
    %dma_wait3A_74 = tpu.memref_slice %arg7[%dma_wait3A_67, %dma_wait3A_73] : memref<100x100xi32, #tpu.memory_space<vmem>> -> memref<1x100xi32, #tpu.memory_space<vmem>>
    %dma_wait3A_75 = tpu.memref_squeeze %dma_wait3A_74 : memref<1x100xi32, #tpu.memory_space<vmem>> -> memref<100xi32, #tpu.memory_space<vmem>>
    %dma_wait3A_76 = arith.constant 0 : i32
    %dma_wait3A_77 = arith.constant 0 : i32
    %dma_wait3A_78 = tpu.memref_slice %arg9[%dma_wait3A_76, %dma_wait3A_77] : memref<10240x48xf32, #tpu.memory_space<vmem_shared>> -> memref<10240x48xf32, #tpu.memory_space<vmem_shared>>
    %dma_wait3A_79 = tpu.memref_slice %arg11[%dma_wait3A_68] : memref<5x!tpu.dma_semaphore, #tpu.memory_space<semaphore_mem>> -> memref<1x!tpu.dma_semaphore, #tpu.memory_space<semaphore_mem>>
    %dma_wait3A_80 = tpu.memref_squeeze %dma_wait3A_79 : memref<1x!tpu.dma_semaphore, #tpu.memory_space<semaphore_mem>> -> memref<!tpu.dma_semaphore, #tpu.memory_space<semaphore_mem>>
    tpu.wait_indirect_dma semaphore(%dma_wait3A_80 : memref<!tpu.dma_semaphore, #tpu.memory_space<semaphore_mem>>) src(%dma_wait3A_72 : memref<100x48xf32, #tpu.memory_space<vmem>>) dst(%dma_wait3A_78 : memref<10240x48xf32, #tpu.memory_space<vmem_shared>>)
    %dma_wait3A_81 = arith.constant 3 : i32
    %dma_wait3A_82 = arith.constant 0 : i32
    %dma_wait3A_83 = arith.constant 3 : i32
    %dma_wait3A_84 = arith.constant 0 : i32
    %dma_wait3A_85 = arith.constant 0 : i32
    %dma_wait3A_86 = tpu.memref_slice %arg8[%dma_wait3A_81, %dma_wait3A_84, %dma_wait3A_85] : memref<5x100x48xf32, #tpu.memory_space<vmem>> -> memref<1x100x48xf32, #tpu.memory_space<vmem>>
    %dma_wait3A_87 = tpu.memref_squeeze %dma_wait3A_86 : memref<1x100x48xf32, #tpu.memory_space<vmem>> -> memref<100x48xf32, #tpu.memory_space<vmem>>
    %dma_wait3A_88 = arith.constant 0 : i32
    %dma_wait3A_89 = tpu.memref_slice %arg7[%dma_wait3A_82, %dma_wait3A_88] : memref<100x100xi32, #tpu.memory_space<vmem>> -> memref<1x100xi32, #tpu.memory_space<vmem>>
    %dma_wait3A_90 = tpu.memref_squeeze %dma_wait3A_89 : memref<1x100xi32, #tpu.memory_space<vmem>> -> memref<100xi32, #tpu.memory_space<vmem>>
    %dma_wait3A_91 = arith.constant 0 : i32
    %dma_wait3A_92 = arith.constant 0 : i32
    %dma_wait3A_93 = tpu.memref_slice %arg9[%dma_wait3A_91, %dma_wait3A_92] : memref<10240x48xf32, #tpu.memory_space<vmem_shared>> -> memref<10240x48xf32, #tpu.memory_space<vmem_shared>>
    %dma_wait3A_94 = tpu.memref_slice %arg11[%dma_wait3A_83] : memref<5x!tpu.dma_semaphore, #tpu.memory_space<semaphore_mem>> -> memref<1x!tpu.dma_semaphore, #tpu.memory_space<semaphore_mem>>
    %dma_wait3A_95 = tpu.memref_squeeze %dma_wait3A_94 : memref<1x!tpu.dma_semaphore, #tpu.memory_space<semaphore_mem>> -> memref<!tpu.dma_semaphore, #tpu.memory_space<semaphore_mem>>
    tpu.wait_indirect_dma semaphore(%dma_wait3A_95 : memref<!tpu.dma_semaphore, #tpu.memory_space<semaphore_mem>>) src(%dma_wait3A_87 : memref<100x48xf32, #tpu.memory_space<vmem>>) dst(%dma_wait3A_93 : memref<10240x48xf32, #tpu.memory_space<vmem_shared>>)
    %dma_wait3A_96 = arith.constant 4 : i32
    %dma_wait3A_97 = arith.constant 0 : i32
    %dma_wait3A_98 = arith.constant 4 : i32
    %dma_wait3A_99 = arith.constant 0 : i32
    %dma_wait3A_100 = arith.constant 0 : i32
    %dma_wait3A_101 = tpu.memref_slice %arg8[%dma_wait3A_96, %dma_wait3A_99, %dma_wait3A_100] : memref<5x100x48xf32, #tpu.memory_space<vmem>> -> memref<1x100x48xf32, #tpu.memory_space<vmem>>
    %dma_wait3A_102 = tpu.memref_squeeze %dma_wait3A_101 : memref<1x100x48xf32, #tpu.memory_space<vmem>> -> memref<100x48xf32, #tpu.memory_space<vmem>>
    %dma_wait3A_103 = arith.constant 0 : i32
    %dma_wait3A_104 = tpu.memref_slice %arg7[%dma_wait3A_97, %dma_wait3A_103] : memref<100x100xi32, #tpu.memory_space<vmem>> -> memref<1x100xi32, #tpu.memory_space<vmem>>
    %dma_wait3A_105 = tpu.memref_squeeze %dma_wait3A_104 : memref<1x100xi32, #tpu.memory_space<vmem>> -> memref<100xi32, #tpu.memory_space<vmem>>
    %dma_wait3A_106 = arith.constant 0 : i32
    %dma_wait3A_107 = arith.constant 0 : i32
    %dma_wait3A_108 = tpu.memref_slice %arg9[%dma_wait3A_106, %dma_wait3A_107] : memref<10240x48xf32, #tpu.memory_space<vmem_shared>> -> memref<10240x48xf32, #tpu.memory_space<vmem_shared>>
    %dma_wait3A_109 = tpu.memref_slice %arg11[%dma_wait3A_98] : memref<5x!tpu.dma_semaphore, #tpu.memory_space<semaphore_mem>> -> memref<1x!tpu.dma_semaphore, #tpu.memory_space<semaphore_mem>>
    %dma_wait3A_110 = tpu.memref_squeeze %dma_wait3A_109 : memref<1x!tpu.dma_semaphore, #tpu.memory_space<semaphore_mem>> -> memref<!tpu.dma_semaphore, #tpu.memory_space<semaphore_mem>>
    tpu.wait_indirect_dma semaphore(%dma_wait3A_110 : memref<!tpu.dma_semaphore, #tpu.memory_space<semaphore_mem>>) src(%dma_wait3A_102 : memref<100x48xf32, #tpu.memory_space<vmem>>) dst(%dma_wait3A_108 : memref<10240x48xf32, #tpu.memory_space<vmem_shared>>)
    %barrier3A_111 = arith.constant 0 : index
    tpu.barrier barrier_id(%barrier3A_111)
    %mul3A_112 = arith.constant 640 : i32
    %mul3A_113 = arith.muli %arg1, %mul3A_112 : i32
    %mul3A_114 = arith.constant 640 : i32
    %mul3A_115 = arith.muli %arg1, %mul3A_114 : i32
    "tpu.region"() ({
      %run_scoped3A_116 = tpu.sem_alloc : memref<!tpu.dma_semaphore, #tpu.memory_space<semaphore_mem>>
      %dma_start3A_117 = arith.constant 0 : i32
      %dma_start3A_118 = tpu.memref_slice %arg5[%arg0, %mul3A_115, %dma_start3A_117] : memref<2x10240x48xf32, #tpu.memory_space<hbm>> -> memref<1x640x48xf32, #tpu.memory_space<hbm>>
      %dma_start3A_119 = tpu.memref_squeeze %dma_start3A_118 : memref<1x640x48xf32, #tpu.memory_space<hbm>> -> memref<640x48xf32, #tpu.memory_space<hbm>>
      %dma_start3A_120 = arith.constant 0 : i32
      %dma_start3A_121 = tpu.memref_slice %arg9[%mul3A_113, %dma_start3A_120] : memref<10240x48xf32, #tpu.memory_space<vmem_shared>> -> memref<640x48xf32, #tpu.memory_space<vmem_shared>>
      tpu.enqueue_dma source(%dma_start3A_121 : memref<640x48xf32, #tpu.memory_space<vmem_shared>>) target(%dma_start3A_119 : memref<640x48xf32, #tpu.memory_space<hbm>>) target_semaphore(%run_scoped3A_116 : memref<!tpu.dma_semaphore, #tpu.memory_space<semaphore_mem>>)
      %dma_wait3A_122 = arith.constant 0 : i32
      %dma_wait3A_123 = tpu.memref_slice %arg5[%arg0, %mul3A_115, %dma_wait3A_122] : memref<2x10240x48xf32, #tpu.memory_space<hbm>> -> memref<1x640x48xf32, #tpu.memory_space<hbm>>
      %dma_wait3A_124 = tpu.memref_squeeze %dma_wait3A_123 : memref<1x640x48xf32, #tpu.memory_space<hbm>> -> memref<640x48xf32, #tpu.memory_space<hbm>>
      %dma_wait3A_125 = arith.constant 0 : i32
      %dma_wait3A_126 = tpu.memref_slice %arg9[%mul3A_113, %dma_wait3A_125] : memref<10240x48xf32, #tpu.memory_space<vmem_shared>> -> memref<640x48xf32, #tpu.memory_space<vmem_shared>>
      tpu.wait_dma2 semaphore(%run_scoped3A_116 : memref<!tpu.dma_semaphore, #tpu.memory_space<semaphore_mem>>) src(%dma_wait3A_126 : memref<640x48xf32, #tpu.memory_space<vmem_shared>>) dst(%dma_wait3A_124 : memref<640x48xf32, #tpu.memory_space<hbm>>)
      tpu.yield
    }) : () -> ()
    return
  }
}

#map = affine_map<(d0, d1) -> (0, 0, 0, 0)>
#map1 = affine_map<(d0, d1) -> (0, 0)>
#map2 = affine_map<(d0, d1) -> (0, 0, 0)>
module attributes {stable_mosaic.version = 14 : i64} {
  func.func @deg(%arg0: i32, %arg1: i32, %arg2: memref<2x32x100x100xi32, #tpu.memory_space<hbm>>, %arg3: memref<100x16xf32, #tpu.memory_space<hbm>>, %arg4: memref<640x16xf32, #tpu.memory_space<hbm>>, %arg5: memref<2x10240x16xf32, #tpu.memory_space<hbm>>, %arg6: memref<100x100xi32, #tpu.memory_space<vmem>>, %arg7: memref<100x16xf32, #tpu.memory_space<vmem>>, %arg8: memref<10240x16xf32, #tpu.memory_space<vmem_shared>>, %arg9: memref<!tpu.dma_semaphore, #tpu.memory_space<semaphore_mem>>) attributes {dimension_semantics = [#tpu.dimension_semantics<core_parallel>, #tpu.dimension_semantics<subcore_parallel>], iteration_bounds = array<i64: 2, 16>, scalar_prefetch = 0 : i64, scratch_operands = 4 : i64, tpu.core_type = #tpu.core_type<sc_vector_subcore>, window_params = [{transform_indices = #map}, {transform_indices = #map1}, {transform_indices = #map1}, {transform_indices = #map2}]} {
    %mul3A = arith.constant 16 : i32
    %mul3A_0 = arith.muli %arg0, %mul3A : i32
    %add3A = arith.addi %mul3A_0, %arg1 : i32
    %run_scoped3A = arith.constant 0 : i32
    "tpu.region"() ({
      %run_scoped3A_17 = tpu.sem_alloc : memref<!tpu.dma_semaphore, #tpu.memory_space<semaphore_mem>>
      %dma_start3A = arith.constant 0 : i32
      %dma_start3A_18 = arith.constant 0 : i32
      %dma_start3A_19 = tpu.memref_slice %arg2[%run_scoped3A, %add3A, %dma_start3A, %dma_start3A_18] : memref<2x32x100x100xi32, #tpu.memory_space<hbm>> -> memref<1x1x100x100xi32, #tpu.memory_space<hbm>>
      %dma_start3A_20 = tpu.memref_squeeze %dma_start3A_19 : memref<1x1x100x100xi32, #tpu.memory_space<hbm>> -> memref<100x100xi32, #tpu.memory_space<hbm>>
      %dma_start3A_21 = arith.constant 0 : i32
      %dma_start3A_22 = arith.constant 0 : i32
      %dma_start3A_23 = tpu.memref_slice %arg2[%run_scoped3A, %add3A, %dma_start3A_21, %dma_start3A_22] : memref<2x32x100x100xi32, #tpu.memory_space<hbm>> -> memref<1x1x100x100xi32, #tpu.memory_space<hbm>>
      %dma_start3A_24 = tpu.memref_squeeze %dma_start3A_23 : memref<1x1x100x100xi32, #tpu.memory_space<hbm>> -> memref<100x100xi32, #tpu.memory_space<hbm>>
      tpu.enqueue_dma source(%dma_start3A_24 : memref<100x100xi32, #tpu.memory_space<hbm>>) target(%arg6 : memref<100x100xi32, #tpu.memory_space<vmem>>) target_semaphore(%run_scoped3A_17 : memref<!tpu.dma_semaphore, #tpu.memory_space<semaphore_mem>>)
      %dma_wait3A = arith.constant 0 : i32
      %dma_wait3A_25 = arith.constant 0 : i32
      %dma_wait3A_26 = tpu.memref_slice %arg2[%run_scoped3A, %add3A, %dma_wait3A, %dma_wait3A_25] : memref<2x32x100x100xi32, #tpu.memory_space<hbm>> -> memref<1x1x100x100xi32, #tpu.memory_space<hbm>>
      %dma_wait3A_27 = tpu.memref_squeeze %dma_wait3A_26 : memref<1x1x100x100xi32, #tpu.memory_space<hbm>> -> memref<100x100xi32, #tpu.memory_space<hbm>>
      %dma_wait3A_28 = arith.constant 0 : i32
      %dma_wait3A_29 = arith.constant 0 : i32
      %dma_wait3A_30 = tpu.memref_slice %arg2[%run_scoped3A, %add3A, %dma_wait3A_28, %dma_wait3A_29] : memref<2x32x100x100xi32, #tpu.memory_space<hbm>> -> memref<1x1x100x100xi32, #tpu.memory_space<hbm>>
      %dma_wait3A_31 = tpu.memref_squeeze %dma_wait3A_30 : memref<1x1x100x100xi32, #tpu.memory_space<hbm>> -> memref<100x100xi32, #tpu.memory_space<hbm>>
      tpu.wait_dma2 semaphore(%run_scoped3A_17 : memref<!tpu.dma_semaphore, #tpu.memory_space<semaphore_mem>>) src(%dma_wait3A_31 : memref<100x100xi32, #tpu.memory_space<hbm>>) dst(%arg6 : memref<100x100xi32, #tpu.memory_space<vmem>>)
      tpu.yield
    }) : () -> ()
    "tpu.region"() ({
      %run_scoped3A_17 = tpu.sem_alloc : memref<!tpu.dma_semaphore, #tpu.memory_space<semaphore_mem>>
      tpu.enqueue_dma source(%arg3 : memref<100x16xf32, #tpu.memory_space<hbm>>) target(%arg7 : memref<100x16xf32, #tpu.memory_space<vmem>>) target_semaphore(%run_scoped3A_17 : memref<!tpu.dma_semaphore, #tpu.memory_space<semaphore_mem>>)
      tpu.wait_dma2 semaphore(%run_scoped3A_17 : memref<!tpu.dma_semaphore, #tpu.memory_space<semaphore_mem>>) src(%arg3 : memref<100x16xf32, #tpu.memory_space<hbm>>) dst(%arg7 : memref<100x16xf32, #tpu.memory_space<vmem>>)
      tpu.yield
    }) : () -> ()
    %mul3A_1 = arith.constant 640 : i32
    %mul3A_2 = arith.muli %arg1, %mul3A_1 : i32
    "tpu.region"() ({
      %run_scoped3A_17 = tpu.sem_alloc : memref<!tpu.dma_semaphore, #tpu.memory_space<semaphore_mem>>
      %dma_start3A = arith.constant 0 : i32
      %dma_start3A_18 = tpu.memref_slice %arg8[%mul3A_2, %dma_start3A] : memref<10240x16xf32, #tpu.memory_space<vmem_shared>> -> memref<640x16xf32, #tpu.memory_space<vmem_shared>>
      tpu.enqueue_dma source(%arg4 : memref<640x16xf32, #tpu.memory_space<hbm>>) target(%dma_start3A_18 : memref<640x16xf32, #tpu.memory_space<vmem_shared>>) target_semaphore(%run_scoped3A_17 : memref<!tpu.dma_semaphore, #tpu.memory_space<semaphore_mem>>)
      %dma_wait3A = arith.constant 0 : i32
      %dma_wait3A_19 = tpu.memref_slice %arg8[%mul3A_2, %dma_wait3A] : memref<10240x16xf32, #tpu.memory_space<vmem_shared>> -> memref<640x16xf32, #tpu.memory_space<vmem_shared>>
      tpu.wait_dma2 semaphore(%run_scoped3A_17 : memref<!tpu.dma_semaphore, #tpu.memory_space<semaphore_mem>>) src(%arg4 : memref<640x16xf32, #tpu.memory_space<hbm>>) dst(%dma_wait3A_19 : memref<640x16xf32, #tpu.memory_space<vmem_shared>>)
      tpu.yield
    }) : () -> ()
    %barrier3A = arith.constant 0 : index
    tpu.barrier barrier_id(%barrier3A)
    %scan3A = arith.constant 0 : i32
    %scan3A_3 = arith.constant 100 : i32
    %scan3A_4 = arith.addi %scan3A, %scan3A_3 : i32
    %scan3A_5 = arith.constant 1 : i32
    scf.for %scan3A_17 = %scan3A to %scan3A_4 step %scan3A_5  : i32 {
      %mul3A_18 = arith.constant 1 : i32
      %mul3A_19 = arith.muli %scan3A_17, %mul3A_18 : i32
      %add3A_20 = arith.constant 0 : i32
      %add3A_21 = arith.addi %add3A_20, %mul3A_19 : i32
      %dma_start3A = arith.constant 0 : i32
      %dma_start3A_22 = tpu.memref_slice %arg6[%add3A_21, %dma_start3A] : memref<100x100xi32, #tpu.memory_space<vmem>> -> memref<1x100xi32, #tpu.memory_space<vmem>>
      %dma_start3A_23 = tpu.memref_squeeze %dma_start3A_22 : memref<1x100xi32, #tpu.memory_space<vmem>> -> memref<100xi32, #tpu.memory_space<vmem>>
      %dma_start3A_24 = arith.constant 0 : i32
      %dma_start3A_25 = arith.constant 0 : i32
      %dma_start3A_26 = tpu.memref_slice %arg8[%dma_start3A_24, %dma_start3A_25] : memref<10240x16xf32, #tpu.memory_space<vmem_shared>> -> memref<10240x16xf32, #tpu.memory_space<vmem_shared>>
      tpu.enqueue_indirect_dma source(%arg7 : memref<100x16xf32, #tpu.memory_space<vmem>>) target(%dma_start3A_26 : memref<10240x16xf32, #tpu.memory_space<vmem_shared>>) offsets(%dma_start3A_23 : memref<100xi32, #tpu.memory_space<vmem>>) semaphore(%arg9 : memref<!tpu.dma_semaphore, #tpu.memory_space<semaphore_mem>>) {add = true}
    }
    %scan3A_6 = arith.constant 100 : i32
    %scan3A_7 = arith.constant 0 : i32
    %scan3A_8 = arith.constant 100 : i32
    %scan3A_9 = arith.addi %scan3A_7, %scan3A_8 : i32
    %scan3A_10 = arith.constant 1 : i32
    scf.for %scan3A_17 = %scan3A_7 to %scan3A_9 step %scan3A_10  : i32 {
      %mul3A_18 = arith.constant 1 : i32
      %mul3A_19 = arith.muli %scan3A_17, %mul3A_18 : i32
      %add3A_20 = arith.constant 0 : i32
      %add3A_21 = arith.addi %add3A_20, %mul3A_19 : i32
      %dma_wait3A = arith.constant 0 : i32
      %dma_wait3A_22 = arith.constant 0 : i32
      %dma_wait3A_23 = tpu.memref_slice %arg6[%dma_wait3A, %dma_wait3A_22] : memref<100x100xi32, #tpu.memory_space<vmem>> -> memref<1x100xi32, #tpu.memory_space<vmem>>
      %dma_wait3A_24 = tpu.memref_squeeze %dma_wait3A_23 : memref<1x100xi32, #tpu.memory_space<vmem>> -> memref<100xi32, #tpu.memory_space<vmem>>
      %dma_wait3A_25 = arith.constant 0 : i32
      %dma_wait3A_26 = arith.constant 0 : i32
      %dma_wait3A_27 = tpu.memref_slice %arg8[%dma_wait3A_25, %dma_wait3A_26] : memref<10240x16xf32, #tpu.memory_space<vmem_shared>> -> memref<10240x16xf32, #tpu.memory_space<vmem_shared>>
      tpu.wait_indirect_dma semaphore(%arg9 : memref<!tpu.dma_semaphore, #tpu.memory_space<semaphore_mem>>) src(%arg7 : memref<100x16xf32, #tpu.memory_space<vmem>>) dst(%dma_wait3A_27 : memref<10240x16xf32, #tpu.memory_space<vmem_shared>>)
    }
    %scan3A_11 = arith.constant 100 : i32
    %barrier3A_12 = arith.constant 0 : index
    tpu.barrier barrier_id(%barrier3A_12)
    %mul3A_13 = arith.constant 640 : i32
    %mul3A_14 = arith.muli %arg1, %mul3A_13 : i32
    %mul3A_15 = arith.constant 640 : i32
    %mul3A_16 = arith.muli %arg1, %mul3A_15 : i32
    "tpu.region"() ({
      %run_scoped3A_17 = tpu.sem_alloc : memref<!tpu.dma_semaphore, #tpu.memory_space<semaphore_mem>>
      %dma_start3A = arith.constant 0 : i32
      %dma_start3A_18 = tpu.memref_slice %arg5[%arg0, %mul3A_16, %dma_start3A] : memref<2x10240x16xf32, #tpu.memory_space<hbm>> -> memref<1x640x16xf32, #tpu.memory_space<hbm>>
      %dma_start3A_19 = tpu.memref_squeeze %dma_start3A_18 : memref<1x640x16xf32, #tpu.memory_space<hbm>> -> memref<640x16xf32, #tpu.memory_space<hbm>>
      %dma_start3A_20 = arith.constant 0 : i32
      %dma_start3A_21 = tpu.memref_slice %arg8[%mul3A_14, %dma_start3A_20] : memref<10240x16xf32, #tpu.memory_space<vmem_shared>> -> memref<640x16xf32, #tpu.memory_space<vmem_shared>>
      tpu.enqueue_dma source(%dma_start3A_21 : memref<640x16xf32, #tpu.memory_space<vmem_shared>>) target(%dma_start3A_19 : memref<640x16xf32, #tpu.memory_space<hbm>>) target_semaphore(%run_scoped3A_17 : memref<!tpu.dma_semaphore, #tpu.memory_space<semaphore_mem>>)
      %dma_wait3A = arith.constant 0 : i32
      %dma_wait3A_22 = tpu.memref_slice %arg5[%arg0, %mul3A_16, %dma_wait3A] : memref<2x10240x16xf32, #tpu.memory_space<hbm>> -> memref<1x640x16xf32, #tpu.memory_space<hbm>>
      %dma_wait3A_23 = tpu.memref_squeeze %dma_wait3A_22 : memref<1x640x16xf32, #tpu.memory_space<hbm>> -> memref<640x16xf32, #tpu.memory_space<hbm>>
      %dma_wait3A_24 = arith.constant 0 : i32
      %dma_wait3A_25 = tpu.memref_slice %arg8[%mul3A_14, %dma_wait3A_24] : memref<10240x16xf32, #tpu.memory_space<vmem_shared>> -> memref<640x16xf32, #tpu.memory_space<vmem_shared>>
      tpu.wait_dma2 semaphore(%run_scoped3A_17 : memref<!tpu.dma_semaphore, #tpu.memory_space<semaphore_mem>>) src(%dma_wait3A_25 : memref<640x16xf32, #tpu.memory_space<vmem_shared>>) dst(%dma_wait3A_23 : memref<640x16xf32, #tpu.memory_space<hbm>>)
      tpu.yield
    }) : () -> ()
    return
  }
}

#map = affine_map<(d0, d1) -> (0, 0)>
#map1 = affine_map<(d0, d1) -> (0, 0, 0, 0)>
#map2 = affine_map<(d0, d1) -> (0, 0, 0)>
module attributes {stable_mosaic.version = 14 : i64} {
  func.func @prop(%arg0: i32, %arg1: i32, %arg2: memref<10000x128xf32, #tpu.memory_space<hbm>>, %arg3: memref<2x32x100x100xi32, #tpu.memory_space<hbm>>, %arg4: memref<640x128xf32, #tpu.memory_space<hbm>>, %arg5: memref<2x10240x128xf32, #tpu.memory_space<hbm>>, %arg6: memref<100x100xi32, #tpu.memory_space<vmem>>, %arg7: memref<100x100xi32, #tpu.memory_space<vmem>>, %arg8: memref<2x100x128xf32, #tpu.memory_space<vmem>>, %arg9: memref<10240x128xf32, #tpu.memory_space<vmem_shared>>, %arg10: memref<2x!tpu.dma_semaphore, #tpu.memory_space<semaphore_mem>>, %arg11: memref<2x!tpu.dma_semaphore, #tpu.memory_space<semaphore_mem>>) attributes {dimension_semantics = [#tpu.dimension_semantics<core_parallel>, #tpu.dimension_semantics<subcore_parallel>], iteration_bounds = array<i64: 2, 16>, scalar_prefetch = 0 : i64, scratch_operands = 6 : i64, tpu.core_type = #tpu.core_type<sc_vector_subcore>, window_params = [{transform_indices = #map}, {transform_indices = #map1}, {transform_indices = #map}, {transform_indices = #map2}]} {
    %mul3A = arith.constant 16 : i32
    %mul3A_0 = arith.muli %arg0, %mul3A : i32
    %add3A = arith.addi %mul3A_0, %arg1 : i32
    %run_scoped3A = arith.constant 0 : i32
    "tpu.region"() ({
      %run_scoped3A_71 = tpu.sem_alloc : memref<!tpu.dma_semaphore, #tpu.memory_space<semaphore_mem>>
      %dma_start3A_72 = arith.constant 0 : i32
      %dma_start3A_73 = arith.constant 0 : i32
      %dma_start3A_74 = tpu.memref_slice %arg3[%run_scoped3A, %add3A, %dma_start3A_72, %dma_start3A_73] : memref<2x32x100x100xi32, #tpu.memory_space<hbm>> -> memref<1x1x100x100xi32, #tpu.memory_space<hbm>>
      %dma_start3A_75 = tpu.memref_squeeze %dma_start3A_74 : memref<1x1x100x100xi32, #tpu.memory_space<hbm>> -> memref<100x100xi32, #tpu.memory_space<hbm>>
      %dma_start3A_76 = arith.constant 0 : i32
      %dma_start3A_77 = arith.constant 0 : i32
      %dma_start3A_78 = tpu.memref_slice %arg3[%run_scoped3A, %add3A, %dma_start3A_76, %dma_start3A_77] : memref<2x32x100x100xi32, #tpu.memory_space<hbm>> -> memref<1x1x100x100xi32, #tpu.memory_space<hbm>>
      %dma_start3A_79 = tpu.memref_squeeze %dma_start3A_78 : memref<1x1x100x100xi32, #tpu.memory_space<hbm>> -> memref<100x100xi32, #tpu.memory_space<hbm>>
      tpu.enqueue_dma source(%dma_start3A_79 : memref<100x100xi32, #tpu.memory_space<hbm>>) target(%arg6 : memref<100x100xi32, #tpu.memory_space<vmem>>) target_semaphore(%run_scoped3A_71 : memref<!tpu.dma_semaphore, #tpu.memory_space<semaphore_mem>>)
      %dma_wait3A_80 = arith.constant 0 : i32
      %dma_wait3A_81 = arith.constant 0 : i32
      %dma_wait3A_82 = tpu.memref_slice %arg3[%run_scoped3A, %add3A, %dma_wait3A_80, %dma_wait3A_81] : memref<2x32x100x100xi32, #tpu.memory_space<hbm>> -> memref<1x1x100x100xi32, #tpu.memory_space<hbm>>
      %dma_wait3A_83 = tpu.memref_squeeze %dma_wait3A_82 : memref<1x1x100x100xi32, #tpu.memory_space<hbm>> -> memref<100x100xi32, #tpu.memory_space<hbm>>
      %dma_wait3A_84 = arith.constant 0 : i32
      %dma_wait3A_85 = arith.constant 0 : i32
      %dma_wait3A_86 = tpu.memref_slice %arg3[%run_scoped3A, %add3A, %dma_wait3A_84, %dma_wait3A_85] : memref<2x32x100x100xi32, #tpu.memory_space<hbm>> -> memref<1x1x100x100xi32, #tpu.memory_space<hbm>>
      %dma_wait3A_87 = tpu.memref_squeeze %dma_wait3A_86 : memref<1x1x100x100xi32, #tpu.memory_space<hbm>> -> memref<100x100xi32, #tpu.memory_space<hbm>>
      tpu.wait_dma2 semaphore(%run_scoped3A_71 : memref<!tpu.dma_semaphore, #tpu.memory_space<semaphore_mem>>) src(%dma_wait3A_87 : memref<100x100xi32, #tpu.memory_space<hbm>>) dst(%arg6 : memref<100x100xi32, #tpu.memory_space<vmem>>)
      tpu.yield
    }) : () -> ()
    %run_scoped3A_1 = arith.constant 1 : i32
    "tpu.region"() ({
      %run_scoped3A_71 = tpu.sem_alloc : memref<!tpu.dma_semaphore, #tpu.memory_space<semaphore_mem>>
      %dma_start3A_72 = arith.constant 0 : i32
      %dma_start3A_73 = arith.constant 0 : i32
      %dma_start3A_74 = tpu.memref_slice %arg3[%run_scoped3A_1, %add3A, %dma_start3A_72, %dma_start3A_73] : memref<2x32x100x100xi32, #tpu.memory_space<hbm>> -> memref<1x1x100x100xi32, #tpu.memory_space<hbm>>
      %dma_start3A_75 = tpu.memref_squeeze %dma_start3A_74 : memref<1x1x100x100xi32, #tpu.memory_space<hbm>> -> memref<100x100xi32, #tpu.memory_space<hbm>>
      %dma_start3A_76 = arith.constant 0 : i32
      %dma_start3A_77 = arith.constant 0 : i32
      %dma_start3A_78 = tpu.memref_slice %arg3[%run_scoped3A_1, %add3A, %dma_start3A_76, %dma_start3A_77] : memref<2x32x100x100xi32, #tpu.memory_space<hbm>> -> memref<1x1x100x100xi32, #tpu.memory_space<hbm>>
      %dma_start3A_79 = tpu.memref_squeeze %dma_start3A_78 : memref<1x1x100x100xi32, #tpu.memory_space<hbm>> -> memref<100x100xi32, #tpu.memory_space<hbm>>
      tpu.enqueue_dma source(%dma_start3A_79 : memref<100x100xi32, #tpu.memory_space<hbm>>) target(%arg7 : memref<100x100xi32, #tpu.memory_space<vmem>>) target_semaphore(%run_scoped3A_71 : memref<!tpu.dma_semaphore, #tpu.memory_space<semaphore_mem>>)
      %dma_wait3A_80 = arith.constant 0 : i32
      %dma_wait3A_81 = arith.constant 0 : i32
      %dma_wait3A_82 = tpu.memref_slice %arg3[%run_scoped3A_1, %add3A, %dma_wait3A_80, %dma_wait3A_81] : memref<2x32x100x100xi32, #tpu.memory_space<hbm>> -> memref<1x1x100x100xi32, #tpu.memory_space<hbm>>
      %dma_wait3A_83 = tpu.memref_squeeze %dma_wait3A_82 : memref<1x1x100x100xi32, #tpu.memory_space<hbm>> -> memref<100x100xi32, #tpu.memory_space<hbm>>
      %dma_wait3A_84 = arith.constant 0 : i32
      %dma_wait3A_85 = arith.constant 0 : i32
      %dma_wait3A_86 = tpu.memref_slice %arg3[%run_scoped3A_1, %add3A, %dma_wait3A_84, %dma_wait3A_85] : memref<2x32x100x100xi32, #tpu.memory_space<hbm>> -> memref<1x1x100x100xi32, #tpu.memory_space<hbm>>
      %dma_wait3A_87 = tpu.memref_squeeze %dma_wait3A_86 : memref<1x1x100x100xi32, #tpu.memory_space<hbm>> -> memref<100x100xi32, #tpu.memory_space<hbm>>
      tpu.wait_dma2 semaphore(%run_scoped3A_71 : memref<!tpu.dma_semaphore, #tpu.memory_space<semaphore_mem>>) src(%dma_wait3A_87 : memref<100x100xi32, #tpu.memory_space<hbm>>) dst(%arg7 : memref<100x100xi32, #tpu.memory_space<vmem>>)
      tpu.yield
    }) : () -> ()
    %dma_start3A = arith.constant 0 : i32
    %dma_start3A_2 = arith.constant 0 : i32
    %dma_start3A_3 = arith.constant 0 : i32
    %dma_start3A_4 = arith.constant 0 : i32
    %dma_start3A_5 = arith.constant 0 : i32
    %dma_start3A_6 = tpu.memref_slice %arg8[%dma_start3A_2, %dma_start3A_4, %dma_start3A_5] : memref<2x100x128xf32, #tpu.memory_space<vmem>> -> memref<1x100x128xf32, #tpu.memory_space<vmem>>
    %dma_start3A_7 = tpu.memref_squeeze %dma_start3A_6 : memref<1x100x128xf32, #tpu.memory_space<vmem>> -> memref<100x128xf32, #tpu.memory_space<vmem>>
    %dma_start3A_8 = arith.constant 0 : i32
    %dma_start3A_9 = tpu.memref_slice %arg6[%dma_start3A, %dma_start3A_8] : memref<100x100xi32, #tpu.memory_space<vmem>> -> memref<1x100xi32, #tpu.memory_space<vmem>>
    %dma_start3A_10 = tpu.memref_squeeze %dma_start3A_9 : memref<1x100xi32, #tpu.memory_space<vmem>> -> memref<100xi32, #tpu.memory_space<vmem>>
    %dma_start3A_11 = arith.constant 0 : i32
    %dma_start3A_12 = arith.constant 0 : i32
    %dma_start3A_13 = tpu.memref_slice %arg2[%dma_start3A_11, %dma_start3A_12] : memref<10000x128xf32, #tpu.memory_space<hbm>> -> memref<10000x128xf32, #tpu.memory_space<hbm>>
    %dma_start3A_14 = tpu.memref_slice %arg10[%dma_start3A_3] : memref<2x!tpu.dma_semaphore, #tpu.memory_space<semaphore_mem>> -> memref<1x!tpu.dma_semaphore, #tpu.memory_space<semaphore_mem>>
    %dma_start3A_15 = tpu.memref_squeeze %dma_start3A_14 : memref<1x!tpu.dma_semaphore, #tpu.memory_space<semaphore_mem>> -> memref<!tpu.dma_semaphore, #tpu.memory_space<semaphore_mem>>
    tpu.enqueue_indirect_dma source(%dma_start3A_13 : memref<10000x128xf32, #tpu.memory_space<hbm>>) target(%dma_start3A_7 : memref<100x128xf32, #tpu.memory_space<vmem>>) offsets(%dma_start3A_10 : memref<100xi32, #tpu.memory_space<vmem>>) semaphore(%dma_start3A_15 : memref<!tpu.dma_semaphore, #tpu.memory_space<semaphore_mem>>)
    %dma_start3A_16 = arith.constant 1 : i32
    %dma_start3A_17 = arith.constant 1 : i32
    %dma_start3A_18 = arith.constant 1 : i32
    %dma_start3A_19 = arith.constant 0 : i32
    %dma_start3A_20 = arith.constant 0 : i32
    %dma_start3A_21 = tpu.memref_slice %arg8[%dma_start3A_17, %dma_start3A_19, %dma_start3A_20] : memref<2x100x128xf32, #tpu.memory_space<vmem>> -> memref<1x100x128xf32, #tpu.memory_space<vmem>>
    %dma_start3A_22 = tpu.memref_squeeze %dma_start3A_21 : memref<1x100x128xf32, #tpu.memory_space<vmem>> -> memref<100x128xf32, #tpu.memory_space<vmem>>
    %dma_start3A_23 = arith.constant 0 : i32
    %dma_start3A_24 = tpu.memref_slice %arg6[%dma_start3A_16, %dma_start3A_23] : memref<100x100xi32, #tpu.memory_space<vmem>> -> memref<1x100xi32, #tpu.memory_space<vmem>>
    %dma_start3A_25 = tpu.memref_squeeze %dma_start3A_24 : memref<1x100xi32, #tpu.memory_space<vmem>> -> memref<100xi32, #tpu.memory_space<vmem>>
    %dma_start3A_26 = arith.constant 0 : i32
    %dma_start3A_27 = arith.constant 0 : i32
    %dma_start3A_28 = tpu.memref_slice %arg2[%dma_start3A_26, %dma_start3A_27] : memref<10000x128xf32, #tpu.memory_space<hbm>> -> memref<10000x128xf32, #tpu.memory_space<hbm>>
    %dma_start3A_29 = tpu.memref_slice %arg10[%dma_start3A_18] : memref<2x!tpu.dma_semaphore, #tpu.memory_space<semaphore_mem>> -> memref<1x!tpu.dma_semaphore, #tpu.memory_space<semaphore_mem>>
    %dma_start3A_30 = tpu.memref_squeeze %dma_start3A_29 : memref<1x!tpu.dma_semaphore, #tpu.memory_space<semaphore_mem>> -> memref<!tpu.dma_semaphore, #tpu.memory_space<semaphore_mem>>
    tpu.enqueue_indirect_dma source(%dma_start3A_28 : memref<10000x128xf32, #tpu.memory_space<hbm>>) target(%dma_start3A_22 : memref<100x128xf32, #tpu.memory_space<vmem>>) offsets(%dma_start3A_25 : memref<100xi32, #tpu.memory_space<vmem>>) semaphore(%dma_start3A_30 : memref<!tpu.dma_semaphore, #tpu.memory_space<semaphore_mem>>)
    %mul3A_31 = arith.constant 640 : i32
    %mul3A_32 = arith.muli %arg1, %mul3A_31 : i32
    "tpu.region"() ({
      %run_scoped3A_71 = tpu.sem_alloc : memref<!tpu.dma_semaphore, #tpu.memory_space<semaphore_mem>>
      %dma_start3A_72 = arith.constant 0 : i32
      %dma_start3A_73 = tpu.memref_slice %arg9[%mul3A_32, %dma_start3A_72] : memref<10240x128xf32, #tpu.memory_space<vmem_shared>> -> memref<640x128xf32, #tpu.memory_space<vmem_shared>>
      tpu.enqueue_dma source(%arg4 : memref<640x128xf32, #tpu.memory_space<hbm>>) target(%dma_start3A_73 : memref<640x128xf32, #tpu.memory_space<vmem_shared>>) target_semaphore(%run_scoped3A_71 : memref<!tpu.dma_semaphore, #tpu.memory_space<semaphore_mem>>)
      %dma_wait3A_74 = arith.constant 0 : i32
      %dma_wait3A_75 = tpu.memref_slice %arg9[%mul3A_32, %dma_wait3A_74] : memref<10240x128xf32, #tpu.memory_space<vmem_shared>> -> memref<640x128xf32, #tpu.memory_space<vmem_shared>>
      tpu.wait_dma2 semaphore(%run_scoped3A_71 : memref<!tpu.dma_semaphore, #tpu.memory_space<semaphore_mem>>) src(%arg4 : memref<640x128xf32, #tpu.memory_space<hbm>>) dst(%dma_wait3A_75 : memref<640x128xf32, #tpu.memory_space<vmem_shared>>)
      tpu.yield
    }) : () -> ()
    %barrier3A = arith.constant 0 : index
    tpu.barrier barrier_id(%barrier3A)
    %scan3A = arith.constant 0 : i32
    %scan3A_33 = arith.constant 50 : i32
    %scan3A_34 = arith.addi %scan3A, %scan3A_33 : i32
    %scan3A_35 = arith.constant 1 : i32
    scf.for %scan3A_71 = %scan3A to %scan3A_34 step %scan3A_35  : i32 {
      %mul3A_72 = arith.constant 1 : i32
      %mul3A_73 = arith.muli %scan3A_71, %mul3A_72 : i32
      %add3A_74 = arith.constant 0 : i32
      %add3A_75 = arith.addi %add3A_74, %mul3A_73 : i32
      %mul3A_76 = arith.constant 2 : i32
      %mul3A_77 = arith.muli %mul3A_76, %add3A_75 : i32
      %add3A_78 = arith.constant 0 : i32
      %add3A_79 = arith.addi %mul3A_77, %add3A_78 : i32
      %dma_wait3A_80 = arith.constant 0 : i32
      %dma_wait3A_81 = arith.constant 0 : i32
      %dma_wait3A_82 = arith.constant 0 : i32
      %dma_wait3A_83 = arith.constant 0 : i32
      %dma_wait3A_84 = tpu.memref_slice %arg8[%dma_wait3A_80, %dma_wait3A_82, %dma_wait3A_83] : memref<2x100x128xf32, #tpu.memory_space<vmem>> -> memref<1x100x128xf32, #tpu.memory_space<vmem>>
      %dma_wait3A_85 = tpu.memref_squeeze %dma_wait3A_84 : memref<1x100x128xf32, #tpu.memory_space<vmem>> -> memref<100x128xf32, #tpu.memory_space<vmem>>
      %dma_wait3A_86 = arith.constant 0 : i32
      %dma_wait3A_87 = tpu.memref_slice %arg6[%add3A_79, %dma_wait3A_86] : memref<100x100xi32, #tpu.memory_space<vmem>> -> memref<1x100xi32, #tpu.memory_space<vmem>>
      %dma_wait3A_88 = tpu.memref_squeeze %dma_wait3A_87 : memref<1x100xi32, #tpu.memory_space<vmem>> -> memref<100xi32, #tpu.memory_space<vmem>>
      %dma_wait3A_89 = arith.constant 0 : i32
      %dma_wait3A_90 = arith.constant 0 : i32
      %dma_wait3A_91 = tpu.memref_slice %arg2[%dma_wait3A_89, %dma_wait3A_90] : memref<10000x128xf32, #tpu.memory_space<hbm>> -> memref<10000x128xf32, #tpu.memory_space<hbm>>
      %dma_wait3A_92 = tpu.memref_slice %arg10[%dma_wait3A_81] : memref<2x!tpu.dma_semaphore, #tpu.memory_space<semaphore_mem>> -> memref<1x!tpu.dma_semaphore, #tpu.memory_space<semaphore_mem>>
      %dma_wait3A_93 = tpu.memref_squeeze %dma_wait3A_92 : memref<1x!tpu.dma_semaphore, #tpu.memory_space<semaphore_mem>> -> memref<!tpu.dma_semaphore, #tpu.memory_space<semaphore_mem>>
      tpu.wait_indirect_dma semaphore(%dma_wait3A_93 : memref<!tpu.dma_semaphore, #tpu.memory_space<semaphore_mem>>) src(%dma_wait3A_91 : memref<10000x128xf32, #tpu.memory_space<hbm>>) dst(%dma_wait3A_85 : memref<100x128xf32, #tpu.memory_space<vmem>>)
      %dma_start3A_94 = arith.constant 0 : i32
      %dma_start3A_95 = arith.constant 0 : i32
      %dma_start3A_96 = arith.constant 0 : i32
      %dma_start3A_97 = arith.constant 0 : i32
      %dma_start3A_98 = tpu.memref_slice %arg8[%dma_start3A_94, %dma_start3A_96, %dma_start3A_97] : memref<2x100x128xf32, #tpu.memory_space<vmem>> -> memref<1x100x128xf32, #tpu.memory_space<vmem>>
      %dma_start3A_99 = tpu.memref_squeeze %dma_start3A_98 : memref<1x100x128xf32, #tpu.memory_space<vmem>> -> memref<100x128xf32, #tpu.memory_space<vmem>>
      %dma_start3A_100 = arith.constant 0 : i32
      %dma_start3A_101 = tpu.memref_slice %arg7[%add3A_79, %dma_start3A_100] : memref<100x100xi32, #tpu.memory_space<vmem>> -> memref<1x100xi32, #tpu.memory_space<vmem>>
      %dma_start3A_102 = tpu.memref_squeeze %dma_start3A_101 : memref<1x100xi32, #tpu.memory_space<vmem>> -> memref<100xi32, #tpu.memory_space<vmem>>
      %dma_start3A_103 = arith.constant 0 : i32
      %dma_start3A_104 = arith.constant 0 : i32
      %dma_start3A_105 = tpu.memref_slice %arg9[%dma_start3A_103, %dma_start3A_104] : memref<10240x128xf32, #tpu.memory_space<vmem_shared>> -> memref<10240x128xf32, #tpu.memory_space<vmem_shared>>
      %dma_start3A_106 = tpu.memref_slice %arg11[%dma_start3A_95] : memref<2x!tpu.dma_semaphore, #tpu.memory_space<semaphore_mem>> -> memref<1x!tpu.dma_semaphore, #tpu.memory_space<semaphore_mem>>
      %dma_start3A_107 = tpu.memref_squeeze %dma_start3A_106 : memref<1x!tpu.dma_semaphore, #tpu.memory_space<semaphore_mem>> -> memref<!tpu.dma_semaphore, #tpu.memory_space<semaphore_mem>>
      tpu.enqueue_indirect_dma source(%dma_start3A_99 : memref<100x128xf32, #tpu.memory_space<vmem>>) target(%dma_start3A_105 : memref<10240x128xf32, #tpu.memory_space<vmem_shared>>) offsets(%dma_start3A_102 : memref<100xi32, #tpu.memory_space<vmem>>) semaphore(%dma_start3A_107 : memref<!tpu.dma_semaphore, #tpu.memory_space<semaphore_mem>>) {add = true}
      %add3A_108 = arith.constant 2 : i32
      %add3A_109 = arith.addi %add3A_79, %add3A_108 : i32
      %lt3A = arith.constant 100 : i32
      %lt3A_110 = arith.cmpi slt, %add3A_109, %lt3A : i32
      %convert_element_type3A = arith.extui %lt3A_110 : i1 to i32
      %cond3A = arith.constant 0 : i32
      %cond3A_111 = arith.cmpi ne, %convert_element_type3A, %cond3A : i32
      scf.if %cond3A_111 {
        %ge3A = arith.constant 0 : i32
        %ge3A_151 = arith.cmpi sge, %add3A_79, %ge3A : i32
        %convert_element_type3A_152 = arith.extui %ge3A_151 : i1 to i32
        %cond3A_153 = arith.constant 0 : i32
        %cond3A_154 = arith.cmpi ne, %convert_element_type3A_152, %cond3A_153 : i32
        scf.if %cond3A_154 {
          %dma_wait3A_171 = arith.constant 0 : i32
          %dma_wait3A_172 = arith.constant 0 : i32
          %dma_wait3A_173 = arith.constant 0 : i32
          %dma_wait3A_174 = arith.constant 0 : i32
          %dma_wait3A_175 = tpu.memref_slice %arg8[%dma_wait3A_171, %dma_wait3A_173, %dma_wait3A_174] : memref<2x100x128xf32, #tpu.memory_space<vmem>> -> memref<1x100x128xf32, #tpu.memory_space<vmem>>
          %dma_wait3A_176 = tpu.memref_squeeze %dma_wait3A_175 : memref<1x100x128xf32, #tpu.memory_space<vmem>> -> memref<100x128xf32, #tpu.memory_space<vmem>>
          %dma_wait3A_177 = arith.constant 0 : i32
          %dma_wait3A_178 = tpu.memref_slice %arg7[%add3A_79, %dma_wait3A_177] : memref<100x100xi32, #tpu.memory_space<vmem>> -> memref<1x100xi32, #tpu.memory_space<vmem>>
          %dma_wait3A_179 = tpu.memref_squeeze %dma_wait3A_178 : memref<1x100xi32, #tpu.memory_space<vmem>> -> memref<100xi32, #tpu.memory_space<vmem>>
          %dma_wait3A_180 = arith.constant 0 : i32
          %dma_wait3A_181 = arith.constant 0 : i32
          %dma_wait3A_182 = tpu.memref_slice %arg9[%dma_wait3A_180, %dma_wait3A_181] : memref<10240x128xf32, #tpu.memory_space<vmem_shared>> -> memref<10240x128xf32, #tpu.memory_space<vmem_shared>>
          %dma_wait3A_183 = tpu.memref_slice %arg11[%dma_wait3A_172] : memref<2x!tpu.dma_semaphore, #tpu.memory_space<semaphore_mem>> -> memref<1x!tpu.dma_semaphore, #tpu.memory_space<semaphore_mem>>
          %dma_wait3A_184 = tpu.memref_squeeze %dma_wait3A_183 : memref<1x!tpu.dma_semaphore, #tpu.memory_space<semaphore_mem>> -> memref<!tpu.dma_semaphore, #tpu.memory_space<semaphore_mem>>
          tpu.wait_indirect_dma semaphore(%dma_wait3A_184 : memref<!tpu.dma_semaphore, #tpu.memory_space<semaphore_mem>>) src(%dma_wait3A_176 : memref<100x128xf32, #tpu.memory_space<vmem>>) dst(%dma_wait3A_182 : memref<10240x128xf32, #tpu.memory_space<vmem_shared>>)
        } else {
        }
        %add3A_155 = arith.constant 2 : i32
        %add3A_156 = arith.addi %add3A_79, %add3A_155 : i32
        %dma_start3A_157 = arith.constant 0 : i32
        %dma_start3A_158 = arith.constant 0 : i32
        %dma_start3A_159 = arith.constant 0 : i32
        %dma_start3A_160 = arith.constant 0 : i32
        %dma_start3A_161 = tpu.memref_slice %arg8[%dma_start3A_157, %dma_start3A_159, %dma_start3A_160] : memref<2x100x128xf32, #tpu.memory_space<vmem>> -> memref<1x100x128xf32, #tpu.memory_space<vmem>>
        %dma_start3A_162 = tpu.memref_squeeze %dma_start3A_161 : memref<1x100x128xf32, #tpu.memory_space<vmem>> -> memref<100x128xf32, #tpu.memory_space<vmem>>
        %dma_start3A_163 = arith.constant 0 : i32
        %dma_start3A_164 = tpu.memref_slice %arg6[%add3A_156, %dma_start3A_163] : memref<100x100xi32, #tpu.memory_space<vmem>> -> memref<1x100xi32, #tpu.memory_space<vmem>>
        %dma_start3A_165 = tpu.memref_squeeze %dma_start3A_164 : memref<1x100xi32, #tpu.memory_space<vmem>> -> memref<100xi32, #tpu.memory_space<vmem>>
        %dma_start3A_166 = arith.constant 0 : i32
        %dma_start3A_167 = arith.constant 0 : i32
        %dma_start3A_168 = tpu.memref_slice %arg2[%dma_start3A_166, %dma_start3A_167] : memref<10000x128xf32, #tpu.memory_space<hbm>> -> memref<10000x128xf32, #tpu.memory_space<hbm>>
        %dma_start3A_169 = tpu.memref_slice %arg10[%dma_start3A_158] : memref<2x!tpu.dma_semaphore, #tpu.memory_space<semaphore_mem>> -> memref<1x!tpu.dma_semaphore, #tpu.memory_space<semaphore_mem>>
        %dma_start3A_170 = tpu.memref_squeeze %dma_start3A_169 : memref<1x!tpu.dma_semaphore, #tpu.memory_space<semaphore_mem>> -> memref<!tpu.dma_semaphore, #tpu.memory_space<semaphore_mem>>
        tpu.enqueue_indirect_dma source(%dma_start3A_168 : memref<10000x128xf32, #tpu.memory_space<hbm>>) target(%dma_start3A_162 : memref<100x128xf32, #tpu.memory_space<vmem>>) offsets(%dma_start3A_165 : memref<100xi32, #tpu.memory_space<vmem>>) semaphore(%dma_start3A_170 : memref<!tpu.dma_semaphore, #tpu.memory_space<semaphore_mem>>)
      } else {
      }
      %mul3A_112 = arith.constant 2 : i32
      %mul3A_113 = arith.muli %mul3A_112, %add3A_75 : i32
      %add3A_114 = arith.constant 1 : i32
      %add3A_115 = arith.addi %mul3A_113, %add3A_114 : i32
      %dma_wait3A_116 = arith.constant 1 : i32
      %dma_wait3A_117 = arith.constant 1 : i32
      %dma_wait3A_118 = arith.constant 0 : i32
      %dma_wait3A_119 = arith.constant 0 : i32
      %dma_wait3A_120 = tpu.memref_slice %arg8[%dma_wait3A_116, %dma_wait3A_118, %dma_wait3A_119] : memref<2x100x128xf32, #tpu.memory_space<vmem>> -> memref<1x100x128xf32, #tpu.memory_space<vmem>>
      %dma_wait3A_121 = tpu.memref_squeeze %dma_wait3A_120 : memref<1x100x128xf32, #tpu.memory_space<vmem>> -> memref<100x128xf32, #tpu.memory_space<vmem>>
      %dma_wait3A_122 = arith.constant 0 : i32
      %dma_wait3A_123 = tpu.memref_slice %arg6[%add3A_115, %dma_wait3A_122] : memref<100x100xi32, #tpu.memory_space<vmem>> -> memref<1x100xi32, #tpu.memory_space<vmem>>
      %dma_wait3A_124 = tpu.memref_squeeze %dma_wait3A_123 : memref<1x100xi32, #tpu.memory_space<vmem>> -> memref<100xi32, #tpu.memory_space<vmem>>
      %dma_wait3A_125 = arith.constant 0 : i32
      %dma_wait3A_126 = arith.constant 0 : i32
      %dma_wait3A_127 = tpu.memref_slice %arg2[%dma_wait3A_125, %dma_wait3A_126] : memref<10000x128xf32, #tpu.memory_space<hbm>> -> memref<10000x128xf32, #tpu.memory_space<hbm>>
      %dma_wait3A_128 = tpu.memref_slice %arg10[%dma_wait3A_117] : memref<2x!tpu.dma_semaphore, #tpu.memory_space<semaphore_mem>> -> memref<1x!tpu.dma_semaphore, #tpu.memory_space<semaphore_mem>>
      %dma_wait3A_129 = tpu.memref_squeeze %dma_wait3A_128 : memref<1x!tpu.dma_semaphore, #tpu.memory_space<semaphore_mem>> -> memref<!tpu.dma_semaphore, #tpu.memory_space<semaphore_mem>>
      tpu.wait_indirect_dma semaphore(%dma_wait3A_129 : memref<!tpu.dma_semaphore, #tpu.memory_space<semaphore_mem>>) src(%dma_wait3A_127 : memref<10000x128xf32, #tpu.memory_space<hbm>>) dst(%dma_wait3A_121 : memref<100x128xf32, #tpu.memory_space<vmem>>)
      %dma_start3A_130 = arith.constant 1 : i32
      %dma_start3A_131 = arith.constant 1 : i32
      %dma_start3A_132 = arith.constant 0 : i32
      %dma_start3A_133 = arith.constant 0 : i32
      %dma_start3A_134 = tpu.memref_slice %arg8[%dma_start3A_130, %dma_start3A_132, %dma_start3A_133] : memref<2x100x128xf32, #tpu.memory_space<vmem>> -> memref<1x100x128xf32, #tpu.memory_space<vmem>>
      %dma_start3A_135 = tpu.memref_squeeze %dma_start3A_134 : memref<1x100x128xf32, #tpu.memory_space<vmem>> -> memref<100x128xf32, #tpu.memory_space<vmem>>
      %dma_start3A_136 = arith.constant 0 : i32
      %dma_start3A_137 = tpu.memref_slice %arg7[%add3A_115, %dma_start3A_136] : memref<100x100xi32, #tpu.memory_space<vmem>> -> memref<1x100xi32, #tpu.memory_space<vmem>>
      %dma_start3A_138 = tpu.memref_squeeze %dma_start3A_137 : memref<1x100xi32, #tpu.memory_space<vmem>> -> memref<100xi32, #tpu.memory_space<vmem>>
      %dma_start3A_139 = arith.constant 0 : i32
      %dma_start3A_140 = arith.constant 0 : i32
      %dma_start3A_141 = tpu.memref_slice %arg9[%dma_start3A_139, %dma_start3A_140] : memref<10240x128xf32, #tpu.memory_space<vmem_shared>> -> memref<10240x128xf32, #tpu.memory_space<vmem_shared>>
      %dma_start3A_142 = tpu.memref_slice %arg11[%dma_start3A_131] : memref<2x!tpu.dma_semaphore, #tpu.memory_space<semaphore_mem>> -> memref<1x!tpu.dma_semaphore, #tpu.memory_space<semaphore_mem>>
      %dma_start3A_143 = tpu.memref_squeeze %dma_start3A_142 : memref<1x!tpu.dma_semaphore, #tpu.memory_space<semaphore_mem>> -> memref<!tpu.dma_semaphore, #tpu.memory_space<semaphore_mem>>
      tpu.enqueue_indirect_dma source(%dma_start3A_135 : memref<100x128xf32, #tpu.memory_space<vmem>>) target(%dma_start3A_141 : memref<10240x128xf32, #tpu.memory_space<vmem_shared>>) offsets(%dma_start3A_138 : memref<100xi32, #tpu.memory_space<vmem>>) semaphore(%dma_start3A_143 : memref<!tpu.dma_semaphore, #tpu.memory_space<semaphore_mem>>) {add = true}
      %add3A_144 = arith.constant 2 : i32
      %add3A_145 = arith.addi %add3A_115, %add3A_144 : i32
      %lt3A_146 = arith.constant 100 : i32
      %lt3A_147 = arith.cmpi slt, %add3A_145, %lt3A_146 : i32
      %convert_element_type3A_148 = arith.extui %lt3A_147 : i1 to i32
      %cond3A_149 = arith.constant 0 : i32
      %cond3A_150 = arith.cmpi ne, %convert_element_type3A_148, %cond3A_149 : i32
      scf.if %cond3A_150 {
        %ge3A = arith.constant 0 : i32
        %ge3A_151 = arith.cmpi sge, %add3A_115, %ge3A : i32
        %convert_element_type3A_152 = arith.extui %ge3A_151 : i1 to i32
        %cond3A_153 = arith.constant 0 : i32
        %cond3A_154 = arith.cmpi ne, %convert_element_type3A_152, %cond3A_153 : i32
        scf.if %cond3A_154 {
          %dma_wait3A_171 = arith.constant 1 : i32
          %dma_wait3A_172 = arith.constant 1 : i32
          %dma_wait3A_173 = arith.constant 0 : i32
          %dma_wait3A_174 = arith.constant 0 : i32
          %dma_wait3A_175 = tpu.memref_slice %arg8[%dma_wait3A_171, %dma_wait3A_173, %dma_wait3A_174] : memref<2x100x128xf32, #tpu.memory_space<vmem>> -> memref<1x100x128xf32, #tpu.memory_space<vmem>>
          %dma_wait3A_176 = tpu.memref_squeeze %dma_wait3A_175 : memref<1x100x128xf32, #tpu.memory_space<vmem>> -> memref<100x128xf32, #tpu.memory_space<vmem>>
          %dma_wait3A_177 = arith.constant 0 : i32
          %dma_wait3A_178 = tpu.memref_slice %arg7[%add3A_115, %dma_wait3A_177] : memref<100x100xi32, #tpu.memory_space<vmem>> -> memref<1x100xi32, #tpu.memory_space<vmem>>
          %dma_wait3A_179 = tpu.memref_squeeze %dma_wait3A_178 : memref<1x100xi32, #tpu.memory_space<vmem>> -> memref<100xi32, #tpu.memory_space<vmem>>
          %dma_wait3A_180 = arith.constant 0 : i32
          %dma_wait3A_181 = arith.constant 0 : i32
          %dma_wait3A_182 = tpu.memref_slice %arg9[%dma_wait3A_180, %dma_wait3A_181] : memref<10240x128xf32, #tpu.memory_space<vmem_shared>> -> memref<10240x128xf32, #tpu.memory_space<vmem_shared>>
          %dma_wait3A_183 = tpu.memref_slice %arg11[%dma_wait3A_172] : memref<2x!tpu.dma_semaphore, #tpu.memory_space<semaphore_mem>> -> memref<1x!tpu.dma_semaphore, #tpu.memory_space<semaphore_mem>>
          %dma_wait3A_184 = tpu.memref_squeeze %dma_wait3A_183 : memref<1x!tpu.dma_semaphore, #tpu.memory_space<semaphore_mem>> -> memref<!tpu.dma_semaphore, #tpu.memory_space<semaphore_mem>>
          tpu.wait_indirect_dma semaphore(%dma_wait3A_184 : memref<!tpu.dma_semaphore, #tpu.memory_space<semaphore_mem>>) src(%dma_wait3A_176 : memref<100x128xf32, #tpu.memory_space<vmem>>) dst(%dma_wait3A_182 : memref<10240x128xf32, #tpu.memory_space<vmem_shared>>)
        } else {
        }
        %add3A_155 = arith.constant 2 : i32
        %add3A_156 = arith.addi %add3A_115, %add3A_155 : i32
        %dma_start3A_157 = arith.constant 1 : i32
        %dma_start3A_158 = arith.constant 1 : i32
        %dma_start3A_159 = arith.constant 0 : i32
        %dma_start3A_160 = arith.constant 0 : i32
        %dma_start3A_161 = tpu.memref_slice %arg8[%dma_start3A_157, %dma_start3A_159, %dma_start3A_160] : memref<2x100x128xf32, #tpu.memory_space<vmem>> -> memref<1x100x128xf32, #tpu.memory_space<vmem>>
        %dma_start3A_162 = tpu.memref_squeeze %dma_start3A_161 : memref<1x100x128xf32, #tpu.memory_space<vmem>> -> memref<100x128xf32, #tpu.memory_space<vmem>>
        %dma_start3A_163 = arith.constant 0 : i32
        %dma_start3A_164 = tpu.memref_slice %arg6[%add3A_156, %dma_start3A_163] : memref<100x100xi32, #tpu.memory_space<vmem>> -> memref<1x100xi32, #tpu.memory_space<vmem>>
        %dma_start3A_165 = tpu.memref_squeeze %dma_start3A_164 : memref<1x100xi32, #tpu.memory_space<vmem>> -> memref<100xi32, #tpu.memory_space<vmem>>
        %dma_start3A_166 = arith.constant 0 : i32
        %dma_start3A_167 = arith.constant 0 : i32
        %dma_start3A_168 = tpu.memref_slice %arg2[%dma_start3A_166, %dma_start3A_167] : memref<10000x128xf32, #tpu.memory_space<hbm>> -> memref<10000x128xf32, #tpu.memory_space<hbm>>
        %dma_start3A_169 = tpu.memref_slice %arg10[%dma_start3A_158] : memref<2x!tpu.dma_semaphore, #tpu.memory_space<semaphore_mem>> -> memref<1x!tpu.dma_semaphore, #tpu.memory_space<semaphore_mem>>
        %dma_start3A_170 = tpu.memref_squeeze %dma_start3A_169 : memref<1x!tpu.dma_semaphore, #tpu.memory_space<semaphore_mem>> -> memref<!tpu.dma_semaphore, #tpu.memory_space<semaphore_mem>>
        tpu.enqueue_indirect_dma source(%dma_start3A_168 : memref<10000x128xf32, #tpu.memory_space<hbm>>) target(%dma_start3A_162 : memref<100x128xf32, #tpu.memory_space<vmem>>) offsets(%dma_start3A_165 : memref<100xi32, #tpu.memory_space<vmem>>) semaphore(%dma_start3A_170 : memref<!tpu.dma_semaphore, #tpu.memory_space<semaphore_mem>>)
      } else {
      }
    }
    %scan3A_36 = arith.constant 50 : i32
    %dma_wait3A = arith.constant 0 : i32
    %dma_wait3A_37 = arith.constant 0 : i32
    %dma_wait3A_38 = arith.constant 0 : i32
    %dma_wait3A_39 = arith.constant 0 : i32
    %dma_wait3A_40 = arith.constant 0 : i32
    %dma_wait3A_41 = tpu.memref_slice %arg8[%dma_wait3A, %dma_wait3A_39, %dma_wait3A_40] : memref<2x100x128xf32, #tpu.memory_space<vmem>> -> memref<1x100x128xf32, #tpu.memory_space<vmem>>
    %dma_wait3A_42 = tpu.memref_squeeze %dma_wait3A_41 : memref<1x100x128xf32, #tpu.memory_space<vmem>> -> memref<100x128xf32, #tpu.memory_space<vmem>>
    %dma_wait3A_43 = arith.constant 0 : i32
    %dma_wait3A_44 = tpu.memref_slice %arg7[%dma_wait3A_37, %dma_wait3A_43] : memref<100x100xi32, #tpu.memory_space<vmem>> -> memref<1x100xi32, #tpu.memory_space<vmem>>
    %dma_wait3A_45 = tpu.memref_squeeze %dma_wait3A_44 : memref<1x100xi32, #tpu.memory_space<vmem>> -> memref<100xi32, #tpu.memory_space<vmem>>
    %dma_wait3A_46 = arith.constant 0 : i32
    %dma_wait3A_47 = arith.constant 0 : i32
    %dma_wait3A_48 = tpu.memref_slice %arg9[%dma_wait3A_46, %dma_wait3A_47] : memref<10240x128xf32, #tpu.memory_space<vmem_shared>> -> memref<10240x128xf32, #tpu.memory_space<vmem_shared>>
    %dma_wait3A_49 = tpu.memref_slice %arg11[%dma_wait3A_38] : memref<2x!tpu.dma_semaphore, #tpu.memory_space<semaphore_mem>> -> memref<1x!tpu.dma_semaphore, #tpu.memory_space<semaphore_mem>>
    %dma_wait3A_50 = tpu.memref_squeeze %dma_wait3A_49 : memref<1x!tpu.dma_semaphore, #tpu.memory_space<semaphore_mem>> -> memref<!tpu.dma_semaphore, #tpu.memory_space<semaphore_mem>>
    tpu.wait_indirect_dma semaphore(%dma_wait3A_50 : memref<!tpu.dma_semaphore, #tpu.memory_space<semaphore_mem>>) src(%dma_wait3A_42 : memref<100x128xf32, #tpu.memory_space<vmem>>) dst(%dma_wait3A_48 : memref<10240x128xf32, #tpu.memory_space<vmem_shared>>)
    %dma_wait3A_51 = arith.constant 1 : i32
    %dma_wait3A_52 = arith.constant 0 : i32
    %dma_wait3A_53 = arith.constant 1 : i32
    %dma_wait3A_54 = arith.constant 0 : i32
    %dma_wait3A_55 = arith.constant 0 : i32
    %dma_wait3A_56 = tpu.memref_slice %arg8[%dma_wait3A_51, %dma_wait3A_54, %dma_wait3A_55] : memref<2x100x128xf32, #tpu.memory_space<vmem>> -> memref<1x100x128xf32, #tpu.memory_space<vmem>>
    %dma_wait3A_57 = tpu.memref_squeeze %dma_wait3A_56 : memref<1x100x128xf32, #tpu.memory_space<vmem>> -> memref<100x128xf32, #tpu.memory_space<vmem>>
    %dma_wait3A_58 = arith.constant 0 : i32
    %dma_wait3A_59 = tpu.memref_slice %arg7[%dma_wait3A_52, %dma_wait3A_58] : memref<100x100xi32, #tpu.memory_space<vmem>> -> memref<1x100xi32, #tpu.memory_space<vmem>>
    %dma_wait3A_60 = tpu.memref_squeeze %dma_wait3A_59 : memref<1x100xi32, #tpu.memory_space<vmem>> -> memref<100xi32, #tpu.memory_space<vmem>>
    %dma_wait3A_61 = arith.constant 0 : i32
    %dma_wait3A_62 = arith.constant 0 : i32
    %dma_wait3A_63 = tpu.memref_slice %arg9[%dma_wait3A_61, %dma_wait3A_62] : memref<10240x128xf32, #tpu.memory_space<vmem_shared>> -> memref<10240x128xf32, #tpu.memory_space<vmem_shared>>
    %dma_wait3A_64 = tpu.memref_slice %arg11[%dma_wait3A_53] : memref<2x!tpu.dma_semaphore, #tpu.memory_space<semaphore_mem>> -> memref<1x!tpu.dma_semaphore, #tpu.memory_space<semaphore_mem>>
    %dma_wait3A_65 = tpu.memref_squeeze %dma_wait3A_64 : memref<1x!tpu.dma_semaphore, #tpu.memory_space<semaphore_mem>> -> memref<!tpu.dma_semaphore, #tpu.memory_space<semaphore_mem>>
    tpu.wait_indirect_dma semaphore(%dma_wait3A_65 : memref<!tpu.dma_semaphore, #tpu.memory_space<semaphore_mem>>) src(%dma_wait3A_57 : memref<100x128xf32, #tpu.memory_space<vmem>>) dst(%dma_wait3A_63 : memref<10240x128xf32, #tpu.memory_space<vmem_shared>>)
    %barrier3A_66 = arith.constant 0 : index
    tpu.barrier barrier_id(%barrier3A_66)
    %mul3A_67 = arith.constant 640 : i32
    %mul3A_68 = arith.muli %arg1, %mul3A_67 : i32
    %mul3A_69 = arith.constant 640 : i32
    %mul3A_70 = arith.muli %arg1, %mul3A_69 : i32
    "tpu.region"() ({
      %run_scoped3A_71 = tpu.sem_alloc : memref<!tpu.dma_semaphore, #tpu.memory_space<semaphore_mem>>
      %dma_start3A_72 = arith.constant 0 : i32
      %dma_start3A_73 = tpu.memref_slice %arg5[%arg0, %mul3A_70, %dma_start3A_72] : memref<2x10240x128xf32, #tpu.memory_space<hbm>> -> memref<1x640x128xf32, #tpu.memory_space<hbm>>
      %dma_start3A_74 = tpu.memref_squeeze %dma_start3A_73 : memref<1x640x128xf32, #tpu.memory_space<hbm>> -> memref<640x128xf32, #tpu.memory_space<hbm>>
      %dma_start3A_75 = arith.constant 0 : i32
      %dma_start3A_76 = tpu.memref_slice %arg9[%mul3A_68, %dma_start3A_75] : memref<10240x128xf32, #tpu.memory_space<vmem_shared>> -> memref<640x128xf32, #tpu.memory_space<vmem_shared>>
      tpu.enqueue_dma source(%dma_start3A_76 : memref<640x128xf32, #tpu.memory_space<vmem_shared>>) target(%dma_start3A_74 : memref<640x128xf32, #tpu.memory_space<hbm>>) target_semaphore(%run_scoped3A_71 : memref<!tpu.dma_semaphore, #tpu.memory_space<semaphore_mem>>)
      %dma_wait3A_77 = arith.constant 0 : i32
      %dma_wait3A_78 = tpu.memref_slice %arg5[%arg0, %mul3A_70, %dma_wait3A_77] : memref<2x10240x128xf32, #tpu.memory_space<hbm>> -> memref<1x640x128xf32, #tpu.memory_space<hbm>>
      %dma_wait3A_79 = tpu.memref_squeeze %dma_wait3A_78 : memref<1x640x128xf32, #tpu.memory_space<hbm>> -> memref<640x128xf32, #tpu.memory_space<hbm>>
      %dma_wait3A_80 = arith.constant 0 : i32
      %dma_wait3A_81 = tpu.memref_slice %arg9[%mul3A_68, %dma_wait3A_80] : memref<10240x128xf32, #tpu.memory_space<vmem_shared>> -> memref<640x128xf32, #tpu.memory_space<vmem_shared>>
      tpu.wait_dma2 semaphore(%run_scoped3A_71 : memref<!tpu.dma_semaphore, #tpu.memory_space<semaphore_mem>>) src(%dma_wait3A_81 : memref<640x128xf32, #tpu.memory_space<vmem_shared>>) dst(%dma_wait3A_79 : memref<640x128xf32, #tpu.memory_space<hbm>>)
      tpu.yield
    }) : () -> ()
    return
  }
}

#map = affine_map<(d0, d1) -> (0, 0)>
#map1 = affine_map<(d0, d1) -> (0, 0, 0, 0)>
#map2 = affine_map<(d0, d1) -> (0, 0, 0)>
module attributes {stable_mosaic.version = 14 : i64} {
  func.func @prop(%arg0: i32, %arg1: i32, %arg2: memref<10000x128xf32, #tpu.memory_space<hbm>>, %arg3: memref<2x32x100x100xi32, #tpu.memory_space<hbm>>, %arg4: memref<640x128xf32, #tpu.memory_space<hbm>>, %arg5: memref<2x10240x128xf32, #tpu.memory_space<hbm>>, %arg6: memref<100x100xi32, #tpu.memory_space<vmem>>, %arg7: memref<100x100xi32, #tpu.memory_space<vmem>>, %arg8: memref<2x100x128xf32, #tpu.memory_space<vmem>>, %arg9: memref<10240x128xf32, #tpu.memory_space<vmem_shared>>, %arg10: memref<2x!tpu.dma_semaphore, #tpu.memory_space<semaphore_mem>>, %arg11: memref<2x!tpu.dma_semaphore, #tpu.memory_space<semaphore_mem>>) attributes {dimension_semantics = [#tpu.dimension_semantics<core_parallel>, #tpu.dimension_semantics<subcore_parallel>], iteration_bounds = array<i64: 2, 16>, scalar_prefetch = 0 : i64, scratch_operands = 6 : i64, tpu.core_type = #tpu.core_type<sc_vector_subcore>, window_params = [{transform_indices = #map}, {transform_indices = #map1}, {transform_indices = #map}, {transform_indices = #map2}]} {
    %mul3A = arith.constant 16 : i32
    %mul3A_0 = arith.muli %arg0, %mul3A : i32
    %add3A = arith.addi %mul3A_0, %arg1 : i32
    %run_scoped3A = arith.constant 0 : i32
    "tpu.region"() ({
      %run_scoped3A_71 = tpu.sem_alloc : memref<!tpu.dma_semaphore, #tpu.memory_space<semaphore_mem>>
      %dma_start3A_72 = arith.constant 0 : i32
      %dma_start3A_73 = arith.constant 0 : i32
      %dma_start3A_74 = tpu.memref_slice %arg3[%run_scoped3A, %add3A, %dma_start3A_72, %dma_start3A_73] : memref<2x32x100x100xi32, #tpu.memory_space<hbm>> -> memref<1x1x100x100xi32, #tpu.memory_space<hbm>>
      %dma_start3A_75 = tpu.memref_squeeze %dma_start3A_74 : memref<1x1x100x100xi32, #tpu.memory_space<hbm>> -> memref<100x100xi32, #tpu.memory_space<hbm>>
      %dma_start3A_76 = arith.constant 0 : i32
      %dma_start3A_77 = arith.constant 0 : i32
      %dma_start3A_78 = tpu.memref_slice %arg3[%run_scoped3A, %add3A, %dma_start3A_76, %dma_start3A_77] : memref<2x32x100x100xi32, #tpu.memory_space<hbm>> -> memref<1x1x100x100xi32, #tpu.memory_space<hbm>>
      %dma_start3A_79 = tpu.memref_squeeze %dma_start3A_78 : memref<1x1x100x100xi32, #tpu.memory_space<hbm>> -> memref<100x100xi32, #tpu.memory_space<hbm>>
      tpu.enqueue_dma source(%dma_start3A_79 : memref<100x100xi32, #tpu.memory_space<hbm>>) target(%arg6 : memref<100x100xi32, #tpu.memory_space<vmem>>) target_semaphore(%run_scoped3A_71 : memref<!tpu.dma_semaphore, #tpu.memory_space<semaphore_mem>>)
      %dma_wait3A_80 = arith.constant 0 : i32
      %dma_wait3A_81 = arith.constant 0 : i32
      %dma_wait3A_82 = tpu.memref_slice %arg3[%run_scoped3A, %add3A, %dma_wait3A_80, %dma_wait3A_81] : memref<2x32x100x100xi32, #tpu.memory_space<hbm>> -> memref<1x1x100x100xi32, #tpu.memory_space<hbm>>
      %dma_wait3A_83 = tpu.memref_squeeze %dma_wait3A_82 : memref<1x1x100x100xi32, #tpu.memory_space<hbm>> -> memref<100x100xi32, #tpu.memory_space<hbm>>
      %dma_wait3A_84 = arith.constant 0 : i32
      %dma_wait3A_85 = arith.constant 0 : i32
      %dma_wait3A_86 = tpu.memref_slice %arg3[%run_scoped3A, %add3A, %dma_wait3A_84, %dma_wait3A_85] : memref<2x32x100x100xi32, #tpu.memory_space<hbm>> -> memref<1x1x100x100xi32, #tpu.memory_space<hbm>>
      %dma_wait3A_87 = tpu.memref_squeeze %dma_wait3A_86 : memref<1x1x100x100xi32, #tpu.memory_space<hbm>> -> memref<100x100xi32, #tpu.memory_space<hbm>>
      tpu.wait_dma2 semaphore(%run_scoped3A_71 : memref<!tpu.dma_semaphore, #tpu.memory_space<semaphore_mem>>) src(%dma_wait3A_87 : memref<100x100xi32, #tpu.memory_space<hbm>>) dst(%arg6 : memref<100x100xi32, #tpu.memory_space<vmem>>)
      tpu.yield
    }) : () -> ()
    %run_scoped3A_1 = arith.constant 1 : i32
    "tpu.region"() ({
      %run_scoped3A_71 = tpu.sem_alloc : memref<!tpu.dma_semaphore, #tpu.memory_space<semaphore_mem>>
      %dma_start3A_72 = arith.constant 0 : i32
      %dma_start3A_73 = arith.constant 0 : i32
      %dma_start3A_74 = tpu.memref_slice %arg3[%run_scoped3A_1, %add3A, %dma_start3A_72, %dma_start3A_73] : memref<2x32x100x100xi32, #tpu.memory_space<hbm>> -> memref<1x1x100x100xi32, #tpu.memory_space<hbm>>
      %dma_start3A_75 = tpu.memref_squeeze %dma_start3A_74 : memref<1x1x100x100xi32, #tpu.memory_space<hbm>> -> memref<100x100xi32, #tpu.memory_space<hbm>>
      %dma_start3A_76 = arith.constant 0 : i32
      %dma_start3A_77 = arith.constant 0 : i32
      %dma_start3A_78 = tpu.memref_slice %arg3[%run_scoped3A_1, %add3A, %dma_start3A_76, %dma_start3A_77] : memref<2x32x100x100xi32, #tpu.memory_space<hbm>> -> memref<1x1x100x100xi32, #tpu.memory_space<hbm>>
      %dma_start3A_79 = tpu.memref_squeeze %dma_start3A_78 : memref<1x1x100x100xi32, #tpu.memory_space<hbm>> -> memref<100x100xi32, #tpu.memory_space<hbm>>
      tpu.enqueue_dma source(%dma_start3A_79 : memref<100x100xi32, #tpu.memory_space<hbm>>) target(%arg7 : memref<100x100xi32, #tpu.memory_space<vmem>>) target_semaphore(%run_scoped3A_71 : memref<!tpu.dma_semaphore, #tpu.memory_space<semaphore_mem>>)
      %dma_wait3A_80 = arith.constant 0 : i32
      %dma_wait3A_81 = arith.constant 0 : i32
      %dma_wait3A_82 = tpu.memref_slice %arg3[%run_scoped3A_1, %add3A, %dma_wait3A_80, %dma_wait3A_81] : memref<2x32x100x100xi32, #tpu.memory_space<hbm>> -> memref<1x1x100x100xi32, #tpu.memory_space<hbm>>
      %dma_wait3A_83 = tpu.memref_squeeze %dma_wait3A_82 : memref<1x1x100x100xi32, #tpu.memory_space<hbm>> -> memref<100x100xi32, #tpu.memory_space<hbm>>
      %dma_wait3A_84 = arith.constant 0 : i32
      %dma_wait3A_85 = arith.constant 0 : i32
      %dma_wait3A_86 = tpu.memref_slice %arg3[%run_scoped3A_1, %add3A, %dma_wait3A_84, %dma_wait3A_85] : memref<2x32x100x100xi32, #tpu.memory_space<hbm>> -> memref<1x1x100x100xi32, #tpu.memory_space<hbm>>
      %dma_wait3A_87 = tpu.memref_squeeze %dma_wait3A_86 : memref<1x1x100x100xi32, #tpu.memory_space<hbm>> -> memref<100x100xi32, #tpu.memory_space<hbm>>
      tpu.wait_dma2 semaphore(%run_scoped3A_71 : memref<!tpu.dma_semaphore, #tpu.memory_space<semaphore_mem>>) src(%dma_wait3A_87 : memref<100x100xi32, #tpu.memory_space<hbm>>) dst(%arg7 : memref<100x100xi32, #tpu.memory_space<vmem>>)
      tpu.yield
    }) : () -> ()
    %dma_start3A = arith.constant 0 : i32
    %dma_start3A_2 = arith.constant 0 : i32
    %dma_start3A_3 = arith.constant 0 : i32
    %dma_start3A_4 = arith.constant 0 : i32
    %dma_start3A_5 = arith.constant 0 : i32
    %dma_start3A_6 = tpu.memref_slice %arg8[%dma_start3A_2, %dma_start3A_4, %dma_start3A_5] : memref<2x100x128xf32, #tpu.memory_space<vmem>> -> memref<1x100x128xf32, #tpu.memory_space<vmem>>
    %dma_start3A_7 = tpu.memref_squeeze %dma_start3A_6 : memref<1x100x128xf32, #tpu.memory_space<vmem>> -> memref<100x128xf32, #tpu.memory_space<vmem>>
    %dma_start3A_8 = arith.constant 0 : i32
    %dma_start3A_9 = tpu.memref_slice %arg6[%dma_start3A, %dma_start3A_8] : memref<100x100xi32, #tpu.memory_space<vmem>> -> memref<1x100xi32, #tpu.memory_space<vmem>>
    %dma_start3A_10 = tpu.memref_squeeze %dma_start3A_9 : memref<1x100xi32, #tpu.memory_space<vmem>> -> memref<100xi32, #tpu.memory_space<vmem>>
    %dma_start3A_11 = arith.constant 0 : i32
    %dma_start3A_12 = arith.constant 0 : i32
    %dma_start3A_13 = tpu.memref_slice %arg2[%dma_start3A_11, %dma_start3A_12] : memref<10000x128xf32, #tpu.memory_space<hbm>> -> memref<10000x128xf32, #tpu.memory_space<hbm>>
    %dma_start3A_14 = tpu.memref_slice %arg10[%dma_start3A_3] : memref<2x!tpu.dma_semaphore, #tpu.memory_space<semaphore_mem>> -> memref<1x!tpu.dma_semaphore, #tpu.memory_space<semaphore_mem>>
    %dma_start3A_15 = tpu.memref_squeeze %dma_start3A_14 : memref<1x!tpu.dma_semaphore, #tpu.memory_space<semaphore_mem>> -> memref<!tpu.dma_semaphore, #tpu.memory_space<semaphore_mem>>
    tpu.enqueue_indirect_dma source(%dma_start3A_13 : memref<10000x128xf32, #tpu.memory_space<hbm>>) target(%dma_start3A_7 : memref<100x128xf32, #tpu.memory_space<vmem>>) offsets(%dma_start3A_10 : memref<100xi32, #tpu.memory_space<vmem>>) semaphore(%dma_start3A_15 : memref<!tpu.dma_semaphore, #tpu.memory_space<semaphore_mem>>)
    %dma_start3A_16 = arith.constant 1 : i32
    %dma_start3A_17 = arith.constant 1 : i32
    %dma_start3A_18 = arith.constant 1 : i32
    %dma_start3A_19 = arith.constant 0 : i32
    %dma_start3A_20 = arith.constant 0 : i32
    %dma_start3A_21 = tpu.memref_slice %arg8[%dma_start3A_17, %dma_start3A_19, %dma_start3A_20] : memref<2x100x128xf32, #tpu.memory_space<vmem>> -> memref<1x100x128xf32, #tpu.memory_space<vmem>>
    %dma_start3A_22 = tpu.memref_squeeze %dma_start3A_21 : memref<1x100x128xf32, #tpu.memory_space<vmem>> -> memref<100x128xf32, #tpu.memory_space<vmem>>
    %dma_start3A_23 = arith.constant 0 : i32
    %dma_start3A_24 = tpu.memref_slice %arg6[%dma_start3A_16, %dma_start3A_23] : memref<100x100xi32, #tpu.memory_space<vmem>> -> memref<1x100xi32, #tpu.memory_space<vmem>>
    %dma_start3A_25 = tpu.memref_squeeze %dma_start3A_24 : memref<1x100xi32, #tpu.memory_space<vmem>> -> memref<100xi32, #tpu.memory_space<vmem>>
    %dma_start3A_26 = arith.constant 0 : i32
    %dma_start3A_27 = arith.constant 0 : i32
    %dma_start3A_28 = tpu.memref_slice %arg2[%dma_start3A_26, %dma_start3A_27] : memref<10000x128xf32, #tpu.memory_space<hbm>> -> memref<10000x128xf32, #tpu.memory_space<hbm>>
    %dma_start3A_29 = tpu.memref_slice %arg10[%dma_start3A_18] : memref<2x!tpu.dma_semaphore, #tpu.memory_space<semaphore_mem>> -> memref<1x!tpu.dma_semaphore, #tpu.memory_space<semaphore_mem>>
    %dma_start3A_30 = tpu.memref_squeeze %dma_start3A_29 : memref<1x!tpu.dma_semaphore, #tpu.memory_space<semaphore_mem>> -> memref<!tpu.dma_semaphore, #tpu.memory_space<semaphore_mem>>
    tpu.enqueue_indirect_dma source(%dma_start3A_28 : memref<10000x128xf32, #tpu.memory_space<hbm>>) target(%dma_start3A_22 : memref<100x128xf32, #tpu.memory_space<vmem>>) offsets(%dma_start3A_25 : memref<100xi32, #tpu.memory_space<vmem>>) semaphore(%dma_start3A_30 : memref<!tpu.dma_semaphore, #tpu.memory_space<semaphore_mem>>)
    %mul3A_31 = arith.constant 640 : i32
    %mul3A_32 = arith.muli %arg1, %mul3A_31 : i32
    "tpu.region"() ({
      %run_scoped3A_71 = tpu.sem_alloc : memref<!tpu.dma_semaphore, #tpu.memory_space<semaphore_mem>>
      %dma_start3A_72 = arith.constant 0 : i32
      %dma_start3A_73 = tpu.memref_slice %arg9[%mul3A_32, %dma_start3A_72] : memref<10240x128xf32, #tpu.memory_space<vmem_shared>> -> memref<640x128xf32, #tpu.memory_space<vmem_shared>>
      tpu.enqueue_dma source(%arg4 : memref<640x128xf32, #tpu.memory_space<hbm>>) target(%dma_start3A_73 : memref<640x128xf32, #tpu.memory_space<vmem_shared>>) target_semaphore(%run_scoped3A_71 : memref<!tpu.dma_semaphore, #tpu.memory_space<semaphore_mem>>)
      %dma_wait3A_74 = arith.constant 0 : i32
      %dma_wait3A_75 = tpu.memref_slice %arg9[%mul3A_32, %dma_wait3A_74] : memref<10240x128xf32, #tpu.memory_space<vmem_shared>> -> memref<640x128xf32, #tpu.memory_space<vmem_shared>>
      tpu.wait_dma2 semaphore(%run_scoped3A_71 : memref<!tpu.dma_semaphore, #tpu.memory_space<semaphore_mem>>) src(%arg4 : memref<640x128xf32, #tpu.memory_space<hbm>>) dst(%dma_wait3A_75 : memref<640x128xf32, #tpu.memory_space<vmem_shared>>)
      tpu.yield
    }) : () -> ()
    %barrier3A = arith.constant 0 : index
    tpu.barrier barrier_id(%barrier3A)
    %scan3A = arith.constant 0 : i32
    %scan3A_33 = arith.constant 50 : i32
    %scan3A_34 = arith.addi %scan3A, %scan3A_33 : i32
    %scan3A_35 = arith.constant 1 : i32
    scf.for %scan3A_71 = %scan3A to %scan3A_34 step %scan3A_35  : i32 {
      %mul3A_72 = arith.constant 1 : i32
      %mul3A_73 = arith.muli %scan3A_71, %mul3A_72 : i32
      %add3A_74 = arith.constant 0 : i32
      %add3A_75 = arith.addi %add3A_74, %mul3A_73 : i32
      %mul3A_76 = arith.constant 2 : i32
      %mul3A_77 = arith.muli %mul3A_76, %add3A_75 : i32
      %add3A_78 = arith.constant 0 : i32
      %add3A_79 = arith.addi %mul3A_77, %add3A_78 : i32
      %dma_wait3A_80 = arith.constant 0 : i32
      %dma_wait3A_81 = arith.constant 0 : i32
      %dma_wait3A_82 = arith.constant 0 : i32
      %dma_wait3A_83 = arith.constant 0 : i32
      %dma_wait3A_84 = tpu.memref_slice %arg8[%dma_wait3A_80, %dma_wait3A_82, %dma_wait3A_83] : memref<2x100x128xf32, #tpu.memory_space<vmem>> -> memref<1x100x128xf32, #tpu.memory_space<vmem>>
      %dma_wait3A_85 = tpu.memref_squeeze %dma_wait3A_84 : memref<1x100x128xf32, #tpu.memory_space<vmem>> -> memref<100x128xf32, #tpu.memory_space<vmem>>
      %dma_wait3A_86 = arith.constant 0 : i32
      %dma_wait3A_87 = tpu.memref_slice %arg6[%add3A_79, %dma_wait3A_86] : memref<100x100xi32, #tpu.memory_space<vmem>> -> memref<1x100xi32, #tpu.memory_space<vmem>>
      %dma_wait3A_88 = tpu.memref_squeeze %dma_wait3A_87 : memref<1x100xi32, #tpu.memory_space<vmem>> -> memref<100xi32, #tpu.memory_space<vmem>>
      %dma_wait3A_89 = arith.constant 0 : i32
      %dma_wait3A_90 = arith.constant 0 : i32
      %dma_wait3A_91 = tpu.memref_slice %arg2[%dma_wait3A_89, %dma_wait3A_90] : memref<10000x128xf32, #tpu.memory_space<hbm>> -> memref<10000x128xf32, #tpu.memory_space<hbm>>
      %dma_wait3A_92 = tpu.memref_slice %arg10[%dma_wait3A_81] : memref<2x!tpu.dma_semaphore, #tpu.memory_space<semaphore_mem>> -> memref<1x!tpu.dma_semaphore, #tpu.memory_space<semaphore_mem>>
      %dma_wait3A_93 = tpu.memref_squeeze %dma_wait3A_92 : memref<1x!tpu.dma_semaphore, #tpu.memory_space<semaphore_mem>> -> memref<!tpu.dma_semaphore, #tpu.memory_space<semaphore_mem>>
      tpu.wait_indirect_dma semaphore(%dma_wait3A_93 : memref<!tpu.dma_semaphore, #tpu.memory_space<semaphore_mem>>) src(%dma_wait3A_91 : memref<10000x128xf32, #tpu.memory_space<hbm>>) dst(%dma_wait3A_85 : memref<100x128xf32, #tpu.memory_space<vmem>>)
      %dma_start3A_94 = arith.constant 0 : i32
      %dma_start3A_95 = arith.constant 0 : i32
      %dma_start3A_96 = arith.constant 0 : i32
      %dma_start3A_97 = arith.constant 0 : i32
      %dma_start3A_98 = tpu.memref_slice %arg8[%dma_start3A_94, %dma_start3A_96, %dma_start3A_97] : memref<2x100x128xf32, #tpu.memory_space<vmem>> -> memref<1x100x128xf32, #tpu.memory_space<vmem>>
      %dma_start3A_99 = tpu.memref_squeeze %dma_start3A_98 : memref<1x100x128xf32, #tpu.memory_space<vmem>> -> memref<100x128xf32, #tpu.memory_space<vmem>>
      %dma_start3A_100 = arith.constant 0 : i32
      %dma_start3A_101 = tpu.memref_slice %arg7[%add3A_79, %dma_start3A_100] : memref<100x100xi32, #tpu.memory_space<vmem>> -> memref<1x100xi32, #tpu.memory_space<vmem>>
      %dma_start3A_102 = tpu.memref_squeeze %dma_start3A_101 : memref<1x100xi32, #tpu.memory_space<vmem>> -> memref<100xi32, #tpu.memory_space<vmem>>
      %dma_start3A_103 = arith.constant 0 : i32
      %dma_start3A_104 = arith.constant 0 : i32
      %dma_start3A_105 = tpu.memref_slice %arg9[%dma_start3A_103, %dma_start3A_104] : memref<10240x128xf32, #tpu.memory_space<vmem_shared>> -> memref<10240x128xf32, #tpu.memory_space<vmem_shared>>
      %dma_start3A_106 = tpu.memref_slice %arg11[%dma_start3A_95] : memref<2x!tpu.dma_semaphore, #tpu.memory_space<semaphore_mem>> -> memref<1x!tpu.dma_semaphore, #tpu.memory_space<semaphore_mem>>
      %dma_start3A_107 = tpu.memref_squeeze %dma_start3A_106 : memref<1x!tpu.dma_semaphore, #tpu.memory_space<semaphore_mem>> -> memref<!tpu.dma_semaphore, #tpu.memory_space<semaphore_mem>>
      tpu.enqueue_indirect_dma source(%dma_start3A_99 : memref<100x128xf32, #tpu.memory_space<vmem>>) target(%dma_start3A_105 : memref<10240x128xf32, #tpu.memory_space<vmem_shared>>) offsets(%dma_start3A_102 : memref<100xi32, #tpu.memory_space<vmem>>) semaphore(%dma_start3A_107 : memref<!tpu.dma_semaphore, #tpu.memory_space<semaphore_mem>>) {add = true}
      %add3A_108 = arith.constant 2 : i32
      %add3A_109 = arith.addi %add3A_79, %add3A_108 : i32
      %lt3A = arith.constant 100 : i32
      %lt3A_110 = arith.cmpi slt, %add3A_109, %lt3A : i32
      %convert_element_type3A = arith.extui %lt3A_110 : i1 to i32
      %cond3A = arith.constant 0 : i32
      %cond3A_111 = arith.cmpi ne, %convert_element_type3A, %cond3A : i32
      scf.if %cond3A_111 {
        %ge3A = arith.constant 0 : i32
        %ge3A_151 = arith.cmpi sge, %add3A_79, %ge3A : i32
        %convert_element_type3A_152 = arith.extui %ge3A_151 : i1 to i32
        %cond3A_153 = arith.constant 0 : i32
        %cond3A_154 = arith.cmpi ne, %convert_element_type3A_152, %cond3A_153 : i32
        scf.if %cond3A_154 {
          %dma_wait3A_171 = arith.constant 0 : i32
          %dma_wait3A_172 = arith.constant 0 : i32
          %dma_wait3A_173 = arith.constant 0 : i32
          %dma_wait3A_174 = arith.constant 0 : i32
          %dma_wait3A_175 = tpu.memref_slice %arg8[%dma_wait3A_171, %dma_wait3A_173, %dma_wait3A_174] : memref<2x100x128xf32, #tpu.memory_space<vmem>> -> memref<1x100x128xf32, #tpu.memory_space<vmem>>
          %dma_wait3A_176 = tpu.memref_squeeze %dma_wait3A_175 : memref<1x100x128xf32, #tpu.memory_space<vmem>> -> memref<100x128xf32, #tpu.memory_space<vmem>>
          %dma_wait3A_177 = arith.constant 0 : i32
          %dma_wait3A_178 = tpu.memref_slice %arg7[%add3A_79, %dma_wait3A_177] : memref<100x100xi32, #tpu.memory_space<vmem>> -> memref<1x100xi32, #tpu.memory_space<vmem>>
          %dma_wait3A_179 = tpu.memref_squeeze %dma_wait3A_178 : memref<1x100xi32, #tpu.memory_space<vmem>> -> memref<100xi32, #tpu.memory_space<vmem>>
          %dma_wait3A_180 = arith.constant 0 : i32
          %dma_wait3A_181 = arith.constant 0 : i32
          %dma_wait3A_182 = tpu.memref_slice %arg9[%dma_wait3A_180, %dma_wait3A_181] : memref<10240x128xf32, #tpu.memory_space<vmem_shared>> -> memref<10240x128xf32, #tpu.memory_space<vmem_shared>>
          %dma_wait3A_183 = tpu.memref_slice %arg11[%dma_wait3A_172] : memref<2x!tpu.dma_semaphore, #tpu.memory_space<semaphore_mem>> -> memref<1x!tpu.dma_semaphore, #tpu.memory_space<semaphore_mem>>
          %dma_wait3A_184 = tpu.memref_squeeze %dma_wait3A_183 : memref<1x!tpu.dma_semaphore, #tpu.memory_space<semaphore_mem>> -> memref<!tpu.dma_semaphore, #tpu.memory_space<semaphore_mem>>
          tpu.wait_indirect_dma semaphore(%dma_wait3A_184 : memref<!tpu.dma_semaphore, #tpu.memory_space<semaphore_mem>>) src(%dma_wait3A_176 : memref<100x128xf32, #tpu.memory_space<vmem>>) dst(%dma_wait3A_182 : memref<10240x128xf32, #tpu.memory_space<vmem_shared>>)
        } else {
        }
        %add3A_155 = arith.constant 2 : i32
        %add3A_156 = arith.addi %add3A_79, %add3A_155 : i32
        %dma_start3A_157 = arith.constant 0 : i32
        %dma_start3A_158 = arith.constant 0 : i32
        %dma_start3A_159 = arith.constant 0 : i32
        %dma_start3A_160 = arith.constant 0 : i32
        %dma_start3A_161 = tpu.memref_slice %arg8[%dma_start3A_157, %dma_start3A_159, %dma_start3A_160] : memref<2x100x128xf32, #tpu.memory_space<vmem>> -> memref<1x100x128xf32, #tpu.memory_space<vmem>>
        %dma_start3A_162 = tpu.memref_squeeze %dma_start3A_161 : memref<1x100x128xf32, #tpu.memory_space<vmem>> -> memref<100x128xf32, #tpu.memory_space<vmem>>
        %dma_start3A_163 = arith.constant 0 : i32
        %dma_start3A_164 = tpu.memref_slice %arg6[%add3A_156, %dma_start3A_163] : memref<100x100xi32, #tpu.memory_space<vmem>> -> memref<1x100xi32, #tpu.memory_space<vmem>>
        %dma_start3A_165 = tpu.memref_squeeze %dma_start3A_164 : memref<1x100xi32, #tpu.memory_space<vmem>> -> memref<100xi32, #tpu.memory_space<vmem>>
        %dma_start3A_166 = arith.constant 0 : i32
        %dma_start3A_167 = arith.constant 0 : i32
        %dma_start3A_168 = tpu.memref_slice %arg2[%dma_start3A_166, %dma_start3A_167] : memref<10000x128xf32, #tpu.memory_space<hbm>> -> memref<10000x128xf32, #tpu.memory_space<hbm>>
        %dma_start3A_169 = tpu.memref_slice %arg10[%dma_start3A_158] : memref<2x!tpu.dma_semaphore, #tpu.memory_space<semaphore_mem>> -> memref<1x!tpu.dma_semaphore, #tpu.memory_space<semaphore_mem>>
        %dma_start3A_170 = tpu.memref_squeeze %dma_start3A_169 : memref<1x!tpu.dma_semaphore, #tpu.memory_space<semaphore_mem>> -> memref<!tpu.dma_semaphore, #tpu.memory_space<semaphore_mem>>
        tpu.enqueue_indirect_dma source(%dma_start3A_168 : memref<10000x128xf32, #tpu.memory_space<hbm>>) target(%dma_start3A_162 : memref<100x128xf32, #tpu.memory_space<vmem>>) offsets(%dma_start3A_165 : memref<100xi32, #tpu.memory_space<vmem>>) semaphore(%dma_start3A_170 : memref<!tpu.dma_semaphore, #tpu.memory_space<semaphore_mem>>)
      } else {
      }
      %mul3A_112 = arith.constant 2 : i32
      %mul3A_113 = arith.muli %mul3A_112, %add3A_75 : i32
      %add3A_114 = arith.constant 1 : i32
      %add3A_115 = arith.addi %mul3A_113, %add3A_114 : i32
      %dma_wait3A_116 = arith.constant 1 : i32
      %dma_wait3A_117 = arith.constant 1 : i32
      %dma_wait3A_118 = arith.constant 0 : i32
      %dma_wait3A_119 = arith.constant 0 : i32
      %dma_wait3A_120 = tpu.memref_slice %arg8[%dma_wait3A_116, %dma_wait3A_118, %dma_wait3A_119] : memref<2x100x128xf32, #tpu.memory_space<vmem>> -> memref<1x100x128xf32, #tpu.memory_space<vmem>>
      %dma_wait3A_121 = tpu.memref_squeeze %dma_wait3A_120 : memref<1x100x128xf32, #tpu.memory_space<vmem>> -> memref<100x128xf32, #tpu.memory_space<vmem>>
      %dma_wait3A_122 = arith.constant 0 : i32
      %dma_wait3A_123 = tpu.memref_slice %arg6[%add3A_115, %dma_wait3A_122] : memref<100x100xi32, #tpu.memory_space<vmem>> -> memref<1x100xi32, #tpu.memory_space<vmem>>
      %dma_wait3A_124 = tpu.memref_squeeze %dma_wait3A_123 : memref<1x100xi32, #tpu.memory_space<vmem>> -> memref<100xi32, #tpu.memory_space<vmem>>
      %dma_wait3A_125 = arith.constant 0 : i32
      %dma_wait3A_126 = arith.constant 0 : i32
      %dma_wait3A_127 = tpu.memref_slice %arg2[%dma_wait3A_125, %dma_wait3A_126] : memref<10000x128xf32, #tpu.memory_space<hbm>> -> memref<10000x128xf32, #tpu.memory_space<hbm>>
      %dma_wait3A_128 = tpu.memref_slice %arg10[%dma_wait3A_117] : memref<2x!tpu.dma_semaphore, #tpu.memory_space<semaphore_mem>> -> memref<1x!tpu.dma_semaphore, #tpu.memory_space<semaphore_mem>>
      %dma_wait3A_129 = tpu.memref_squeeze %dma_wait3A_128 : memref<1x!tpu.dma_semaphore, #tpu.memory_space<semaphore_mem>> -> memref<!tpu.dma_semaphore, #tpu.memory_space<semaphore_mem>>
      tpu.wait_indirect_dma semaphore(%dma_wait3A_129 : memref<!tpu.dma_semaphore, #tpu.memory_space<semaphore_mem>>) src(%dma_wait3A_127 : memref<10000x128xf32, #tpu.memory_space<hbm>>) dst(%dma_wait3A_121 : memref<100x128xf32, #tpu.memory_space<vmem>>)
      %dma_start3A_130 = arith.constant 1 : i32
      %dma_start3A_131 = arith.constant 1 : i32
      %dma_start3A_132 = arith.constant 0 : i32
      %dma_start3A_133 = arith.constant 0 : i32
      %dma_start3A_134 = tpu.memref_slice %arg8[%dma_start3A_130, %dma_start3A_132, %dma_start3A_133] : memref<2x100x128xf32, #tpu.memory_space<vmem>> -> memref<1x100x128xf32, #tpu.memory_space<vmem>>
      %dma_start3A_135 = tpu.memref_squeeze %dma_start3A_134 : memref<1x100x128xf32, #tpu.memory_space<vmem>> -> memref<100x128xf32, #tpu.memory_space<vmem>>
      %dma_start3A_136 = arith.constant 0 : i32
      %dma_start3A_137 = tpu.memref_slice %arg7[%add3A_115, %dma_start3A_136] : memref<100x100xi32, #tpu.memory_space<vmem>> -> memref<1x100xi32, #tpu.memory_space<vmem>>
      %dma_start3A_138 = tpu.memref_squeeze %dma_start3A_137 : memref<1x100xi32, #tpu.memory_space<vmem>> -> memref<100xi32, #tpu.memory_space<vmem>>
      %dma_start3A_139 = arith.constant 0 : i32
      %dma_start3A_140 = arith.constant 0 : i32
      %dma_start3A_141 = tpu.memref_slice %arg9[%dma_start3A_139, %dma_start3A_140] : memref<10240x128xf32, #tpu.memory_space<vmem_shared>> -> memref<10240x128xf32, #tpu.memory_space<vmem_shared>>
      %dma_start3A_142 = tpu.memref_slice %arg11[%dma_start3A_131] : memref<2x!tpu.dma_semaphore, #tpu.memory_space<semaphore_mem>> -> memref<1x!tpu.dma_semaphore, #tpu.memory_space<semaphore_mem>>
      %dma_start3A_143 = tpu.memref_squeeze %dma_start3A_142 : memref<1x!tpu.dma_semaphore, #tpu.memory_space<semaphore_mem>> -> memref<!tpu.dma_semaphore, #tpu.memory_space<semaphore_mem>>
      tpu.enqueue_indirect_dma source(%dma_start3A_135 : memref<100x128xf32, #tpu.memory_space<vmem>>) target(%dma_start3A_141 : memref<10240x128xf32, #tpu.memory_space<vmem_shared>>) offsets(%dma_start3A_138 : memref<100xi32, #tpu.memory_space<vmem>>) semaphore(%dma_start3A_143 : memref<!tpu.dma_semaphore, #tpu.memory_space<semaphore_mem>>) {add = true}
      %add3A_144 = arith.constant 2 : i32
      %add3A_145 = arith.addi %add3A_115, %add3A_144 : i32
      %lt3A_146 = arith.constant 100 : i32
      %lt3A_147 = arith.cmpi slt, %add3A_145, %lt3A_146 : i32
      %convert_element_type3A_148 = arith.extui %lt3A_147 : i1 to i32
      %cond3A_149 = arith.constant 0 : i32
      %cond3A_150 = arith.cmpi ne, %convert_element_type3A_148, %cond3A_149 : i32
      scf.if %cond3A_150 {
        %ge3A = arith.constant 0 : i32
        %ge3A_151 = arith.cmpi sge, %add3A_115, %ge3A : i32
        %convert_element_type3A_152 = arith.extui %ge3A_151 : i1 to i32
        %cond3A_153 = arith.constant 0 : i32
        %cond3A_154 = arith.cmpi ne, %convert_element_type3A_152, %cond3A_153 : i32
        scf.if %cond3A_154 {
          %dma_wait3A_171 = arith.constant 1 : i32
          %dma_wait3A_172 = arith.constant 1 : i32
          %dma_wait3A_173 = arith.constant 0 : i32
          %dma_wait3A_174 = arith.constant 0 : i32
          %dma_wait3A_175 = tpu.memref_slice %arg8[%dma_wait3A_171, %dma_wait3A_173, %dma_wait3A_174] : memref<2x100x128xf32, #tpu.memory_space<vmem>> -> memref<1x100x128xf32, #tpu.memory_space<vmem>>
          %dma_wait3A_176 = tpu.memref_squeeze %dma_wait3A_175 : memref<1x100x128xf32, #tpu.memory_space<vmem>> -> memref<100x128xf32, #tpu.memory_space<vmem>>
          %dma_wait3A_177 = arith.constant 0 : i32
          %dma_wait3A_178 = tpu.memref_slice %arg7[%add3A_115, %dma_wait3A_177] : memref<100x100xi32, #tpu.memory_space<vmem>> -> memref<1x100xi32, #tpu.memory_space<vmem>>
          %dma_wait3A_179 = tpu.memref_squeeze %dma_wait3A_178 : memref<1x100xi32, #tpu.memory_space<vmem>> -> memref<100xi32, #tpu.memory_space<vmem>>
          %dma_wait3A_180 = arith.constant 0 : i32
          %dma_wait3A_181 = arith.constant 0 : i32
          %dma_wait3A_182 = tpu.memref_slice %arg9[%dma_wait3A_180, %dma_wait3A_181] : memref<10240x128xf32, #tpu.memory_space<vmem_shared>> -> memref<10240x128xf32, #tpu.memory_space<vmem_shared>>
          %dma_wait3A_183 = tpu.memref_slice %arg11[%dma_wait3A_172] : memref<2x!tpu.dma_semaphore, #tpu.memory_space<semaphore_mem>> -> memref<1x!tpu.dma_semaphore, #tpu.memory_space<semaphore_mem>>
          %dma_wait3A_184 = tpu.memref_squeeze %dma_wait3A_183 : memref<1x!tpu.dma_semaphore, #tpu.memory_space<semaphore_mem>> -> memref<!tpu.dma_semaphore, #tpu.memory_space<semaphore_mem>>
          tpu.wait_indirect_dma semaphore(%dma_wait3A_184 : memref<!tpu.dma_semaphore, #tpu.memory_space<semaphore_mem>>) src(%dma_wait3A_176 : memref<100x128xf32, #tpu.memory_space<vmem>>) dst(%dma_wait3A_182 : memref<10240x128xf32, #tpu.memory_space<vmem_shared>>)
        } else {
        }
        %add3A_155 = arith.constant 2 : i32
        %add3A_156 = arith.addi %add3A_115, %add3A_155 : i32
        %dma_start3A_157 = arith.constant 1 : i32
        %dma_start3A_158 = arith.constant 1 : i32
        %dma_start3A_159 = arith.constant 0 : i32
        %dma_start3A_160 = arith.constant 0 : i32
        %dma_start3A_161 = tpu.memref_slice %arg8[%dma_start3A_157, %dma_start3A_159, %dma_start3A_160] : memref<2x100x128xf32, #tpu.memory_space<vmem>> -> memref<1x100x128xf32, #tpu.memory_space<vmem>>
        %dma_start3A_162 = tpu.memref_squeeze %dma_start3A_161 : memref<1x100x128xf32, #tpu.memory_space<vmem>> -> memref<100x128xf32, #tpu.memory_space<vmem>>
        %dma_start3A_163 = arith.constant 0 : i32
        %dma_start3A_164 = tpu.memref_slice %arg6[%add3A_156, %dma_start3A_163] : memref<100x100xi32, #tpu.memory_space<vmem>> -> memref<1x100xi32, #tpu.memory_space<vmem>>
        %dma_start3A_165 = tpu.memref_squeeze %dma_start3A_164 : memref<1x100xi32, #tpu.memory_space<vmem>> -> memref<100xi32, #tpu.memory_space<vmem>>
        %dma_start3A_166 = arith.constant 0 : i32
        %dma_start3A_167 = arith.constant 0 : i32
        %dma_start3A_168 = tpu.memref_slice %arg2[%dma_start3A_166, %dma_start3A_167] : memref<10000x128xf32, #tpu.memory_space<hbm>> -> memref<10000x128xf32, #tpu.memory_space<hbm>>
        %dma_start3A_169 = tpu.memref_slice %arg10[%dma_start3A_158] : memref<2x!tpu.dma_semaphore, #tpu.memory_space<semaphore_mem>> -> memref<1x!tpu.dma_semaphore, #tpu.memory_space<semaphore_mem>>
        %dma_start3A_170 = tpu.memref_squeeze %dma_start3A_169 : memref<1x!tpu.dma_semaphore, #tpu.memory_space<semaphore_mem>> -> memref<!tpu.dma_semaphore, #tpu.memory_space<semaphore_mem>>
        tpu.enqueue_indirect_dma source(%dma_start3A_168 : memref<10000x128xf32, #tpu.memory_space<hbm>>) target(%dma_start3A_162 : memref<100x128xf32, #tpu.memory_space<vmem>>) offsets(%dma_start3A_165 : memref<100xi32, #tpu.memory_space<vmem>>) semaphore(%dma_start3A_170 : memref<!tpu.dma_semaphore, #tpu.memory_space<semaphore_mem>>)
      } else {
      }
    }
    %scan3A_36 = arith.constant 50 : i32
    %dma_wait3A = arith.constant 0 : i32
    %dma_wait3A_37 = arith.constant 0 : i32
    %dma_wait3A_38 = arith.constant 0 : i32
    %dma_wait3A_39 = arith.constant 0 : i32
    %dma_wait3A_40 = arith.constant 0 : i32
    %dma_wait3A_41 = tpu.memref_slice %arg8[%dma_wait3A, %dma_wait3A_39, %dma_wait3A_40] : memref<2x100x128xf32, #tpu.memory_space<vmem>> -> memref<1x100x128xf32, #tpu.memory_space<vmem>>
    %dma_wait3A_42 = tpu.memref_squeeze %dma_wait3A_41 : memref<1x100x128xf32, #tpu.memory_space<vmem>> -> memref<100x128xf32, #tpu.memory_space<vmem>>
    %dma_wait3A_43 = arith.constant 0 : i32
    %dma_wait3A_44 = tpu.memref_slice %arg7[%dma_wait3A_37, %dma_wait3A_43] : memref<100x100xi32, #tpu.memory_space<vmem>> -> memref<1x100xi32, #tpu.memory_space<vmem>>
    %dma_wait3A_45 = tpu.memref_squeeze %dma_wait3A_44 : memref<1x100xi32, #tpu.memory_space<vmem>> -> memref<100xi32, #tpu.memory_space<vmem>>
    %dma_wait3A_46 = arith.constant 0 : i32
    %dma_wait3A_47 = arith.constant 0 : i32
    %dma_wait3A_48 = tpu.memref_slice %arg9[%dma_wait3A_46, %dma_wait3A_47] : memref<10240x128xf32, #tpu.memory_space<vmem_shared>> -> memref<10240x128xf32, #tpu.memory_space<vmem_shared>>
    %dma_wait3A_49 = tpu.memref_slice %arg11[%dma_wait3A_38] : memref<2x!tpu.dma_semaphore, #tpu.memory_space<semaphore_mem>> -> memref<1x!tpu.dma_semaphore, #tpu.memory_space<semaphore_mem>>
    %dma_wait3A_50 = tpu.memref_squeeze %dma_wait3A_49 : memref<1x!tpu.dma_semaphore, #tpu.memory_space<semaphore_mem>> -> memref<!tpu.dma_semaphore, #tpu.memory_space<semaphore_mem>>
    tpu.wait_indirect_dma semaphore(%dma_wait3A_50 : memref<!tpu.dma_semaphore, #tpu.memory_space<semaphore_mem>>) src(%dma_wait3A_42 : memref<100x128xf32, #tpu.memory_space<vmem>>) dst(%dma_wait3A_48 : memref<10240x128xf32, #tpu.memory_space<vmem_shared>>)
    %dma_wait3A_51 = arith.constant 1 : i32
    %dma_wait3A_52 = arith.constant 0 : i32
    %dma_wait3A_53 = arith.constant 1 : i32
    %dma_wait3A_54 = arith.constant 0 : i32
    %dma_wait3A_55 = arith.constant 0 : i32
    %dma_wait3A_56 = tpu.memref_slice %arg8[%dma_wait3A_51, %dma_wait3A_54, %dma_wait3A_55] : memref<2x100x128xf32, #tpu.memory_space<vmem>> -> memref<1x100x128xf32, #tpu.memory_space<vmem>>
    %dma_wait3A_57 = tpu.memref_squeeze %dma_wait3A_56 : memref<1x100x128xf32, #tpu.memory_space<vmem>> -> memref<100x128xf32, #tpu.memory_space<vmem>>
    %dma_wait3A_58 = arith.constant 0 : i32
    %dma_wait3A_59 = tpu.memref_slice %arg7[%dma_wait3A_52, %dma_wait3A_58] : memref<100x100xi32, #tpu.memory_space<vmem>> -> memref<1x100xi32, #tpu.memory_space<vmem>>
    %dma_wait3A_60 = tpu.memref_squeeze %dma_wait3A_59 : memref<1x100xi32, #tpu.memory_space<vmem>> -> memref<100xi32, #tpu.memory_space<vmem>>
    %dma_wait3A_61 = arith.constant 0 : i32
    %dma_wait3A_62 = arith.constant 0 : i32
    %dma_wait3A_63 = tpu.memref_slice %arg9[%dma_wait3A_61, %dma_wait3A_62] : memref<10240x128xf32, #tpu.memory_space<vmem_shared>> -> memref<10240x128xf32, #tpu.memory_space<vmem_shared>>
    %dma_wait3A_64 = tpu.memref_slice %arg11[%dma_wait3A_53] : memref<2x!tpu.dma_semaphore, #tpu.memory_space<semaphore_mem>> -> memref<1x!tpu.dma_semaphore, #tpu.memory_space<semaphore_mem>>
    %dma_wait3A_65 = tpu.memref_squeeze %dma_wait3A_64 : memref<1x!tpu.dma_semaphore, #tpu.memory_space<semaphore_mem>> -> memref<!tpu.dma_semaphore, #tpu.memory_space<semaphore_mem>>
    tpu.wait_indirect_dma semaphore(%dma_wait3A_65 : memref<!tpu.dma_semaphore, #tpu.memory_space<semaphore_mem>>) src(%dma_wait3A_57 : memref<100x128xf32, #tpu.memory_space<vmem>>) dst(%dma_wait3A_63 : memref<10240x128xf32, #tpu.memory_space<vmem_shared>>)
    %barrier3A_66 = arith.constant 0 : index
    tpu.barrier barrier_id(%barrier3A_66)
    %mul3A_67 = arith.constant 640 : i32
    %mul3A_68 = arith.muli %arg1, %mul3A_67 : i32
    %mul3A_69 = arith.constant 640 : i32
    %mul3A_70 = arith.muli %arg1, %mul3A_69 : i32
    "tpu.region"() ({
      %run_scoped3A_71 = tpu.sem_alloc : memref<!tpu.dma_semaphore, #tpu.memory_space<semaphore_mem>>
      %dma_start3A_72 = arith.constant 0 : i32
      %dma_start3A_73 = tpu.memref_slice %arg5[%arg0, %mul3A_70, %dma_start3A_72] : memref<2x10240x128xf32, #tpu.memory_space<hbm>> -> memref<1x640x128xf32, #tpu.memory_space<hbm>>
      %dma_start3A_74 = tpu.memref_squeeze %dma_start3A_73 : memref<1x640x128xf32, #tpu.memory_space<hbm>> -> memref<640x128xf32, #tpu.memory_space<hbm>>
      %dma_start3A_75 = arith.constant 0 : i32
      %dma_start3A_76 = tpu.memref_slice %arg9[%mul3A_68, %dma_start3A_75] : memref<10240x128xf32, #tpu.memory_space<vmem_shared>> -> memref<640x128xf32, #tpu.memory_space<vmem_shared>>
      tpu.enqueue_dma source(%dma_start3A_76 : memref<640x128xf32, #tpu.memory_space<vmem_shared>>) target(%dma_start3A_74 : memref<640x128xf32, #tpu.memory_space<hbm>>) target_semaphore(%run_scoped3A_71 : memref<!tpu.dma_semaphore, #tpu.memory_space<semaphore_mem>>)
      %dma_wait3A_77 = arith.constant 0 : i32
      %dma_wait3A_78 = tpu.memref_slice %arg5[%arg0, %mul3A_70, %dma_wait3A_77] : memref<2x10240x128xf32, #tpu.memory_space<hbm>> -> memref<1x640x128xf32, #tpu.memory_space<hbm>>
      %dma_wait3A_79 = tpu.memref_squeeze %dma_wait3A_78 : memref<1x640x128xf32, #tpu.memory_space<hbm>> -> memref<640x128xf32, #tpu.memory_space<hbm>>
      %dma_wait3A_80 = arith.constant 0 : i32
      %dma_wait3A_81 = tpu.memref_slice %arg9[%mul3A_68, %dma_wait3A_80] : memref<10240x128xf32, #tpu.memory_space<vmem_shared>> -> memref<640x128xf32, #tpu.memory_space<vmem_shared>>
      tpu.wait_dma2 semaphore(%run_scoped3A_71 : memref<!tpu.dma_semaphore, #tpu.memory_space<semaphore_mem>>) src(%dma_wait3A_81 : memref<640x128xf32, #tpu.memory_space<vmem_shared>>) dst(%dma_wait3A_79 : memref<640x128xf32, #tpu.memory_space<hbm>>)
      tpu.yield
    }) : () -> ()
    return
  }
}

#map = affine_map<(d0, d1) -> (0, 0)>
#map1 = affine_map<(d0, d1) -> (0, 0, 0, 0)>
#map2 = affine_map<(d0, d1) -> (0, 0, 0)>
module attributes {stable_mosaic.version = 14 : i64} {
  func.func @prop(%arg0: i32, %arg1: i32, %arg2: memref<10000x48xf32, #tpu.memory_space<hbm>>, %arg3: memref<2x32x100x100xi32, #tpu.memory_space<hbm>>, %arg4: memref<640x48xf32, #tpu.memory_space<hbm>>, %arg5: memref<2x10240x48xf32, #tpu.memory_space<hbm>>, %arg6: memref<100x100xi32, #tpu.memory_space<vmem>>, %arg7: memref<100x100xi32, #tpu.memory_space<vmem>>, %arg8: memref<5x100x48xf32, #tpu.memory_space<vmem>>, %arg9: memref<10240x48xf32, #tpu.memory_space<vmem_shared>>, %arg10: memref<5x!tpu.dma_semaphore, #tpu.memory_space<semaphore_mem>>, %arg11: memref<5x!tpu.dma_semaphore, #tpu.memory_space<semaphore_mem>>) attributes {dimension_semantics = [#tpu.dimension_semantics<core_parallel>, #tpu.dimension_semantics<subcore_parallel>], iteration_bounds = array<i64: 2, 16>, scalar_prefetch = 0 : i64, scratch_operands = 6 : i64, tpu.core_type = #tpu.core_type<sc_vector_subcore>, window_params = [{transform_indices = #map}, {transform_indices = #map1}, {transform_indices = #map}, {transform_indices = #map2}]} {
    %mul3A = arith.constant 16 : i32
    %mul3A_0 = arith.muli %arg0, %mul3A : i32
    %add3A = arith.addi %mul3A_0, %arg1 : i32
    %run_scoped3A = arith.constant 0 : i32
    "tpu.region"() ({
      %run_scoped3A_116 = tpu.sem_alloc : memref<!tpu.dma_semaphore, #tpu.memory_space<semaphore_mem>>
      %dma_start3A_117 = arith.constant 0 : i32
      %dma_start3A_118 = arith.constant 0 : i32
      %dma_start3A_119 = tpu.memref_slice %arg3[%run_scoped3A, %add3A, %dma_start3A_117, %dma_start3A_118] : memref<2x32x100x100xi32, #tpu.memory_space<hbm>> -> memref<1x1x100x100xi32, #tpu.memory_space<hbm>>
      %dma_start3A_120 = tpu.memref_squeeze %dma_start3A_119 : memref<1x1x100x100xi32, #tpu.memory_space<hbm>> -> memref<100x100xi32, #tpu.memory_space<hbm>>
      %dma_start3A_121 = arith.constant 0 : i32
      %dma_start3A_122 = arith.constant 0 : i32
      %dma_start3A_123 = tpu.memref_slice %arg3[%run_scoped3A, %add3A, %dma_start3A_121, %dma_start3A_122] : memref<2x32x100x100xi32, #tpu.memory_space<hbm>> -> memref<1x1x100x100xi32, #tpu.memory_space<hbm>>
      %dma_start3A_124 = tpu.memref_squeeze %dma_start3A_123 : memref<1x1x100x100xi32, #tpu.memory_space<hbm>> -> memref<100x100xi32, #tpu.memory_space<hbm>>
      tpu.enqueue_dma source(%dma_start3A_124 : memref<100x100xi32, #tpu.memory_space<hbm>>) target(%arg6 : memref<100x100xi32, #tpu.memory_space<vmem>>) target_semaphore(%run_scoped3A_116 : memref<!tpu.dma_semaphore, #tpu.memory_space<semaphore_mem>>)
      %dma_wait3A_125 = arith.constant 0 : i32
      %dma_wait3A_126 = arith.constant 0 : i32
      %dma_wait3A_127 = tpu.memref_slice %arg3[%run_scoped3A, %add3A, %dma_wait3A_125, %dma_wait3A_126] : memref<2x32x100x100xi32, #tpu.memory_space<hbm>> -> memref<1x1x100x100xi32, #tpu.memory_space<hbm>>
      %dma_wait3A_128 = tpu.memref_squeeze %dma_wait3A_127 : memref<1x1x100x100xi32, #tpu.memory_space<hbm>> -> memref<100x100xi32, #tpu.memory_space<hbm>>
      %dma_wait3A_129 = arith.constant 0 : i32
      %dma_wait3A_130 = arith.constant 0 : i32
      %dma_wait3A_131 = tpu.memref_slice %arg3[%run_scoped3A, %add3A, %dma_wait3A_129, %dma_wait3A_130] : memref<2x32x100x100xi32, #tpu.memory_space<hbm>> -> memref<1x1x100x100xi32, #tpu.memory_space<hbm>>
      %dma_wait3A_132 = tpu.memref_squeeze %dma_wait3A_131 : memref<1x1x100x100xi32, #tpu.memory_space<hbm>> -> memref<100x100xi32, #tpu.memory_space<hbm>>
      tpu.wait_dma2 semaphore(%run_scoped3A_116 : memref<!tpu.dma_semaphore, #tpu.memory_space<semaphore_mem>>) src(%dma_wait3A_132 : memref<100x100xi32, #tpu.memory_space<hbm>>) dst(%arg6 : memref<100x100xi32, #tpu.memory_space<vmem>>)
      tpu.yield
    }) : () -> ()
    %run_scoped3A_1 = arith.constant 1 : i32
    "tpu.region"() ({
      %run_scoped3A_116 = tpu.sem_alloc : memref<!tpu.dma_semaphore, #tpu.memory_space<semaphore_mem>>
      %dma_start3A_117 = arith.constant 0 : i32
      %dma_start3A_118 = arith.constant 0 : i32
      %dma_start3A_119 = tpu.memref_slice %arg3[%run_scoped3A_1, %add3A, %dma_start3A_117, %dma_start3A_118] : memref<2x32x100x100xi32, #tpu.memory_space<hbm>> -> memref<1x1x100x100xi32, #tpu.memory_space<hbm>>
      %dma_start3A_120 = tpu.memref_squeeze %dma_start3A_119 : memref<1x1x100x100xi32, #tpu.memory_space<hbm>> -> memref<100x100xi32, #tpu.memory_space<hbm>>
      %dma_start3A_121 = arith.constant 0 : i32
      %dma_start3A_122 = arith.constant 0 : i32
      %dma_start3A_123 = tpu.memref_slice %arg3[%run_scoped3A_1, %add3A, %dma_start3A_121, %dma_start3A_122] : memref<2x32x100x100xi32, #tpu.memory_space<hbm>> -> memref<1x1x100x100xi32, #tpu.memory_space<hbm>>
      %dma_start3A_124 = tpu.memref_squeeze %dma_start3A_123 : memref<1x1x100x100xi32, #tpu.memory_space<hbm>> -> memref<100x100xi32, #tpu.memory_space<hbm>>
      tpu.enqueue_dma source(%dma_start3A_124 : memref<100x100xi32, #tpu.memory_space<hbm>>) target(%arg7 : memref<100x100xi32, #tpu.memory_space<vmem>>) target_semaphore(%run_scoped3A_116 : memref<!tpu.dma_semaphore, #tpu.memory_space<semaphore_mem>>)
      %dma_wait3A_125 = arith.constant 0 : i32
      %dma_wait3A_126 = arith.constant 0 : i32
      %dma_wait3A_127 = tpu.memref_slice %arg3[%run_scoped3A_1, %add3A, %dma_wait3A_125, %dma_wait3A_126] : memref<2x32x100x100xi32, #tpu.memory_space<hbm>> -> memref<1x1x100x100xi32, #tpu.memory_space<hbm>>
      %dma_wait3A_128 = tpu.memref_squeeze %dma_wait3A_127 : memref<1x1x100x100xi32, #tpu.memory_space<hbm>> -> memref<100x100xi32, #tpu.memory_space<hbm>>
      %dma_wait3A_129 = arith.constant 0 : i32
      %dma_wait3A_130 = arith.constant 0 : i32
      %dma_wait3A_131 = tpu.memref_slice %arg3[%run_scoped3A_1, %add3A, %dma_wait3A_129, %dma_wait3A_130] : memref<2x32x100x100xi32, #tpu.memory_space<hbm>> -> memref<1x1x100x100xi32, #tpu.memory_space<hbm>>
      %dma_wait3A_132 = tpu.memref_squeeze %dma_wait3A_131 : memref<1x1x100x100xi32, #tpu.memory_space<hbm>> -> memref<100x100xi32, #tpu.memory_space<hbm>>
      tpu.wait_dma2 semaphore(%run_scoped3A_116 : memref<!tpu.dma_semaphore, #tpu.memory_space<semaphore_mem>>) src(%dma_wait3A_132 : memref<100x100xi32, #tpu.memory_space<hbm>>) dst(%arg7 : memref<100x100xi32, #tpu.memory_space<vmem>>)
      tpu.yield
    }) : () -> ()
    %dma_start3A = arith.constant 0 : i32
    %dma_start3A_2 = arith.constant 0 : i32
    %dma_start3A_3 = arith.constant 0 : i32
    %dma_start3A_4 = arith.constant 0 : i32
    %dma_start3A_5 = arith.constant 0 : i32
    %dma_start3A_6 = tpu.memref_slice %arg8[%dma_start3A_2, %dma_start3A_4, %dma_start3A_5] : memref<5x100x48xf32, #tpu.memory_space<vmem>> -> memref<1x100x48xf32, #tpu.memory_space<vmem>>
    %dma_start3A_7 = tpu.memref_squeeze %dma_start3A_6 : memref<1x100x48xf32, #tpu.memory_space<vmem>> -> memref<100x48xf32, #tpu.memory_space<vmem>>
    %dma_start3A_8 = arith.constant 0 : i32
    %dma_start3A_9 = tpu.memref_slice %arg6[%dma_start3A, %dma_start3A_8] : memref<100x100xi32, #tpu.memory_space<vmem>> -> memref<1x100xi32, #tpu.memory_space<vmem>>
    %dma_start3A_10 = tpu.memref_squeeze %dma_start3A_9 : memref<1x100xi32, #tpu.memory_space<vmem>> -> memref<100xi32, #tpu.memory_space<vmem>>
    %dma_start3A_11 = arith.constant 0 : i32
    %dma_start3A_12 = arith.constant 0 : i32
    %dma_start3A_13 = tpu.memref_slice %arg2[%dma_start3A_11, %dma_start3A_12] : memref<10000x48xf32, #tpu.memory_space<hbm>> -> memref<10000x48xf32, #tpu.memory_space<hbm>>
    %dma_start3A_14 = tpu.memref_slice %arg10[%dma_start3A_3] : memref<5x!tpu.dma_semaphore, #tpu.memory_space<semaphore_mem>> -> memref<1x!tpu.dma_semaphore, #tpu.memory_space<semaphore_mem>>
    %dma_start3A_15 = tpu.memref_squeeze %dma_start3A_14 : memref<1x!tpu.dma_semaphore, #tpu.memory_space<semaphore_mem>> -> memref<!tpu.dma_semaphore, #tpu.memory_space<semaphore_mem>>
    tpu.enqueue_indirect_dma source(%dma_start3A_13 : memref<10000x48xf32, #tpu.memory_space<hbm>>) target(%dma_start3A_7 : memref<100x48xf32, #tpu.memory_space<vmem>>) offsets(%dma_start3A_10 : memref<100xi32, #tpu.memory_space<vmem>>) semaphore(%dma_start3A_15 : memref<!tpu.dma_semaphore, #tpu.memory_space<semaphore_mem>>)
    %dma_start3A_16 = arith.constant 1 : i32
    %dma_start3A_17 = arith.constant 1 : i32
    %dma_start3A_18 = arith.constant 1 : i32
    %dma_start3A_19 = arith.constant 0 : i32
    %dma_start3A_20 = arith.constant 0 : i32
    %dma_start3A_21 = tpu.memref_slice %arg8[%dma_start3A_17, %dma_start3A_19, %dma_start3A_20] : memref<5x100x48xf32, #tpu.memory_space<vmem>> -> memref<1x100x48xf32, #tpu.memory_space<vmem>>
    %dma_start3A_22 = tpu.memref_squeeze %dma_start3A_21 : memref<1x100x48xf32, #tpu.memory_space<vmem>> -> memref<100x48xf32, #tpu.memory_space<vmem>>
    %dma_start3A_23 = arith.constant 0 : i32
    %dma_start3A_24 = tpu.memref_slice %arg6[%dma_start3A_16, %dma_start3A_23] : memref<100x100xi32, #tpu.memory_space<vmem>> -> memref<1x100xi32, #tpu.memory_space<vmem>>
    %dma_start3A_25 = tpu.memref_squeeze %dma_start3A_24 : memref<1x100xi32, #tpu.memory_space<vmem>> -> memref<100xi32, #tpu.memory_space<vmem>>
    %dma_start3A_26 = arith.constant 0 : i32
    %dma_start3A_27 = arith.constant 0 : i32
    %dma_start3A_28 = tpu.memref_slice %arg2[%dma_start3A_26, %dma_start3A_27] : memref<10000x48xf32, #tpu.memory_space<hbm>> -> memref<10000x48xf32, #tpu.memory_space<hbm>>
    %dma_start3A_29 = tpu.memref_slice %arg10[%dma_start3A_18] : memref<5x!tpu.dma_semaphore, #tpu.memory_space<semaphore_mem>> -> memref<1x!tpu.dma_semaphore, #tpu.memory_space<semaphore_mem>>
    %dma_start3A_30 = tpu.memref_squeeze %dma_start3A_29 : memref<1x!tpu.dma_semaphore, #tpu.memory_space<semaphore_mem>> -> memref<!tpu.dma_semaphore, #tpu.memory_space<semaphore_mem>>
    tpu.enqueue_indirect_dma source(%dma_start3A_28 : memref<10000x48xf32, #tpu.memory_space<hbm>>) target(%dma_start3A_22 : memref<100x48xf32, #tpu.memory_space<vmem>>) offsets(%dma_start3A_25 : memref<100xi32, #tpu.memory_space<vmem>>) semaphore(%dma_start3A_30 : memref<!tpu.dma_semaphore, #tpu.memory_space<semaphore_mem>>)
    %mul3A_31 = arith.constant 640 : i32
    %mul3A_32 = arith.muli %arg1, %mul3A_31 : i32
    "tpu.region"() ({
      %run_scoped3A_116 = tpu.sem_alloc : memref<!tpu.dma_semaphore, #tpu.memory_space<semaphore_mem>>
      %dma_start3A_117 = arith.constant 0 : i32
      %dma_start3A_118 = tpu.memref_slice %arg9[%mul3A_32, %dma_start3A_117] : memref<10240x48xf32, #tpu.memory_space<vmem_shared>> -> memref<640x48xf32, #tpu.memory_space<vmem_shared>>
      tpu.enqueue_dma source(%arg4 : memref<640x48xf32, #tpu.memory_space<hbm>>) target(%dma_start3A_118 : memref<640x48xf32, #tpu.memory_space<vmem_shared>>) target_semaphore(%run_scoped3A_116 : memref<!tpu.dma_semaphore, #tpu.memory_space<semaphore_mem>>)
      %dma_wait3A_119 = arith.constant 0 : i32
      %dma_wait3A_120 = tpu.memref_slice %arg9[%mul3A_32, %dma_wait3A_119] : memref<10240x48xf32, #tpu.memory_space<vmem_shared>> -> memref<640x48xf32, #tpu.memory_space<vmem_shared>>
      tpu.wait_dma2 semaphore(%run_scoped3A_116 : memref<!tpu.dma_semaphore, #tpu.memory_space<semaphore_mem>>) src(%arg4 : memref<640x48xf32, #tpu.memory_space<hbm>>) dst(%dma_wait3A_120 : memref<640x48xf32, #tpu.memory_space<vmem_shared>>)
      tpu.yield
    }) : () -> ()
    %barrier3A = arith.constant 0 : index
    tpu.barrier barrier_id(%barrier3A)
    %scan3A = arith.constant 0 : i32
    %scan3A_33 = arith.constant 20 : i32
    %scan3A_34 = arith.addi %scan3A, %scan3A_33 : i32
    %scan3A_35 = arith.constant 1 : i32
    scf.for %scan3A_116 = %scan3A to %scan3A_34 step %scan3A_35  : i32 {
      %mul3A_117 = arith.constant 1 : i32
      %mul3A_118 = arith.muli %scan3A_116, %mul3A_117 : i32
      %add3A_119 = arith.constant 0 : i32
      %add3A_120 = arith.addi %add3A_119, %mul3A_118 : i32
      %mul3A_121 = arith.constant 5 : i32
      %mul3A_122 = arith.muli %mul3A_121, %add3A_120 : i32
      %add3A_123 = arith.constant 0 : i32
      %add3A_124 = arith.addi %mul3A_122, %add3A_123 : i32
      %dma_wait3A_125 = arith.constant 0 : i32
      %dma_wait3A_126 = arith.constant 0 : i32
      %dma_wait3A_127 = arith.constant 0 : i32
      %dma_wait3A_128 = arith.constant 0 : i32
      %dma_wait3A_129 = tpu.memref_slice %arg8[%dma_wait3A_125, %dma_wait3A_127, %dma_wait3A_128] : memref<5x100x48xf32, #tpu.memory_space<vmem>> -> memref<1x100x48xf32, #tpu.memory_space<vmem>>
      %dma_wait3A_130 = tpu.memref_squeeze %dma_wait3A_129 : memref<1x100x48xf32, #tpu.memory_space<vmem>> -> memref<100x48xf32, #tpu.memory_space<vmem>>
      %dma_wait3A_131 = arith.constant 0 : i32
      %dma_wait3A_132 = tpu.memref_slice %arg6[%add3A_124, %dma_wait3A_131] : memref<100x100xi32, #tpu.memory_space<vmem>> -> memref<1x100xi32, #tpu.memory_space<vmem>>
      %dma_wait3A_133 = tpu.memref_squeeze %dma_wait3A_132 : memref<1x100xi32, #tpu.memory_space<vmem>> -> memref<100xi32, #tpu.memory_space<vmem>>
      %dma_wait3A_134 = arith.constant 0 : i32
      %dma_wait3A_135 = arith.constant 0 : i32
      %dma_wait3A_136 = tpu.memref_slice %arg2[%dma_wait3A_134, %dma_wait3A_135] : memref<10000x48xf32, #tpu.memory_space<hbm>> -> memref<10000x48xf32, #tpu.memory_space<hbm>>
      %dma_wait3A_137 = tpu.memref_slice %arg10[%dma_wait3A_126] : memref<5x!tpu.dma_semaphore, #tpu.memory_space<semaphore_mem>> -> memref<1x!tpu.dma_semaphore, #tpu.memory_space<semaphore_mem>>
      %dma_wait3A_138 = tpu.memref_squeeze %dma_wait3A_137 : memref<1x!tpu.dma_semaphore, #tpu.memory_space<semaphore_mem>> -> memref<!tpu.dma_semaphore, #tpu.memory_space<semaphore_mem>>
      tpu.wait_indirect_dma semaphore(%dma_wait3A_138 : memref<!tpu.dma_semaphore, #tpu.memory_space<semaphore_mem>>) src(%dma_wait3A_136 : memref<10000x48xf32, #tpu.memory_space<hbm>>) dst(%dma_wait3A_130 : memref<100x48xf32, #tpu.memory_space<vmem>>)
      %dma_start3A_139 = arith.constant 0 : i32
      %dma_start3A_140 = arith.constant 0 : i32
      %dma_start3A_141 = arith.constant 0 : i32
      %dma_start3A_142 = arith.constant 0 : i32
      %dma_start3A_143 = tpu.memref_slice %arg8[%dma_start3A_139, %dma_start3A_141, %dma_start3A_142] : memref<5x100x48xf32, #tpu.memory_space<vmem>> -> memref<1x100x48xf32, #tpu.memory_space<vmem>>
      %dma_start3A_144 = tpu.memref_squeeze %dma_start3A_143 : memref<1x100x48xf32, #tpu.memory_space<vmem>> -> memref<100x48xf32, #tpu.memory_space<vmem>>
      %dma_start3A_145 = arith.constant 0 : i32
      %dma_start3A_146 = tpu.memref_slice %arg7[%add3A_124, %dma_start3A_145] : memref<100x100xi32, #tpu.memory_space<vmem>> -> memref<1x100xi32, #tpu.memory_space<vmem>>
      %dma_start3A_147 = tpu.memref_squeeze %dma_start3A_146 : memref<1x100xi32, #tpu.memory_space<vmem>> -> memref<100xi32, #tpu.memory_space<vmem>>
      %dma_start3A_148 = arith.constant 0 : i32
      %dma_start3A_149 = arith.constant 0 : i32
      %dma_start3A_150 = tpu.memref_slice %arg9[%dma_start3A_148, %dma_start3A_149] : memref<10240x48xf32, #tpu.memory_space<vmem_shared>> -> memref<10240x48xf32, #tpu.memory_space<vmem_shared>>
      %dma_start3A_151 = tpu.memref_slice %arg11[%dma_start3A_140] : memref<5x!tpu.dma_semaphore, #tpu.memory_space<semaphore_mem>> -> memref<1x!tpu.dma_semaphore, #tpu.memory_space<semaphore_mem>>
      %dma_start3A_152 = tpu.memref_squeeze %dma_start3A_151 : memref<1x!tpu.dma_semaphore, #tpu.memory_space<semaphore_mem>> -> memref<!tpu.dma_semaphore, #tpu.memory_space<semaphore_mem>>
      tpu.enqueue_indirect_dma source(%dma_start3A_144 : memref<100x48xf32, #tpu.memory_space<vmem>>) target(%dma_start3A_150 : memref<10240x48xf32, #tpu.memory_space<vmem_shared>>) offsets(%dma_start3A_147 : memref<100xi32, #tpu.memory_space<vmem>>) semaphore(%dma_start3A_152 : memref<!tpu.dma_semaphore, #tpu.memory_space<semaphore_mem>>) {add = true}
      %add3A_153 = arith.constant 2 : i32
      %add3A_154 = arith.addi %add3A_124, %add3A_153 : i32
      %lt3A = arith.constant 100 : i32
      %lt3A_155 = arith.cmpi slt, %add3A_154, %lt3A : i32
      %convert_element_type3A = arith.extui %lt3A_155 : i1 to i32
      %cond3A = arith.constant 0 : i32
      %cond3A_156 = arith.cmpi ne, %convert_element_type3A, %cond3A : i32
      scf.if %cond3A_156 {
        %ge3A = arith.constant 3 : i32
        %ge3A_313 = arith.cmpi sge, %add3A_124, %ge3A : i32
        %convert_element_type3A_314 = arith.extui %ge3A_313 : i1 to i32
        %cond3A_315 = arith.constant 0 : i32
        %cond3A_316 = arith.cmpi ne, %convert_element_type3A_314, %cond3A_315 : i32
        scf.if %cond3A_316 {
          %dma_wait3A_333 = arith.constant 2 : i32
          %dma_wait3A_334 = arith.constant 2 : i32
          %dma_wait3A_335 = arith.constant 0 : i32
          %dma_wait3A_336 = arith.constant 0 : i32
          %dma_wait3A_337 = tpu.memref_slice %arg8[%dma_wait3A_333, %dma_wait3A_335, %dma_wait3A_336] : memref<5x100x48xf32, #tpu.memory_space<vmem>> -> memref<1x100x48xf32, #tpu.memory_space<vmem>>
          %dma_wait3A_338 = tpu.memref_squeeze %dma_wait3A_337 : memref<1x100x48xf32, #tpu.memory_space<vmem>> -> memref<100x48xf32, #tpu.memory_space<vmem>>
          %dma_wait3A_339 = arith.constant 0 : i32
          %dma_wait3A_340 = tpu.memref_slice %arg7[%add3A_124, %dma_wait3A_339] : memref<100x100xi32, #tpu.memory_space<vmem>> -> memref<1x100xi32, #tpu.memory_space<vmem>>
          %dma_wait3A_341 = tpu.memref_squeeze %dma_wait3A_340 : memref<1x100xi32, #tpu.memory_space<vmem>> -> memref<100xi32, #tpu.memory_space<vmem>>
          %dma_wait3A_342 = arith.constant 0 : i32
          %dma_wait3A_343 = arith.constant 0 : i32
          %dma_wait3A_344 = tpu.memref_slice %arg9[%dma_wait3A_342, %dma_wait3A_343] : memref<10240x48xf32, #tpu.memory_space<vmem_shared>> -> memref<10240x48xf32, #tpu.memory_space<vmem_shared>>
          %dma_wait3A_345 = tpu.memref_slice %arg11[%dma_wait3A_334] : memref<5x!tpu.dma_semaphore, #tpu.memory_space<semaphore_mem>> -> memref<1x!tpu.dma_semaphore, #tpu.memory_space<semaphore_mem>>
          %dma_wait3A_346 = tpu.memref_squeeze %dma_wait3A_345 : memref<1x!tpu.dma_semaphore, #tpu.memory_space<semaphore_mem>> -> memref<!tpu.dma_semaphore, #tpu.memory_space<semaphore_mem>>
          tpu.wait_indirect_dma semaphore(%dma_wait3A_346 : memref<!tpu.dma_semaphore, #tpu.memory_space<semaphore_mem>>) src(%dma_wait3A_338 : memref<100x48xf32, #tpu.memory_space<vmem>>) dst(%dma_wait3A_344 : memref<10240x48xf32, #tpu.memory_space<vmem_shared>>)
        } else {
        }
        %add3A_317 = arith.constant 2 : i32
        %add3A_318 = arith.addi %add3A_124, %add3A_317 : i32
        %dma_start3A_319 = arith.constant 2 : i32
        %dma_start3A_320 = arith.constant 2 : i32
        %dma_start3A_321 = arith.constant 0 : i32
        %dma_start3A_322 = arith.constant 0 : i32
        %dma_start3A_323 = tpu.memref_slice %arg8[%dma_start3A_319, %dma_start3A_321, %dma_start3A_322] : memref<5x100x48xf32, #tpu.memory_space<vmem>> -> memref<1x100x48xf32, #tpu.memory_space<vmem>>
        %dma_start3A_324 = tpu.memref_squeeze %dma_start3A_323 : memref<1x100x48xf32, #tpu.memory_space<vmem>> -> memref<100x48xf32, #tpu.memory_space<vmem>>
        %dma_start3A_325 = arith.constant 0 : i32
        %dma_start3A_326 = tpu.memref_slice %arg6[%add3A_318, %dma_start3A_325] : memref<100x100xi32, #tpu.memory_space<vmem>> -> memref<1x100xi32, #tpu.memory_space<vmem>>
        %dma_start3A_327 = tpu.memref_squeeze %dma_start3A_326 : memref<1x100xi32, #tpu.memory_space<vmem>> -> memref<100xi32, #tpu.memory_space<vmem>>
        %dma_start3A_328 = arith.constant 0 : i32
        %dma_start3A_329 = arith.constant 0 : i32
        %dma_start3A_330 = tpu.memref_slice %arg2[%dma_start3A_328, %dma_start3A_329] : memref<10000x48xf32, #tpu.memory_space<hbm>> -> memref<10000x48xf32, #tpu.memory_space<hbm>>
        %dma_start3A_331 = tpu.memref_slice %arg10[%dma_start3A_320] : memref<5x!tpu.dma_semaphore, #tpu.memory_space<semaphore_mem>> -> memref<1x!tpu.dma_semaphore, #tpu.memory_space<semaphore_mem>>
        %dma_start3A_332 = tpu.memref_squeeze %dma_start3A_331 : memref<1x!tpu.dma_semaphore, #tpu.memory_space<semaphore_mem>> -> memref<!tpu.dma_semaphore, #tpu.memory_space<semaphore_mem>>
        tpu.enqueue_indirect_dma source(%dma_start3A_330 : memref<10000x48xf32, #tpu.memory_space<hbm>>) target(%dma_start3A_324 : memref<100x48xf32, #tpu.memory_space<vmem>>) offsets(%dma_start3A_327 : memref<100xi32, #tpu.memory_space<vmem>>) semaphore(%dma_start3A_332 : memref<!tpu.dma_semaphore, #tpu.memory_space<semaphore_mem>>)
      } else {
      }
      %mul3A_157 = arith.constant 5 : i32
      %mul3A_158 = arith.muli %mul3A_157, %add3A_120 : i32
      %add3A_159 = arith.constant 1 : i32
      %add3A_160 = arith.addi %mul3A_158, %add3A_159 : i32
      %dma_wait3A_161 = arith.constant 1 : i32
      %dma_wait3A_162 = arith.constant 1 : i32
      %dma_wait3A_163 = arith.constant 0 : i32
      %dma_wait3A_164 = arith.constant 0 : i32
      %dma_wait3A_165 = tpu.memref_slice %arg8[%dma_wait3A_161, %dma_wait3A_163, %dma_wait3A_164] : memref<5x100x48xf32, #tpu.memory_space<vmem>> -> memref<1x100x48xf32, #tpu.memory_space<vmem>>
      %dma_wait3A_166 = tpu.memref_squeeze %dma_wait3A_165 : memref<1x100x48xf32, #tpu.memory_space<vmem>> -> memref<100x48xf32, #tpu.memory_space<vmem>>
      %dma_wait3A_167 = arith.constant 0 : i32
      %dma_wait3A_168 = tpu.memref_slice %arg6[%add3A_160, %dma_wait3A_167] : memref<100x100xi32, #tpu.memory_space<vmem>> -> memref<1x100xi32, #tpu.memory_space<vmem>>
      %dma_wait3A_169 = tpu.memref_squeeze %dma_wait3A_168 : memref<1x100xi32, #tpu.memory_space<vmem>> -> memref<100xi32, #tpu.memory_space<vmem>>
      %dma_wait3A_170 = arith.constant 0 : i32
      %dma_wait3A_171 = arith.constant 0 : i32
      %dma_wait3A_172 = tpu.memref_slice %arg2[%dma_wait3A_170, %dma_wait3A_171] : memref<10000x48xf32, #tpu.memory_space<hbm>> -> memref<10000x48xf32, #tpu.memory_space<hbm>>
      %dma_wait3A_173 = tpu.memref_slice %arg10[%dma_wait3A_162] : memref<5x!tpu.dma_semaphore, #tpu.memory_space<semaphore_mem>> -> memref<1x!tpu.dma_semaphore, #tpu.memory_space<semaphore_mem>>
      %dma_wait3A_174 = tpu.memref_squeeze %dma_wait3A_173 : memref<1x!tpu.dma_semaphore, #tpu.memory_space<semaphore_mem>> -> memref<!tpu.dma_semaphore, #tpu.memory_space<semaphore_mem>>
      tpu.wait_indirect_dma semaphore(%dma_wait3A_174 : memref<!tpu.dma_semaphore, #tpu.memory_space<semaphore_mem>>) src(%dma_wait3A_172 : memref<10000x48xf32, #tpu.memory_space<hbm>>) dst(%dma_wait3A_166 : memref<100x48xf32, #tpu.memory_space<vmem>>)
      %dma_start3A_175 = arith.constant 1 : i32
      %dma_start3A_176 = arith.constant 1 : i32
      %dma_start3A_177 = arith.constant 0 : i32
      %dma_start3A_178 = arith.constant 0 : i32
      %dma_start3A_179 = tpu.memref_slice %arg8[%dma_start3A_175, %dma_start3A_177, %dma_start3A_178] : memref<5x100x48xf32, #tpu.memory_space<vmem>> -> memref<1x100x48xf32, #tpu.memory_space<vmem>>
      %dma_start3A_180 = tpu.memref_squeeze %dma_start3A_179 : memref<1x100x48xf32, #tpu.memory_space<vmem>> -> memref<100x48xf32, #tpu.memory_space<vmem>>
      %dma_start3A_181 = arith.constant 0 : i32
      %dma_start3A_182 = tpu.memref_slice %arg7[%add3A_160, %dma_start3A_181] : memref<100x100xi32, #tpu.memory_space<vmem>> -> memref<1x100xi32, #tpu.memory_space<vmem>>
      %dma_start3A_183 = tpu.memref_squeeze %dma_start3A_182 : memref<1x100xi32, #tpu.memory_space<vmem>> -> memref<100xi32, #tpu.memory_space<vmem>>
      %dma_start3A_184 = arith.constant 0 : i32
      %dma_start3A_185 = arith.constant 0 : i32
      %dma_start3A_186 = tpu.memref_slice %arg9[%dma_start3A_184, %dma_start3A_185] : memref<10240x48xf32, #tpu.memory_space<vmem_shared>> -> memref<10240x48xf32, #tpu.memory_space<vmem_shared>>
      %dma_start3A_187 = tpu.memref_slice %arg11[%dma_start3A_176] : memref<5x!tpu.dma_semaphore, #tpu.memory_space<semaphore_mem>> -> memref<1x!tpu.dma_semaphore, #tpu.memory_space<semaphore_mem>>
      %dma_start3A_188 = tpu.memref_squeeze %dma_start3A_187 : memref<1x!tpu.dma_semaphore, #tpu.memory_space<semaphore_mem>> -> memref<!tpu.dma_semaphore, #tpu.memory_space<semaphore_mem>>
      tpu.enqueue_indirect_dma source(%dma_start3A_180 : memref<100x48xf32, #tpu.memory_space<vmem>>) target(%dma_start3A_186 : memref<10240x48xf32, #tpu.memory_space<vmem_shared>>) offsets(%dma_start3A_183 : memref<100xi32, #tpu.memory_space<vmem>>) semaphore(%dma_start3A_188 : memref<!tpu.dma_semaphore, #tpu.memory_space<semaphore_mem>>) {add = true}
      %add3A_189 = arith.constant 2 : i32
      %add3A_190 = arith.addi %add3A_160, %add3A_189 : i32
      %lt3A_191 = arith.constant 100 : i32
      %lt3A_192 = arith.cmpi slt, %add3A_190, %lt3A_191 : i32
      %convert_element_type3A_193 = arith.extui %lt3A_192 : i1 to i32
      %cond3A_194 = arith.constant 0 : i32
      %cond3A_195 = arith.cmpi ne, %convert_element_type3A_193, %cond3A_194 : i32
      scf.if %cond3A_195 {
        %ge3A = arith.constant 3 : i32
        %ge3A_313 = arith.cmpi sge, %add3A_160, %ge3A : i32
        %convert_element_type3A_314 = arith.extui %ge3A_313 : i1 to i32
        %cond3A_315 = arith.constant 0 : i32
        %cond3A_316 = arith.cmpi ne, %convert_element_type3A_314, %cond3A_315 : i32
        scf.if %cond3A_316 {
          %dma_wait3A_333 = arith.constant 3 : i32
          %dma_wait3A_334 = arith.constant 3 : i32
          %dma_wait3A_335 = arith.constant 0 : i32
          %dma_wait3A_336 = arith.constant 0 : i32
          %dma_wait3A_337 = tpu.memref_slice %arg8[%dma_wait3A_333, %dma_wait3A_335, %dma_wait3A_336] : memref<5x100x48xf32, #tpu.memory_space<vmem>> -> memref<1x100x48xf32, #tpu.memory_space<vmem>>
          %dma_wait3A_338 = tpu.memref_squeeze %dma_wait3A_337 : memref<1x100x48xf32, #tpu.memory_space<vmem>> -> memref<100x48xf32, #tpu.memory_space<vmem>>
          %dma_wait3A_339 = arith.constant 0 : i32
          %dma_wait3A_340 = tpu.memref_slice %arg7[%add3A_160, %dma_wait3A_339] : memref<100x100xi32, #tpu.memory_space<vmem>> -> memref<1x100xi32, #tpu.memory_space<vmem>>
          %dma_wait3A_341 = tpu.memref_squeeze %dma_wait3A_340 : memref<1x100xi32, #tpu.memory_space<vmem>> -> memref<100xi32, #tpu.memory_space<vmem>>
          %dma_wait3A_342 = arith.constant 0 : i32
          %dma_wait3A_343 = arith.constant 0 : i32
          %dma_wait3A_344 = tpu.memref_slice %arg9[%dma_wait3A_342, %dma_wait3A_343] : memref<10240x48xf32, #tpu.memory_space<vmem_shared>> -> memref<10240x48xf32, #tpu.memory_space<vmem_shared>>
          %dma_wait3A_345 = tpu.memref_slice %arg11[%dma_wait3A_334] : memref<5x!tpu.dma_semaphore, #tpu.memory_space<semaphore_mem>> -> memref<1x!tpu.dma_semaphore, #tpu.memory_space<semaphore_mem>>
          %dma_wait3A_346 = tpu.memref_squeeze %dma_wait3A_345 : memref<1x!tpu.dma_semaphore, #tpu.memory_space<semaphore_mem>> -> memref<!tpu.dma_semaphore, #tpu.memory_space<semaphore_mem>>
          tpu.wait_indirect_dma semaphore(%dma_wait3A_346 : memref<!tpu.dma_semaphore, #tpu.memory_space<semaphore_mem>>) src(%dma_wait3A_338 : memref<100x48xf32, #tpu.memory_space<vmem>>) dst(%dma_wait3A_344 : memref<10240x48xf32, #tpu.memory_space<vmem_shared>>)
        } else {
        }
        %add3A_317 = arith.constant 2 : i32
        %add3A_318 = arith.addi %add3A_160, %add3A_317 : i32
        %dma_start3A_319 = arith.constant 3 : i32
        %dma_start3A_320 = arith.constant 3 : i32
        %dma_start3A_321 = arith.constant 0 : i32
        %dma_start3A_322 = arith.constant 0 : i32
        %dma_start3A_323 = tpu.memref_slice %arg8[%dma_start3A_319, %dma_start3A_321, %dma_start3A_322] : memref<5x100x48xf32, #tpu.memory_space<vmem>> -> memref<1x100x48xf32, #tpu.memory_space<vmem>>
        %dma_start3A_324 = tpu.memref_squeeze %dma_start3A_323 : memref<1x100x48xf32, #tpu.memory_space<vmem>> -> memref<100x48xf32, #tpu.memory_space<vmem>>
        %dma_start3A_325 = arith.constant 0 : i32
        %dma_start3A_326 = tpu.memref_slice %arg6[%add3A_318, %dma_start3A_325] : memref<100x100xi32, #tpu.memory_space<vmem>> -> memref<1x100xi32, #tpu.memory_space<vmem>>
        %dma_start3A_327 = tpu.memref_squeeze %dma_start3A_326 : memref<1x100xi32, #tpu.memory_space<vmem>> -> memref<100xi32, #tpu.memory_space<vmem>>
        %dma_start3A_328 = arith.constant 0 : i32
        %dma_start3A_329 = arith.constant 0 : i32
        %dma_start3A_330 = tpu.memref_slice %arg2[%dma_start3A_328, %dma_start3A_329] : memref<10000x48xf32, #tpu.memory_space<hbm>> -> memref<10000x48xf32, #tpu.memory_space<hbm>>
        %dma_start3A_331 = tpu.memref_slice %arg10[%dma_start3A_320] : memref<5x!tpu.dma_semaphore, #tpu.memory_space<semaphore_mem>> -> memref<1x!tpu.dma_semaphore, #tpu.memory_space<semaphore_mem>>
        %dma_start3A_332 = tpu.memref_squeeze %dma_start3A_331 : memref<1x!tpu.dma_semaphore, #tpu.memory_space<semaphore_mem>> -> memref<!tpu.dma_semaphore, #tpu.memory_space<semaphore_mem>>
        tpu.enqueue_indirect_dma source(%dma_start3A_330 : memref<10000x48xf32, #tpu.memory_space<hbm>>) target(%dma_start3A_324 : memref<100x48xf32, #tpu.memory_space<vmem>>) offsets(%dma_start3A_327 : memref<100xi32, #tpu.memory_space<vmem>>) semaphore(%dma_start3A_332 : memref<!tpu.dma_semaphore, #tpu.memory_space<semaphore_mem>>)
      } else {
      }
      %mul3A_196 = arith.constant 5 : i32
      %mul3A_197 = arith.muli %mul3A_196, %add3A_120 : i32
      %add3A_198 = arith.constant 2 : i32
      %add3A_199 = arith.addi %mul3A_197, %add3A_198 : i32
      %dma_wait3A_200 = arith.constant 2 : i32
      %dma_wait3A_201 = arith.constant 2 : i32
      %dma_wait3A_202 = arith.constant 0 : i32
      %dma_wait3A_203 = arith.constant 0 : i32
      %dma_wait3A_204 = tpu.memref_slice %arg8[%dma_wait3A_200, %dma_wait3A_202, %dma_wait3A_203] : memref<5x100x48xf32, #tpu.memory_space<vmem>> -> memref<1x100x48xf32, #tpu.memory_space<vmem>>
      %dma_wait3A_205 = tpu.memref_squeeze %dma_wait3A_204 : memref<1x100x48xf32, #tpu.memory_space<vmem>> -> memref<100x48xf32, #tpu.memory_space<vmem>>
      %dma_wait3A_206 = arith.constant 0 : i32
      %dma_wait3A_207 = tpu.memref_slice %arg6[%add3A_199, %dma_wait3A_206] : memref<100x100xi32, #tpu.memory_space<vmem>> -> memref<1x100xi32, #tpu.memory_space<vmem>>
      %dma_wait3A_208 = tpu.memref_squeeze %dma_wait3A_207 : memref<1x100xi32, #tpu.memory_space<vmem>> -> memref<100xi32, #tpu.memory_space<vmem>>
      %dma_wait3A_209 = arith.constant 0 : i32
      %dma_wait3A_210 = arith.constant 0 : i32
      %dma_wait3A_211 = tpu.memref_slice %arg2[%dma_wait3A_209, %dma_wait3A_210] : memref<10000x48xf32, #tpu.memory_space<hbm>> -> memref<10000x48xf32, #tpu.memory_space<hbm>>
      %dma_wait3A_212 = tpu.memref_slice %arg10[%dma_wait3A_201] : memref<5x!tpu.dma_semaphore, #tpu.memory_space<semaphore_mem>> -> memref<1x!tpu.dma_semaphore, #tpu.memory_space<semaphore_mem>>
      %dma_wait3A_213 = tpu.memref_squeeze %dma_wait3A_212 : memref<1x!tpu.dma_semaphore, #tpu.memory_space<semaphore_mem>> -> memref<!tpu.dma_semaphore, #tpu.memory_space<semaphore_mem>>
      tpu.wait_indirect_dma semaphore(%dma_wait3A_213 : memref<!tpu.dma_semaphore, #tpu.memory_space<semaphore_mem>>) src(%dma_wait3A_211 : memref<10000x48xf32, #tpu.memory_space<hbm>>) dst(%dma_wait3A_205 : memref<100x48xf32, #tpu.memory_space<vmem>>)
      %dma_start3A_214 = arith.constant 2 : i32
      %dma_start3A_215 = arith.constant 2 : i32
      %dma_start3A_216 = arith.constant 0 : i32
      %dma_start3A_217 = arith.constant 0 : i32
      %dma_start3A_218 = tpu.memref_slice %arg8[%dma_start3A_214, %dma_start3A_216, %dma_start3A_217] : memref<5x100x48xf32, #tpu.memory_space<vmem>> -> memref<1x100x48xf32, #tpu.memory_space<vmem>>
      %dma_start3A_219 = tpu.memref_squeeze %dma_start3A_218 : memref<1x100x48xf32, #tpu.memory_space<vmem>> -> memref<100x48xf32, #tpu.memory_space<vmem>>
      %dma_start3A_220 = arith.constant 0 : i32
      %dma_start3A_221 = tpu.memref_slice %arg7[%add3A_199, %dma_start3A_220] : memref<100x100xi32, #tpu.memory_space<vmem>> -> memref<1x100xi32, #tpu.memory_space<vmem>>
      %dma_start3A_222 = tpu.memref_squeeze %dma_start3A_221 : memref<1x100xi32, #tpu.memory_space<vmem>> -> memref<100xi32, #tpu.memory_space<vmem>>
      %dma_start3A_223 = arith.constant 0 : i32
      %dma_start3A_224 = arith.constant 0 : i32
      %dma_start3A_225 = tpu.memref_slice %arg9[%dma_start3A_223, %dma_start3A_224] : memref<10240x48xf32, #tpu.memory_space<vmem_shared>> -> memref<10240x48xf32, #tpu.memory_space<vmem_shared>>
      %dma_start3A_226 = tpu.memref_slice %arg11[%dma_start3A_215] : memref<5x!tpu.dma_semaphore, #tpu.memory_space<semaphore_mem>> -> memref<1x!tpu.dma_semaphore, #tpu.memory_space<semaphore_mem>>
      %dma_start3A_227 = tpu.memref_squeeze %dma_start3A_226 : memref<1x!tpu.dma_semaphore, #tpu.memory_space<semaphore_mem>> -> memref<!tpu.dma_semaphore, #tpu.memory_space<semaphore_mem>>
      tpu.enqueue_indirect_dma source(%dma_start3A_219 : memref<100x48xf32, #tpu.memory_space<vmem>>) target(%dma_start3A_225 : memref<10240x48xf32, #tpu.memory_space<vmem_shared>>) offsets(%dma_start3A_222 : memref<100xi32, #tpu.memory_space<vmem>>) semaphore(%dma_start3A_227 : memref<!tpu.dma_semaphore, #tpu.memory_space<semaphore_mem>>) {add = true}
      %add3A_228 = arith.constant 2 : i32
      %add3A_229 = arith.addi %add3A_199, %add3A_228 : i32
      %lt3A_230 = arith.constant 100 : i32
      %lt3A_231 = arith.cmpi slt, %add3A_229, %lt3A_230 : i32
      %convert_element_type3A_232 = arith.extui %lt3A_231 : i1 to i32
      %cond3A_233 = arith.constant 0 : i32
      %cond3A_234 = arith.cmpi ne, %convert_element_type3A_232, %cond3A_233 : i32
      scf.if %cond3A_234 {
        %ge3A = arith.constant 3 : i32
        %ge3A_313 = arith.cmpi sge, %add3A_199, %ge3A : i32
        %convert_element_type3A_314 = arith.extui %ge3A_313 : i1 to i32
        %cond3A_315 = arith.constant 0 : i32
        %cond3A_316 = arith.cmpi ne, %convert_element_type3A_314, %cond3A_315 : i32
        scf.if %cond3A_316 {
          %dma_wait3A_333 = arith.constant 4 : i32
          %dma_wait3A_334 = arith.constant 4 : i32
          %dma_wait3A_335 = arith.constant 0 : i32
          %dma_wait3A_336 = arith.constant 0 : i32
          %dma_wait3A_337 = tpu.memref_slice %arg8[%dma_wait3A_333, %dma_wait3A_335, %dma_wait3A_336] : memref<5x100x48xf32, #tpu.memory_space<vmem>> -> memref<1x100x48xf32, #tpu.memory_space<vmem>>
          %dma_wait3A_338 = tpu.memref_squeeze %dma_wait3A_337 : memref<1x100x48xf32, #tpu.memory_space<vmem>> -> memref<100x48xf32, #tpu.memory_space<vmem>>
          %dma_wait3A_339 = arith.constant 0 : i32
          %dma_wait3A_340 = tpu.memref_slice %arg7[%add3A_199, %dma_wait3A_339] : memref<100x100xi32, #tpu.memory_space<vmem>> -> memref<1x100xi32, #tpu.memory_space<vmem>>
          %dma_wait3A_341 = tpu.memref_squeeze %dma_wait3A_340 : memref<1x100xi32, #tpu.memory_space<vmem>> -> memref<100xi32, #tpu.memory_space<vmem>>
          %dma_wait3A_342 = arith.constant 0 : i32
          %dma_wait3A_343 = arith.constant 0 : i32
          %dma_wait3A_344 = tpu.memref_slice %arg9[%dma_wait3A_342, %dma_wait3A_343] : memref<10240x48xf32, #tpu.memory_space<vmem_shared>> -> memref<10240x48xf32, #tpu.memory_space<vmem_shared>>
          %dma_wait3A_345 = tpu.memref_slice %arg11[%dma_wait3A_334] : memref<5x!tpu.dma_semaphore, #tpu.memory_space<semaphore_mem>> -> memref<1x!tpu.dma_semaphore, #tpu.memory_space<semaphore_mem>>
          %dma_wait3A_346 = tpu.memref_squeeze %dma_wait3A_345 : memref<1x!tpu.dma_semaphore, #tpu.memory_space<semaphore_mem>> -> memref<!tpu.dma_semaphore, #tpu.memory_space<semaphore_mem>>
          tpu.wait_indirect_dma semaphore(%dma_wait3A_346 : memref<!tpu.dma_semaphore, #tpu.memory_space<semaphore_mem>>) src(%dma_wait3A_338 : memref<100x48xf32, #tpu.memory_space<vmem>>) dst(%dma_wait3A_344 : memref<10240x48xf32, #tpu.memory_space<vmem_shared>>)
        } else {
        }
        %add3A_317 = arith.constant 2 : i32
        %add3A_318 = arith.addi %add3A_199, %add3A_317 : i32
        %dma_start3A_319 = arith.constant 4 : i32
        %dma_start3A_320 = arith.constant 4 : i32
        %dma_start3A_321 = arith.constant 0 : i32
        %dma_start3A_322 = arith.constant 0 : i32
        %dma_start3A_323 = tpu.memref_slice %arg8[%dma_start3A_319, %dma_start3A_321, %dma_start3A_322] : memref<5x100x48xf32, #tpu.memory_space<vmem>> -> memref<1x100x48xf32, #tpu.memory_space<vmem>>
        %dma_start3A_324 = tpu.memref_squeeze %dma_start3A_323 : memref<1x100x48xf32, #tpu.memory_space<vmem>> -> memref<100x48xf32, #tpu.memory_space<vmem>>
        %dma_start3A_325 = arith.constant 0 : i32
        %dma_start3A_326 = tpu.memref_slice %arg6[%add3A_318, %dma_start3A_325] : memref<100x100xi32, #tpu.memory_space<vmem>> -> memref<1x100xi32, #tpu.memory_space<vmem>>
        %dma_start3A_327 = tpu.memref_squeeze %dma_start3A_326 : memref<1x100xi32, #tpu.memory_space<vmem>> -> memref<100xi32, #tpu.memory_space<vmem>>
        %dma_start3A_328 = arith.constant 0 : i32
        %dma_start3A_329 = arith.constant 0 : i32
        %dma_start3A_330 = tpu.memref_slice %arg2[%dma_start3A_328, %dma_start3A_329] : memref<10000x48xf32, #tpu.memory_space<hbm>> -> memref<10000x48xf32, #tpu.memory_space<hbm>>
        %dma_start3A_331 = tpu.memref_slice %arg10[%dma_start3A_320] : memref<5x!tpu.dma_semaphore, #tpu.memory_space<semaphore_mem>> -> memref<1x!tpu.dma_semaphore, #tpu.memory_space<semaphore_mem>>
        %dma_start3A_332 = tpu.memref_squeeze %dma_start3A_331 : memref<1x!tpu.dma_semaphore, #tpu.memory_space<semaphore_mem>> -> memref<!tpu.dma_semaphore, #tpu.memory_space<semaphore_mem>>
        tpu.enqueue_indirect_dma source(%dma_start3A_330 : memref<10000x48xf32, #tpu.memory_space<hbm>>) target(%dma_start3A_324 : memref<100x48xf32, #tpu.memory_space<vmem>>) offsets(%dma_start3A_327 : memref<100xi32, #tpu.memory_space<vmem>>) semaphore(%dma_start3A_332 : memref<!tpu.dma_semaphore, #tpu.memory_space<semaphore_mem>>)
      } else {
      }
      %mul3A_235 = arith.constant 5 : i32
      %mul3A_236 = arith.muli %mul3A_235, %add3A_120 : i32
      %add3A_237 = arith.constant 3 : i32
      %add3A_238 = arith.addi %mul3A_236, %add3A_237 : i32
      %dma_wait3A_239 = arith.constant 3 : i32
      %dma_wait3A_240 = arith.constant 3 : i32
      %dma_wait3A_241 = arith.constant 0 : i32
      %dma_wait3A_242 = arith.constant 0 : i32
      %dma_wait3A_243 = tpu.memref_slice %arg8[%dma_wait3A_239, %dma_wait3A_241, %dma_wait3A_242] : memref<5x100x48xf32, #tpu.memory_space<vmem>> -> memref<1x100x48xf32, #tpu.memory_space<vmem>>
      %dma_wait3A_244 = tpu.memref_squeeze %dma_wait3A_243 : memref<1x100x48xf32, #tpu.memory_space<vmem>> -> memref<100x48xf32, #tpu.memory_space<vmem>>
      %dma_wait3A_245 = arith.constant 0 : i32
      %dma_wait3A_246 = tpu.memref_slice %arg6[%add3A_238, %dma_wait3A_245] : memref<100x100xi32, #tpu.memory_space<vmem>> -> memref<1x100xi32, #tpu.memory_space<vmem>>
      %dma_wait3A_247 = tpu.memref_squeeze %dma_wait3A_246 : memref<1x100xi32, #tpu.memory_space<vmem>> -> memref<100xi32, #tpu.memory_space<vmem>>
      %dma_wait3A_248 = arith.constant 0 : i32
      %dma_wait3A_249 = arith.constant 0 : i32
      %dma_wait3A_250 = tpu.memref_slice %arg2[%dma_wait3A_248, %dma_wait3A_249] : memref<10000x48xf32, #tpu.memory_space<hbm>> -> memref<10000x48xf32, #tpu.memory_space<hbm>>
      %dma_wait3A_251 = tpu.memref_slice %arg10[%dma_wait3A_240] : memref<5x!tpu.dma_semaphore, #tpu.memory_space<semaphore_mem>> -> memref<1x!tpu.dma_semaphore, #tpu.memory_space<semaphore_mem>>
      %dma_wait3A_252 = tpu.memref_squeeze %dma_wait3A_251 : memref<1x!tpu.dma_semaphore, #tpu.memory_space<semaphore_mem>> -> memref<!tpu.dma_semaphore, #tpu.memory_space<semaphore_mem>>
      tpu.wait_indirect_dma semaphore(%dma_wait3A_252 : memref<!tpu.dma_semaphore, #tpu.memory_space<semaphore_mem>>) src(%dma_wait3A_250 : memref<10000x48xf32, #tpu.memory_space<hbm>>) dst(%dma_wait3A_244 : memref<100x48xf32, #tpu.memory_space<vmem>>)
      %dma_start3A_253 = arith.constant 3 : i32
      %dma_start3A_254 = arith.constant 3 : i32
      %dma_start3A_255 = arith.constant 0 : i32
      %dma_start3A_256 = arith.constant 0 : i32
      %dma_start3A_257 = tpu.memref_slice %arg8[%dma_start3A_253, %dma_start3A_255, %dma_start3A_256] : memref<5x100x48xf32, #tpu.memory_space<vmem>> -> memref<1x100x48xf32, #tpu.memory_space<vmem>>
      %dma_start3A_258 = tpu.memref_squeeze %dma_start3A_257 : memref<1x100x48xf32, #tpu.memory_space<vmem>> -> memref<100x48xf32, #tpu.memory_space<vmem>>
      %dma_start3A_259 = arith.constant 0 : i32
      %dma_start3A_260 = tpu.memref_slice %arg7[%add3A_238, %dma_start3A_259] : memref<100x100xi32, #tpu.memory_space<vmem>> -> memref<1x100xi32, #tpu.memory_space<vmem>>
      %dma_start3A_261 = tpu.memref_squeeze %dma_start3A_260 : memref<1x100xi32, #tpu.memory_space<vmem>> -> memref<100xi32, #tpu.memory_space<vmem>>
      %dma_start3A_262 = arith.constant 0 : i32
      %dma_start3A_263 = arith.constant 0 : i32
      %dma_start3A_264 = tpu.memref_slice %arg9[%dma_start3A_262, %dma_start3A_263] : memref<10240x48xf32, #tpu.memory_space<vmem_shared>> -> memref<10240x48xf32, #tpu.memory_space<vmem_shared>>
      %dma_start3A_265 = tpu.memref_slice %arg11[%dma_start3A_254] : memref<5x!tpu.dma_semaphore, #tpu.memory_space<semaphore_mem>> -> memref<1x!tpu.dma_semaphore, #tpu.memory_space<semaphore_mem>>
      %dma_start3A_266 = tpu.memref_squeeze %dma_start3A_265 : memref<1x!tpu.dma_semaphore, #tpu.memory_space<semaphore_mem>> -> memref<!tpu.dma_semaphore, #tpu.memory_space<semaphore_mem>>
      tpu.enqueue_indirect_dma source(%dma_start3A_258 : memref<100x48xf32, #tpu.memory_space<vmem>>) target(%dma_start3A_264 : memref<10240x48xf32, #tpu.memory_space<vmem_shared>>) offsets(%dma_start3A_261 : memref<100xi32, #tpu.memory_space<vmem>>) semaphore(%dma_start3A_266 : memref<!tpu.dma_semaphore, #tpu.memory_space<semaphore_mem>>) {add = true}
      %add3A_267 = arith.constant 2 : i32
      %add3A_268 = arith.addi %add3A_238, %add3A_267 : i32
      %lt3A_269 = arith.constant 100 : i32
      %lt3A_270 = arith.cmpi slt, %add3A_268, %lt3A_269 : i32
      %convert_element_type3A_271 = arith.extui %lt3A_270 : i1 to i32
      %cond3A_272 = arith.constant 0 : i32
      %cond3A_273 = arith.cmpi ne, %convert_element_type3A_271, %cond3A_272 : i32
      scf.if %cond3A_273 {
        %ge3A = arith.constant 3 : i32
        %ge3A_313 = arith.cmpi sge, %add3A_238, %ge3A : i32
        %convert_element_type3A_314 = arith.extui %ge3A_313 : i1 to i32
        %cond3A_315 = arith.constant 0 : i32
        %cond3A_316 = arith.cmpi ne, %convert_element_type3A_314, %cond3A_315 : i32
        scf.if %cond3A_316 {
          %dma_wait3A_333 = arith.constant 0 : i32
          %dma_wait3A_334 = arith.constant 0 : i32
          %dma_wait3A_335 = arith.constant 0 : i32
          %dma_wait3A_336 = arith.constant 0 : i32
          %dma_wait3A_337 = tpu.memref_slice %arg8[%dma_wait3A_333, %dma_wait3A_335, %dma_wait3A_336] : memref<5x100x48xf32, #tpu.memory_space<vmem>> -> memref<1x100x48xf32, #tpu.memory_space<vmem>>
          %dma_wait3A_338 = tpu.memref_squeeze %dma_wait3A_337 : memref<1x100x48xf32, #tpu.memory_space<vmem>> -> memref<100x48xf32, #tpu.memory_space<vmem>>
          %dma_wait3A_339 = arith.constant 0 : i32
          %dma_wait3A_340 = tpu.memref_slice %arg7[%add3A_238, %dma_wait3A_339] : memref<100x100xi32, #tpu.memory_space<vmem>> -> memref<1x100xi32, #tpu.memory_space<vmem>>
          %dma_wait3A_341 = tpu.memref_squeeze %dma_wait3A_340 : memref<1x100xi32, #tpu.memory_space<vmem>> -> memref<100xi32, #tpu.memory_space<vmem>>
          %dma_wait3A_342 = arith.constant 0 : i32
          %dma_wait3A_343 = arith.constant 0 : i32
          %dma_wait3A_344 = tpu.memref_slice %arg9[%dma_wait3A_342, %dma_wait3A_343] : memref<10240x48xf32, #tpu.memory_space<vmem_shared>> -> memref<10240x48xf32, #tpu.memory_space<vmem_shared>>
          %dma_wait3A_345 = tpu.memref_slice %arg11[%dma_wait3A_334] : memref<5x!tpu.dma_semaphore, #tpu.memory_space<semaphore_mem>> -> memref<1x!tpu.dma_semaphore, #tpu.memory_space<semaphore_mem>>
          %dma_wait3A_346 = tpu.memref_squeeze %dma_wait3A_345 : memref<1x!tpu.dma_semaphore, #tpu.memory_space<semaphore_mem>> -> memref<!tpu.dma_semaphore, #tpu.memory_space<semaphore_mem>>
          tpu.wait_indirect_dma semaphore(%dma_wait3A_346 : memref<!tpu.dma_semaphore, #tpu.memory_space<semaphore_mem>>) src(%dma_wait3A_338 : memref<100x48xf32, #tpu.memory_space<vmem>>) dst(%dma_wait3A_344 : memref<10240x48xf32, #tpu.memory_space<vmem_shared>>)
        } else {
        }
        %add3A_317 = arith.constant 2 : i32
        %add3A_318 = arith.addi %add3A_238, %add3A_317 : i32
        %dma_start3A_319 = arith.constant 0 : i32
        %dma_start3A_320 = arith.constant 0 : i32
        %dma_start3A_321 = arith.constant 0 : i32
        %dma_start3A_322 = arith.constant 0 : i32
        %dma_start3A_323 = tpu.memref_slice %arg8[%dma_start3A_319, %dma_start3A_321, %dma_start3A_322] : memref<5x100x48xf32, #tpu.memory_space<vmem>> -> memref<1x100x48xf32, #tpu.memory_space<vmem>>
        %dma_start3A_324 = tpu.memref_squeeze %dma_start3A_323 : memref<1x100x48xf32, #tpu.memory_space<vmem>> -> memref<100x48xf32, #tpu.memory_space<vmem>>
        %dma_start3A_325 = arith.constant 0 : i32
        %dma_start3A_326 = tpu.memref_slice %arg6[%add3A_318, %dma_start3A_325] : memref<100x100xi32, #tpu.memory_space<vmem>> -> memref<1x100xi32, #tpu.memory_space<vmem>>
        %dma_start3A_327 = tpu.memref_squeeze %dma_start3A_326 : memref<1x100xi32, #tpu.memory_space<vmem>> -> memref<100xi32, #tpu.memory_space<vmem>>
        %dma_start3A_328 = arith.constant 0 : i32
        %dma_start3A_329 = arith.constant 0 : i32
        %dma_start3A_330 = tpu.memref_slice %arg2[%dma_start3A_328, %dma_start3A_329] : memref<10000x48xf32, #tpu.memory_space<hbm>> -> memref<10000x48xf32, #tpu.memory_space<hbm>>
        %dma_start3A_331 = tpu.memref_slice %arg10[%dma_start3A_320] : memref<5x!tpu.dma_semaphore, #tpu.memory_space<semaphore_mem>> -> memref<1x!tpu.dma_semaphore, #tpu.memory_space<semaphore_mem>>
        %dma_start3A_332 = tpu.memref_squeeze %dma_start3A_331 : memref<1x!tpu.dma_semaphore, #tpu.memory_space<semaphore_mem>> -> memref<!tpu.dma_semaphore, #tpu.memory_space<semaphore_mem>>
        tpu.enqueue_indirect_dma source(%dma_start3A_330 : memref<10000x48xf32, #tpu.memory_space<hbm>>) target(%dma_start3A_324 : memref<100x48xf32, #tpu.memory_space<vmem>>) offsets(%dma_start3A_327 : memref<100xi32, #tpu.memory_space<vmem>>) semaphore(%dma_start3A_332 : memref<!tpu.dma_semaphore, #tpu.memory_space<semaphore_mem>>)
      } else {
      }
      %mul3A_274 = arith.constant 5 : i32
      %mul3A_275 = arith.muli %mul3A_274, %add3A_120 : i32
      %add3A_276 = arith.constant 4 : i32
      %add3A_277 = arith.addi %mul3A_275, %add3A_276 : i32
      %dma_wait3A_278 = arith.constant 4 : i32
      %dma_wait3A_279 = arith.constant 4 : i32
      %dma_wait3A_280 = arith.constant 0 : i32
      %dma_wait3A_281 = arith.constant 0 : i32
      %dma_wait3A_282 = tpu.memref_slice %arg8[%dma_wait3A_278, %dma_wait3A_280, %dma_wait3A_281] : memref<5x100x48xf32, #tpu.memory_space<vmem>> -> memref<1x100x48xf32, #tpu.memory_space<vmem>>
      %dma_wait3A_283 = tpu.memref_squeeze %dma_wait3A_282 : memref<1x100x48xf32, #tpu.memory_space<vmem>> -> memref<100x48xf32, #tpu.memory_space<vmem>>
      %dma_wait3A_284 = arith.constant 0 : i32
      %dma_wait3A_285 = tpu.memref_slice %arg6[%add3A_277, %dma_wait3A_284] : memref<100x100xi32, #tpu.memory_space<vmem>> -> memref<1x100xi32, #tpu.memory_space<vmem>>
      %dma_wait3A_286 = tpu.memref_squeeze %dma_wait3A_285 : memref<1x100xi32, #tpu.memory_space<vmem>> -> memref<100xi32, #tpu.memory_space<vmem>>
      %dma_wait3A_287 = arith.constant 0 : i32
      %dma_wait3A_288 = arith.constant 0 : i32
      %dma_wait3A_289 = tpu.memref_slice %arg2[%dma_wait3A_287, %dma_wait3A_288] : memref<10000x48xf32, #tpu.memory_space<hbm>> -> memref<10000x48xf32, #tpu.memory_space<hbm>>
      %dma_wait3A_290 = tpu.memref_slice %arg10[%dma_wait3A_279] : memref<5x!tpu.dma_semaphore, #tpu.memory_space<semaphore_mem>> -> memref<1x!tpu.dma_semaphore, #tpu.memory_space<semaphore_mem>>
      %dma_wait3A_291 = tpu.memref_squeeze %dma_wait3A_290 : memref<1x!tpu.dma_semaphore, #tpu.memory_space<semaphore_mem>> -> memref<!tpu.dma_semaphore, #tpu.memory_space<semaphore_mem>>
      tpu.wait_indirect_dma semaphore(%dma_wait3A_291 : memref<!tpu.dma_semaphore, #tpu.memory_space<semaphore_mem>>) src(%dma_wait3A_289 : memref<10000x48xf32, #tpu.memory_space<hbm>>) dst(%dma_wait3A_283 : memref<100x48xf32, #tpu.memory_space<vmem>>)
      %dma_start3A_292 = arith.constant 4 : i32
      %dma_start3A_293 = arith.constant 4 : i32
      %dma_start3A_294 = arith.constant 0 : i32
      %dma_start3A_295 = arith.constant 0 : i32
      %dma_start3A_296 = tpu.memref_slice %arg8[%dma_start3A_292, %dma_start3A_294, %dma_start3A_295] : memref<5x100x48xf32, #tpu.memory_space<vmem>> -> memref<1x100x48xf32, #tpu.memory_space<vmem>>
      %dma_start3A_297 = tpu.memref_squeeze %dma_start3A_296 : memref<1x100x48xf32, #tpu.memory_space<vmem>> -> memref<100x48xf32, #tpu.memory_space<vmem>>
      %dma_start3A_298 = arith.constant 0 : i32
      %dma_start3A_299 = tpu.memref_slice %arg7[%add3A_277, %dma_start3A_298] : memref<100x100xi32, #tpu.memory_space<vmem>> -> memref<1x100xi32, #tpu.memory_space<vmem>>
      %dma_start3A_300 = tpu.memref_squeeze %dma_start3A_299 : memref<1x100xi32, #tpu.memory_space<vmem>> -> memref<100xi32, #tpu.memory_space<vmem>>
      %dma_start3A_301 = arith.constant 0 : i32
      %dma_start3A_302 = arith.constant 0 : i32
      %dma_start3A_303 = tpu.memref_slice %arg9[%dma_start3A_301, %dma_start3A_302] : memref<10240x48xf32, #tpu.memory_space<vmem_shared>> -> memref<10240x48xf32, #tpu.memory_space<vmem_shared>>
      %dma_start3A_304 = tpu.memref_slice %arg11[%dma_start3A_293] : memref<5x!tpu.dma_semaphore, #tpu.memory_space<semaphore_mem>> -> memref<1x!tpu.dma_semaphore, #tpu.memory_space<semaphore_mem>>
      %dma_start3A_305 = tpu.memref_squeeze %dma_start3A_304 : memref<1x!tpu.dma_semaphore, #tpu.memory_space<semaphore_mem>> -> memref<!tpu.dma_semaphore, #tpu.memory_space<semaphore_mem>>
      tpu.enqueue_indirect_dma source(%dma_start3A_297 : memref<100x48xf32, #tpu.memory_space<vmem>>) target(%dma_start3A_303 : memref<10240x48xf32, #tpu.memory_space<vmem_shared>>) offsets(%dma_start3A_300 : memref<100xi32, #tpu.memory_space<vmem>>) semaphore(%dma_start3A_305 : memref<!tpu.dma_semaphore, #tpu.memory_space<semaphore_mem>>) {add = true}
      %add3A_306 = arith.constant 2 : i32
      %add3A_307 = arith.addi %add3A_277, %add3A_306 : i32
      %lt3A_308 = arith.constant 100 : i32
      %lt3A_309 = arith.cmpi slt, %add3A_307, %lt3A_308 : i32
      %convert_element_type3A_310 = arith.extui %lt3A_309 : i1 to i32
      %cond3A_311 = arith.constant 0 : i32
      %cond3A_312 = arith.cmpi ne, %convert_element_type3A_310, %cond3A_311 : i32
      scf.if %cond3A_312 {
        %ge3A = arith.constant 3 : i32
        %ge3A_313 = arith.cmpi sge, %add3A_277, %ge3A : i32
        %convert_element_type3A_314 = arith.extui %ge3A_313 : i1 to i32
        %cond3A_315 = arith.constant 0 : i32
        %cond3A_316 = arith.cmpi ne, %convert_element_type3A_314, %cond3A_315 : i32
        scf.if %cond3A_316 {
          %dma_wait3A_333 = arith.constant 1 : i32
          %dma_wait3A_334 = arith.constant 1 : i32
          %dma_wait3A_335 = arith.constant 0 : i32
          %dma_wait3A_336 = arith.constant 0 : i32
          %dma_wait3A_337 = tpu.memref_slice %arg8[%dma_wait3A_333, %dma_wait3A_335, %dma_wait3A_336] : memref<5x100x48xf32, #tpu.memory_space<vmem>> -> memref<1x100x48xf32, #tpu.memory_space<vmem>>
          %dma_wait3A_338 = tpu.memref_squeeze %dma_wait3A_337 : memref<1x100x48xf32, #tpu.memory_space<vmem>> -> memref<100x48xf32, #tpu.memory_space<vmem>>
          %dma_wait3A_339 = arith.constant 0 : i32
          %dma_wait3A_340 = tpu.memref_slice %arg7[%add3A_277, %dma_wait3A_339] : memref<100x100xi32, #tpu.memory_space<vmem>> -> memref<1x100xi32, #tpu.memory_space<vmem>>
          %dma_wait3A_341 = tpu.memref_squeeze %dma_wait3A_340 : memref<1x100xi32, #tpu.memory_space<vmem>> -> memref<100xi32, #tpu.memory_space<vmem>>
          %dma_wait3A_342 = arith.constant 0 : i32
          %dma_wait3A_343 = arith.constant 0 : i32
          %dma_wait3A_344 = tpu.memref_slice %arg9[%dma_wait3A_342, %dma_wait3A_343] : memref<10240x48xf32, #tpu.memory_space<vmem_shared>> -> memref<10240x48xf32, #tpu.memory_space<vmem_shared>>
          %dma_wait3A_345 = tpu.memref_slice %arg11[%dma_wait3A_334] : memref<5x!tpu.dma_semaphore, #tpu.memory_space<semaphore_mem>> -> memref<1x!tpu.dma_semaphore, #tpu.memory_space<semaphore_mem>>
          %dma_wait3A_346 = tpu.memref_squeeze %dma_wait3A_345 : memref<1x!tpu.dma_semaphore, #tpu.memory_space<semaphore_mem>> -> memref<!tpu.dma_semaphore, #tpu.memory_space<semaphore_mem>>
          tpu.wait_indirect_dma semaphore(%dma_wait3A_346 : memref<!tpu.dma_semaphore, #tpu.memory_space<semaphore_mem>>) src(%dma_wait3A_338 : memref<100x48xf32, #tpu.memory_space<vmem>>) dst(%dma_wait3A_344 : memref<10240x48xf32, #tpu.memory_space<vmem_shared>>)
        } else {
        }
        %add3A_317 = arith.constant 2 : i32
        %add3A_318 = arith.addi %add3A_277, %add3A_317 : i32
        %dma_start3A_319 = arith.constant 1 : i32
        %dma_start3A_320 = arith.constant 1 : i32
        %dma_start3A_321 = arith.constant 0 : i32
        %dma_start3A_322 = arith.constant 0 : i32
        %dma_start3A_323 = tpu.memref_slice %arg8[%dma_start3A_319, %dma_start3A_321, %dma_start3A_322] : memref<5x100x48xf32, #tpu.memory_space<vmem>> -> memref<1x100x48xf32, #tpu.memory_space<vmem>>
        %dma_start3A_324 = tpu.memref_squeeze %dma_start3A_323 : memref<1x100x48xf32, #tpu.memory_space<vmem>> -> memref<100x48xf32, #tpu.memory_space<vmem>>
        %dma_start3A_325 = arith.constant 0 : i32
        %dma_start3A_326 = tpu.memref_slice %arg6[%add3A_318, %dma_start3A_325] : memref<100x100xi32, #tpu.memory_space<vmem>> -> memref<1x100xi32, #tpu.memory_space<vmem>>
        %dma_start3A_327 = tpu.memref_squeeze %dma_start3A_326 : memref<1x100xi32, #tpu.memory_space<vmem>> -> memref<100xi32, #tpu.memory_space<vmem>>
        %dma_start3A_328 = arith.constant 0 : i32
        %dma_start3A_329 = arith.constant 0 : i32
        %dma_start3A_330 = tpu.memref_slice %arg2[%dma_start3A_328, %dma_start3A_329] : memref<10000x48xf32, #tpu.memory_space<hbm>> -> memref<10000x48xf32, #tpu.memory_space<hbm>>
        %dma_start3A_331 = tpu.memref_slice %arg10[%dma_start3A_320] : memref<5x!tpu.dma_semaphore, #tpu.memory_space<semaphore_mem>> -> memref<1x!tpu.dma_semaphore, #tpu.memory_space<semaphore_mem>>
        %dma_start3A_332 = tpu.memref_squeeze %dma_start3A_331 : memref<1x!tpu.dma_semaphore, #tpu.memory_space<semaphore_mem>> -> memref<!tpu.dma_semaphore, #tpu.memory_space<semaphore_mem>>
        tpu.enqueue_indirect_dma source(%dma_start3A_330 : memref<10000x48xf32, #tpu.memory_space<hbm>>) target(%dma_start3A_324 : memref<100x48xf32, #tpu.memory_space<vmem>>) offsets(%dma_start3A_327 : memref<100xi32, #tpu.memory_space<vmem>>) semaphore(%dma_start3A_332 : memref<!tpu.dma_semaphore, #tpu.memory_space<semaphore_mem>>)
      } else {
      }
    }
    %scan3A_36 = arith.constant 20 : i32
    %dma_wait3A = arith.constant 0 : i32
    %dma_wait3A_37 = arith.constant 0 : i32
    %dma_wait3A_38 = arith.constant 0 : i32
    %dma_wait3A_39 = arith.constant 0 : i32
    %dma_wait3A_40 = arith.constant 0 : i32
    %dma_wait3A_41 = tpu.memref_slice %arg8[%dma_wait3A, %dma_wait3A_39, %dma_wait3A_40] : memref<5x100x48xf32, #tpu.memory_space<vmem>> -> memref<1x100x48xf32, #tpu.memory_space<vmem>>
    %dma_wait3A_42 = tpu.memref_squeeze %dma_wait3A_41 : memref<1x100x48xf32, #tpu.memory_space<vmem>> -> memref<100x48xf32, #tpu.memory_space<vmem>>
    %dma_wait3A_43 = arith.constant 0 : i32
    %dma_wait3A_44 = tpu.memref_slice %arg7[%dma_wait3A_37, %dma_wait3A_43] : memref<100x100xi32, #tpu.memory_space<vmem>> -> memref<1x100xi32, #tpu.memory_space<vmem>>
    %dma_wait3A_45 = tpu.memref_squeeze %dma_wait3A_44 : memref<1x100xi32, #tpu.memory_space<vmem>> -> memref<100xi32, #tpu.memory_space<vmem>>
    %dma_wait3A_46 = arith.constant 0 : i32
    %dma_wait3A_47 = arith.constant 0 : i32
    %dma_wait3A_48 = tpu.memref_slice %arg9[%dma_wait3A_46, %dma_wait3A_47] : memref<10240x48xf32, #tpu.memory_space<vmem_shared>> -> memref<10240x48xf32, #tpu.memory_space<vmem_shared>>
    %dma_wait3A_49 = tpu.memref_slice %arg11[%dma_wait3A_38] : memref<5x!tpu.dma_semaphore, #tpu.memory_space<semaphore_mem>> -> memref<1x!tpu.dma_semaphore, #tpu.memory_space<semaphore_mem>>
    %dma_wait3A_50 = tpu.memref_squeeze %dma_wait3A_49 : memref<1x!tpu.dma_semaphore, #tpu.memory_space<semaphore_mem>> -> memref<!tpu.dma_semaphore, #tpu.memory_space<semaphore_mem>>
    tpu.wait_indirect_dma semaphore(%dma_wait3A_50 : memref<!tpu.dma_semaphore, #tpu.memory_space<semaphore_mem>>) src(%dma_wait3A_42 : memref<100x48xf32, #tpu.memory_space<vmem>>) dst(%dma_wait3A_48 : memref<10240x48xf32, #tpu.memory_space<vmem_shared>>)
    %dma_wait3A_51 = arith.constant 1 : i32
    %dma_wait3A_52 = arith.constant 0 : i32
    %dma_wait3A_53 = arith.constant 1 : i32
    %dma_wait3A_54 = arith.constant 0 : i32
    %dma_wait3A_55 = arith.constant 0 : i32
    %dma_wait3A_56 = tpu.memref_slice %arg8[%dma_wait3A_51, %dma_wait3A_54, %dma_wait3A_55] : memref<5x100x48xf32, #tpu.memory_space<vmem>> -> memref<1x100x48xf32, #tpu.memory_space<vmem>>
    %dma_wait3A_57 = tpu.memref_squeeze %dma_wait3A_56 : memref<1x100x48xf32, #tpu.memory_space<vmem>> -> memref<100x48xf32, #tpu.memory_space<vmem>>
    %dma_wait3A_58 = arith.constant 0 : i32
    %dma_wait3A_59 = tpu.memref_slice %arg7[%dma_wait3A_52, %dma_wait3A_58] : memref<100x100xi32, #tpu.memory_space<vmem>> -> memref<1x100xi32, #tpu.memory_space<vmem>>
    %dma_wait3A_60 = tpu.memref_squeeze %dma_wait3A_59 : memref<1x100xi32, #tpu.memory_space<vmem>> -> memref<100xi32, #tpu.memory_space<vmem>>
    %dma_wait3A_61 = arith.constant 0 : i32
    %dma_wait3A_62 = arith.constant 0 : i32
    %dma_wait3A_63 = tpu.memref_slice %arg9[%dma_wait3A_61, %dma_wait3A_62] : memref<10240x48xf32, #tpu.memory_space<vmem_shared>> -> memref<10240x48xf32, #tpu.memory_space<vmem_shared>>
    %dma_wait3A_64 = tpu.memref_slice %arg11[%dma_wait3A_53] : memref<5x!tpu.dma_semaphore, #tpu.memory_space<semaphore_mem>> -> memref<1x!tpu.dma_semaphore, #tpu.memory_space<semaphore_mem>>
    %dma_wait3A_65 = tpu.memref_squeeze %dma_wait3A_64 : memref<1x!tpu.dma_semaphore, #tpu.memory_space<semaphore_mem>> -> memref<!tpu.dma_semaphore, #tpu.memory_space<semaphore_mem>>
    tpu.wait_indirect_dma semaphore(%dma_wait3A_65 : memref<!tpu.dma_semaphore, #tpu.memory_space<semaphore_mem>>) src(%dma_wait3A_57 : memref<100x48xf32, #tpu.memory_space<vmem>>) dst(%dma_wait3A_63 : memref<10240x48xf32, #tpu.memory_space<vmem_shared>>)
    %dma_wait3A_66 = arith.constant 2 : i32
    %dma_wait3A_67 = arith.constant 0 : i32
    %dma_wait3A_68 = arith.constant 2 : i32
    %dma_wait3A_69 = arith.constant 0 : i32
    %dma_wait3A_70 = arith.constant 0 : i32
    %dma_wait3A_71 = tpu.memref_slice %arg8[%dma_wait3A_66, %dma_wait3A_69, %dma_wait3A_70] : memref<5x100x48xf32, #tpu.memory_space<vmem>> -> memref<1x100x48xf32, #tpu.memory_space<vmem>>
    %dma_wait3A_72 = tpu.memref_squeeze %dma_wait3A_71 : memref<1x100x48xf32, #tpu.memory_space<vmem>> -> memref<100x48xf32, #tpu.memory_space<vmem>>
    %dma_wait3A_73 = arith.constant 0 : i32
    %dma_wait3A_74 = tpu.memref_slice %arg7[%dma_wait3A_67, %dma_wait3A_73] : memref<100x100xi32, #tpu.memory_space<vmem>> -> memref<1x100xi32, #tpu.memory_space<vmem>>
    %dma_wait3A_75 = tpu.memref_squeeze %dma_wait3A_74 : memref<1x100xi32, #tpu.memory_space<vmem>> -> memref<100xi32, #tpu.memory_space<vmem>>
    %dma_wait3A_76 = arith.constant 0 : i32
    %dma_wait3A_77 = arith.constant 0 : i32
    %dma_wait3A_78 = tpu.memref_slice %arg9[%dma_wait3A_76, %dma_wait3A_77] : memref<10240x48xf32, #tpu.memory_space<vmem_shared>> -> memref<10240x48xf32, #tpu.memory_space<vmem_shared>>
    %dma_wait3A_79 = tpu.memref_slice %arg11[%dma_wait3A_68] : memref<5x!tpu.dma_semaphore, #tpu.memory_space<semaphore_mem>> -> memref<1x!tpu.dma_semaphore, #tpu.memory_space<semaphore_mem>>
    %dma_wait3A_80 = tpu.memref_squeeze %dma_wait3A_79 : memref<1x!tpu.dma_semaphore, #tpu.memory_space<semaphore_mem>> -> memref<!tpu.dma_semaphore, #tpu.memory_space<semaphore_mem>>
    tpu.wait_indirect_dma semaphore(%dma_wait3A_80 : memref<!tpu.dma_semaphore, #tpu.memory_space<semaphore_mem>>) src(%dma_wait3A_72 : memref<100x48xf32, #tpu.memory_space<vmem>>) dst(%dma_wait3A_78 : memref<10240x48xf32, #tpu.memory_space<vmem_shared>>)
    %dma_wait3A_81 = arith.constant 3 : i32
    %dma_wait3A_82 = arith.constant 0 : i32
    %dma_wait3A_83 = arith.constant 3 : i32
    %dma_wait3A_84 = arith.constant 0 : i32
    %dma_wait3A_85 = arith.constant 0 : i32
    %dma_wait3A_86 = tpu.memref_slice %arg8[%dma_wait3A_81, %dma_wait3A_84, %dma_wait3A_85] : memref<5x100x48xf32, #tpu.memory_space<vmem>> -> memref<1x100x48xf32, #tpu.memory_space<vmem>>
    %dma_wait3A_87 = tpu.memref_squeeze %dma_wait3A_86 : memref<1x100x48xf32, #tpu.memory_space<vmem>> -> memref<100x48xf32, #tpu.memory_space<vmem>>
    %dma_wait3A_88 = arith.constant 0 : i32
    %dma_wait3A_89 = tpu.memref_slice %arg7[%dma_wait3A_82, %dma_wait3A_88] : memref<100x100xi32, #tpu.memory_space<vmem>> -> memref<1x100xi32, #tpu.memory_space<vmem>>
    %dma_wait3A_90 = tpu.memref_squeeze %dma_wait3A_89 : memref<1x100xi32, #tpu.memory_space<vmem>> -> memref<100xi32, #tpu.memory_space<vmem>>
    %dma_wait3A_91 = arith.constant 0 : i32
    %dma_wait3A_92 = arith.constant 0 : i32
    %dma_wait3A_93 = tpu.memref_slice %arg9[%dma_wait3A_91, %dma_wait3A_92] : memref<10240x48xf32, #tpu.memory_space<vmem_shared>> -> memref<10240x48xf32, #tpu.memory_space<vmem_shared>>
    %dma_wait3A_94 = tpu.memref_slice %arg11[%dma_wait3A_83] : memref<5x!tpu.dma_semaphore, #tpu.memory_space<semaphore_mem>> -> memref<1x!tpu.dma_semaphore, #tpu.memory_space<semaphore_mem>>
    %dma_wait3A_95 = tpu.memref_squeeze %dma_wait3A_94 : memref<1x!tpu.dma_semaphore, #tpu.memory_space<semaphore_mem>> -> memref<!tpu.dma_semaphore, #tpu.memory_space<semaphore_mem>>
    tpu.wait_indirect_dma semaphore(%dma_wait3A_95 : memref<!tpu.dma_semaphore, #tpu.memory_space<semaphore_mem>>) src(%dma_wait3A_87 : memref<100x48xf32, #tpu.memory_space<vmem>>) dst(%dma_wait3A_93 : memref<10240x48xf32, #tpu.memory_space<vmem_shared>>)
    %dma_wait3A_96 = arith.constant 4 : i32
    %dma_wait3A_97 = arith.constant 0 : i32
    %dma_wait3A_98 = arith.constant 4 : i32
    %dma_wait3A_99 = arith.constant 0 : i32
    %dma_wait3A_100 = arith.constant 0 : i32
    %dma_wait3A_101 = tpu.memref_slice %arg8[%dma_wait3A_96, %dma_wait3A_99, %dma_wait3A_100] : memref<5x100x48xf32, #tpu.memory_space<vmem>> -> memref<1x100x48xf32, #tpu.memory_space<vmem>>
    %dma_wait3A_102 = tpu.memref_squeeze %dma_wait3A_101 : memref<1x100x48xf32, #tpu.memory_space<vmem>> -> memref<100x48xf32, #tpu.memory_space<vmem>>
    %dma_wait3A_103 = arith.constant 0 : i32
    %dma_wait3A_104 = tpu.memref_slice %arg7[%dma_wait3A_97, %dma_wait3A_103] : memref<100x100xi32, #tpu.memory_space<vmem>> -> memref<1x100xi32, #tpu.memory_space<vmem>>
    %dma_wait3A_105 = tpu.memref_squeeze %dma_wait3A_104 : memref<1x100xi32, #tpu.memory_space<vmem>> -> memref<100xi32, #tpu.memory_space<vmem>>
    %dma_wait3A_106 = arith.constant 0 : i32
    %dma_wait3A_107 = arith.constant 0 : i32
    %dma_wait3A_108 = tpu.memref_slice %arg9[%dma_wait3A_106, %dma_wait3A_107] : memref<10240x48xf32, #tpu.memory_space<vmem_shared>> -> memref<10240x48xf32, #tpu.memory_space<vmem_shared>>
    %dma_wait3A_109 = tpu.memref_slice %arg11[%dma_wait3A_98] : memref<5x!tpu.dma_semaphore, #tpu.memory_space<semaphore_mem>> -> memref<1x!tpu.dma_semaphore, #tpu.memory_space<semaphore_mem>>
    %dma_wait3A_110 = tpu.memref_squeeze %dma_wait3A_109 : memref<1x!tpu.dma_semaphore, #tpu.memory_space<semaphore_mem>> -> memref<!tpu.dma_semaphore, #tpu.memory_space<semaphore_mem>>
    tpu.wait_indirect_dma semaphore(%dma_wait3A_110 : memref<!tpu.dma_semaphore, #tpu.memory_space<semaphore_mem>>) src(%dma_wait3A_102 : memref<100x48xf32, #tpu.memory_space<vmem>>) dst(%dma_wait3A_108 : memref<10240x48xf32, #tpu.memory_space<vmem_shared>>)
    %barrier3A_111 = arith.constant 0 : index
    tpu.barrier barrier_id(%barrier3A_111)
    %mul3A_112 = arith.constant 640 : i32
    %mul3A_113 = arith.muli %arg1, %mul3A_112 : i32
    %mul3A_114 = arith.constant 640 : i32
    %mul3A_115 = arith.muli %arg1, %mul3A_114 : i32
    "tpu.region"() ({
      %run_scoped3A_116 = tpu.sem_alloc : memref<!tpu.dma_semaphore, #tpu.memory_space<semaphore_mem>>
      %dma_start3A_117 = arith.constant 0 : i32
      %dma_start3A_118 = tpu.memref_slice %arg5[%arg0, %mul3A_115, %dma_start3A_117] : memref<2x10240x48xf32, #tpu.memory_space<hbm>> -> memref<1x640x48xf32, #tpu.memory_space<hbm>>
      %dma_start3A_119 = tpu.memref_squeeze %dma_start3A_118 : memref<1x640x48xf32, #tpu.memory_space<hbm>> -> memref<640x48xf32, #tpu.memory_space<hbm>>
      %dma_start3A_120 = arith.constant 0 : i32
      %dma_start3A_121 = tpu.memref_slice %arg9[%mul3A_113, %dma_start3A_120] : memref<10240x48xf32, #tpu.memory_space<vmem_shared>> -> memref<640x48xf32, #tpu.memory_space<vmem_shared>>
      tpu.enqueue_dma source(%dma_start3A_121 : memref<640x48xf32, #tpu.memory_space<vmem_shared>>) target(%dma_start3A_119 : memref<640x48xf32, #tpu.memory_space<hbm>>) target_semaphore(%run_scoped3A_116 : memref<!tpu.dma_semaphore, #tpu.memory_space<semaphore_mem>>)
      %dma_wait3A_122 = arith.constant 0 : i32
      %dma_wait3A_123 = tpu.memref_slice %arg5[%arg0, %mul3A_115, %dma_wait3A_122] : memref<2x10240x48xf32, #tpu.memory_space<hbm>> -> memref<1x640x48xf32, #tpu.memory_space<hbm>>
      %dma_wait3A_124 = tpu.memref_squeeze %dma_wait3A_123 : memref<1x640x48xf32, #tpu.memory_space<hbm>> -> memref<640x48xf32, #tpu.memory_space<hbm>>
      %dma_wait3A_125 = arith.constant 0 : i32
      %dma_wait3A_126 = tpu.memref_slice %arg9[%mul3A_113, %dma_wait3A_125] : memref<10240x48xf32, #tpu.memory_space<vmem_shared>> -> memref<640x48xf32, #tpu.memory_space<vmem_shared>>
      tpu.wait_dma2 semaphore(%run_scoped3A_116 : memref<!tpu.dma_semaphore, #tpu.memory_space<semaphore_mem>>) src(%dma_wait3A_126 : memref<640x48xf32, #tpu.memory_space<vmem_shared>>) dst(%dma_wait3A_124 : memref<640x48xf32, #tpu.memory_space<hbm>>)
      tpu.yield
    }) : () -> ()
    return
  }
}

module attributes {stable_mosaic.version = 14 : i64} {
  func.func @body(%arg0: i32, %arg1: memref<1000x128xf32, #tpu.memory_space<vmem>>, %arg2: memref<3x128x128xf32, #tpu.memory_space<vmem>>, %arg3: memref<1000x128xf32, #tpu.memory_space<vmem>>, %arg4: memref<1000x128xf32, #tpu.memory_space<vmem>>, %arg5: memref<1000x128xf32, #tpu.memory_space<vmem>>) attributes {dimension_semantics = [#tpu.dimension_semantics<arbitrary>], iteration_bounds = array<i64: 10>, scalar_prefetch = 0 : i64, scratch_operands = 0 : i64, tpu.core_type = #tpu.core_type<tc>, window_params = [{transform_indices = @transform_0, window_bounds = array<i64: 1000, 128>}, {pipeline_mode = #tpu.pipeline_mode<synchronous>, transform_indices = @transform_1, window_bounds = array<i64: 3, 128, 128>}, {transform_indices = @transform_2, window_bounds = array<i64: 1000, 128>}, {transform_indices = @transform_3, window_bounds = array<i64: 1000, 128>}, {transform_indices = @transform_4, window_bounds = array<i64: 1000, 128>}]} {
    %get3A = arith.constant 0 : index
    %get3A_0 = arith.constant 0 : index
    %get3A_1 = vector.load %arg1[%get3A, %get3A_0] : memref<1000x128xf32, #tpu.memory_space<vmem>>, vector<1000x128xf32>
    %get3A_2 = arith.constant 0 : index
    %get3A_3 = arith.constant 0 : index
    %get3A_4 = arith.constant 0 : index
    %get3A_5 = vector.load %arg2[%get3A_2, %get3A_3, %get3A_4] : memref<3x128x128xf32, #tpu.memory_space<vmem>>, vector<3x128x128xf32>
    %slice3A = vector.extract_strided_slice %get3A_5 {offsets = [1, 0, 0], sizes = [1, 128, 128], strides = [1, 1, 1]} : vector<3x128x128xf32> to vector<1x128x128xf32>
    %squeeze3A = vector.shape_cast %slice3A : vector<1x128x128xf32> to vector<128x128xf32>
    %dot_general3A = arith.constant dense<0.000000e+00> : vector<1000x128xf32>
    %dot_general3A_6 = tpu.matmul %get3A_1, %squeeze3A, %dot_general3A {dimension_numbers = #tpu.dot_dimension_numbers<[1], [0], [0], [1], [0, 0, 1, 1], [], []>, transpose_lhs_hint = false} : vector<1000x128xf32>, vector<128x128xf32>, vector<1000x128xf32> -> vector<1000x128xf32>
    %swap3A = arith.constant 0 : index
    %swap3A_7 = arith.constant 0 : index
    %swap3A_8 = vector.load %arg3[%swap3A, %swap3A_7] : memref<1000x128xf32, #tpu.memory_space<vmem>>, vector<1000x128xf32>
    tpu.vector_store %arg3[%swap3A, %swap3A_7], %dot_general3A_6 {strides = array<i32>} : memref<1000x128xf32, #tpu.memory_space<vmem>>, vector<1000x128xf32>,
    %slice3A_9 = vector.extract_strided_slice %get3A_5 {offsets = [2, 0, 0], sizes = [1, 128, 128], strides = [1, 1, 1]} : vector<3x128x128xf32> to vector<1x128x128xf32>
    %squeeze3A_10 = vector.shape_cast %slice3A_9 : vector<1x128x128xf32> to vector<128x128xf32>
    %dot_general3A_11 = arith.constant dense<0.000000e+00> : vector<1000x128xf32>
    %dot_general3A_12 = tpu.matmul %get3A_1, %squeeze3A_10, %dot_general3A_11 {dimension_numbers = #tpu.dot_dimension_numbers<[1], [0], [0], [1], [0, 0, 1, 1], [], []>, transpose_lhs_hint = false} : vector<1000x128xf32>, vector<128x128xf32>, vector<1000x128xf32> -> vector<1000x128xf32>
    %mul3A = arith.constant 2.000000e+00 : f32
    %mul3A_13 = vector.broadcast %mul3A : f32 to vector<1000x128xf32>
    %mul3A_14 = arith.mulf %mul3A_13, %dot_general3A_12 : vector<1000x128xf32>
    %swap3A_15 = arith.constant 0 : index
    %swap3A_16 = arith.constant 0 : index
    %swap3A_17 = vector.load %arg4[%swap3A_15, %swap3A_16] : memref<1000x128xf32, #tpu.memory_space<vmem>>, vector<1000x128xf32>
    tpu.vector_store %arg4[%swap3A_15, %swap3A_16], %mul3A_14 {strides = array<i32>} : memref<1000x128xf32, #tpu.memory_space<vmem>>, vector<1000x128xf32>,
    %slice3A_18 = vector.extract_strided_slice %get3A_5 {offsets = [0, 0, 0], sizes = [1, 128, 128], strides = [1, 1, 1]} : vector<3x128x128xf32> to vector<1x128x128xf32>
    %squeeze3A_19 = vector.shape_cast %slice3A_18 : vector<1x128x128xf32> to vector<128x128xf32>
    %slice3A_20 = vector.extract_strided_slice %get3A_5 {offsets = [2, 0, 0], sizes = [1, 128, 128], strides = [1, 1, 1]} : vector<3x128x128xf32> to vector<1x128x128xf32>
    %squeeze3A_21 = vector.shape_cast %slice3A_20 : vector<1x128x128xf32> to vector<128x128xf32>
    %sub3A = arith.subf %squeeze3A_19, %squeeze3A_21 : vector<128x128xf32>
    %dot_general3A_22 = arith.constant dense<0.000000e+00> : vector<1000x128xf32>
    %dot_general3A_23 = tpu.matmul %get3A_1, %sub3A, %dot_general3A_22 {dimension_numbers = #tpu.dot_dimension_numbers<[1], [0], [0], [1], [0, 0, 1, 1], [], []>, transpose_lhs_hint = false} : vector<1000x128xf32>, vector<128x128xf32>, vector<1000x128xf32> -> vector<1000x128xf32>
    %swap3A_24 = arith.constant 0 : index
    %swap3A_25 = arith.constant 0 : index
    %swap3A_26 = vector.load %arg5[%swap3A_24, %swap3A_25] : memref<1000x128xf32, #tpu.memory_space<vmem>>, vector<1000x128xf32>
    tpu.vector_store %arg5[%swap3A_24, %swap3A_25], %dot_general3A_23 {strides = array<i32>} : memref<1000x128xf32, #tpu.memory_space<vmem>>, vector<1000x128xf32>,
    return
  }
  func.func @transform_0(%arg0: i32) -> (i32, i32) {
    %c0_i32 = arith.constant 0 : i32
    %c0_i32_0 = arith.constant 0 : i32
    return %arg0, %c0_i32 : i32, i32
  }
  func.func @transform_1(%arg0: i32) -> (i32, i32, i32) {
    %c0_i32 = arith.constant 0 : i32
    %c0_i32_0 = arith.constant 0 : i32
    %c0_i32_1 = arith.constant 0 : i32
    %c0_i32_2 = arith.constant 0 : i32
    return %c0_i32, %c0_i32_0, %c0_i32_1 : i32, i32, i32
  }
  func.func @transform_2(%arg0: i32) -> (i32, i32) {
    %c0_i32 = arith.constant 0 : i32
    %c0_i32_0 = arith.constant 0 : i32
    return %arg0, %c0_i32 : i32, i32
  }
  func.func @transform_3(%arg0: i32) -> (i32, i32) {
    %c0_i32 = arith.constant 0 : i32
    %c0_i32_0 = arith.constant 0 : i32
    return %arg0, %c0_i32 : i32, i32
  }
  func.func @transform_4(%arg0: i32) -> (i32, i32) {
    %c0_i32 = arith.constant 0 : i32
    %c0_i32_0 = arith.constant 0 : i32
    return %arg0, %c0_i32 : i32, i32
  }
}

module attributes {stable_mosaic.version = 14 : i64} {
  func.func @body(%arg0: i32, %arg1: memref<1000x128xf32, #tpu.memory_space<vmem>>, %arg2: memref<2x1000x16xf32, #tpu.memory_space<vmem>>, %arg3: memref<1000x128xf32, #tpu.memory_space<vmem>>, %arg4: memref<1000x1xf32, #tpu.memory_space<vmem>>) attributes {dimension_semantics = [#tpu.dimension_semantics<arbitrary>], iteration_bounds = array<i64: 10>, scalar_prefetch = 0 : i64, scratch_operands = 0 : i64, tpu.core_type = #tpu.core_type<tc>, window_params = [{transform_indices = @transform_0, window_bounds = array<i64: 1000, 128>}, {transform_indices = @transform_1, window_bounds = array<i64: 2, 1000, 16>}, {transform_indices = @transform_2, window_bounds = array<i64: 1000, 128>}, {transform_indices = @transform_3, window_bounds = array<i64: 1000, 1>}]} {
    %get3A = arith.constant 0 : index
    %get3A_0 = arith.constant 0 : index
    %get3A_1 = arith.constant 0 : index
    %get3A_2 = vector.load %arg2[%get3A, %get3A_0, %get3A_1] : memref<2x1000x16xf32, #tpu.memory_space<vmem>>, vector<1x1000x1xf32>
    %get3A_3 = vector.shape_cast %get3A_2 : vector<1x1000x1xf32> to vector<1000x1xf32>
    %get3A_4 = arith.constant 1 : index
    %get3A_5 = arith.constant 0 : index
    %get3A_6 = arith.constant 0 : index
    %get3A_7 = vector.load %arg2[%get3A_4, %get3A_5, %get3A_6] : memref<2x1000x16xf32, #tpu.memory_space<vmem>>, vector<1x1000x1xf32>
    %get3A_8 = vector.shape_cast %get3A_7 : vector<1x1000x1xf32> to vector<1000x1xf32>
    %add3A = arith.addf %get3A_3, %get3A_8 : vector<1000x1xf32>
    %gt3A = arith.constant 0.000000e+00 : f32
    %gt3A_9 = vector.broadcast %gt3A : f32 to vector<1000x1xf32>
    %gt3A_10 = arith.cmpf ogt, %add3A, %gt3A_9 : vector<1000x1xf32>
    %max3A = arith.constant 1.000000e+00 : f32
    %max3A_11 = vector.broadcast %max3A : f32 to vector<1000x1xf32>
    %max3A_12 = arith.maximumf %add3A, %max3A_11 : vector<1000x1xf32>
    %rsqrt3A = math.rsqrt %max3A_12 : vector<1000x1xf32>
    %jit3A = arith.constant 0.000000e+00 : f32
    %broadcast_in_dim3A = vector.broadcast %jit3A : f32 to vector<1000x1xf32>
    %select_n3A = arith.select %gt3A_10, %rsqrt3A, %broadcast_in_dim3A : vector<1000x1xi1>, vector<1000x1xf32>
    %get3A_13 = arith.constant 0 : index
    %get3A_14 = arith.constant 0 : index
    %get3A_15 = vector.load %arg1[%get3A_13, %get3A_14] : memref<1000x128xf32, #tpu.memory_space<vmem>>, vector<1000x128xf32>
    %mul3A = vector.broadcast %select_n3A : vector<1000x1xf32> to vector<1000x128xf32>
    %mul3A_16 = arith.mulf %mul3A, %get3A_15 : vector<1000x128xf32>
    %swap3A = arith.constant 0 : index
    %swap3A_17 = arith.constant 0 : index
    %swap3A_18 = vector.load %arg3[%swap3A, %swap3A_17] : memref<1000x128xf32, #tpu.memory_space<vmem>>, vector<1000x128xf32>
    tpu.vector_store %arg3[%swap3A, %swap3A_17], %mul3A_16 {strides = array<i32>} : memref<1000x128xf32, #tpu.memory_space<vmem>>, vector<1000x128xf32>,
    %swap3A_19 = arith.constant 0 : index
    %swap3A_20 = arith.constant 0 : index
    %swap3A_21 = vector.load %arg4[%swap3A_19, %swap3A_20] : memref<1000x1xf32, #tpu.memory_space<vmem>>, vector<1000x1xf32>
    tpu.vector_store %arg4[%swap3A_19, %swap3A_20], %select_n3A {strides = array<i32>} : memref<1000x1xf32, #tpu.memory_space<vmem>>, vector<1000x1xf32>,
    return
  }
  func.func @transform_0(%arg0: i32) -> (i32, i32) {
    %c0_i32 = arith.constant 0 : i32
    %c0_i32_0 = arith.constant 0 : i32
    return %arg0, %c0_i32 : i32, i32
  }
  func.func @transform_1(%arg0: i32) -> (i32, i32, i32) {
    %c0_i32 = arith.constant 0 : i32
    %c0_i32_0 = arith.constant 0 : i32
    %c0_i32_1 = arith.constant 0 : i32
    return %c0_i32, %arg0, %c0_i32_0 : i32, i32, i32
  }
  func.func @transform_2(%arg0: i32) -> (i32, i32) {
    %c0_i32 = arith.constant 0 : i32
    %c0_i32_0 = arith.constant 0 : i32
    return %arg0, %c0_i32 : i32, i32
  }
  func.func @transform_3(%arg0: i32) -> (i32, i32) {
    %c0_i32 = arith.constant 0 : i32
    %c0_i32_0 = arith.constant 0 : i32
    return %arg0, %c0_i32 : i32, i32
  }
}

module attributes {stable_mosaic.version = 14 : i64} {
  func.func @body(%arg0: i32, %arg1: memref<2x1000x128xf32, #tpu.memory_space<vmem>>, %arg2: memref<1000x128xf32, #tpu.memory_space<vmem>>, %arg3: memref<1000x1xf32, #tpu.memory_space<vmem>>, %arg4: memref<1000x128xf32, #tpu.memory_space<vmem>>) attributes {dimension_semantics = [#tpu.dimension_semantics<arbitrary>], iteration_bounds = array<i64: 10>, scalar_prefetch = 0 : i64, scratch_operands = 0 : i64, tpu.core_type = #tpu.core_type<tc>, window_params = [{transform_indices = @transform_0, window_bounds = array<i64: 2, 1000, 128>}, {transform_indices = @transform_1, window_bounds = array<i64: 1000, 128>}, {transform_indices = @transform_2, window_bounds = array<i64: 1000, 1>}, {transform_indices = @transform_3, window_bounds = array<i64: 1000, 128>}]} {
    %get3A = arith.constant 0 : index
    %get3A_0 = arith.constant 0 : index
    %get3A_1 = vector.load %arg3[%get3A, %get3A_0] : memref<1000x1xf32, #tpu.memory_space<vmem>>, vector<1000x1xf32>
    %get3A_2 = arith.constant 0 : index
    %get3A_3 = arith.constant 0 : index
    %get3A_4 = arith.constant 0 : index
    %get3A_5 = vector.load %arg1[%get3A_2, %get3A_3, %get3A_4] : memref<2x1000x128xf32, #tpu.memory_space<vmem>>, vector<1x1000x128xf32>
    %get3A_6 = vector.shape_cast %get3A_5 : vector<1x1000x128xf32> to vector<1000x128xf32>
    %get3A_7 = arith.constant 1 : index
    %get3A_8 = arith.constant 0 : index
    %get3A_9 = arith.constant 0 : index
    %get3A_10 = vector.load %arg1[%get3A_7, %get3A_8, %get3A_9] : memref<2x1000x128xf32, #tpu.memory_space<vmem>>, vector<1x1000x128xf32>
    %get3A_11 = vector.shape_cast %get3A_10 : vector<1x1000x128xf32> to vector<1000x128xf32>
    %add3A = arith.addf %get3A_6, %get3A_11 : vector<1000x128xf32>
    %get3A_12 = arith.constant 0 : index
    %get3A_13 = arith.constant 0 : index
    %get3A_14 = vector.load %arg2[%get3A_12, %get3A_13] : memref<1000x128xf32, #tpu.memory_space<vmem>>, vector<1000x128xf32>
    %mul3A = vector.broadcast %get3A_1 : vector<1000x1xf32> to vector<1000x128xf32>
    %mul3A_15 = arith.mulf %mul3A, %get3A_14 : vector<1000x128xf32>
    %mul3A_16 = arith.mulf %get3A_1, %get3A_1 : vector<1000x1xf32>
    %mul3A_17 = vector.broadcast %mul3A_16 : vector<1000x1xf32> to vector<1000x128xf32>
    %mul3A_18 = arith.mulf %mul3A_17, %add3A : vector<1000x128xf32>
    %sub3A = arith.subf %mul3A_15, %mul3A_18 : vector<1000x128xf32>
    %swap3A = arith.constant 0 : index
    %swap3A_19 = arith.constant 0 : index
    %swap3A_20 = vector.load %arg4[%swap3A, %swap3A_19] : memref<1000x128xf32, #tpu.memory_space<vmem>>, vector<1000x128xf32>
    tpu.vector_store %arg4[%swap3A, %swap3A_19], %sub3A {strides = array<i32>} : memref<1000x128xf32, #tpu.memory_space<vmem>>, vector<1000x128xf32>,
    return
  }
  func.func @transform_0(%arg0: i32) -> (i32, i32, i32) {
    %c0_i32 = arith.constant 0 : i32
    %c0_i32_0 = arith.constant 0 : i32
    %c0_i32_1 = arith.constant 0 : i32
    return %c0_i32, %arg0, %c0_i32_0 : i32, i32, i32
  }
  func.func @transform_1(%arg0: i32) -> (i32, i32) {
    %c0_i32 = arith.constant 0 : i32
    %c0_i32_0 = arith.constant 0 : i32
    return %arg0, %c0_i32 : i32, i32
  }
  func.func @transform_2(%arg0: i32) -> (i32, i32) {
    %c0_i32 = arith.constant 0 : i32
    %c0_i32_0 = arith.constant 0 : i32
    return %arg0, %c0_i32 : i32, i32
  }
  func.func @transform_3(%arg0: i32) -> (i32, i32) {
    %c0_i32 = arith.constant 0 : i32
    %c0_i32_0 = arith.constant 0 : i32
    return %arg0, %c0_i32 : i32, i32
  }
}

module attributes {stable_mosaic.version = 14 : i64} {
  func.func @body(%arg0: i32, %arg1: memref<2x1000x128xf32, #tpu.memory_space<vmem>>, %arg2: memref<1000x128xf32, #tpu.memory_space<vmem>>, %arg3: memref<1000x1xf32, #tpu.memory_space<vmem>>, %arg4: memref<1x128xf32, #tpu.memory_space<vmem>>, %arg5: memref<3x128x48xf32, #tpu.memory_space<vmem>>, %arg6: memref<1000x48xf32, #tpu.memory_space<vmem>>, %arg7: memref<1000x48xf32, #tpu.memory_space<vmem>>, %arg8: memref<1000x48xf32, #tpu.memory_space<vmem>>) attributes {dimension_semantics = [#tpu.dimension_semantics<arbitrary>], iteration_bounds = array<i64: 10>, scalar_prefetch = 0 : i64, scratch_operands = 0 : i64, tpu.core_type = #tpu.core_type<tc>, window_params = [{transform_indices = @transform_0, window_bounds = array<i64: 2, 1000, 128>}, {transform_indices = @transform_1, window_bounds = array<i64: 1000, 128>}, {transform_indices = @transform_2, window_bounds = array<i64: 1000, 1>}, {pipeline_mode = #tpu.pipeline_mode<synchronous>, transform_indices = @transform_3, window_bounds = array<i64: 1, 128>}, {pipeline_mode = #tpu.pipeline_mode<synchronous>, transform_indices = @transform_4, window_bounds = array<i64: 3, 128, 48>}, {transform_indices = @transform_5, window_bounds = array<i64: 1000, 48>}, {transform_indices = @transform_6, window_bounds = array<i64: 1000, 48>}, {transform_indices = @transform_7, window_bounds = array<i64: 1000, 48>}]} {
    %get3A = arith.constant 0 : index
    %get3A_0 = arith.constant 0 : index
    %get3A_1 = vector.load %arg3[%get3A, %get3A_0] : memref<1000x1xf32, #tpu.memory_space<vmem>>, vector<1000x1xf32>
    %neg3A = arith.constant 0.000000e+00 : f32
    %neg3A_2 = vector.broadcast %neg3A : f32 to vector<1000x1xf32>
    %neg3A_3 = arith.subf %neg3A_2, %get3A_1 : vector<1000x1xf32>
    %get3A_4 = arith.constant 0 : index
    %get3A_5 = arith.constant 0 : index
    %get3A_6 = arith.constant 0 : index
    %get3A_7 = vector.load %arg1[%get3A_4, %get3A_5, %get3A_6] : memref<2x1000x128xf32, #tpu.memory_space<vmem>>, vector<1x1000x128xf32>
    %get3A_8 = vector.shape_cast %get3A_7 : vector<1x1000x128xf32> to vector<1000x128xf32>
    %get3A_9 = arith.constant 1 : index
    %get3A_10 = arith.constant 0 : index
    %get3A_11 = arith.constant 0 : index
    %get3A_12 = vector.load %arg1[%get3A_9, %get3A_10, %get3A_11] : memref<2x1000x128xf32, #tpu.memory_space<vmem>>, vector<1x1000x128xf32>
    %get3A_13 = vector.shape_cast %get3A_12 : vector<1x1000x128xf32> to vector<1000x128xf32>
    %add3A = arith.addf %get3A_8, %get3A_13 : vector<1000x128xf32>
    %mul3A = vector.broadcast %neg3A_3 : vector<1000x1xf32> to vector<1000x128xf32>
    %mul3A_14 = arith.mulf %mul3A, %add3A : vector<1000x128xf32>
    %get3A_15 = arith.constant 0 : index
    %get3A_16 = arith.constant 0 : index
    %get3A_17 = vector.load %arg2[%get3A_15, %get3A_16] : memref<1000x128xf32, #tpu.memory_space<vmem>>, vector<1000x128xf32>
    %add3A_18 = arith.addf %get3A_17, %mul3A_14 : vector<1000x128xf32>
    %get3A_19 = arith.constant 0 : index
    %get3A_20 = arith.constant 0 : index
    %get3A_21 = vector.load %arg4[%get3A_19, %get3A_20] : memref<1x128xf32, #tpu.memory_space<vmem>>, vector<1x128xf32>
    %add3A_22 = vector.broadcast %get3A_21 : vector<1x128xf32> to vector<1000x128xf32>
    %add3A_23 = arith.addf %add3A_18, %add3A_22 : vector<1000x128xf32>
    %max3A = arith.constant 0.000000e+00 : f32
    %max3A_24 = vector.broadcast %max3A : f32 to vector<1000x128xf32>
    %max3A_25 = arith.maximumf %add3A_23, %max3A_24 : vector<1000x128xf32>
    %get3A_26 = arith.constant 0 : index
    %get3A_27 = arith.constant 0 : index
    %get3A_28 = arith.constant 0 : index
    %get3A_29 = vector.load %arg5[%get3A_26, %get3A_27, %get3A_28] : memref<3x128x48xf32, #tpu.memory_space<vmem>>, vector<3x128x48xf32>
    %slice3A = vector.extract_strided_slice %get3A_29 {offsets = [1, 0, 0], sizes = [1, 128, 48], strides = [1, 1, 1]} : vector<3x128x48xf32> to vector<1x128x48xf32>
    %squeeze3A = vector.shape_cast %slice3A : vector<1x128x48xf32> to vector<128x48xf32>
    %dot_general3A = arith.constant dense<0.000000e+00> : vector<1000x48xf32>
    %dot_general3A_30 = tpu.matmul %max3A_25, %squeeze3A, %dot_general3A {dimension_numbers = #tpu.dot_dimension_numbers<[1], [0], [0], [1], [0, 0, 1, 1], [], []>, transpose_lhs_hint = false} : vector<1000x128xf32>, vector<128x48xf32>, vector<1000x48xf32> -> vector<1000x48xf32>
    %swap3A = arith.constant 0 : index
    %swap3A_31 = arith.constant 0 : index
    %swap3A_32 = vector.load %arg6[%swap3A, %swap3A_31] : memref<1000x48xf32, #tpu.memory_space<vmem>>, vector<1000x48xf32>
    tpu.vector_store %arg6[%swap3A, %swap3A_31], %dot_general3A_30 {strides = array<i32>} : memref<1000x48xf32, #tpu.memory_space<vmem>>, vector<1000x48xf32>,
    %slice3A_33 = vector.extract_strided_slice %get3A_29 {offsets = [2, 0, 0], sizes = [1, 128, 48], strides = [1, 1, 1]} : vector<3x128x48xf32> to vector<1x128x48xf32>
    %squeeze3A_34 = vector.shape_cast %slice3A_33 : vector<1x128x48xf32> to vector<128x48xf32>
    %dot_general3A_35 = arith.constant dense<0.000000e+00> : vector<1000x48xf32>
    %dot_general3A_36 = tpu.matmul %max3A_25, %squeeze3A_34, %dot_general3A_35 {dimension_numbers = #tpu.dot_dimension_numbers<[1], [0], [0], [1], [0, 0, 1, 1], [], []>, transpose_lhs_hint = false} : vector<1000x128xf32>, vector<128x48xf32>, vector<1000x48xf32> -> vector<1000x48xf32>
    %mul3A_37 = arith.constant 2.000000e+00 : f32
    %mul3A_38 = vector.broadcast %mul3A_37 : f32 to vector<1000x48xf32>
    %mul3A_39 = arith.mulf %mul3A_38, %dot_general3A_36 : vector<1000x48xf32>
    %mul3A_40 = vector.broadcast %get3A_1 : vector<1000x1xf32> to vector<1000x48xf32>
    %mul3A_41 = arith.mulf %mul3A_40, %mul3A_39 : vector<1000x48xf32>
    %swap3A_42 = arith.constant 0 : index
    %swap3A_43 = arith.constant 0 : index
    %swap3A_44 = vector.load %arg7[%swap3A_42, %swap3A_43] : memref<1000x48xf32, #tpu.memory_space<vmem>>, vector<1000x48xf32>
    tpu.vector_store %arg7[%swap3A_42, %swap3A_43], %mul3A_41 {strides = array<i32>} : memref<1000x48xf32, #tpu.memory_space<vmem>>, vector<1000x48xf32>,
    %slice3A_45 = vector.extract_strided_slice %get3A_29 {offsets = [0, 0, 0], sizes = [1, 128, 48], strides = [1, 1, 1]} : vector<3x128x48xf32> to vector<1x128x48xf32>
    %squeeze3A_46 = vector.shape_cast %slice3A_45 : vector<1x128x48xf32> to vector<128x48xf32>
    %slice3A_47 = vector.extract_strided_slice %get3A_29 {offsets = [2, 0, 0], sizes = [1, 128, 48], strides = [1, 1, 1]} : vector<3x128x48xf32> to vector<1x128x48xf32>
    %squeeze3A_48 = vector.shape_cast %slice3A_47 : vector<1x128x48xf32> to vector<128x48xf32>
    %sub3A = arith.subf %squeeze3A_46, %squeeze3A_48 : vector<128x48xf32>
    %dot_general3A_49 = arith.constant dense<0.000000e+00> : vector<1000x48xf32>
    %dot_general3A_50 = tpu.matmul %max3A_25, %sub3A, %dot_general3A_49 {dimension_numbers = #tpu.dot_dimension_numbers<[1], [0], [0], [1], [0, 0, 1, 1], [], []>, transpose_lhs_hint = false} : vector<1000x128xf32>, vector<128x48xf32>, vector<1000x48xf32> -> vector<1000x48xf32>
    %swap3A_51 = arith.constant 0 : index
    %swap3A_52 = arith.constant 0 : index
    %swap3A_53 = vector.load %arg8[%swap3A_51, %swap3A_52] : memref<1000x48xf32, #tpu.memory_space<vmem>>, vector<1000x48xf32>
    tpu.vector_store %arg8[%swap3A_51, %swap3A_52], %dot_general3A_50 {strides = array<i32>} : memref<1000x48xf32, #tpu.memory_space<vmem>>, vector<1000x48xf32>,
    return
  }
  func.func @transform_0(%arg0: i32) -> (i32, i32, i32) {
    %c0_i32 = arith.constant 0 : i32
    %c0_i32_0 = arith.constant 0 : i32
    %c0_i32_1 = arith.constant 0 : i32
    return %c0_i32, %arg0, %c0_i32_0 : i32, i32, i32
  }
  func.func @transform_1(%arg0: i32) -> (i32, i32) {
    %c0_i32 = arith.constant 0 : i32
    %c0_i32_0 = arith.constant 0 : i32
    return %arg0, %c0_i32 : i32, i32
  }
  func.func @transform_2(%arg0: i32) -> (i32, i32) {
    %c0_i32 = arith.constant 0 : i32
    %c0_i32_0 = arith.constant 0 : i32
    return %arg0, %c0_i32 : i32, i32
  }
  func.func @transform_3(%arg0: i32) -> (i32, i32) {
    %c0_i32 = arith.constant 0 : i32
    %c0_i32_0 = arith.constant 0 : i32
    %c0_i32_1 = arith.constant 0 : i32
    return %c0_i32, %c0_i32_0 : i32, i32
  }
  func.func @transform_4(%arg0: i32) -> (i32, i32, i32) {
    %c0_i32 = arith.constant 0 : i32
    %c0_i32_0 = arith.constant 0 : i32
    %c0_i32_1 = arith.constant 0 : i32
    %c0_i32_2 = arith.constant 0 : i32
    return %c0_i32, %c0_i32_0, %c0_i32_1 : i32, i32, i32
  }
  func.func @transform_5(%arg0: i32) -> (i32, i32) {
    %c0_i32 = arith.constant 0 : i32
    %c0_i32_0 = arith.constant 0 : i32
    return %arg0, %c0_i32 : i32, i32
  }
  func.func @transform_6(%arg0: i32) -> (i32, i32) {
    %c0_i32 = arith.constant 0 : i32
    %c0_i32_0 = arith.constant 0 : i32
    return %arg0, %c0_i32 : i32, i32
  }
  func.func @transform_7(%arg0: i32) -> (i32, i32) {
    %c0_i32 = arith.constant 0 : i32
    %c0_i32_0 = arith.constant 0 : i32
    return %arg0, %c0_i32 : i32, i32
  }
}

module attributes {stable_mosaic.version = 14 : i64} {
  func.func @body(%arg0: i32, %arg1: memref<2x1000x48xf32, #tpu.memory_space<vmem>>, %arg2: memref<1000x48xf32, #tpu.memory_space<vmem>>, %arg3: memref<1000x1xf32, #tpu.memory_space<vmem>>, %arg4: memref<1000x48xf32, #tpu.memory_space<vmem>>) attributes {dimension_semantics = [#tpu.dimension_semantics<arbitrary>], iteration_bounds = array<i64: 10>, scalar_prefetch = 0 : i64, scratch_operands = 0 : i64, tpu.core_type = #tpu.core_type<tc>, window_params = [{transform_indices = @transform_0, window_bounds = array<i64: 2, 1000, 48>}, {transform_indices = @transform_1, window_bounds = array<i64: 1000, 48>}, {transform_indices = @transform_2, window_bounds = array<i64: 1000, 1>}, {transform_indices = @transform_3, window_bounds = array<i64: 1000, 48>}]} {
    %get3A = arith.constant 0 : index
    %get3A_0 = arith.constant 0 : index
    %get3A_1 = vector.load %arg3[%get3A, %get3A_0] : memref<1000x1xf32, #tpu.memory_space<vmem>>, vector<1000x1xf32>
    %get3A_2 = arith.constant 0 : index
    %get3A_3 = arith.constant 0 : index
    %get3A_4 = arith.constant 0 : index
    %get3A_5 = vector.load %arg1[%get3A_2, %get3A_3, %get3A_4] : memref<2x1000x48xf32, #tpu.memory_space<vmem>>, vector<1x1000x48xf32>
    %get3A_6 = vector.shape_cast %get3A_5 : vector<1x1000x48xf32> to vector<1000x48xf32>
    %get3A_7 = arith.constant 1 : index
    %get3A_8 = arith.constant 0 : index
    %get3A_9 = arith.constant 0 : index
    %get3A_10 = vector.load %arg1[%get3A_7, %get3A_8, %get3A_9] : memref<2x1000x48xf32, #tpu.memory_space<vmem>>, vector<1x1000x48xf32>
    %get3A_11 = vector.shape_cast %get3A_10 : vector<1x1000x48xf32> to vector<1000x48xf32>
    %add3A = arith.addf %get3A_6, %get3A_11 : vector<1000x48xf32>
    %get3A_12 = arith.constant 0 : index
    %get3A_13 = arith.constant 0 : index
    %get3A_14 = vector.load %arg2[%get3A_12, %get3A_13] : memref<1000x48xf32, #tpu.memory_space<vmem>>, vector<1000x48xf32>
    %mul3A = vector.broadcast %get3A_1 : vector<1000x1xf32> to vector<1000x48xf32>
    %mul3A_15 = arith.mulf %mul3A, %get3A_14 : vector<1000x48xf32>
    %mul3A_16 = arith.mulf %get3A_1, %get3A_1 : vector<1000x1xf32>
    %mul3A_17 = vector.broadcast %mul3A_16 : vector<1000x1xf32> to vector<1000x48xf32>
    %mul3A_18 = arith.mulf %mul3A_17, %add3A : vector<1000x48xf32>
    %sub3A = arith.subf %mul3A_15, %mul3A_18 : vector<1000x48xf32>
    %swap3A = arith.constant 0 : index
    %swap3A_19 = arith.constant 0 : index
    %swap3A_20 = vector.load %arg4[%swap3A, %swap3A_19] : memref<1000x48xf32, #tpu.memory_space<vmem>>, vector<1000x48xf32>
    tpu.vector_store %arg4[%swap3A, %swap3A_19], %sub3A {strides = array<i32>} : memref<1000x48xf32, #tpu.memory_space<vmem>>, vector<1000x48xf32>,
    return
  }
  func.func @transform_0(%arg0: i32) -> (i32, i32, i32) {
    %c0_i32 = arith.constant 0 : i32
    %c0_i32_0 = arith.constant 0 : i32
    %c0_i32_1 = arith.constant 0 : i32
    return %c0_i32, %arg0, %c0_i32_0 : i32, i32, i32
  }
  func.func @transform_1(%arg0: i32) -> (i32, i32) {
    %c0_i32 = arith.constant 0 : i32
    %c0_i32_0 = arith.constant 0 : i32
    return %arg0, %c0_i32 : i32, i32
  }
  func.func @transform_2(%arg0: i32) -> (i32, i32) {
    %c0_i32 = arith.constant 0 : i32
    %c0_i32_0 = arith.constant 0 : i32
    return %arg0, %c0_i32 : i32, i32
  }
  func.func @transform_3(%arg0: i32) -> (i32, i32) {
    %c0_i32 = arith.constant 0 : i32
    %c0_i32_0 = arith.constant 0 : i32
    return %arg0, %c0_i32 : i32, i32
  }
}

module attributes {stable_mosaic.version = 14 : i64} {
  func.func @body(%arg0: i32, %arg1: memref<2x1000x48xf32, #tpu.memory_space<vmem>>, %arg2: memref<1000x48xf32, #tpu.memory_space<vmem>>, %arg3: memref<1000x1xf32, #tpu.memory_space<vmem>>, %arg4: memref<1x48xf32, #tpu.memory_space<vmem>>, %arg5: memref<1000x48xf32, #tpu.memory_space<vmem>>) attributes {dimension_semantics = [#tpu.dimension_semantics<arbitrary>], iteration_bounds = array<i64: 10>, scalar_prefetch = 0 : i64, scratch_operands = 0 : i64, tpu.core_type = #tpu.core_type<tc>, window_params = [{transform_indices = @transform_0, window_bounds = array<i64: 2, 1000, 48>}, {transform_indices = @transform_1, window_bounds = array<i64: 1000, 48>}, {transform_indices = @transform_2, window_bounds = array<i64: 1000, 1>}, {pipeline_mode = #tpu.pipeline_mode<synchronous>, transform_indices = @transform_3, window_bounds = array<i64: 1, 48>}, {transform_indices = @transform_4, window_bounds = array<i64: 1000, 48>}]} {
    %get3A = arith.constant 0 : index
    %get3A_0 = arith.constant 0 : index
    %get3A_1 = vector.load %arg3[%get3A, %get3A_0] : memref<1000x1xf32, #tpu.memory_space<vmem>>, vector<1000x1xf32>
    %get3A_2 = arith.constant 0 : index
    %get3A_3 = arith.constant 0 : index
    %get3A_4 = vector.load %arg2[%get3A_2, %get3A_3] : memref<1000x48xf32, #tpu.memory_space<vmem>>, vector<1000x48xf32>
    %get3A_5 = arith.constant 0 : index
    %get3A_6 = arith.constant 0 : index
    %get3A_7 = arith.constant 0 : index
    %get3A_8 = vector.load %arg1[%get3A_5, %get3A_6, %get3A_7] : memref<2x1000x48xf32, #tpu.memory_space<vmem>>, vector<1x1000x48xf32>
    %get3A_9 = vector.shape_cast %get3A_8 : vector<1x1000x48xf32> to vector<1000x48xf32>
    %get3A_10 = arith.constant 1 : index
    %get3A_11 = arith.constant 0 : index
    %get3A_12 = arith.constant 0 : index
    %get3A_13 = vector.load %arg1[%get3A_10, %get3A_11, %get3A_12] : memref<2x1000x48xf32, #tpu.memory_space<vmem>>, vector<1x1000x48xf32>
    %get3A_14 = vector.shape_cast %get3A_13 : vector<1x1000x48xf32> to vector<1000x48xf32>
    %add3A = arith.addf %get3A_9, %get3A_14 : vector<1000x48xf32>
    %mul3A = vector.broadcast %get3A_1 : vector<1000x1xf32> to vector<1000x48xf32>
    %mul3A_15 = arith.mulf %mul3A, %add3A : vector<1000x48xf32>
    %sub3A = arith.subf %get3A_4, %mul3A_15 : vector<1000x48xf32>
    %get3A_16 = arith.constant 0 : index
    %get3A_17 = arith.constant 0 : index
    %get3A_18 = vector.load %arg4[%get3A_16, %get3A_17] : memref<1x48xf32, #tpu.memory_space<vmem>>, vector<1x48xf32>
    %add3A_19 = vector.broadcast %get3A_18 : vector<1x48xf32> to vector<1000x48xf32>
    %add3A_20 = arith.addf %sub3A, %add3A_19 : vector<1000x48xf32>
    %swap3A = arith.constant 0 : index
    %swap3A_21 = arith.constant 0 : index
    %swap3A_22 = vector.load %arg5[%swap3A, %swap3A_21] : memref<1000x48xf32, #tpu.memory_space<vmem>>, vector<1000x48xf32>
    tpu.vector_store %arg5[%swap3A, %swap3A_21], %add3A_20 {strides = array<i32>} : memref<1000x48xf32, #tpu.memory_space<vmem>>, vector<1000x48xf32>,
    return
  }
  func.func @transform_0(%arg0: i32) -> (i32, i32, i32) {
    %c0_i32 = arith.constant 0 : i32
    %c0_i32_0 = arith.constant 0 : i32
    %c0_i32_1 = arith.constant 0 : i32
    return %c0_i32, %arg0, %c0_i32_0 : i32, i32, i32
  }
  func.func @transform_1(%arg0: i32) -> (i32, i32) {
    %c0_i32 = arith.constant 0 : i32
    %c0_i32_0 = arith.constant 0 : i32
    return %arg0, %c0_i32 : i32, i32
  }
  func.func @transform_2(%arg0: i32) -> (i32, i32) {
    %c0_i32 = arith.constant 0 : i32
    %c0_i32_0 = arith.constant 0 : i32
    return %arg0, %c0_i32 : i32, i32
  }
  func.func @transform_3(%arg0: i32) -> (i32, i32) {
    %c0_i32 = arith.constant 0 : i32
    %c0_i32_0 = arith.constant 0 : i32
    %c0_i32_1 = arith.constant 0 : i32
    return %c0_i32, %c0_i32_0 : i32, i32
  }
  func.func @transform_4(%arg0: i32) -> (i32, i32) {
    %c0_i32 = arith.constant 0 : i32
    %c0_i32_0 = arith.constant 0 : i32
    return %arg0, %c0_i32 : i32, i32
  }
}

</mosaic_0001>

<sc_bundles>
// kernel: kernel.13.cloned.1.call-start
scs
__scs_entry_jumppad:
0x0: {  	(pc) =	sbr.rel $0x88, $3  }
0x1: {  	(tag) =	ssettag $0x0;
	lr =	simm.s32 $0x1  }
0x2: {  	[smem:$0x3F9B] =	sst lr;
	_ =	strace $0xD0000000  }
0x3: {  	_ = 	snop  }
0x4: {  	_ = 	snop  }
0x5: {  	_ = 	snop  }
0x6: {  	_ = 	snop  }
0x7: {  	_ = 	snop  }
__scs_overlays_trampoline_lowered:
0x8: {  	[smem:$0x3FAA] =	sst s0  }
0x9: {  	[smem:$0x3FAB] =	sst s1  }
0xa: {  	[smem:$0x3FAC] =	sst s2  }
0xb: {  	[smem:$0x3FAD] =	sst s3  }
0xc: {  	[smem:$0x3FAE] =	sst s4  }
0xd: {  	[smem:$0x3FAF] =	sst s5  }
0xe: {  	[smem:$0x3FB0] =	sst s6  }
0xf: {  	[smem:$0x3FB1] =	sst s7  }
0x10: {  	[smem:$0x3FB2] =	sst s8  }
0x11: {  	[smem:$0x3FB3] =	sst s9;
	s0 =	simm.s32 @!p0 $0x0  }
0x12: {  	s1 =	sld [smem:$0x3F99];
	s0 =	simm.s32 @p0 $0x1  }
0x13: {  	[smem:$0x3FB4] =	sst s0;
	s0 =	simm.s32 @!p1 $0x0  }
0x14: {  	s2 =	sld [smem:$0x3F98];
	s0 =	simm.s32 @p1 $0x1  }
0x15: {  	[smem:$0x3FB5] =	sst s0;
	s0 =	simm.s32 @!p2 $0x0  }
0x16: {  	s3 =	sld [smem:$0x3FDB];
	s0 =	simm.s32 @p2 $0x1  }
0x17: {  	s4 =	simm.s32 $0x1BF5;
	[smem:$0x3FB7] =	sst s0  }
0x18: {  	s0 =	sld [smem:$0x3F9A];
	_ =	swait.ge [sflag:s4], $0x0  }
0x19: {  	s7 =	sld [smem:$0x3F9B]  }
0x1a: {  	s8 =	sadd.s32 $0xFFFFE003, lr  }
0x1b: {  	s9 =	sadd.s32 $0xFFFFFEF7, lr;
	s5 =	simm.s32 $0xFFFFFFFF;
	p2 =	slt.u32 s8, $0xFFFFF086  }
0x1c: {  	p1 =	slt.u32 s9, $0xF7A;
	s5 =	simm.s32 @!p2 $0x0  }
0x1d: {  	s5 =	simm.s32 @p1 $0x1;
	p0 =	seq.s32 s7, s2  }
0x1e: {  	s7 =	smul.u32 @!p0 $0xF7A, s2;
	p2 =	seq.s32 @!p0 s5, $0x0  }
0x1f: {  	s9 =	smul.u32 $0xF7A, s1;
	s8 =	simm.s32 @!p0 $0x1BF5;
	p2 =	por !p2, p0  }
0x20: {  	[sflag:s8] =	ssyncset.s32 @!p0 $0xFFFFF086;
	s6 =	sadd.s32 @!p0 s3, s7;
	s7 =	simm.s32 @!p0 $0x108  }
0x21: {  	s3 =	sadd.s32 s3, s9;
	s6 =	sadd.s32 @!p0 $0x88, s6;
	s7 =	simm.s32 @p2 $0x1082  }
0x22: {  	[simem:s7], [sflag:s8] =	dma.local @!p0 [hbm:s6], $0xF7A  }
0x23: {  	s9 =	sor.u32 $0xD0000000, s2;
	s6 =	simm.s32 $0x108;
	_ =	swait.ge @!p0 [sflag:s8], $0x0  }
0x24: {  	s3 =	sadd.s32 $0x88, s3;
	s6 =	simm.s32 @!p1 $0x1082;
	[sflag:s4] =	ssyncset.s32 $0xFFFFF086  }
0x25: {  	[simem:s6], [sflag:s4] =	dma.local [hbm:s3], $0xF7A  }
0x26: {  	[smem:$0x3F9B] =	sst s1;
	(tag) =	ssettag s2;
	_ =	strace s9  }
0x27: {  	s1 =	sld [smem:$0x3FAB]  }
0x28: {  	s2 =	sld [smem:$0x3FAC]  }
0x29: {  	s4 =	sld [smem:$0x3FAE]  }
0x2a: {  	p0 =	seq.s32 s5, $0x0;
	s5 =	sld [smem:$0x3FAF]  }
0x2b: {  	s6 =	sld [smem:$0x3FB0]  }
0x2c: {  	s7 =	sld [smem:$0x3FB1]  }
0x2d: {  	s3 =	simm.s32 $0x108;
	s8 =	sld [smem:$0x3FB2]  }
0x2e: {  	s3 =	simm.s32 @!p0 $0x1082;
	s9 =	sld [smem:$0x3FB3]  }
0x2f: {  	lr =	sadd.s32 s0, s3;
	s0 =	sld [smem:$0x3FAA]  }
0x30: {  	s3 =	sld [smem:$0x3FAD]  }
0x31: {  	[smem:$0x3FB6] =	sst s10  }
0x32: {  	s10 =	sld [smem:$0x3FB4];
	_ =	sdelay $0x3  }
0x33: {  	p0 =	seq.s32 s10, $0x1;
	s10 =	sld [smem:$0x3FB6];
	_ =	sdelay $0x3  }
0x34: {  	[smem:$0x3FB6] =	sst s10  }
0x35: {  	s10 =	sld [smem:$0x3FB5];
	_ =	sdelay $0x3  }
0x36: {  	p1 =	seq.s32 s10, $0x1;
	s10 =	sld [smem:$0x3FB6];
	_ =	sdelay $0x3  }
0x37: {  	[smem:$0x3FB6] =	sst s10  }
0x38: {  	s10 =	sld [smem:$0x3FB7]  }
0x39: {  	_ = 	snop;
	(pc) =	sbr.ind lr, $3  }
0x3a: {  	_ = 	snop  }
0x3b: {  	_ = 	snop  }
0x3c: {  	p2 =	seq.s32 s10, $0x1;
	s10 =	sld [smem:$0x3FB6]  }
0x3d: {  	_ =	shalt  }
0x3e: {  	_ =	shalt  }
0x3f: {  	_ =	shalt  }
0x40: {  	_ =	shalt  }
0x41: {  	_ =	shalt  }
0x42: {  	_ =	shalt  }
0x43: {  	_ =	shalt  }
0x44: {  	_ =	shalt  }
0x45: {  	_ =	shalt  }
0x46: {  	_ =	shalt  }
0x47: {  	_ =	shalt  }
0x48: {  	_ =	shalt  }
0x49: {  	_ =	shalt  }
0x4a: {  	_ =	shalt  }
0x4b: {  	_ =	shalt  }
0x4c: {  	_ =	shalt  }
0x4d: {  	_ =	shalt  }
0x4e: {  	_ =	shalt  }
0x4f: {  	_ =	shalt  }
0x50: {  	_ =	shalt  }
0x51: {  	_ =	shalt  }
0x52: {  	_ =	shalt  }
0x53: {  	_ =	shalt  }
0x54: {  	_ =	shalt  }
0x55: {  	_ =	shalt  }
0x56: {  	_ =	shalt  }
0x57: {  	_ =	shalt  }
0x58: {  	_ =	shalt  }
0x59: {  	_ =	shalt  }
0x5a: {  	_ =	shalt  }
0x5b: {  	_ =	shalt  }
0x5c: {  	_ =	shalt  }
0x5d: {  	_ =	shalt  }
0x5e: {  	_ =	shalt  }
0x5f: {  	_ =	shalt  }
0x60: {  	_ =	shalt  }
0x61: {  	_ =	shalt  }
0x62: {  	_ =	shalt  }
0x63: {  	_ =	shalt  }
0x64: {  	_ =	shalt  }
0x65: {  	_ =	shalt  }
0x66: {  	_ =	shalt  }
0x67: {  	_ =	shalt  }
0x68: {  	_ =	shalt  }
0x69: {  	_ =	shalt  }
0x6a: {  	_ =	shalt  }
0x6b: {  	_ =	shalt  }
0x6c: {  	_ =	shalt  }
0x6d: {  	_ =	shalt  }
0x6e: {  	_ =	shalt  }
0x6f: {  	_ =	shalt  }
0x70: {  	_ =	shalt  }
0x71: {  	_ =	shalt  }
0x72: {  	_ =	shalt  }
0x73: {  	_ =	shalt  }
0x74: {  	_ =	shalt  }
0x75: {  	_ =	shalt  }
0x76: {  	_ =	shalt  }
0x77: {  	_ =	shalt  }
0x78: {  	_ =	shalt  }
0x79: {  	_ =	shalt  }
0x7a: {  	_ =	shalt  }
0x7b: {  	_ =	shalt  }
0x7c: {  	_ =	shalt  }
0x7d: {  	_ =	shalt  }
0x7e: {  	_ =	shalt  }
0x7f: {  	_ =	shalt  }
0x80: {  	_ =	shalt  }
0x81: {  	_ =	shalt  }
0x82: {  	_ =	shalt  }
0x83: {  	_ =	shalt  }
0x84: {  	_ =	shalt  }
0x85: {  	_ =	shalt  }
0x86: {  	_ =	shalt  }
0x87: {  	_ =	shalt  }
.Lfunc_end0:
.L_simem_size_0:
called_computation_lowered:
.L_overlay_start_0:
0x88: {  	s2 =	sld [smem:$0x3FD9]  }
0x89: {  	s3 =	sld [smem:$0x3FFE];
	_ =	sdelay $0x1  }
0x8a: {  	s1 =	srdreg.scid  }
0x8b: {  	s0 =	sand.u32 $0x1, s1  }
0x8c: {  	s17 =	sshll.u32 s0, $0xA;
	s2 =	sadd.s32 s3, s2  }
0x8d: {  	s2 =	sadd.s32 s2, s17  }
0x8e: {  	[smem:$0x3FC2] =	sst s2  }
0x8f: {  	_ = 	snop  }
0x90: {  	s2 =	sld [smem:$0x3FD0];
	(tm) =	ssettm $0x1  }
0x91: {  	s18 =	sld [smem:$0x3FFB];
	_ =	sdelay $0x3  }
0x92: {  	_ =	strace s18  }
0x93: {  	s3 =	sld [smem:$0x3FFC];
	_ =	sdelay $0x3  }
0x94: {  	_ =	strace s3  }
0x95: {  	s3 =	sld [smem:$0x3FFD];
	_ =	sdelay $0x3  }
0x96: {  	_ =	strace s3  }
0x97: {  	_ =	strace $0x8FFFFFFF  }
0x98: {  	s19 =	sld [smem:$0x3FDB];
	_ =	sdelay $0x1  }
0x99: {  	s4 =	simm.s32 $_scs_section_size  }
0x9a: {  	s5 =	simm.s32 $_size__tile_overlayer_lowered;
	s6 =	simm.s32 $_tile_overlayer_lowered  }
0x9b: {  	s22 =	simm.s32 $0x1BFF;
	s21 =	sshll.u32 s6, $0x1;
	s3 =	sadd.s32 s4, s19  }
0x9c: {  	s7 =	simm.s32 $0x0;
	s20 =	sshll.u32 s5, $0x1;
	s5 =	sadd.s32 s21, s3  }
0x9d: {  	[timem:s7], [sflag:s22] =	dma.local [hbm:s5], s20  }
0x9e: {  	_ =	swait.ge [sflag:s22], s20  }
0x9f: {  	s4 =	ssub.s32 $0x0, s20;
	[sflag:s22] =	ssyncset.done $0x0  }
0xa0: {  	[sflag:s22] =	ssyncadd.s32 s4;
	_ =	sdelay $0x1  }
0xa1: {  	s23 =	simm.s32 $0x1B8B  }
0xa2: {  	_ =	swait.ge [sflag:s23], $0x1  }
0xa3: {  	[sflag:s23] =	ssyncset.done $0x0  }
0xa4: {  	s25 =	simm.s32 $0x1B8E;
	s24 =	sld [smem:$0x3FFE];
	[sflag:s23] =	ssyncadd.s32 $0xFFFFFFFF  }
0xa5: {  	s26 =	simm.s32 $execute0_lowered;
	[smem:$0x3FD2] =	sst s25  }
0xa6: {  	s5 =	sshll.u32 s26, $0x1;
	_ =	strace $0x80000046;
	[dreg:$0x1] =	wrdreg $0xFFFFFFFF  }
0xa7: {  	s28 =	simm.s32 $_size_execute0_lowered;
	s3 =	sadd.s32 s3, s5;
	[dreg:$0x0] =	wrdreg $0x0  }
0xa8: {  	s5 =	sshll.u32 s28, $0x1;
	[dreg:$0x2] =	wrdreg s3  }
0xa9: {  	[dreg:$0x3] =	wrdreg s5  }
0xaa: {  	[dreg:$0x4] =	wrdreg $0xC0  }
0xab: {  	_ =	task [dreg:s7], $0x5FFFF  }
0xac: {  	[dreg:$0x1] =	wrdreg $0xFFFFFFFF  }
0xad: {  	[dreg:$0x0] =	wrdreg $0x60  }
0xae: {  	[dreg:$0x2] =	wrdreg s24  }
0xaf: {  	[dreg:$0x3] =	wrdreg s2  }
0xb0: {  	[dreg:$0x4] =	wrdreg $0x2EE00  }
0xb1: {  	[dreg:$0x5] =	wrdreg $0x9  }
0xb2: {  	_ =	task.clear_ibuf [dreg:s7], $0x6FFFF;
	_ =	strace $0x90000046  }
0xb3: {  	s29 =	simm.s32 $0x9;
	_ =	strace $0x80000048  }
0xb4: {  	_ =	swait.ge [sflag:s29], $0x1  }
0xb5: {  	[sflag:s29] =	ssyncadd.s32 $0xFFFFFFFF  }
0xb6: {  	_ =	strace $0x90000048  }
0xb7: {  	_ =	sfence  }
0xb8: {  	s30 =	sld [smem:$0x0];
	_ =	sdelay $0x2  }
0xb9: {  	s31 =	sshll.u32 s1, $0xD;
	s1 =	sshrl.u32 s1, $0x2  }
0xba: {  	s3 =	sand.u32 $0x4000, s31;
	s1 =	sadd.s32 s1, s30  }
0xbb: {  	s0 =	sor.u32 s3, s0;
	s1 =	sshll.u32 s1, $0x11  }
0xbc: {  	s0 =	sor.u32 s1, s0  }
0xbd: {  	s0 =	sadd.s32 $0x8F2B, s0  }
0xbe: {  	[sflag:s0] =	ssyncadd.remote.s32 $0x1  }
0xbf: {  	_ =	sfence.sel $0xFFFF  }
0xc0: {  	[dreg:$0x0] =	wrdreg $0xFFFFFFFF;
	(pc) =	sbr.abs _section_cstart, $3  }
0xc1: {  	[dreg:$0x1] =	wrdreg $0xFFFFFFFF  }
0xc2: {  	_ =	task.clear_ibuf [dreg:s7], $0x2FFFF;
	_ =	strace $0x9FFFFFFF  }
0xc3: {  	(tm) =	ssettm $0x7FFFFFFF  }
tec
execute0_lowered:
.L_overlay_start_1:
0x0: {  	(tag) =	ssettag $0x1  }
0x1: {  	s5 =	rddreg [dreg:$0x0]  }
0x2: {  	s7 =	rddreg [dreg:$0x1]  }
0x3: {  	s0 =	srdreg.scid;
	s2 =	rddreg [dreg:$0x2];
	s3 =	simm.s32 $0x0  }
0x4: {  	s13 =	simm.s32 $0x1;
	s14 =	simm.s32 $0x0;
	s16 =	simm.s32 $0x64  }
0x5: {  	s4 =	sand.u32 $0x1, s0;
	s0 =	stileid.u32;
	[smem:$0x7FF] =	sst s3  }
0x6: {  	s1 =	sshll.u32 s4, $0x4;
	s8 =	smul.u32 $0x2800, s0;
	s9 =	ssub.s32 $0x2, s4  }
0x7: {  	s10 =	smul.u32 $0x28000, s4;
	s4 =	sadd.s32 $0x18E00, s5;
	s31 =	sshll.u32 s0, $0x6  }
0x8: {  	s6 =	sor.u32 s0, s1;
	s1 =	rddreg [dreg:$0x3];
	s11 =	sshrl.u32 s9, $0x1  }
0x9: {  	_ =	strace $0x80000047;
	s6 =	smul.u32 $0x514, s6;
	s9 =	ssub.s32 s9, s11  }
0xa: {  	s10 =	sadd.s32 s8, s10;
	s12 =	sadd.s32 s8, s2;
	s11 =	sor.u32 $0x1C02, s31  }
0xb: {  	s30 =	sshrl.u32 s10, $0x3;
	s8 =	smax.u32 s9, $0x1;
	s9 =	simm.s32 $0x2  }
0xc: {  	s10 =	simm.s32 $0x28A0;
	s12 =	sshrl.u32 s12, $0x3;
	s6 =	sadd.s32 s6, s5  }
0xd: {  	s5 =	sadd.s32 $0x18800, s5;
	s7 =	sadd.s32 s7, s30;
	s6 =	sadd.s32 $0x4200, s6  }
.LBB2_1:
0xe: {  	[tilespmem:s3], [sflag:$0x2] =	stream.linear.gather [hbm4b:s6+s3], $0x28A0, $0x38;
	[tilespmem:$0x56E0] =	vst v63  }
0xf: {  	_ =	swait.ge [sflag:s9], $0x28A0  }
0x10: {  	[sflag:s9] =	ssyncset.done $0x0  }
0x11: {  	[sflag:s9] =	ssyncadd.s32 $0xFFFFD760  }
0x12: {  	[tilespmem:s10], [sflag:$0x2] =	stream.linear.gather [hbm4b:s4+s3], $0x640, $0x38;
	[tilespmem:$0x56E0] =	vst v63  }
0x13: {  	_ =	swait.ge [sflag:s9], $0x640  }
0x14: {  	[sflag:s9] =	ssyncset.done $0x0  }
0x15: {  	[sflag:s9] =	ssyncadd.s32 $0xFFFFF9C0  }
0x16: {  	[spmem:s12], [sflag:s11] =	dma.local [hbm:s5], $0x500  }
0x17: {  	_ =	swait.ge [sflag:s9], $0x500  }
0x18: {  	[sflag:s9] =	ssyncset.done $0x0  }
0x19: {  	[sflag:s9] =	ssyncadd.s32 $0xFFFFFB00  }
0x1a: {  	s15 =	simm.s32 $0x1A0;
	s17 =	simm.s32 $0x0;
	[bflag:$0x0] =	sbarrier.arrive $0xFFFF  }
.LBB2_2:
0x1b: {  	[spmem:s2] =	stream.indirect.scatter.add.f32 [tilespmem:s10], [sflag:$0x1], $0x10, s17, s16, $0xb8;
	[tilespmem:$0x56E0] =	vst v63  }
0x1c: {  	s17 =	smov.u32 s15;
	p0 =	sne.s32 s15, $0xA0E0  }
.Ltmp0:
0x1d: {  	s15 =	sadd.s32 $0x1A0, s15;
	(pc) =	sbr.rel @p0 .LBB2_2-.Ltmp0, $2  }
0x1e: {  	_ =	sdelay $0x2  }
0x1f: {  	s17 =	sshra.s32 s17, $0x2  }
0x20: {  	[spmem:s2] =	stream.indirect.scatter.add.f32 [tilespmem:s10], [sflag:$0x1], $0x10, s17, s16, $0xb8;
	[tilespmem:$0x56E0] =	vst v63  }
0x21: {  	_ =	swait.ge [sflag:s13], $0x640  }
0x22: {  	s15 =	simm.s32 $0x63;
	[sflag:s13] =	ssyncset.done $0x0  }
.LBB2_4:
0x23: {  	p0 =	sne.s32 s15, $0x1;
	s15 =	sadd.s32 $0xFFFFFFFF, s15;
	[sflag:s13] =	ssyncadd.s32 $0xFFFFF9C0  }
.Ltmp1:
0x24: {  	(pc) =	sbr.rel @p0 .LBB2_4-.Ltmp1, $3  }
0x25: {  	_ =	sdelay $0x1  }
0x26: {  	_ =	swait.ge [sflag:s13], $0x640  }
0x27: {  	[sflag:s13] =	ssyncset.done $0x0  }
0x28: {  	s14 =	sadd.s32 $0x1, s14  }
0x29: {  	[sflag:s13] =	ssyncadd.s32 $0xFFFFF9C0;
	p0 =	sne.s32 s14, s8  }
.Ltmp2:
0x2a: {  	[bflag:$0x0] =	sbarrier.arrive $0xFFFF;
	(pc) =	sbr.rel @p0 .LBB2_1-.Ltmp2, $4  }
0x2b: {  	[hbm:s7], [sflag:s11] =	dma.local [spmem:s12], $0x500  }
0x2c: {  	_ =	swait.ge [sflag:s9], $0x500  }
0x2d: {  	[sflag:s9] =	ssyncset.done $0x0  }
0x2e: {  	[sflag:s9] =	ssyncadd.s32 $0xFFFFFB00  }
0x2f: {  	_ =	sfence.sel $0x180000  }
0x30: {  	[bflag:$0x0] =	sbarrier.arrive $0xFFFF  }
0x31: {  	p0 =	sne.s32 s0, $0x0;
	_ =	strace $0x90000047  }
0x32: {  	s0 =	sadd.s32 @!p0 $0x100000, s1;
	[bflag:$0x2] =	sbarrier.arrive $0xFFFF  }
0x33: {  	[sflag:s0] =	ssyncadd.tile.s32 @!p0 $0x1;
	_ =	shalt  }
.Lfunc_end2:
_tile_overlayer_lowered:
.L_overlay_start_2:
0x34: {  	(tag) =	ssettag $0x2  }
0x35: {  	s0 =	rddreg [dreg:$0x0];
	s2 =	stileid.u32  }
0x36: {  	s1 =	rddreg [dreg:$0x1];
	p0 =	sne.s32 s2, $0x0  }
0x37: {  	s3 =	rddreg [dreg:$0x2];
	[bflag:$0x3] =	sbarrier.arrive $0xFFFF;
	s2 =	simm.s32 @!p0 $0x1C02  }
0x38: {  	[timem:s3], [sflag:s2] =	dma.local @!p0 [hbm:s0], s1  }
0x39: {  	s0 =	simm.s32 @!p0 $0x2  }
0x3a: {  	_ =	swait.ge @!p0 [sflag:s0], s1  }
0x3b: {  	s1 =	ssub.s32 @!p0 $0x0, s1;
	[sflag:s0] =	ssyncset.done @!p0 $0x0  }
0x3c: {  	[sflag:s0] =	ssyncadd.s32 @!p0 s1  }
0x3d: {  	[bflag:$0x3] =	sbarrier.arrive $0xFFFF  }
0x3e: {  	_ =	shalt  }

// kernel: kernel.16.cloned.1.call-start
scs
__scs_entry_jumppad:
0x0: {  	(pc) =	sbr.rel $0x88, $3  }
0x1: {  	(tag) =	ssettag $0x0;
	lr =	simm.s32 $0x1  }
0x2: {  	[smem:$0x3F9B] =	sst lr;
	_ =	strace $0xD0000000  }
0x3: {  	_ = 	snop  }
0x4: {  	_ = 	snop  }
0x5: {  	_ = 	snop  }
0x6: {  	_ = 	snop  }
0x7: {  	_ = 	snop  }
__scs_overlays_trampoline_lowered:
0x8: {  	[smem:$0x3FAA] =	sst s0  }
0x9: {  	[smem:$0x3FAB] =	sst s1  }
0xa: {  	[smem:$0x3FAC] =	sst s2  }
0xb: {  	[smem:$0x3FAD] =	sst s3  }
0xc: {  	[smem:$0x3FAE] =	sst s4  }
0xd: {  	[smem:$0x3FAF] =	sst s5  }
0xe: {  	[smem:$0x3FB0] =	sst s6  }
0xf: {  	[smem:$0x3FB1] =	sst s7  }
0x10: {  	[smem:$0x3FB2] =	sst s8  }
0x11: {  	[smem:$0x3FB3] =	sst s9;
	s0 =	simm.s32 @!p0 $0x0  }
0x12: {  	s1 =	sld [smem:$0x3F99];
	s0 =	simm.s32 @p0 $0x1  }
0x13: {  	[smem:$0x3FB4] =	sst s0;
	s0 =	simm.s32 @!p1 $0x0  }
0x14: {  	s2 =	sld [smem:$0x3F98];
	s0 =	simm.s32 @p1 $0x1  }
0x15: {  	[smem:$0x3FB5] =	sst s0;
	s0 =	simm.s32 @!p2 $0x0  }
0x16: {  	s3 =	sld [smem:$0x3FDB];
	s0 =	simm.s32 @p2 $0x1  }
0x17: {  	s4 =	simm.s32 $0x1BF5;
	[smem:$0x3FB7] =	sst s0  }
0x18: {  	s0 =	sld [smem:$0x3F9A];
	_ =	swait.ge [sflag:s4], $0x0  }
0x19: {  	s7 =	sld [smem:$0x3F9B]  }
0x1a: {  	s8 =	sadd.s32 $0xFFFFE003, lr  }
0x1b: {  	s9 =	sadd.s32 $0xFFFFFEF7, lr;
	s5 =	simm.s32 $0xFFFFFFFF;
	p2 =	slt.u32 s8, $0xFFFFF086  }
0x1c: {  	p1 =	slt.u32 s9, $0xF7A;
	s5 =	simm.s32 @!p2 $0x0  }
0x1d: {  	s5 =	simm.s32 @p1 $0x1;
	p0 =	seq.s32 s7, s2  }
0x1e: {  	s7 =	smul.u32 @!p0 $0xF7A, s2;
	p2 =	seq.s32 @!p0 s5, $0x0  }
0x1f: {  	s9 =	smul.u32 $0xF7A, s1;
	s8 =	simm.s32 @!p0 $0x1BF5;
	p2 =	por !p2, p0  }
0x20: {  	[sflag:s8] =	ssyncset.s32 @!p0 $0xFFFFF086;
	s6 =	sadd.s32 @!p0 s3, s7;
	s7 =	simm.s32 @!p0 $0x108  }
0x21: {  	s3 =	sadd.s32 s3, s9;
	s6 =	sadd.s32 @!p0 $0x88, s6;
	s7 =	simm.s32 @p2 $0x1082  }
0x22: {  	[simem:s7], [sflag:s8] =	dma.local @!p0 [hbm:s6], $0xF7A  }
0x23: {  	s9 =	sor.u32 $0xD0000000, s2;
	s6 =	simm.s32 $0x108;
	_ =	swait.ge @!p0 [sflag:s8], $0x0  }
0x24: {  	s3 =	sadd.s32 $0x88, s3;
	s6 =	simm.s32 @!p1 $0x1082;
	[sflag:s4] =	ssyncset.s32 $0xFFFFF086  }
0x25: {  	[simem:s6], [sflag:s4] =	dma.local [hbm:s3], $0xF7A  }
0x26: {  	[smem:$0x3F9B] =	sst s1;
	(tag) =	ssettag s2;
	_ =	strace s9  }
0x27: {  	s1 =	sld [smem:$0x3FAB]  }
0x28: {  	s2 =	sld [smem:$0x3FAC]  }
0x29: {  	s4 =	sld [smem:$0x3FAE]  }
0x2a: {  	p0 =	seq.s32 s5, $0x0;
	s5 =	sld [smem:$0x3FAF]  }
0x2b: {  	s6 =	sld [smem:$0x3FB0]  }
0x2c: {  	s7 =	sld [smem:$0x3FB1]  }
0x2d: {  	s3 =	simm.s32 $0x108;
	s8 =	sld [smem:$0x3FB2]  }
0x2e: {  	s3 =	simm.s32 @!p0 $0x1082;
	s9 =	sld [smem:$0x3FB3]  }
0x2f: {  	lr =	sadd.s32 s0, s3;
	s0 =	sld [smem:$0x3FAA]  }
0x30: {  	s3 =	sld [smem:$0x3FAD]  }
0x31: {  	[smem:$0x3FB6] =	sst s10  }
0x32: {  	s10 =	sld [smem:$0x3FB4];
	_ =	sdelay $0x3  }
0x33: {  	p0 =	seq.s32 s10, $0x1;
	s10 =	sld [smem:$0x3FB6];
	_ =	sdelay $0x3  }
0x34: {  	[smem:$0x3FB6] =	sst s10  }
0x35: {  	s10 =	sld [smem:$0x3FB5];
	_ =	sdelay $0x3  }
0x36: {  	p1 =	seq.s32 s10, $0x1;
	s10 =	sld [smem:$0x3FB6];
	_ =	sdelay $0x3  }
0x37: {  	[smem:$0x3FB6] =	sst s10  }
0x38: {  	s10 =	sld [smem:$0x3FB7]  }
0x39: {  	_ = 	snop;
	(pc) =	sbr.ind lr, $3  }
0x3a: {  	_ = 	snop  }
0x3b: {  	_ = 	snop  }
0x3c: {  	p2 =	seq.s32 s10, $0x1;
	s10 =	sld [smem:$0x3FB6]  }
0x3d: {  	_ =	shalt  }
0x3e: {  	_ =	shalt  }
0x3f: {  	_ =	shalt  }
0x40: {  	_ =	shalt  }
0x41: {  	_ =	shalt  }
0x42: {  	_ =	shalt  }
0x43: {  	_ =	shalt  }
0x44: {  	_ =	shalt  }
0x45: {  	_ =	shalt  }
0x46: {  	_ =	shalt  }
0x47: {  	_ =	shalt  }
0x48: {  	_ =	shalt  }
0x49: {  	_ =	shalt  }
0x4a: {  	_ =	shalt  }
0x4b: {  	_ =	shalt  }
0x4c: {  	_ =	shalt  }
0x4d: {  	_ =	shalt  }
0x4e: {  	_ =	shalt  }
0x4f: {  	_ =	shalt  }
0x50: {  	_ =	shalt  }
0x51: {  	_ =	shalt  }
0x52: {  	_ =	shalt  }
0x53: {  	_ =	shalt  }
0x54: {  	_ =	shalt  }
0x55: {  	_ =	shalt  }
0x56: {  	_ =	shalt  }
0x57: {  	_ =	shalt  }
0x58: {  	_ =	shalt  }
0x59: {  	_ =	shalt  }
0x5a: {  	_ =	shalt  }
0x5b: {  	_ =	shalt  }
0x5c: {  	_ =	shalt  }
0x5d: {  	_ =	shalt  }
0x5e: {  	_ =	shalt  }
0x5f: {  	_ =	shalt  }
0x60: {  	_ =	shalt  }
0x61: {  	_ =	shalt  }
0x62: {  	_ =	shalt  }
0x63: {  	_ =	shalt  }
0x64: {  	_ =	shalt  }
0x65: {  	_ =	shalt  }
0x66: {  	_ =	shalt  }
0x67: {  	_ =	shalt  }
0x68: {  	_ =	shalt  }
0x69: {  	_ =	shalt  }
0x6a: {  	_ =	shalt  }
0x6b: {  	_ =	shalt  }
0x6c: {  	_ =	shalt  }
0x6d: {  	_ =	shalt  }
0x6e: {  	_ =	shalt  }
0x6f: {  	_ =	shalt  }
0x70: {  	_ =	shalt  }
0x71: {  	_ =	shalt  }
0x72: {  	_ =	shalt  }
0x73: {  	_ =	shalt  }
0x74: {  	_ =	shalt  }
0x75: {  	_ =	shalt  }
0x76: {  	_ =	shalt  }
0x77: {  	_ =	shalt  }
0x78: {  	_ =	shalt  }
0x79: {  	_ =	shalt  }
0x7a: {  	_ =	shalt  }
0x7b: {  	_ =	shalt  }
0x7c: {  	_ =	shalt  }
0x7d: {  	_ =	shalt  }
0x7e: {  	_ =	shalt  }
0x7f: {  	_ =	shalt  }
0x80: {  	_ =	shalt  }
0x81: {  	_ =	shalt  }
0x82: {  	_ =	shalt  }
0x83: {  	_ =	shalt  }
0x84: {  	_ =	shalt  }
0x85: {  	_ =	shalt  }
0x86: {  	_ =	shalt  }
0x87: {  	_ =	shalt  }
.Lfunc_end0:
.L_simem_size_0:
called_computation.1_lowered:
.L_overlay_start_0:
0x88: {  	s2 =	sld [smem:$0x3FD9]  }
0x89: {  	s3 =	sld [smem:$0x3FFE];
	_ =	sdelay $0x1  }
0x8a: {  	s1 =	srdreg.scid  }
0x8b: {  	s0 =	sand.u32 $0x1, s1  }
0x8c: {  	s17 =	sshll.u32 s0, $0xA;
	s2 =	sadd.s32 s3, s2  }
0x8d: {  	s2 =	sadd.s32 s2, s17  }
0x8e: {  	[smem:$0x3FC2] =	sst s2  }
0x8f: {  	_ = 	snop  }
0x90: {  	s2 =	sld [smem:$0x3FD0];
	(tm) =	ssettm $0x1  }
0x91: {  	s18 =	sld [smem:$0x3FFB];
	_ =	sdelay $0x3  }
0x92: {  	_ =	strace s18  }
0x93: {  	s3 =	sld [smem:$0x3FFC];
	_ =	sdelay $0x3  }
0x94: {  	_ =	strace s3  }
0x95: {  	s3 =	sld [smem:$0x3FFD];
	_ =	sdelay $0x3  }
0x96: {  	_ =	strace s3  }
0x97: {  	_ =	strace $0x8FFFFFFF  }
0x98: {  	s19 =	sld [smem:$0x3FDB];
	_ =	sdelay $0x1  }
0x99: {  	s4 =	simm.s32 $_scs_section_size  }
0x9a: {  	s5 =	simm.s32 $_size__tile_overlayer_lowered;
	s6 =	simm.s32 $_tile_overlayer_lowered  }
0x9b: {  	s22 =	simm.s32 $0x1BFF;
	s21 =	sshll.u32 s6, $0x1;
	s3 =	sadd.s32 s4, s19  }
0x9c: {  	s7 =	simm.s32 $0x0;
	s20 =	sshll.u32 s5, $0x1;
	s5 =	sadd.s32 s21, s3  }
0x9d: {  	[timem:s7], [sflag:s22] =	dma.local [hbm:s5], s20  }
0x9e: {  	_ =	swait.ge [sflag:s22], s20  }
0x9f: {  	s4 =	ssub.s32 $0x0, s20;
	[sflag:s22] =	ssyncset.done $0x0  }
0xa0: {  	[sflag:s22] =	ssyncadd.s32 s4;
	_ =	sdelay $0x1  }
0xa1: {  	s23 =	simm.s32 $0x1B8B  }
0xa2: {  	_ =	swait.ge [sflag:s23], $0x1  }
0xa3: {  	[sflag:s23] =	ssyncset.done $0x0  }
0xa4: {  	s25 =	simm.s32 $0x1B8E;
	s24 =	sld [smem:$0x3FFE];
	[sflag:s23] =	ssyncadd.s32 $0xFFFFFFFF  }
0xa5: {  	s26 =	simm.s32 $execute0_lowered;
	[smem:$0x3FD2] =	sst s25  }
0xa6: {  	s5 =	sshll.u32 s26, $0x1;
	_ =	strace $0x80000049;
	[dreg:$0x1] =	wrdreg $0xFFFFFFFF  }
0xa7: {  	s28 =	simm.s32 $_size_execute0_lowered;
	s3 =	sadd.s32 s3, s5;
	[dreg:$0x0] =	wrdreg $0x0  }
0xa8: {  	s5 =	sshll.u32 s28, $0x1;
	[dreg:$0x2] =	wrdreg s3  }
0xa9: {  	[dreg:$0x3] =	wrdreg s5  }
0xaa: {  	[dreg:$0x4] =	wrdreg $0xC0  }
0xab: {  	_ =	task [dreg:s7], $0x5FFFF  }
0xac: {  	[dreg:$0x1] =	wrdreg $0xFFFFFFFF  }
0xad: {  	[dreg:$0x0] =	wrdreg $0x60  }
0xae: {  	[dreg:$0x2] =	wrdreg s24  }
0xaf: {  	[dreg:$0x3] =	wrdreg s2  }
0xb0: {  	[dreg:$0x4] =	wrdreg $0xB5400  }
0xb1: {  	[dreg:$0x5] =	wrdreg $0x9  }
0xb2: {  	_ =	task.clear_ibuf [dreg:s7], $0x6FFFF;
	_ =	strace $0x90000049  }
0xb3: {  	s29 =	simm.s32 $0x9;
	_ =	strace $0x8000004B  }
0xb4: {  	_ =	swait.ge [sflag:s29], $0x1  }
0xb5: {  	[sflag:s29] =	ssyncadd.s32 $0xFFFFFFFF  }
0xb6: {  	_ =	strace $0x9000004B  }
0xb7: {  	_ =	sfence  }
0xb8: {  	s30 =	sld [smem:$0x0];
	_ =	sdelay $0x2  }
0xb9: {  	s31 =	sshll.u32 s1, $0xD;
	s1 =	sshrl.u32 s1, $0x2  }
0xba: {  	s3 =	sand.u32 $0x4000, s31;
	s1 =	sadd.s32 s1, s30  }
0xbb: {  	s0 =	sor.u32 s3, s0;
	s1 =	sshll.u32 s1, $0x11  }
0xbc: {  	s0 =	sor.u32 s1, s0  }
0xbd: {  	s0 =	sadd.s32 $0x8F2B, s0  }
0xbe: {  	[sflag:s0] =	ssyncadd.remote.s32 $0x1  }
0xbf: {  	_ =	sfence.sel $0xFFFF  }
0xc0: {  	[dreg:$0x0] =	wrdreg $0xFFFFFFFF;
	(pc) =	sbr.abs _section_cstart, $3  }
0xc1: {  	[dreg:$0x1] =	wrdreg $0xFFFFFFFF  }
0xc2: {  	_ =	task.clear_ibuf [dreg:s7], $0x2FFFF;
	_ =	strace $0x9FFFFFFF  }
0xc3: {  	(tm) =	ssettm $0x7FFFFFFF  }
tec
execute0_lowered:
.L_overlay_start_1:
0x0: {  	(tag) =	ssettag $0x1  }
0x1: {  	s6 =	rddreg [dreg:$0x0]  }
0x2: {  	s2 =	rddreg [dreg:$0x1]  }
0x3: {  	s3 =	rddreg [dreg:$0x2];
	s4 =	srdreg.scid  }
0x4: {  	s0 =	rddreg [dreg:$0x3];
	s1 =	stileid.u32  }
0x5: {  	s12 =	simm.s32 $0x64;
	s13 =	simm.s32 $0x5140;
	s14 =	simm.s32 $0x68  }
0x6: {  	s15 =	simm.s32 $0x8340;
	s18 =	simm.s32 $0x1;
	s19 =	simm.s32 $0x3  }
0x7: {  	s20 =	simm.s32 $0x2;
	s21 =	simm.s32 $0x4;
	s22 =	simm.s32 $0x5070  }
0x8: {  	s23 =	simm.s32 $0x50D8;
	s24 =	simm.s32 $0x0;
	s7 =	sand.u32 $0x1, s4  }
0x9: {  	s4 =	simm.s32 $0x0;
	s8 =	smul.u32 $0x14000, s1;
	s16 =	sshll.u32 s1, $0x6  }
0xa: {  	s5 =	sshll.u32 s7, $0x4;
	[smem:$0x7FF] =	sst s4;
	s9 =	smul.u32 $0x140000, s7  }
0xb: {  	s7 =	ssub.s32 $0x2, s7;
	s16 =	sor.u32 $0x1C05, s16;
	s5 =	sor.u32 s1, s5  }
0xc: {  	_ =	strace $0x8000004A;
	s11 =	sshrl.u32 s7, $0x1;
	s10 =	smul.u32 $0x28A0, s5  }
0xd: {  	s17 =	sadd.s32 s8, s3;
	s5 =	sadd.s32 $0x18800, s6;
	s9 =	sadd.s32 s8, s9  }
0xe: {  	s11 =	ssub.s32 s7, s11;
	s9 =	sshrl.u32 s9, $0x3;
	s10 =	sshrl.u32 s10, $0x3  }
0xf: {  	s17 =	sshrl.u32 s17, $0x3;
	s9 =	sadd.s32 s9, s6;
	s10 =	sadd.s32 s10, s6  }
0x10: {  	s8 =	sadd.s32 $0x66C00, s9;
	s9 =	smax.u32 s11, $0x1;
	s11 =	simm.s32 $0x28A0  }
0x11: {  	s6 =	sadd.s32 $0x4200, s10;
	s7 =	sadd.s32 $0xE480, s10;
	s10 =	simm.s32 $0x5  }
.LBB2_1:
0x12: {  	[tilespmem:s4], [sflag:$0x5] =	stream.linear.gather [hbm4b:s6+s4], $0x28A0, $0x38;
	[tilespmem:$0x1F540] =	vst v63  }
0x13: {  	_ =	swait.ge [sflag:s10], $0x28A0  }
0x14: {  	[sflag:s10] =	ssyncset.done $0x0  }
0x15: {  	[sflag:s10] =	ssyncadd.s32 $0xFFFFD760  }
0x16: {  	[tilespmem:s11], [sflag:$0x5] =	stream.linear.gather [hbm4b:s7+s4], $0x28A0, $0x38;
	[tilespmem:$0x1F540] =	vst v63  }
0x17: {  	_ =	swait.ge [sflag:s10], $0x28A0  }
0x18: {  	[sflag:s10] =	ssyncset.done $0x0  }
0x19: {  	[sflag:s10] =	ssyncadd.s32 $0xFFFFD760  }
0x1a: {  	[tilespmem:s13], [sflag:$0x1] =	stream.indirect.gather [hbm4b:s5+s12], $0x80, s4, s12, $0xb8;
	[tilespmem:$0x1F540] =	vst v63  }
0x1b: {  	_ = 	snop  }
0x1c: {  	[tilespmem:s15], [sflag:$0x2] =	stream.indirect.gather [hbm4b:s5+s12], $0x80, s14, s12, $0xb8;
	[tilespmem:$0x1F540] =	vst v63  }
0x1d: {  	[spmem:s17], [sflag:s16] =	dma.local [hbm:s2], $0x2800  }
0x1e: {  	_ =	swait.ge [sflag:s10], $0x2800  }
0x1f: {  	[sflag:s10] =	ssyncset.done $0x0  }
0x20: {  	[sflag:s10] =	ssyncadd.s32 $0xFFFFD800  }
0x21: {  	[bflag:$0x0] =	sbarrier.arrive $0xFFFF  }
0x22: {  	_ =	swait.ge [sflag:s18], $0x3200  }
0x23: {  	[sflag:s18] =	ssyncset.done $0x0  }
0x24: {  	s25 =	simm.s32 $0x28A0;
	[sflag:s18] =	ssyncadd.s32 $0xFFFFCE00  }
0x25: {  	[spmem:s3] =	stream.indirect.scatter.add.f32 [tilespmem:s13], [sflag:$0x3], $0x80, s25, s12, $0xb8;
	[tilespmem:$0x1F540] =	vst v63  }
0x26: {  	_ =	swait.ge [sflag:s19], $0x3200  }
0x27: {  	[sflag:s19] =	ssyncset.done $0x0  }
0x28: {  	s30 =	simm.s32 $0xD0;
	[sflag:s19] =	ssyncadd.s32 $0xFFFFCE00  }
0x29: {  	[tilespmem:s13], [sflag:$0x1] =	stream.indirect.gather [hbm4b:s5+s12], $0x80, s30, s12, $0xb8;
	[tilespmem:$0x1F540] =	vst v63  }
0x2a: {  	_ =	swait.ge [sflag:s20], $0x3200  }
0x2b: {  	[sflag:s20] =	ssyncset.done $0x0  }
0x2c: {  	s31 =	simm.s32 $0x2908;
	[sflag:s20] =	ssyncadd.s32 $0xFFFFCE00  }
0x2d: {  	[spmem:s3] =	stream.indirect.scatter.add.f32 [tilespmem:s15], [sflag:$0x4], $0x80, s31, s12, $0xb8;
	[tilespmem:$0x1F540] =	vst v63  }
0x2e: {  	_ =	swait.ge [sflag:s21], $0x3200  }
0x2f: {  	[sflag:s21] =	ssyncset.done $0x0  }
0x30: {  	s26 =	simm.s32 $0x138;
	s25 =	simm.s32 $0x340;
	[sflag:s21] =	ssyncadd.s32 $0xFFFFCE00  }
.LBB2_2:
0x31: {  	[tilespmem:s15], [sflag:$0x2] =	stream.indirect.gather [hbm4b:s5+s12], $0x80, s26, s12, $0xb8;
	[tilespmem:$0x1F540] =	vst v63  }
0x32: {  	s26 =	smov.u32 s25  }
0x33: {  	p0 =	sne.s32 s25, $0x9C00;
	s25 =	sadd.s32 $0x340, s25;
	_ =	swait.ge [sflag:s18], $0x3200  }
0x34: {  	s26 =	sshra.s32 s26, $0x2;
	[sflag:s18] =	ssyncset.done $0x0  }
0x35: {  	s28 =	sadd.s32 $0x28A0, s26;
	[sflag:s18] =	ssyncadd.s32 $0xFFFFCE00  }
0x36: {  	[spmem:s3] =	stream.indirect.scatter.add.f32 [tilespmem:s13], [sflag:$0x3], $0x80, s28, s12, $0xb8;
	[tilespmem:$0x1F540] =	vst v63  }
0x37: {  	_ =	swait.ge [sflag:s19], $0x3200  }
0x38: {  	[sflag:s19] =	ssyncset.done $0x0  }
0x39: {  	s28 =	sadd.s32 $0xD0, s26;
	[sflag:s19] =	ssyncadd.s32 $0xFFFFCE00  }
0x3a: {  	[tilespmem:s13], [sflag:$0x1] =	stream.indirect.gather [hbm4b:s5+s12], $0x80, s28, s12, $0xb8;
	[tilespmem:$0x1F540] =	vst v63  }
0x3b: {  	_ =	swait.ge [sflag:s20], $0x3200  }
0x3c: {  	[sflag:s20] =	ssyncset.done $0x0  }
.Ltmp0:
0x3d: {  	s28 =	sadd.s32 $0x2908, s26;
	[sflag:s20] =	ssyncadd.s32 $0xFFFFCE00;
	(pc) =	sbr.rel @p0 .LBB2_2-.Ltmp0, $4  }
0x3e: {  	[spmem:s3] =	stream.indirect.scatter.add.f32 [tilespmem:s15], [sflag:$0x4], $0x80, s28, s12, $0xb8;
	[tilespmem:$0x1F540] =	vst v63  }
0x3f: {  	_ =	swait.ge [sflag:s21], $0x3200  }
0x40: {  	[sflag:s21] =	ssyncset.done $0x0  }
0x41: {  	s26 =	sadd.s32 $0x138, s26;
	[sflag:s21] =	ssyncadd.s32 $0xFFFFCE00  }
0x42: {  	[tilespmem:s15], [sflag:$0x2] =	stream.indirect.gather [hbm4b:s5+s12], $0x80, s26, s12, $0xb8;
	[tilespmem:$0x1F540] =	vst v63  }
0x43: {  	_ =	swait.ge [sflag:s18], $0x3200  }
0x44: {  	[sflag:s18] =	ssyncset.done $0x0  }
0x45: {  	[sflag:s18] =	ssyncadd.s32 $0xFFFFCE00  }
0x46: {  	[spmem:s3] =	stream.indirect.scatter.add.f32 [tilespmem:s13], [sflag:$0x3], $0x80, s22, s12, $0xb8;
	[tilespmem:$0x1F540] =	vst v63  }
0x47: {  	_ =	swait.ge [sflag:s20], $0x3200  }
0x48: {  	[sflag:s20] =	ssyncset.done $0x0  }
0x49: {  	[sflag:s20] =	ssyncadd.s32 $0xFFFFCE00  }
0x4a: {  	[spmem:s3] =	stream.indirect.scatter.add.f32 [tilespmem:s15], [sflag:$0x4], $0x80, s23, s12, $0xb8;
	[tilespmem:$0x1F540] =	vst v63  }
0x4b: {  	_ =	swait.ge [sflag:s19], $0x3200  }
0x4c: {  	[sflag:s19] =	ssyncset.done $0x0  }
0x4d: {  	[sflag:s19] =	ssyncadd.s32 $0xFFFFCE00  }
0x4e: {  	_ =	swait.ge [sflag:s21], $0x3200  }
0x4f: {  	s24 =	sadd.s32 $0x1, s24;
	[sflag:s21] =	ssyncset.done $0x0  }
0x50: {  	p0 =	sne.s32 s24, s9;
	[sflag:s21] =	ssyncadd.s32 $0xFFFFCE00  }
.Ltmp1:
0x51: {  	[bflag:$0x0] =	sbarrier.arrive $0xFFFF;
	(pc) =	sbr.rel @p0 .LBB2_1-.Ltmp1, $4  }
0x52: {  	[hbm:s8], [sflag:s16] =	dma.local [spmem:s17], $0x2800  }
0x53: {  	_ =	swait.ge [sflag:s10], $0x2800  }
0x54: {  	[sflag:s10] =	ssyncset.done $0x0  }
0x55: {  	[sflag:s10] =	ssyncadd.s32 $0xFFFFD800  }
0x56: {  	_ =	sfence.sel $0x180000  }
0x57: {  	[bflag:$0x0] =	sbarrier.arrive $0xFFFF  }
0x58: {  	p0 =	sne.s32 s1, $0x0;
	_ =	strace $0x9000004A  }
0x59: {  	s0 =	sadd.s32 @!p0 $0x100000, s0;
	[bflag:$0x2] =	sbarrier.arrive $0xFFFF  }
0x5a: {  	[sflag:s0] =	ssyncadd.tile.s32 @!p0 $0x1;
	_ =	shalt  }
.Lfunc_end2:
_tile_overlayer_lowered:
.L_overlay_start_2:
0x5b: {  	(tag) =	ssettag $0x2  }
0x5c: {  	s0 =	rddreg [dreg:$0x0];
	s2 =	stileid.u32  }
0x5d: {  	s1 =	rddreg [dreg:$0x1];
	p0 =	sne.s32 s2, $0x0  }
0x5e: {  	s3 =	rddreg [dreg:$0x2];
	[bflag:$0x3] =	sbarrier.arrive $0xFFFF;
	s2 =	simm.s32 @!p0 $0x1C05  }
0x5f: {  	[timem:s3], [sflag:s2] =	dma.local @!p0 [hbm:s0], s1  }
0x60: {  	s0 =	simm.s32 @!p0 $0x5  }
0x61: {  	_ =	swait.ge @!p0 [sflag:s0], s1  }
0x62: {  	s1 =	ssub.s32 @!p0 $0x0, s1;
	[sflag:s0] =	ssyncset.done @!p0 $0x0  }
0x63: {  	[sflag:s0] =	ssyncadd.s32 @!p0 s1  }
0x64: {  	[bflag:$0x3] =	sbarrier.arrive $0xFFFF  }
0x65: {  	_ =	shalt  }

// kernel: kernel.19.cloned.1.call-start
scs
__scs_entry_jumppad:
0x0: {  	(pc) =	sbr.rel $0x88, $3  }
0x1: {  	(tag) =	ssettag $0x0;
	lr =	simm.s32 $0x1  }
0x2: {  	[smem:$0x3F9B] =	sst lr;
	_ =	strace $0xD0000000  }
0x3: {  	_ = 	snop  }
0x4: {  	_ = 	snop  }
0x5: {  	_ = 	snop  }
0x6: {  	_ = 	snop  }
0x7: {  	_ = 	snop  }
__scs_overlays_trampoline_lowered:
0x8: {  	[smem:$0x3FAA] =	sst s0  }
0x9: {  	[smem:$0x3FAB] =	sst s1  }
0xa: {  	[smem:$0x3FAC] =	sst s2  }
0xb: {  	[smem:$0x3FAD] =	sst s3  }
0xc: {  	[smem:$0x3FAE] =	sst s4  }
0xd: {  	[smem:$0x3FAF] =	sst s5  }
0xe: {  	[smem:$0x3FB0] =	sst s6  }
0xf: {  	[smem:$0x3FB1] =	sst s7  }
0x10: {  	[smem:$0x3FB2] =	sst s8  }
0x11: {  	[smem:$0x3FB3] =	sst s9;
	s0 =	simm.s32 @!p0 $0x0  }
0x12: {  	s1 =	sld [smem:$0x3F99];
	s0 =	simm.s32 @p0 $0x1  }
0x13: {  	[smem:$0x3FB4] =	sst s0;
	s0 =	simm.s32 @!p1 $0x0  }
0x14: {  	s2 =	sld [smem:$0x3F98];
	s0 =	simm.s32 @p1 $0x1  }
0x15: {  	[smem:$0x3FB5] =	sst s0;
	s0 =	simm.s32 @!p2 $0x0  }
0x16: {  	s3 =	sld [smem:$0x3FDB];
	s0 =	simm.s32 @p2 $0x1  }
0x17: {  	s4 =	simm.s32 $0x1BF5;
	[smem:$0x3FB7] =	sst s0  }
0x18: {  	s0 =	sld [smem:$0x3F9A];
	_ =	swait.ge [sflag:s4], $0x0  }
0x19: {  	s7 =	sld [smem:$0x3F9B]  }
0x1a: {  	s8 =	sadd.s32 $0xFFFFE003, lr  }
0x1b: {  	s9 =	sadd.s32 $0xFFFFFEF7, lr;
	s5 =	simm.s32 $0xFFFFFFFF;
	p2 =	slt.u32 s8, $0xFFFFF086  }
0x1c: {  	p1 =	slt.u32 s9, $0xF7A;
	s5 =	simm.s32 @!p2 $0x0  }
0x1d: {  	s5 =	simm.s32 @p1 $0x1;
	p0 =	seq.s32 s7, s2  }
0x1e: {  	s7 =	smul.u32 @!p0 $0xF7A, s2;
	p2 =	seq.s32 @!p0 s5, $0x0  }
0x1f: {  	s9 =	smul.u32 $0xF7A, s1;
	s8 =	simm.s32 @!p0 $0x1BF5;
	p2 =	por !p2, p0  }
0x20: {  	[sflag:s8] =	ssyncset.s32 @!p0 $0xFFFFF086;
	s6 =	sadd.s32 @!p0 s3, s7;
	s7 =	simm.s32 @!p0 $0x108  }
0x21: {  	s3 =	sadd.s32 s3, s9;
	s6 =	sadd.s32 @!p0 $0x88, s6;
	s7 =	simm.s32 @p2 $0x1082  }
0x22: {  	[simem:s7], [sflag:s8] =	dma.local @!p0 [hbm:s6], $0xF7A  }
0x23: {  	s9 =	sor.u32 $0xD0000000, s2;
	s6 =	simm.s32 $0x108;
	_ =	swait.ge @!p0 [sflag:s8], $0x0  }
0x24: {  	s3 =	sadd.s32 $0x88, s3;
	s6 =	simm.s32 @!p1 $0x1082;
	[sflag:s4] =	ssyncset.s32 $0xFFFFF086  }
0x25: {  	[simem:s6], [sflag:s4] =	dma.local [hbm:s3], $0xF7A  }
0x26: {  	[smem:$0x3F9B] =	sst s1;
	(tag) =	ssettag s2;
	_ =	strace s9  }
0x27: {  	s1 =	sld [smem:$0x3FAB]  }
0x28: {  	s2 =	sld [smem:$0x3FAC]  }
0x29: {  	s4 =	sld [smem:$0x3FAE]  }
0x2a: {  	p0 =	seq.s32 s5, $0x0;
	s5 =	sld [smem:$0x3FAF]  }
0x2b: {  	s6 =	sld [smem:$0x3FB0]  }
0x2c: {  	s7 =	sld [smem:$0x3FB1]  }
0x2d: {  	s3 =	simm.s32 $0x108;
	s8 =	sld [smem:$0x3FB2]  }
0x2e: {  	s3 =	simm.s32 @!p0 $0x1082;
	s9 =	sld [smem:$0x3FB3]  }
0x2f: {  	lr =	sadd.s32 s0, s3;
	s0 =	sld [smem:$0x3FAA]  }
0x30: {  	s3 =	sld [smem:$0x3FAD]  }
0x31: {  	[smem:$0x3FB6] =	sst s10  }
0x32: {  	s10 =	sld [smem:$0x3FB4];
	_ =	sdelay $0x3  }
0x33: {  	p0 =	seq.s32 s10, $0x1;
	s10 =	sld [smem:$0x3FB6];
	_ =	sdelay $0x3  }
0x34: {  	[smem:$0x3FB6] =	sst s10  }
0x35: {  	s10 =	sld [smem:$0x3FB5];
	_ =	sdelay $0x3  }
0x36: {  	p1 =	seq.s32 s10, $0x1;
	s10 =	sld [smem:$0x3FB6];
	_ =	sdelay $0x3  }
0x37: {  	[smem:$0x3FB6] =	sst s10  }
0x38: {  	s10 =	sld [smem:$0x3FB7]  }
0x39: {  	_ = 	snop;
	(pc) =	sbr.ind lr, $3  }
0x3a: {  	_ = 	snop  }
0x3b: {  	_ = 	snop  }
0x3c: {  	p2 =	seq.s32 s10, $0x1;
	s10 =	sld [smem:$0x3FB6]  }
0x3d: {  	_ =	shalt  }
0x3e: {  	_ =	shalt  }
0x3f: {  	_ =	shalt  }
0x40: {  	_ =	shalt  }
0x41: {  	_ =	shalt  }
0x42: {  	_ =	shalt  }
0x43: {  	_ =	shalt  }
0x44: {  	_ =	shalt  }
0x45: {  	_ =	shalt  }
0x46: {  	_ =	shalt  }
0x47: {  	_ =	shalt  }
0x48: {  	_ =	shalt  }
0x49: {  	_ =	shalt  }
0x4a: {  	_ =	shalt  }
0x4b: {  	_ =	shalt  }
0x4c: {  	_ =	shalt  }
0x4d: {  	_ =	shalt  }
0x4e: {  	_ =	shalt  }
0x4f: {  	_ =	shalt  }
0x50: {  	_ =	shalt  }
0x51: {  	_ =	shalt  }
0x52: {  	_ =	shalt  }
0x53: {  	_ =	shalt  }
0x54: {  	_ =	shalt  }
0x55: {  	_ =	shalt  }
0x56: {  	_ =	shalt  }
0x57: {  	_ =	shalt  }
0x58: {  	_ =	shalt  }
0x59: {  	_ =	shalt  }
0x5a: {  	_ =	shalt  }
0x5b: {  	_ =	shalt  }
0x5c: {  	_ =	shalt  }
0x5d: {  	_ =	shalt  }
0x5e: {  	_ =	shalt  }
0x5f: {  	_ =	shalt  }
0x60: {  	_ =	shalt  }
0x61: {  	_ =	shalt  }
0x62: {  	_ =	shalt  }
0x63: {  	_ =	shalt  }
0x64: {  	_ =	shalt  }
0x65: {  	_ =	shalt  }
0x66: {  	_ =	shalt  }
0x67: {  	_ =	shalt  }
0x68: {  	_ =	shalt  }
0x69: {  	_ =	shalt  }
0x6a: {  	_ =	shalt  }
0x6b: {  	_ =	shalt  }
0x6c: {  	_ =	shalt  }
0x6d: {  	_ =	shalt  }
0x6e: {  	_ =	shalt  }
0x6f: {  	_ =	shalt  }
0x70: {  	_ =	shalt  }
0x71: {  	_ =	shalt  }
0x72: {  	_ =	shalt  }
0x73: {  	_ =	shalt  }
0x74: {  	_ =	shalt  }
0x75: {  	_ =	shalt  }
0x76: {  	_ =	shalt  }
0x77: {  	_ =	shalt  }
0x78: {  	_ =	shalt  }
0x79: {  	_ =	shalt  }
0x7a: {  	_ =	shalt  }
0x7b: {  	_ =	shalt  }
0x7c: {  	_ =	shalt  }
0x7d: {  	_ =	shalt  }
0x7e: {  	_ =	shalt  }
0x7f: {  	_ =	shalt  }
0x80: {  	_ =	shalt  }
0x81: {  	_ =	shalt  }
0x82: {  	_ =	shalt  }
0x83: {  	_ =	shalt  }
0x84: {  	_ =	shalt  }
0x85: {  	_ =	shalt  }
0x86: {  	_ =	shalt  }
0x87: {  	_ =	shalt  }
.Lfunc_end0:
.L_simem_size_0:
called_computation.2_lowered:
.L_overlay_start_0:
0x88: {  	s2 =	sld [smem:$0x3FD9]  }
0x89: {  	s3 =	sld [smem:$0x3FFE];
	_ =	sdelay $0x1  }
0x8a: {  	s1 =	srdreg.scid  }
0x8b: {  	s0 =	sand.u32 $0x1, s1  }
0x8c: {  	s17 =	sshll.u32 s0, $0xA;
	s2 =	sadd.s32 s3, s2  }
0x8d: {  	s2 =	sadd.s32 s2, s17  }
0x8e: {  	[smem:$0x3FC2] =	sst s2  }
0x8f: {  	_ = 	snop  }
0x90: {  	s2 =	sld [smem:$0x3FD0];
	(tm) =	ssettm $0x1  }
0x91: {  	s18 =	sld [smem:$0x3FFB];
	_ =	sdelay $0x3  }
0x92: {  	_ =	strace s18  }
0x93: {  	s3 =	sld [smem:$0x3FFC];
	_ =	sdelay $0x3  }
0x94: {  	_ =	strace s3  }
0x95: {  	s3 =	sld [smem:$0x3FFD];
	_ =	sdelay $0x3  }
0x96: {  	_ =	strace s3  }
0x97: {  	_ =	strace $0x8FFFFFFF  }
0x98: {  	s19 =	sld [smem:$0x3FDB];
	_ =	sdelay $0x1  }
0x99: {  	s4 =	simm.s32 $_scs_section_size  }
0x9a: {  	s5 =	simm.s32 $_size__tile_overlayer_lowered;
	s6 =	simm.s32 $_tile_overlayer_lowered  }
0x9b: {  	s22 =	simm.s32 $0x1BFF;
	s21 =	sshll.u32 s6, $0x1;
	s3 =	sadd.s32 s4, s19  }
0x9c: {  	s7 =	simm.s32 $0x0;
	s20 =	sshll.u32 s5, $0x1;
	s5 =	sadd.s32 s21, s3  }
0x9d: {  	[timem:s7], [sflag:s22] =	dma.local [hbm:s5], s20  }
0x9e: {  	_ =	swait.ge [sflag:s22], s20  }
0x9f: {  	s4 =	ssub.s32 $0x0, s20;
	[sflag:s22] =	ssyncset.done $0x0  }
0xa0: {  	[sflag:s22] =	ssyncadd.s32 s4;
	_ =	sdelay $0x1  }
0xa1: {  	s23 =	simm.s32 $0x1B8B  }
0xa2: {  	_ =	swait.ge [sflag:s23], $0x1  }
0xa3: {  	[sflag:s23] =	ssyncset.done $0x0  }
0xa4: {  	s25 =	simm.s32 $0x1B8E;
	s24 =	sld [smem:$0x3FFE];
	[sflag:s23] =	ssyncadd.s32 $0xFFFFFFFF  }
0xa5: {  	s26 =	simm.s32 $execute0_lowered;
	[smem:$0x3FD2] =	sst s25  }
0xa6: {  	s5 =	sshll.u32 s26, $0x1;
	_ =	strace $0x8000004C;
	[dreg:$0x1] =	wrdreg $0xFFFFFFFF  }
0xa7: {  	s28 =	simm.s32 $_size_execute0_lowered;
	s3 =	sadd.s32 s3, s5;
	[dreg:$0x0] =	wrdreg $0x0  }
0xa8: {  	s5 =	sshll.u32 s28, $0x1;
	[dreg:$0x2] =	wrdreg s3  }
0xa9: {  	[dreg:$0x3] =	wrdreg s5  }
0xaa: {  	[dreg:$0x4] =	wrdreg $0xC0  }
0xab: {  	_ =	task [dreg:s7], $0x5FFFF  }
0xac: {  	[dreg:$0x1] =	wrdreg $0xFFFFFFFF  }
0xad: {  	[dreg:$0x0] =	wrdreg $0x60  }
0xae: {  	[dreg:$0x2] =	wrdreg s24  }
0xaf: {  	[dreg:$0x3] =	wrdreg s2  }
0xb0: {  	[dreg:$0x4] =	wrdreg $0xB5400  }
0xb1: {  	[dreg:$0x5] =	wrdreg $0x9  }
0xb2: {  	_ =	task.clear_ibuf [dreg:s7], $0x6FFFF;
	_ =	strace $0x9000004C  }
0xb3: {  	s29 =	simm.s32 $0x9;
	_ =	strace $0x8000004E  }
0xb4: {  	_ =	swait.ge [sflag:s29], $0x1  }
0xb5: {  	[sflag:s29] =	ssyncadd.s32 $0xFFFFFFFF  }
0xb6: {  	_ =	strace $0x9000004E  }
0xb7: {  	_ =	sfence  }
0xb8: {  	s30 =	sld [smem:$0x0];
	_ =	sdelay $0x2  }
0xb9: {  	s31 =	sshll.u32 s1, $0xD;
	s1 =	sshrl.u32 s1, $0x2  }
0xba: {  	s3 =	sand.u32 $0x4000, s31;
	s1 =	sadd.s32 s1, s30  }
0xbb: {  	s0 =	sor.u32 s3, s0;
	s1 =	sshll.u32 s1, $0x11  }
0xbc: {  	s0 =	sor.u32 s1, s0  }
0xbd: {  	s0 =	sadd.s32 $0x8F2B, s0  }
0xbe: {  	[sflag:s0] =	ssyncadd.remote.s32 $0x1  }
0xbf: {  	_ =	sfence.sel $0xFFFF  }
0xc0: {  	[dreg:$0x0] =	wrdreg $0xFFFFFFFF;
	(pc) =	sbr.abs _section_cstart, $3  }
0xc1: {  	[dreg:$0x1] =	wrdreg $0xFFFFFFFF  }
0xc2: {  	_ =	task.clear_ibuf [dreg:s7], $0x2FFFF;
	_ =	strace $0x9FFFFFFF  }
0xc3: {  	(tm) =	ssettm $0x7FFFFFFF  }
tec
execute0_lowered:
.L_overlay_start_1:
0x0: {  	(tag) =	ssettag $0x1  }
0x1: {  	s6 =	rddreg [dreg:$0x0]  }
0x2: {  	s2 =	rddreg [dreg:$0x1]  }
0x3: {  	s3 =	rddreg [dreg:$0x2];
	s4 =	srdreg.scid  }
0x4: {  	s0 =	rddreg [dreg:$0x3];
	s1 =	stileid.u32  }
0x5: {  	s12 =	simm.s32 $0x64;
	s13 =	simm.s32 $0x5140;
	s14 =	simm.s32 $0x68  }
0x6: {  	s15 =	simm.s32 $0x8340;
	s18 =	simm.s32 $0x1;
	s19 =	simm.s32 $0x3  }
0x7: {  	s20 =	simm.s32 $0x2;
	s21 =	simm.s32 $0x4;
	s22 =	simm.s32 $0x5070  }
0x8: {  	s23 =	simm.s32 $0x50D8;
	s24 =	simm.s32 $0x0;
	s7 =	sand.u32 $0x1, s4  }
0x9: {  	s4 =	simm.s32 $0x0;
	s8 =	smul.u32 $0x14000, s1;
	s16 =	sshll.u32 s1, $0x6  }
0xa: {  	s5 =	sshll.u32 s7, $0x4;
	[smem:$0x7FF] =	sst s4;
	s9 =	smul.u32 $0x140000, s7  }
0xb: {  	s7 =	ssub.s32 $0x2, s7;
	s16 =	sor.u32 $0x1C05, s16;
	s5 =	sor.u32 s1, s5  }
0xc: {  	_ =	strace $0x8000004D;
	s11 =	sshrl.u32 s7, $0x1;
	s10 =	smul.u32 $0x28A0, s5  }
0xd: {  	s17 =	sadd.s32 s8, s3;
	s5 =	sadd.s32 $0x18800, s6;
	s9 =	sadd.s32 s8, s9  }
0xe: {  	s11 =	ssub.s32 s7, s11;
	s9 =	sshrl.u32 s9, $0x3;
	s10 =	sshrl.u32 s10, $0x3  }
0xf: {  	s17 =	sshrl.u32 s17, $0x3;
	s9 =	sadd.s32 s9, s6;
	s10 =	sadd.s32 s10, s6  }
0x10: {  	s8 =	sadd.s32 $0x66C00, s9;
	s9 =	smax.u32 s11, $0x1;
	s11 =	simm.s32 $0x28A0  }
0x11: {  	s6 =	sadd.s32 $0x4200, s10;
	s7 =	sadd.s32 $0xE480, s10;
	s10 =	simm.s32 $0x5  }
.LBB2_1:
0x12: {  	[tilespmem:s4], [sflag:$0x5] =	stream.linear.gather [hbm4b:s6+s4], $0x28A0, $0x38;
	[tilespmem:$0x1F540] =	vst v63  }
0x13: {  	_ =	swait.ge [sflag:s10], $0x28A0  }
0x14: {  	[sflag:s10] =	ssyncset.done $0x0  }
0x15: {  	[sflag:s10] =	ssyncadd.s32 $0xFFFFD760  }
0x16: {  	[tilespmem:s11], [sflag:$0x5] =	stream.linear.gather [hbm4b:s7+s4], $0x28A0, $0x38;
	[tilespmem:$0x1F540] =	vst v63  }
0x17: {  	_ =	swait.ge [sflag:s10], $0x28A0  }
0x18: {  	[sflag:s10] =	ssyncset.done $0x0  }
0x19: {  	[sflag:s10] =	ssyncadd.s32 $0xFFFFD760  }
0x1a: {  	[tilespmem:s13], [sflag:$0x1] =	stream.indirect.gather [hbm4b:s5+s12], $0x80, s4, s12, $0xb8;
	[tilespmem:$0x1F540] =	vst v63  }
0x1b: {  	_ = 	snop  }
0x1c: {  	[tilespmem:s15], [sflag:$0x2] =	stream.indirect.gather [hbm4b:s5+s12], $0x80, s14, s12, $0xb8;
	[tilespmem:$0x1F540] =	vst v63  }
0x1d: {  	[spmem:s17], [sflag:s16] =	dma.local [hbm:s2], $0x2800  }
0x1e: {  	_ =	swait.ge [sflag:s10], $0x2800  }
0x1f: {  	[sflag:s10] =	ssyncset.done $0x0  }
0x20: {  	[sflag:s10] =	ssyncadd.s32 $0xFFFFD800  }
0x21: {  	[bflag:$0x0] =	sbarrier.arrive $0xFFFF  }
0x22: {  	_ =	swait.ge [sflag:s18], $0x3200  }
0x23: {  	[sflag:s18] =	ssyncset.done $0x0  }
0x24: {  	s25 =	simm.s32 $0x28A0;
	[sflag:s18] =	ssyncadd.s32 $0xFFFFCE00  }
0x25: {  	[spmem:s3] =	stream.indirect.scatter.add.f32 [tilespmem:s13], [sflag:$0x3], $0x80, s25, s12, $0xb8;
	[tilespmem:$0x1F540] =	vst v63  }
0x26: {  	_ =	swait.ge [sflag:s19], $0x3200  }
0x27: {  	[sflag:s19] =	ssyncset.done $0x0  }
0x28: {  	s30 =	simm.s32 $0xD0;
	[sflag:s19] =	ssyncadd.s32 $0xFFFFCE00  }
0x29: {  	[tilespmem:s13], [sflag:$0x1] =	stream.indirect.gather [hbm4b:s5+s12], $0x80, s30, s12, $0xb8;
	[tilespmem:$0x1F540] =	vst v63  }
0x2a: {  	_ =	swait.ge [sflag:s20], $0x3200  }
0x2b: {  	[sflag:s20] =	ssyncset.done $0x0  }
0x2c: {  	s31 =	simm.s32 $0x2908;
	[sflag:s20] =	ssyncadd.s32 $0xFFFFCE00  }
0x2d: {  	[spmem:s3] =	stream.indirect.scatter.add.f32 [tilespmem:s15], [sflag:$0x4], $0x80, s31, s12, $0xb8;
	[tilespmem:$0x1F540] =	vst v63  }
0x2e: {  	_ =	swait.ge [sflag:s21], $0x3200  }
0x2f: {  	[sflag:s21] =	ssyncset.done $0x0  }
0x30: {  	s26 =	simm.s32 $0x138;
	s25 =	simm.s32 $0x340;
	[sflag:s21] =	ssyncadd.s32 $0xFFFFCE00  }
.LBB2_2:
0x31: {  	[tilespmem:s15], [sflag:$0x2] =	stream.indirect.gather [hbm4b:s5+s12], $0x80, s26, s12, $0xb8;
	[tilespmem:$0x1F540] =	vst v63  }
0x32: {  	s26 =	smov.u32 s25  }
0x33: {  	p0 =	sne.s32 s25, $0x9C00;
	s25 =	sadd.s32 $0x340, s25;
	_ =	swait.ge [sflag:s18], $0x3200  }
0x34: {  	s26 =	sshra.s32 s26, $0x2;
	[sflag:s18] =	ssyncset.done $0x0  }
0x35: {  	s28 =	sadd.s32 $0x28A0, s26;
	[sflag:s18] =	ssyncadd.s32 $0xFFFFCE00  }
0x36: {  	[spmem:s3] =	stream.indirect.scatter.add.f32 [tilespmem:s13], [sflag:$0x3], $0x80, s28, s12, $0xb8;
	[tilespmem:$0x1F540] =	vst v63  }
0x37: {  	_ =	swait.ge [sflag:s19], $0x3200  }
0x38: {  	[sflag:s19] =	ssyncset.done $0x0  }
0x39: {  	s28 =	sadd.s32 $0xD0, s26;
	[sflag:s19] =	ssyncadd.s32 $0xFFFFCE00  }
0x3a: {  	[tilespmem:s13], [sflag:$0x1] =	stream.indirect.gather [hbm4b:s5+s12], $0x80, s28, s12, $0xb8;
	[tilespmem:$0x1F540] =	vst v63  }
0x3b: {  	_ =	swait.ge [sflag:s20], $0x3200  }
0x3c: {  	[sflag:s20] =	ssyncset.done $0x0  }
.Ltmp0:
0x3d: {  	s28 =	sadd.s32 $0x2908, s26;
	[sflag:s20] =	ssyncadd.s32 $0xFFFFCE00;
	(pc) =	sbr.rel @p0 .LBB2_2-.Ltmp0, $4  }
0x3e: {  	[spmem:s3] =	stream.indirect.scatter.add.f32 [tilespmem:s15], [sflag:$0x4], $0x80, s28, s12, $0xb8;
	[tilespmem:$0x1F540] =	vst v63  }
0x3f: {  	_ =	swait.ge [sflag:s21], $0x3200  }
0x40: {  	[sflag:s21] =	ssyncset.done $0x0  }
0x41: {  	s26 =	sadd.s32 $0x138, s26;
	[sflag:s21] =	ssyncadd.s32 $0xFFFFCE00  }
0x42: {  	[tilespmem:s15], [sflag:$0x2] =	stream.indirect.gather [hbm4b:s5+s12], $0x80, s26, s12, $0xb8;
	[tilespmem:$0x1F540] =	vst v63  }
0x43: {  	_ =	swait.ge [sflag:s18], $0x3200  }
0x44: {  	[sflag:s18] =	ssyncset.done $0x0  }
0x45: {  	[sflag:s18] =	ssyncadd.s32 $0xFFFFCE00  }
0x46: {  	[spmem:s3] =	stream.indirect.scatter.add.f32 [tilespmem:s13], [sflag:$0x3], $0x80, s22, s12, $0xb8;
	[tilespmem:$0x1F540] =	vst v63  }
0x47: {  	_ =	swait.ge [sflag:s20], $0x3200  }
0x48: {  	[sflag:s20] =	ssyncset.done $0x0  }
0x49: {  	[sflag:s20] =	ssyncadd.s32 $0xFFFFCE00  }
0x4a: {  	[spmem:s3] =	stream.indirect.scatter.add.f32 [tilespmem:s15], [sflag:$0x4], $0x80, s23, s12, $0xb8;
	[tilespmem:$0x1F540] =	vst v63  }
0x4b: {  	_ =	swait.ge [sflag:s19], $0x3200  }
0x4c: {  	[sflag:s19] =	ssyncset.done $0x0  }
0x4d: {  	[sflag:s19] =	ssyncadd.s32 $0xFFFFCE00  }
0x4e: {  	_ =	swait.ge [sflag:s21], $0x3200  }
0x4f: {  	s24 =	sadd.s32 $0x1, s24;
	[sflag:s21] =	ssyncset.done $0x0  }
0x50: {  	p0 =	sne.s32 s24, s9;
	[sflag:s21] =	ssyncadd.s32 $0xFFFFCE00  }
.Ltmp1:
0x51: {  	[bflag:$0x0] =	sbarrier.arrive $0xFFFF;
	(pc) =	sbr.rel @p0 .LBB2_1-.Ltmp1, $4  }
0x52: {  	[hbm:s8], [sflag:s16] =	dma.local [spmem:s17], $0x2800  }
0x53: {  	_ =	swait.ge [sflag:s10], $0x2800  }
0x54: {  	[sflag:s10] =	ssyncset.done $0x0  }
0x55: {  	[sflag:s10] =	ssyncadd.s32 $0xFFFFD800  }
0x56: {  	_ =	sfence.sel $0x180000  }
0x57: {  	[bflag:$0x0] =	sbarrier.arrive $0xFFFF  }
0x58: {  	p0 =	sne.s32 s1, $0x0;
	_ =	strace $0x9000004D  }
0x59: {  	s0 =	sadd.s32 @!p0 $0x100000, s0;
	[bflag:$0x2] =	sbarrier.arrive $0xFFFF  }
0x5a: {  	[sflag:s0] =	ssyncadd.tile.s32 @!p0 $0x1;
	_ =	shalt  }
.Lfunc_end2:
_tile_overlayer_lowered:
.L_overlay_start_2:
0x5b: {  	(tag) =	ssettag $0x2  }
0x5c: {  	s0 =	rddreg [dreg:$0x0];
	s2 =	stileid.u32  }
0x5d: {  	s1 =	rddreg [dreg:$0x1];
	p0 =	sne.s32 s2, $0x0  }
0x5e: {  	s3 =	rddreg [dreg:$0x2];
	[bflag:$0x3] =	sbarrier.arrive $0xFFFF;
	s2 =	simm.s32 @!p0 $0x1C05  }
0x5f: {  	[timem:s3], [sflag:s2] =	dma.local @!p0 [hbm:s0], s1  }
0x60: {  	s0 =	simm.s32 @!p0 $0x5  }
0x61: {  	_ =	swait.ge @!p0 [sflag:s0], s1  }
0x62: {  	s1 =	ssub.s32 @!p0 $0x0, s1;
	[sflag:s0] =	ssyncset.done @!p0 $0x0  }
0x63: {  	[sflag:s0] =	ssyncadd.s32 @!p0 s1  }
0x64: {  	[bflag:$0x3] =	sbarrier.arrive $0xFFFF  }
0x65: {  	_ =	shalt  }

// kernel: kernel.22.cloned.1.call-start
scs
__scs_entry_jumppad:
0x0: {  	(pc) =	sbr.rel $0x88, $3  }
0x1: {  	(tag) =	ssettag $0x0;
	lr =	simm.s32 $0x1  }
0x2: {  	[smem:$0x3F9B] =	sst lr;
	_ =	strace $0xD0000000  }
0x3: {  	_ = 	snop  }
0x4: {  	_ = 	snop  }
0x5: {  	_ = 	snop  }
0x6: {  	_ = 	snop  }
0x7: {  	_ = 	snop  }
__scs_overlays_trampoline_lowered:
0x8: {  	[smem:$0x3FAA] =	sst s0  }
0x9: {  	[smem:$0x3FAB] =	sst s1  }
0xa: {  	[smem:$0x3FAC] =	sst s2  }
0xb: {  	[smem:$0x3FAD] =	sst s3  }
0xc: {  	[smem:$0x3FAE] =	sst s4  }
0xd: {  	[smem:$0x3FAF] =	sst s5  }
0xe: {  	[smem:$0x3FB0] =	sst s6  }
0xf: {  	[smem:$0x3FB1] =	sst s7  }
0x10: {  	[smem:$0x3FB2] =	sst s8  }
0x11: {  	[smem:$0x3FB3] =	sst s9;
	s0 =	simm.s32 @!p0 $0x0  }
0x12: {  	s1 =	sld [smem:$0x3F99];
	s0 =	simm.s32 @p0 $0x1  }
0x13: {  	[smem:$0x3FB4] =	sst s0;
	s0 =	simm.s32 @!p1 $0x0  }
0x14: {  	s2 =	sld [smem:$0x3F98];
	s0 =	simm.s32 @p1 $0x1  }
0x15: {  	[smem:$0x3FB5] =	sst s0;
	s0 =	simm.s32 @!p2 $0x0  }
0x16: {  	s3 =	sld [smem:$0x3FDB];
	s0 =	simm.s32 @p2 $0x1  }
0x17: {  	s4 =	simm.s32 $0x1BF5;
	[smem:$0x3FB7] =	sst s0  }
0x18: {  	s0 =	sld [smem:$0x3F9A];
	_ =	swait.ge [sflag:s4], $0x0  }
0x19: {  	s7 =	sld [smem:$0x3F9B]  }
0x1a: {  	s8 =	sadd.s32 $0xFFFFE003, lr  }
0x1b: {  	s9 =	sadd.s32 $0xFFFFFEF7, lr;
	s5 =	simm.s32 $0xFFFFFFFF;
	p2 =	slt.u32 s8, $0xFFFFF086  }
0x1c: {  	p1 =	slt.u32 s9, $0xF7A;
	s5 =	simm.s32 @!p2 $0x0  }
0x1d: {  	s5 =	simm.s32 @p1 $0x1;
	p0 =	seq.s32 s7, s2  }
0x1e: {  	s7 =	smul.u32 @!p0 $0xF7A, s2;
	p2 =	seq.s32 @!p0 s5, $0x0  }
0x1f: {  	s9 =	smul.u32 $0xF7A, s1;
	s8 =	simm.s32 @!p0 $0x1BF5;
	p2 =	por !p2, p0  }
0x20: {  	[sflag:s8] =	ssyncset.s32 @!p0 $0xFFFFF086;
	s6 =	sadd.s32 @!p0 s3, s7;
	s7 =	simm.s32 @!p0 $0x108  }
0x21: {  	s3 =	sadd.s32 s3, s9;
	s6 =	sadd.s32 @!p0 $0x88, s6;
	s7 =	simm.s32 @p2 $0x1082  }
0x22: {  	[simem:s7], [sflag:s8] =	dma.local @!p0 [hbm:s6], $0xF7A  }
0x23: {  	s9 =	sor.u32 $0xD0000000, s2;
	s6 =	simm.s32 $0x108;
	_ =	swait.ge @!p0 [sflag:s8], $0x0  }
0x24: {  	s3 =	sadd.s32 $0x88, s3;
	s6 =	simm.s32 @!p1 $0x1082;
	[sflag:s4] =	ssyncset.s32 $0xFFFFF086  }
0x25: {  	[simem:s6], [sflag:s4] =	dma.local [hbm:s3], $0xF7A  }
0x26: {  	[smem:$0x3F9B] =	sst s1;
	(tag) =	ssettag s2;
	_ =	strace s9  }
0x27: {  	s1 =	sld [smem:$0x3FAB]  }
0x28: {  	s2 =	sld [smem:$0x3FAC]  }
0x29: {  	s4 =	sld [smem:$0x3FAE]  }
0x2a: {  	p0 =	seq.s32 s5, $0x0;
	s5 =	sld [smem:$0x3FAF]  }
0x2b: {  	s6 =	sld [smem:$0x3FB0]  }
0x2c: {  	s7 =	sld [smem:$0x3FB1]  }
0x2d: {  	s3 =	simm.s32 $0x108;
	s8 =	sld [smem:$0x3FB2]  }
0x2e: {  	s3 =	simm.s32 @!p0 $0x1082;
	s9 =	sld [smem:$0x3FB3]  }
0x2f: {  	lr =	sadd.s32 s0, s3;
	s0 =	sld [smem:$0x3FAA]  }
0x30: {  	s3 =	sld [smem:$0x3FAD]  }
0x31: {  	[smem:$0x3FB6] =	sst s10  }
0x32: {  	s10 =	sld [smem:$0x3FB4];
	_ =	sdelay $0x3  }
0x33: {  	p0 =	seq.s32 s10, $0x1;
	s10 =	sld [smem:$0x3FB6];
	_ =	sdelay $0x3  }
0x34: {  	[smem:$0x3FB6] =	sst s10  }
0x35: {  	s10 =	sld [smem:$0x3FB5];
	_ =	sdelay $0x3  }
0x36: {  	p1 =	seq.s32 s10, $0x1;
	s10 =	sld [smem:$0x3FB6];
	_ =	sdelay $0x3  }
0x37: {  	[smem:$0x3FB6] =	sst s10  }
0x38: {  	s10 =	sld [smem:$0x3FB7]  }
0x39: {  	_ = 	snop;
	(pc) =	sbr.ind lr, $3  }
0x3a: {  	_ = 	snop  }
0x3b: {  	_ = 	snop  }
0x3c: {  	p2 =	seq.s32 s10, $0x1;
	s10 =	sld [smem:$0x3FB6]  }
0x3d: {  	_ =	shalt  }
0x3e: {  	_ =	shalt  }
0x3f: {  	_ =	shalt  }
0x40: {  	_ =	shalt  }
0x41: {  	_ =	shalt  }
0x42: {  	_ =	shalt  }
0x43: {  	_ =	shalt  }
0x44: {  	_ =	shalt  }
0x45: {  	_ =	shalt  }
0x46: {  	_ =	shalt  }
0x47: {  	_ =	shalt  }
0x48: {  	_ =	shalt  }
0x49: {  	_ =	shalt  }
0x4a: {  	_ =	shalt  }
0x4b: {  	_ =	shalt  }
0x4c: {  	_ =	shalt  }
0x4d: {  	_ =	shalt  }
0x4e: {  	_ =	shalt  }
0x4f: {  	_ =	shalt  }
0x50: {  	_ =	shalt  }
0x51: {  	_ =	shalt  }
0x52: {  	_ =	shalt  }
0x53: {  	_ =	shalt  }
0x54: {  	_ =	shalt  }
0x55: {  	_ =	shalt  }
0x56: {  	_ =	shalt  }
0x57: {  	_ =	shalt  }
0x58: {  	_ =	shalt  }
0x59: {  	_ =	shalt  }
0x5a: {  	_ =	shalt  }
0x5b: {  	_ =	shalt  }
0x5c: {  	_ =	shalt  }
0x5d: {  	_ =	shalt  }
0x5e: {  	_ =	shalt  }
0x5f: {  	_ =	shalt  }
0x60: {  	_ =	shalt  }
0x61: {  	_ =	shalt  }
0x62: {  	_ =	shalt  }
0x63: {  	_ =	shalt  }
0x64: {  	_ =	shalt  }
0x65: {  	_ =	shalt  }
0x66: {  	_ =	shalt  }
0x67: {  	_ =	shalt  }
0x68: {  	_ =	shalt  }
0x69: {  	_ =	shalt  }
0x6a: {  	_ =	shalt  }
0x6b: {  	_ =	shalt  }
0x6c: {  	_ =	shalt  }
0x6d: {  	_ =	shalt  }
0x6e: {  	_ =	shalt  }
0x6f: {  	_ =	shalt  }
0x70: {  	_ =	shalt  }
0x71: {  	_ =	shalt  }
0x72: {  	_ =	shalt  }
0x73: {  	_ =	shalt  }
0x74: {  	_ =	shalt  }
0x75: {  	_ =	shalt  }
0x76: {  	_ =	shalt  }
0x77: {  	_ =	shalt  }
0x78: {  	_ =	shalt  }
0x79: {  	_ =	shalt  }
0x7a: {  	_ =	shalt  }
0x7b: {  	_ =	shalt  }
0x7c: {  	_ =	shalt  }
0x7d: {  	_ =	shalt  }
0x7e: {  	_ =	shalt  }
0x7f: {  	_ =	shalt  }
0x80: {  	_ =	shalt  }
0x81: {  	_ =	shalt  }
0x82: {  	_ =	shalt  }
0x83: {  	_ =	shalt  }
0x84: {  	_ =	shalt  }
0x85: {  	_ =	shalt  }
0x86: {  	_ =	shalt  }
0x87: {  	_ =	shalt  }
.Lfunc_end0:
.L_simem_size_0:
called_computation.3_lowered:
.L_overlay_start_0:
0x88: {  	s2 =	sld [smem:$0x3FD9]  }
0x89: {  	s3 =	sld [smem:$0x3FFE];
	_ =	sdelay $0x1  }
0x8a: {  	s1 =	srdreg.scid  }
0x8b: {  	s0 =	sand.u32 $0x1, s1  }
0x8c: {  	s17 =	sshll.u32 s0, $0xA;
	s2 =	sadd.s32 s3, s2  }
0x8d: {  	s2 =	sadd.s32 s2, s17  }
0x8e: {  	[smem:$0x3FC2] =	sst s2  }
0x8f: {  	_ = 	snop  }
0x90: {  	s2 =	sld [smem:$0x3FD0];
	(tm) =	ssettm $0x1  }
0x91: {  	s18 =	sld [smem:$0x3FFB];
	_ =	sdelay $0x3  }
0x92: {  	_ =	strace s18  }
0x93: {  	s3 =	sld [smem:$0x3FFC];
	_ =	sdelay $0x3  }
0x94: {  	_ =	strace s3  }
0x95: {  	s3 =	sld [smem:$0x3FFD];
	_ =	sdelay $0x3  }
0x96: {  	_ =	strace s3  }
0x97: {  	_ =	strace $0x8FFFFFFF  }
0x98: {  	s19 =	sld [smem:$0x3FDB];
	_ =	sdelay $0x1  }
0x99: {  	s4 =	simm.s32 $_scs_section_size  }
0x9a: {  	s5 =	simm.s32 $_size__tile_overlayer_lowered;
	s6 =	simm.s32 $_tile_overlayer_lowered  }
0x9b: {  	s22 =	simm.s32 $0x1BFF;
	s21 =	sshll.u32 s6, $0x1;
	s3 =	sadd.s32 s4, s19  }
0x9c: {  	s7 =	simm.s32 $0x0;
	s20 =	sshll.u32 s5, $0x1;
	s5 =	sadd.s32 s21, s3  }
0x9d: {  	[timem:s7], [sflag:s22] =	dma.local [hbm:s5], s20  }
0x9e: {  	_ =	swait.ge [sflag:s22], s20  }
0x9f: {  	s4 =	ssub.s32 $0x0, s20;
	[sflag:s22] =	ssyncset.done $0x0  }
0xa0: {  	[sflag:s22] =	ssyncadd.s32 s4;
	_ =	sdelay $0x1  }
0xa1: {  	s23 =	simm.s32 $0x1B8B  }
0xa2: {  	_ =	swait.ge [sflag:s23], $0x1  }
0xa3: {  	[sflag:s23] =	ssyncset.done $0x0  }
0xa4: {  	s25 =	simm.s32 $0x1B8E;
	s24 =	sld [smem:$0x3FFE];
	[sflag:s23] =	ssyncadd.s32 $0xFFFFFFFF  }
0xa5: {  	s26 =	simm.s32 $execute0_lowered;
	[smem:$0x3FD2] =	sst s25  }
0xa6: {  	s5 =	sshll.u32 s26, $0x1;
	_ =	strace $0x8000004F;
	[dreg:$0x1] =	wrdreg $0xFFFFFFFF  }
0xa7: {  	s28 =	simm.s32 $_size_execute0_lowered;
	s3 =	sadd.s32 s3, s5;
	[dreg:$0x0] =	wrdreg $0x0  }
0xa8: {  	s5 =	sshll.u32 s28, $0x1;
	[dreg:$0x2] =	wrdreg s3  }
0xa9: {  	[dreg:$0x3] =	wrdreg s5  }
0xaa: {  	[dreg:$0x4] =	wrdreg $0xC0  }
0xab: {  	_ =	task [dreg:s7], $0x5FFFF  }
0xac: {  	[dreg:$0x1] =	wrdreg $0xFFFFFFFF  }
0xad: {  	[dreg:$0x0] =	wrdreg $0x60  }
0xae: {  	[dreg:$0x2] =	wrdreg s24  }
0xaf: {  	[dreg:$0x3] =	wrdreg s2  }
0xb0: {  	[dreg:$0x4] =	wrdreg $0xAF000  }
0xb1: {  	[dreg:$0x5] =	wrdreg $0x9  }
0xb2: {  	_ =	task.clear_ibuf [dreg:s7], $0x6FFFF;
	_ =	strace $0x9000004F  }
0xb3: {  	s29 =	simm.s32 $0x9;
	_ =	strace $0x80000051  }
0xb4: {  	_ =	swait.ge [sflag:s29], $0x1  }
0xb5: {  	[sflag:s29] =	ssyncadd.s32 $0xFFFFFFFF  }
0xb6: {  	_ =	strace $0x90000051  }
0xb7: {  	_ =	sfence  }
0xb8: {  	s30 =	sld [smem:$0x0];
	_ =	sdelay $0x2  }
0xb9: {  	s31 =	sshll.u32 s1, $0xD;
	s1 =	sshrl.u32 s1, $0x2  }
0xba: {  	s3 =	sand.u32 $0x4000, s31;
	s1 =	sadd.s32 s1, s30  }
0xbb: {  	s0 =	sor.u32 s3, s0;
	s1 =	sshll.u32 s1, $0x11  }
0xbc: {  	s0 =	sor.u32 s1, s0  }
0xbd: {  	s0 =	sadd.s32 $0x8F2B, s0  }
0xbe: {  	[sflag:s0] =	ssyncadd.remote.s32 $0x1  }
0xbf: {  	_ =	sfence.sel $0xFFFF  }
0xc0: {  	[dreg:$0x0] =	wrdreg $0xFFFFFFFF;
	(pc) =	sbr.abs _section_cstart, $3  }
0xc1: {  	[dreg:$0x1] =	wrdreg $0xFFFFFFFF  }
0xc2: {  	_ =	task.clear_ibuf [dreg:s7], $0x2FFFF;
	_ =	strace $0x9FFFFFFF  }
0xc3: {  	(tm) =	ssettm $0x7FFFFFFF  }
tec
execute0_lowered:
.L_overlay_start_1:
0x0: {  	(tag) =	ssettag $0x1  }
0x1: {  	s0 =	srdreg.scid  }
0x2: {  	s1 =	rddreg [dreg:$0x0];
	s14 =	stileid.u32  }
0x3: {  	s3 =	rddreg [dreg:$0x2];
	s4 =	simm.s32 $0x0;
	s10 =	simm.s32 $0xB  }
0x4: {  	s11 =	simm.s32 $0x28A0;
	s12 =	simm.s32 $0x64;
	s13 =	simm.s32 $0x5140  }
0x5: {  	s15 =	simm.s32 $0x6400;
	s18 =	simm.s32 $0x1;
	s20 =	simm.s32 $0x76C0  }
0x6: {  	s21 =	simm.s32 $0x2;
	s29 =	simm.s32 $0x9C40;
	s30 =	simm.s32 $0x4  }
0x7: {  	s19 =	simm.s32 $0x7;
	s23 =	simm.s32 $0x8;
	s28 =	simm.s32 $0xA  }
0x8: {  	s31 =	simm.s32 $0x0;
	s0 =	sand.u32 $0x1, s0;
	s8 =	smul.u32 $0x7800, s14  }
0x9: {  	[smem:$0x7FF] =	sst s4;
	s5 =	sadd.s32 $0x66C00, s1;
	s26 =	sshll.u32 s14, $0x6  }
0xa: {  	s2 =	sshll.u32 s0, $0x4;
	s6 =	smul.u32 $0x78000, s0;
	_ =	strace $0x80000050  }
0xb: {  	s0 =	ssub.s32 $0x2, s0;
	s16 =	sor.u32 $0x1C0B, s26;
	s2 =	sor.u32 s14, s2  }
0xc: {  	s26 =	simm.s32 $0x9;
	s7 =	sshrl.u32 s0, $0x1;
	s2 =	smul.u32 $0x28A0, s2  }
0xd: {  	s25 =	sadd.s32 s8, s3;
	s6 =	sadd.s32 s8, s6;
	s0 =	ssub.s32 s0, s7  }
.Ltmp0:
0xe: {  	s17 =	sshrl.u32 s25, $0x3;
	s2 =	sshrl.u32 s2, $0x3;
	(pc) =	sbr.rel .LBB2_1-.Ltmp0, $4  }
0xf: {  	s25 =	simm.s32 $0x3;
	s6 =	sshrl.u32 s6, $0x3;
	s2 =	sadd.s32 s2, s1  }
0x10: {  	s9 =	smax.u32 s0, $0x1;
	s1 =	sadd.s32 s6, s1;
	s24 =	sadd.s32 $0x4200, s2  }
0x11: {  	s7 =	sadd.s32 $0xE480, s2;
	s8 =	sadd.s32 $0x75800, s1;
	s1 =	simm.s32 $0x6  }
0x12: {  	s2 =	simm.s32 $0x5;
	[dreg:$0x4] =	wrdreg s24;
	s24 =	simm.s32 $0x8980  }
.LBB2_4:
0x13: {  	_ =	swait.ge [sflag:s2], $0x12C0  }
0x14: {  	[sflag:s2] =	ssyncset.done $0x0  }
0x15: {  	[sflag:s2] =	ssyncadd.s32 $0xFFFFED40  }
0x16: {  	[spmem:s3] =	stream.indirect.scatter.add.f32 [tilespmem:s29], [sflag:$0xA], $0x30, s22, s12, $0xb8;
	[tilespmem:$0x12700] =	vst v63  }
0x17: {  	_ =	swait.ge [sflag:s1], $0x12C0  }
0x18: {  	[sflag:s1] =	ssyncset.done $0x0  }
0x19: {  	[sflag:s1] =	ssyncadd.s32 $0xFFFFED40  }
0x1a: {  	_ =	swait.ge [sflag:s19], $0x12C0  }
0x1b: {  	[sflag:s19] =	ssyncset.done $0x0  }
0x1c: {  	[sflag:s19] =	ssyncadd.s32 $0xFFFFED40  }
0x1d: {  	_ =	swait.ge [sflag:s23], $0x12C0  }
0x1e: {  	[sflag:s23] =	ssyncset.done $0x0  }
0x1f: {  	[sflag:s23] =	ssyncadd.s32 $0xFFFFED40  }
0x20: {  	_ =	swait.ge [sflag:s26], $0x12C0  }
0x21: {  	[sflag:s26] =	ssyncset.done $0x0  }
0x22: {  	[sflag:s26] =	ssyncadd.s32 $0xFFFFED40  }
0x23: {  	_ =	swait.ge [sflag:s28], $0x12C0  }
0x24: {  	s31 =	sadd.s32 $0x1, s31;
	[sflag:s28] =	ssyncset.done $0x0  }
0x25: {  	p0 =	sne.s32 s31, s9;
	[sflag:s28] =	ssyncadd.s32 $0xFFFFED40  }
.Ltmp1:
0x26: {  	[bflag:$0x0] =	sbarrier.arrive $0xFFFF;
	(pc) =	sbr.rel @!p0 .LBB2_5-.Ltmp1, $4  }
0x27: {  	[hbm:s8], [sflag:s16] =	dma.local [spmem:s17], $0xF00  }
0x28: {  	_ =	swait.ge [sflag:s10], $0xF00  }
0x29: {  	[sflag:s10] =	ssyncset.done $0x0  }
0x2a: {  	[sflag:s10] =	ssyncadd.s32 $0xFFFFF100  }
.LBB2_1:
0x2b: {  	s0 =	rddreg [dreg:$0x4]  }
0x2c: {  	[tilespmem:s4], [sflag:$0xB] =	stream.linear.gather [hbm4b:s0+s4], $0x28A0, $0x38;
	[tilespmem:$0x12700] =	vst v63  }
0x2d: {  	_ =	swait.ge [sflag:s10], $0x28A0  }
0x2e: {  	[sflag:s10] =	ssyncset.done $0x0  }
0x2f: {  	[sflag:s10] =	ssyncadd.s32 $0xFFFFD760  }
0x30: {  	[tilespmem:s11], [sflag:$0xB] =	stream.linear.gather [hbm4b:s7+s4], $0x28A0, $0x38;
	[tilespmem:$0x12700] =	vst v63  }
0x31: {  	_ =	swait.ge [sflag:s10], $0x28A0  }
0x32: {  	[sflag:s10] =	ssyncset.done $0x0  }
0x33: {  	[sflag:s10] =	ssyncadd.s32 $0xFFFFD760  }
0x34: {  	[tilespmem:s13], [sflag:$0x1] =	stream.indirect.gather [hbm4b:s5+s12], $0x30, s4, s12, $0xb8;
	[tilespmem:$0x12700] =	vst v63  }
0x35: {  	s14 =	simm.s32 $0x68;
	s22 =	rddreg [dreg:$0x1]  }
0x36: {  	[tilespmem:s15], [sflag:$0x2] =	stream.indirect.gather [hbm4b:s5+s12], $0x30, s14, s12, $0xb8;
	[tilespmem:$0x12700] =	vst v63  }
0x37: {  	[spmem:s17], [sflag:s16] =	dma.local [hbm:s22], $0xF00  }
0x38: {  	_ =	swait.ge [sflag:s10], $0xF00  }
0x39: {  	[sflag:s10] =	ssyncset.done $0x0  }
0x3a: {  	[sflag:s10] =	ssyncadd.s32 $0xFFFFF100  }
0x3b: {  	[bflag:$0x0] =	sbarrier.arrive $0xFFFF  }
0x3c: {  	_ =	swait.ge [sflag:s18], $0x12C0  }
0x3d: {  	[sflag:s18] =	ssyncset.done $0x0  }
0x3e: {  	[sflag:s18] =	ssyncadd.s32 $0xFFFFED40  }
0x3f: {  	[spmem:s3] =	stream.indirect.scatter.add.f32 [tilespmem:s13], [sflag:$0x6], $0x30, s11, s12, $0xb8;
	[tilespmem:$0x12700] =	vst v63  }
0x40: {  	s6 =	simm.s32 $0xD0  }
0x41: {  	[tilespmem:s20], [sflag:$0x3] =	stream.indirect.gather [hbm4b:s5+s12], $0x30, s6, s12, $0xb8;
	[tilespmem:$0x12700] =	vst v63  }
0x42: {  	_ =	swait.ge [sflag:s21], $0x12C0  }
0x43: {  	[sflag:s21] =	ssyncset.done $0x0  }
0x44: {  	s14 =	simm.s32 $0x2908;
	[sflag:s21] =	ssyncadd.s32 $0xFFFFED40  }
0x45: {  	[spmem:s3] =	stream.indirect.scatter.add.f32 [tilespmem:s15], [sflag:$0x7], $0x30, s14, s12, $0xb8;
	[tilespmem:$0x12700] =	vst v63  }
0x46: {  	s22 =	simm.s32 $0x138  }
0x47: {  	[tilespmem:s24], [sflag:$0x4] =	stream.indirect.gather [hbm4b:s5+s12], $0x30, s22, s12, $0xb8;
	[tilespmem:$0x12700] =	vst v63  }
0x48: {  	_ =	swait.ge [sflag:s25], $0x12C0  }
0x49: {  	[sflag:s25] =	ssyncset.done $0x0  }
0x4a: {  	s6 =	simm.s32 $0x2970;
	[sflag:s25] =	ssyncadd.s32 $0xFFFFED40  }
0x4b: {  	[spmem:s3] =	stream.indirect.scatter.add.f32 [tilespmem:s20], [sflag:$0x8], $0x30, s6, s12, $0xb8;
	[tilespmem:$0x12700] =	vst v63  }
0x4c: {  	s14 =	simm.s32 $0x1A0  }
0x4d: {  	[tilespmem:s29], [sflag:$0x5] =	stream.indirect.gather [hbm4b:s5+s12], $0x30, s14, s12, $0xb8;
	[tilespmem:$0x12700] =	vst v63  }
0x4e: {  	_ =	swait.ge [sflag:s30], $0x12C0  }
0x4f: {  	[sflag:s30] =	ssyncset.done $0x0  }
0x50: {  	s22 =	simm.s32 $0x29D8;
	[sflag:s30] =	ssyncadd.s32 $0xFFFFED40  }
0x51: {  	[spmem:s3] =	stream.indirect.scatter.add.f32 [tilespmem:s24], [sflag:$0x9], $0x30, s22, s12, $0xb8;
	[tilespmem:$0x12700] =	vst v63  }
0x52: {  	_ =	swait.ge [sflag:s1], $0x12C0  }
0x53: {  	[sflag:s1] =	ssyncset.done $0x0  }
0x54: {  	s6 =	simm.s32 $0x208;
	[sflag:s1] =	ssyncadd.s32 $0xFFFFED40  }
0x55: {  	[tilespmem:s13], [sflag:$0x1] =	stream.indirect.gather [hbm4b:s5+s12], $0x30, s6, s12, $0xb8;
	[tilespmem:$0x12700] =	vst v63  }
0x56: {  	_ =	swait.ge [sflag:s2], $0x12C0  }
0x57: {  	[sflag:s2] =	ssyncset.done $0x0  }
0x58: {  	s14 =	simm.s32 $0x2A40;
	[sflag:s2] =	ssyncadd.s32 $0xFFFFED40  }
0x59: {  	[spmem:s3] =	stream.indirect.scatter.add.f32 [tilespmem:s29], [sflag:$0xA], $0x30, s14, s12, $0xb8;
	[tilespmem:$0x12700] =	vst v63  }
0x5a: {  	_ =	swait.ge [sflag:s19], $0x12C0  }
0x5b: {  	[sflag:s19] =	ssyncset.done $0x0  }
0x5c: {  	s0 =	simm.s32 $0x0;
	s22 =	simm.s32 $0x270;
	[sflag:s19] =	ssyncadd.s32 $0xFFFFED40  }
0x5d: {  	[tilespmem:s15], [sflag:$0x2] =	stream.indirect.gather [hbm4b:s5+s12], $0x30, s22, s12, $0xb8;
	[tilespmem:$0x12700] =	vst v63  }
.LBB2_2:
0x5e: {  	_ =	swait.ge [sflag:s18], $0x12C0  }
0x5f: {  	s14 =	sshra.s32 s0, $0x2;
	[sflag:s18] =	ssyncset.done $0x0  }
0x60: {  	s22 =	sadd.s32 $0x2AA8, s14;
	[sflag:s18] =	ssyncadd.s32 $0xFFFFED40  }
0x61: {  	[spmem:s3] =	stream.indirect.scatter.add.f32 [tilespmem:s13], [sflag:$0x6], $0x30, s22, s12, $0xb8;
	[tilespmem:$0x12700] =	vst v63  }
0x62: {  	_ =	swait.ge [sflag:s23], $0x12C0  }
0x63: {  	[sflag:s23] =	ssyncset.done $0x0  }
0x64: {  	s6 =	sadd.s32 $0x2D8, s14;
	[sflag:s23] =	ssyncadd.s32 $0xFFFFED40  }
0x65: {  	[tilespmem:s20], [sflag:$0x3] =	stream.indirect.gather [hbm4b:s5+s12], $0x30, s6, s12, $0xb8;
	[tilespmem:$0x12700] =	vst v63  }
0x66: {  	_ =	swait.ge [sflag:s21], $0x12C0  }
0x67: {  	[sflag:s21] =	ssyncset.done $0x0  }
0x68: {  	s6 =	sadd.s32 $0x2B10, s14;
	[sflag:s21] =	ssyncadd.s32 $0xFFFFED40  }
0x69: {  	[spmem:s3] =	stream.indirect.scatter.add.f32 [tilespmem:s15], [sflag:$0x7], $0x30, s6, s12, $0xb8;
	[tilespmem:$0x12700] =	vst v63  }
0x6a: {  	_ =	swait.ge [sflag:s26], $0x12C0  }
0x6b: {  	[sflag:s26] =	ssyncset.done $0x0  }
0x6c: {  	s6 =	sadd.s32 $0x340, s14;
	[sflag:s26] =	ssyncadd.s32 $0xFFFFED40  }
0x6d: {  	[tilespmem:s24], [sflag:$0x4] =	stream.indirect.gather [hbm4b:s5+s12], $0x30, s6, s12, $0xb8;
	[tilespmem:$0x12700] =	vst v63  }
0x6e: {  	_ =	swait.ge [sflag:s25], $0x12C0  }
0x6f: {  	[sflag:s25] =	ssyncset.done $0x0  }
0x70: {  	s6 =	sadd.s32 $0x2B78, s14;
	[sflag:s25] =	ssyncadd.s32 $0xFFFFED40  }
0x71: {  	[spmem:s3] =	stream.indirect.scatter.add.f32 [tilespmem:s20], [sflag:$0x8], $0x30, s6, s12, $0xb8;
	[tilespmem:$0x12700] =	vst v63  }
0x72: {  	_ =	swait.ge [sflag:s28], $0x12C0  }
0x73: {  	[sflag:s28] =	ssyncset.done $0x0  }
0x74: {  	p0 =	seq.s32 s0, $0x9240;
	s6 =	sadd.s32 $0x3A8, s14;
	[sflag:s28] =	ssyncadd.s32 $0xFFFFED40  }
0x75: {  	[tilespmem:s29], [sflag:$0x5] =	stream.indirect.gather [hbm4b:s5+s12], $0x30, s6, s12, $0xb8;
	[tilespmem:$0x12700] =	vst v63  }
.Ltmp2:
0x76: {  	_ = 	snop;
	(pc) =	sbr.rel @p0 .LBB2_4-.Ltmp2, $4  }
0x77: {  	_ =	swait.ge [sflag:s30], $0x12C0  }
0x78: {  	[sflag:s30] =	ssyncset.done $0x0  }
0x79: {  	s22 =	sadd.s32 $0x2C48, s14;
	s6 =	sadd.s32 $0x2BE0, s14;
	[sflag:s30] =	ssyncadd.s32 $0xFFFFED40  }
0x7a: {  	[spmem:s3] =	stream.indirect.scatter.add.f32 [tilespmem:s24], [sflag:$0x9], $0x30, s6, s12, $0xb8;
	[tilespmem:$0x12700] =	vst v63  }
0x7b: {  	_ =	swait.ge [sflag:s1], $0x12C0  }
0x7c: {  	[sflag:s1] =	ssyncset.done $0x0  }
0x7d: {  	s6 =	sadd.s32 $0x410, s14;
	[sflag:s1] =	ssyncadd.s32 $0xFFFFED40  }
0x7e: {  	[tilespmem:s13], [sflag:$0x1] =	stream.indirect.gather [hbm4b:s5+s12], $0x30, s6, s12, $0xb8;
	[tilespmem:$0x12700] =	vst v63  }
0x7f: {  	_ =	swait.ge [sflag:s2], $0x12C0  }
0x80: {  	[sflag:s2] =	ssyncset.done $0x0  }
0x81: {  	[sflag:s2] =	ssyncadd.s32 $0xFFFFED40  }
0x82: {  	[spmem:s3] =	stream.indirect.scatter.add.f32 [tilespmem:s29], [sflag:$0xA], $0x30, s22, s12, $0xb8;
	[tilespmem:$0x12700] =	vst v63  }
.Ltmp3:
0x83: {  	_ = 	snop;
	(pc) =	sbr.rel .LBB2_2-.Ltmp3, $4  }
0x84: {  	_ =	swait.ge [sflag:s19], $0x12C0  }
0x85: {  	[sflag:s19] =	ssyncset.done $0x0  }
0x86: {  	s0 =	sadd.s32 $0x820, s0;
	s22 =	sadd.s32 $0x478, s14;
	[sflag:s19] =	ssyncadd.s32 $0xFFFFED40  }
0x87: {  	[tilespmem:s15], [sflag:$0x2] =	stream.indirect.gather [hbm4b:s5+s12], $0x30, s22, s12, $0xb8;
	[tilespmem:$0x12700] =	vst v63  }
.LBB2_5:
0x88: {  	_ =	sfence.sel $0x180000  }
0x89: {  	[bflag:$0x0] =	sbarrier.arrive $0xFFFF  }
0x8a: {  	_ =	strace $0x90000050  }
0x8b: {  	s0 =	stileid.u32;
	[bflag:$0x2] =	sbarrier.arrive $0xFFFF  }
0x8c: {  	p0 =	sne.s32 s0, $0x0;
	s0 =	rddreg [dreg:$0x3]  }
0x8d: {  	s0 =	sadd.s32 @!p0 $0x100000, s0  }
0x8e: {  	[sflag:s0] =	ssyncadd.tile.s32 @!p0 $0x1;
	_ =	shalt  }
.Lfunc_end2:
_tile_overlayer_lowered:
.L_overlay_start_2:
0x8f: {  	(tag) =	ssettag $0x2  }
0x90: {  	s0 =	rddreg [dreg:$0x0];
	s2 =	stileid.u32  }
0x91: {  	s1 =	rddreg [dreg:$0x1];
	p0 =	sne.s32 s2, $0x0  }
0x92: {  	s3 =	rddreg [dreg:$0x2];
	[bflag:$0x3] =	sbarrier.arrive $0xFFFF;
	s2 =	simm.s32 @!p0 $0x1C0B  }
0x93: {  	[timem:s3], [sflag:s2] =	dma.local @!p0 [hbm:s0], s1  }
0x94: {  	s0 =	simm.s32 @!p0 $0xB  }
0x95: {  	_ =	swait.ge @!p0 [sflag:s0], s1  }
0x96: {  	s1 =	ssub.s32 @!p0 $0x0, s1;
	[sflag:s0] =	ssyncset.done @!p0 $0x0  }
0x97: {  	[sflag:s0] =	ssyncadd.s32 @!p0 s1  }
0x98: {  	[bflag:$0x3] =	sbarrier.arrive $0xFFFF  }
0x99: {  	_ =	shalt  }

// kernel: kernel.25.cloned.1.call-start
scs
__scs_entry_jumppad:
0x0: {  	(pc) =	sbr.rel $0x88, $3  }
0x1: {  	(tag) =	ssettag $0x0;
	lr =	simm.s32 $0x1  }
0x2: {  	[smem:$0x3F9B] =	sst lr;
	_ =	strace $0xD0000000  }
0x3: {  	_ = 	snop  }
0x4: {  	_ = 	snop  }
0x5: {  	_ = 	snop  }
0x6: {  	_ = 	snop  }
0x7: {  	_ = 	snop  }
__scs_overlays_trampoline_lowered:
0x8: {  	[smem:$0x3FAA] =	sst s0  }
0x9: {  	[smem:$0x3FAB] =	sst s1  }
0xa: {  	[smem:$0x3FAC] =	sst s2  }
0xb: {  	[smem:$0x3FAD] =	sst s3  }
0xc: {  	[smem:$0x3FAE] =	sst s4  }
0xd: {  	[smem:$0x3FAF] =	sst s5  }
0xe: {  	[smem:$0x3FB0] =	sst s6  }
0xf: {  	[smem:$0x3FB1] =	sst s7  }
0x10: {  	[smem:$0x3FB2] =	sst s8  }
0x11: {  	[smem:$0x3FB3] =	sst s9;
	s0 =	simm.s32 @!p0 $0x0  }
0x12: {  	s1 =	sld [smem:$0x3F99];
	s0 =	simm.s32 @p0 $0x1  }
0x13: {  	[smem:$0x3FB4] =	sst s0;
	s0 =	simm.s32 @!p1 $0x0  }
0x14: {  	s2 =	sld [smem:$0x3F98];
	s0 =	simm.s32 @p1 $0x1  }
0x15: {  	[smem:$0x3FB5] =	sst s0;
	s0 =	simm.s32 @!p2 $0x0  }
0x16: {  	s3 =	sld [smem:$0x3FDB];
	s0 =	simm.s32 @p2 $0x1  }
0x17: {  	s4 =	simm.s32 $0x1BF5;
	[smem:$0x3FB7] =	sst s0  }
0x18: {  	s0 =	sld [smem:$0x3F9A];
	_ =	swait.ge [sflag:s4], $0x0  }
0x19: {  	s7 =	sld [smem:$0x3F9B]  }
0x1a: {  	s8 =	sadd.s32 $0xFFFFE003, lr  }
0x1b: {  	s9 =	sadd.s32 $0xFFFFFEF7, lr;
	s5 =	simm.s32 $0xFFFFFFFF;
	p2 =	slt.u32 s8, $0xFFFFF086  }
0x1c: {  	p1 =	slt.u32 s9, $0xF7A;
	s5 =	simm.s32 @!p2 $0x0  }
0x1d: {  	s5 =	simm.s32 @p1 $0x1;
	p0 =	seq.s32 s7, s2  }
0x1e: {  	s7 =	smul.u32 @!p0 $0xF7A, s2;
	p2 =	seq.s32 @!p0 s5, $0x0  }
0x1f: {  	s9 =	smul.u32 $0xF7A, s1;
	s8 =	simm.s32 @!p0 $0x1BF5;
	p2 =	por !p2, p0  }
0x20: {  	[sflag:s8] =	ssyncset.s32 @!p0 $0xFFFFF086;
	s6 =	sadd.s32 @!p0 s3, s7;
	s7 =	simm.s32 @!p0 $0x108  }
0x21: {  	s3 =	sadd.s32 s3, s9;
	s6 =	sadd.s32 @!p0 $0x88, s6;
	s7 =	simm.s32 @p2 $0x1082  }
0x22: {  	[simem:s7], [sflag:s8] =	dma.local @!p0 [hbm:s6], $0xF7A  }
0x23: {  	s9 =	sor.u32 $0xD0000000, s2;
	s6 =	simm.s32 $0x108;
	_ =	swait.ge @!p0 [sflag:s8], $0x0  }
0x24: {  	s3 =	sadd.s32 $0x88, s3;
	s6 =	simm.s32 @!p1 $0x1082;
	[sflag:s4] =	ssyncset.s32 $0xFFFFF086  }
0x25: {  	[simem:s6], [sflag:s4] =	dma.local [hbm:s3], $0xF7A  }
0x26: {  	[smem:$0x3F9B] =	sst s1;
	(tag) =	ssettag s2;
	_ =	strace s9  }
0x27: {  	s1 =	sld [smem:$0x3FAB]  }
0x28: {  	s2 =	sld [smem:$0x3FAC]  }
0x29: {  	s4 =	sld [smem:$0x3FAE]  }
0x2a: {  	p0 =	seq.s32 s5, $0x0;
	s5 =	sld [smem:$0x3FAF]  }
0x2b: {  	s6 =	sld [smem:$0x3FB0]  }
0x2c: {  	s7 =	sld [smem:$0x3FB1]  }
0x2d: {  	s3 =	simm.s32 $0x108;
	s8 =	sld [smem:$0x3FB2]  }
0x2e: {  	s3 =	simm.s32 @!p0 $0x1082;
	s9 =	sld [smem:$0x3FB3]  }
0x2f: {  	lr =	sadd.s32 s0, s3;
	s0 =	sld [smem:$0x3FAA]  }
0x30: {  	s3 =	sld [smem:$0x3FAD]  }
0x31: {  	[smem:$0x3FB6] =	sst s10  }
0x32: {  	s10 =	sld [smem:$0x3FB4];
	_ =	sdelay $0x3  }
0x33: {  	p0 =	seq.s32 s10, $0x1;
	s10 =	sld [smem:$0x3FB6];
	_ =	sdelay $0x3  }
0x34: {  	[smem:$0x3FB6] =	sst s10  }
0x35: {  	s10 =	sld [smem:$0x3FB5];
	_ =	sdelay $0x3  }
0x36: {  	p1 =	seq.s32 s10, $0x1;
	s10 =	sld [smem:$0x3FB6];
	_ =	sdelay $0x3  }
0x37: {  	[smem:$0x3FB6] =	sst s10  }
0x38: {  	s10 =	sld [smem:$0x3FB7]  }
0x39: {  	_ = 	snop;
	(pc) =	sbr.ind lr, $3  }
0x3a: {  	_ = 	snop  }
0x3b: {  	_ = 	snop  }
0x3c: {  	p2 =	seq.s32 s10, $0x1;
	s10 =	sld [smem:$0x3FB6]  }
0x3d: {  	_ =	shalt  }
0x3e: {  	_ =	shalt  }
0x3f: {  	_ =	shalt  }
0x40: {  	_ =	shalt  }
0x41: {  	_ =	shalt  }
0x42: {  	_ =	shalt  }
0x43: {  	_ =	shalt  }
0x44: {  	_ =	shalt  }
0x45: {  	_ =	shalt  }
0x46: {  	_ =	shalt  }
0x47: {  	_ =	shalt  }
0x48: {  	_ =	shalt  }
0x49: {  	_ =	shalt  }
0x4a: {  	_ =	shalt  }
0x4b: {  	_ =	shalt  }
0x4c: {  	_ =	shalt  }
0x4d: {  	_ =	shalt  }
0x4e: {  	_ =	shalt  }
0x4f: {  	_ =	shalt  }
0x50: {  	_ =	shalt  }
0x51: {  	_ =	shalt  }
0x52: {  	_ =	shalt  }
0x53: {  	_ =	shalt  }
0x54: {  	_ =	shalt  }
0x55: {  	_ =	shalt  }
0x56: {  	_ =	shalt  }
0x57: {  	_ =	shalt  }
0x58: {  	_ =	shalt  }
0x59: {  	_ =	shalt  }
0x5a: {  	_ =	shalt  }
0x5b: {  	_ =	shalt  }
0x5c: {  	_ =	shalt  }
0x5d: {  	_ =	shalt  }
0x5e: {  	_ =	shalt  }
0x5f: {  	_ =	shalt  }
0x60: {  	_ =	shalt  }
0x61: {  	_ =	shalt  }
0x62: {  	_ =	shalt  }
0x63: {  	_ =	shalt  }
0x64: {  	_ =	shalt  }
0x65: {  	_ =	shalt  }
0x66: {  	_ =	shalt  }
0x67: {  	_ =	shalt  }
0x68: {  	_ =	shalt  }
0x69: {  	_ =	shalt  }
0x6a: {  	_ =	shalt  }
0x6b: {  	_ =	shalt  }
0x6c: {  	_ =	shalt  }
0x6d: {  	_ =	shalt  }
0x6e: {  	_ =	shalt  }
0x6f: {  	_ =	shalt  }
0x70: {  	_ =	shalt  }
0x71: {  	_ =	shalt  }
0x72: {  	_ =	shalt  }
0x73: {  	_ =	shalt  }
0x74: {  	_ =	shalt  }
0x75: {  	_ =	shalt  }
0x76: {  	_ =	shalt  }
0x77: {  	_ =	shalt  }
0x78: {  	_ =	shalt  }
0x79: {  	_ =	shalt  }
0x7a: {  	_ =	shalt  }
0x7b: {  	_ =	shalt  }
0x7c: {  	_ =	shalt  }
0x7d: {  	_ =	shalt  }
0x7e: {  	_ =	shalt  }
0x7f: {  	_ =	shalt  }
0x80: {  	_ =	shalt  }
0x81: {  	_ =	shalt  }
0x82: {  	_ =	shalt  }
0x83: {  	_ =	shalt  }
0x84: {  	_ =	shalt  }
0x85: {  	_ =	shalt  }
0x86: {  	_ =	shalt  }
0x87: {  	_ =	shalt  }
.Lfunc_end0:
.L_simem_size_0:
called_computation.4_lowered:
.L_overlay_start_0:
0x88: {  	s2 =	sld [smem:$0x3FD9]  }
0x89: {  	s3 =	sld [smem:$0x3FFE];
	_ =	sdelay $0x1  }
0x8a: {  	s1 =	srdreg.scid  }
0x8b: {  	s0 =	sand.u32 $0x1, s1  }
0x8c: {  	s17 =	sshll.u32 s0, $0xA;
	s2 =	sadd.s32 s3, s2  }
0x8d: {  	s2 =	sadd.s32 s2, s17  }
0x8e: {  	[smem:$0x3FC2] =	sst s2  }
0x8f: {  	_ = 	snop  }
0x90: {  	s2 =	sld [smem:$0x3FD0];
	(tm) =	ssettm $0x1  }
0x91: {  	s18 =	sld [smem:$0x3FFB];
	_ =	sdelay $0x3  }
0x92: {  	_ =	strace s18  }
0x93: {  	s3 =	sld [smem:$0x3FFC];
	_ =	sdelay $0x3  }
0x94: {  	_ =	strace s3  }
0x95: {  	s3 =	sld [smem:$0x3FFD];
	_ =	sdelay $0x3  }
0x96: {  	_ =	strace s3  }
0x97: {  	_ =	strace $0x8FFFFFFF  }
0x98: {  	s19 =	sld [smem:$0x3FDB];
	_ =	sdelay $0x1  }
0x99: {  	s4 =	simm.s32 $_scs_section_size  }
0x9a: {  	s5 =	simm.s32 $_size__tile_overlayer_lowered;
	s6 =	simm.s32 $_tile_overlayer_lowered  }
0x9b: {  	s22 =	simm.s32 $0x1BFF;
	s21 =	sshll.u32 s6, $0x1;
	s3 =	sadd.s32 s4, s19  }
0x9c: {  	s7 =	simm.s32 $0x0;
	s20 =	sshll.u32 s5, $0x1;
	s5 =	sadd.s32 s21, s3  }
0x9d: {  	[timem:s7], [sflag:s22] =	dma.local [hbm:s5], s20  }
0x9e: {  	_ =	swait.ge [sflag:s22], s20  }
0x9f: {  	s4 =	ssub.s32 $0x0, s20;
	[sflag:s22] =	ssyncset.done $0x0  }
0xa0: {  	[sflag:s22] =	ssyncadd.s32 s4;
	_ =	sdelay $0x1  }
0xa1: {  	s23 =	simm.s32 $0x1B8B  }
0xa2: {  	_ =	swait.ge [sflag:s23], $0x1  }
0xa3: {  	[sflag:s23] =	ssyncset.done $0x0  }
0xa4: {  	s25 =	simm.s32 $0x1B8E;
	s24 =	sld [smem:$0x3FFE];
	[sflag:s23] =	ssyncadd.s32 $0xFFFFFFFF  }
0xa5: {  	s26 =	simm.s32 $execute0_lowered;
	[smem:$0x3FD2] =	sst s25  }
0xa6: {  	s5 =	sshll.u32 s26, $0x1;
	_ =	strace $0x80000052;
	[dreg:$0x1] =	wrdreg $0xFFFFFFFF  }
0xa7: {  	s28 =	simm.s32 $_size_execute0_lowered;
	s3 =	sadd.s32 s3, s5;
	[dreg:$0x0] =	wrdreg $0x0  }
0xa8: {  	s5 =	sshll.u32 s28, $0x1;
	[dreg:$0x2] =	wrdreg s3  }
0xa9: {  	[dreg:$0x3] =	wrdreg s5  }
0xaa: {  	[dreg:$0x4] =	wrdreg $0xC0  }
0xab: {  	_ =	task [dreg:s7], $0x5FFFF  }
0xac: {  	[dreg:$0x1] =	wrdreg $0xFFFFFFFF  }
0xad: {  	[dreg:$0x0] =	wrdreg $0x60  }
0xae: {  	[dreg:$0x2] =	wrdreg s24  }
0xaf: {  	[dreg:$0x3] =	wrdreg s2  }
0xb0: {  	[dreg:$0x4] =	wrdreg $0xAF000  }
0xb1: {  	[dreg:$0x5] =	wrdreg $0x9  }
0xb2: {  	_ =	task.clear_ibuf [dreg:s7], $0x6FFFF;
	_ =	strace $0x90000052  }
0xb3: {  	s29 =	simm.s32 $0x9;
	_ =	strace $0x80000054  }
0xb4: {  	_ =	swait.ge [sflag:s29], $0x1  }
0xb5: {  	[sflag:s29] =	ssyncadd.s32 $0xFFFFFFFF  }
0xb6: {  	_ =	strace $0x90000054  }
0xb7: {  	_ =	sfence  }
0xb8: {  	s30 =	sld [smem:$0x0];
	_ =	sdelay $0x2  }
0xb9: {  	s31 =	sshll.u32 s1, $0xD;
	s1 =	sshrl.u32 s1, $0x2  }
0xba: {  	s3 =	sand.u32 $0x4000, s31;
	s1 =	sadd.s32 s1, s30  }
0xbb: {  	s0 =	sor.u32 s3, s0;
	s1 =	sshll.u32 s1, $0x11  }
0xbc: {  	s0 =	sor.u32 s1, s0  }
0xbd: {  	s0 =	sadd.s32 $0x8F2B, s0  }
0xbe: {  	[sflag:s0] =	ssyncadd.remote.s32 $0x1  }
0xbf: {  	_ =	sfence.sel $0xFFFF  }
0xc0: {  	[dreg:$0x0] =	wrdreg $0xFFFFFFFF;
	(pc) =	sbr.abs _section_cstart, $3  }
0xc1: {  	[dreg:$0x1] =	wrdreg $0xFFFFFFFF  }
0xc2: {  	_ =	task.clear_ibuf [dreg:s7], $0x2FFFF;
	_ =	strace $0x9FFFFFFF  }
0xc3: {  	(tm) =	ssettm $0x7FFFFFFF  }
tec
execute0_lowered:
.L_overlay_start_1:
0x0: {  	(tag) =	ssettag $0x1  }
0x1: {  	s0 =	srdreg.scid  }
0x2: {  	s1 =	rddreg [dreg:$0x0];
	s14 =	stileid.u32  }
0x3: {  	s3 =	rddreg [dreg:$0x2];
	s4 =	simm.s32 $0x0;
	s10 =	simm.s32 $0xB  }
0x4: {  	s11 =	simm.s32 $0x28A0;
	s12 =	simm.s32 $0x64;
	s13 =	simm.s32 $0x5140  }
0x5: {  	s15 =	simm.s32 $0x6400;
	s18 =	simm.s32 $0x1;
	s20 =	simm.s32 $0x76C0  }
0x6: {  	s21 =	simm.s32 $0x2;
	s29 =	simm.s32 $0x9C40;
	s30 =	simm.s32 $0x4  }
0x7: {  	s19 =	simm.s32 $0x7;
	s23 =	simm.s32 $0x8;
	s28 =	simm.s32 $0xA  }
0x8: {  	s31 =	simm.s32 $0x0;
	s0 =	sand.u32 $0x1, s0;
	s8 =	smul.u32 $0x7800, s14  }
0x9: {  	[smem:$0x7FF] =	sst s4;
	s5 =	sadd.s32 $0x3FA00, s1;
	s26 =	sshll.u32 s14, $0x6  }
0xa: {  	s2 =	sshll.u32 s0, $0x4;
	s6 =	smul.u32 $0x78000, s0;
	_ =	strace $0x80000053  }
0xb: {  	s0 =	ssub.s32 $0x2, s0;
	s16 =	sor.u32 $0x1C0B, s26;
	s2 =	sor.u32 s14, s2  }
0xc: {  	s26 =	simm.s32 $0x9;
	s7 =	sshrl.u32 s0, $0x1;
	s2 =	smul.u32 $0x28A0, s2  }
0xd: {  	s25 =	sadd.s32 s8, s3;
	s6 =	sadd.s32 s8, s6;
	s0 =	ssub.s32 s0, s7  }
.Ltmp0:
0xe: {  	s17 =	sshrl.u32 s25, $0x3;
	s2 =	sshrl.u32 s2, $0x3;
	(pc) =	sbr.rel .LBB2_1-.Ltmp0, $4  }
0xf: {  	s25 =	simm.s32 $0x3;
	s6 =	sshrl.u32 s6, $0x3;
	s2 =	sadd.s32 s2, s1  }
0x10: {  	s9 =	smax.u32 s0, $0x1;
	s1 =	sadd.s32 s6, s1;
	s24 =	sadd.s32 $0x4200, s2  }
0x11: {  	s7 =	sadd.s32 $0xE480, s2;
	s8 =	sadd.s32 $0x4E600, s1;
	s1 =	simm.s32 $0x6  }
0x12: {  	s2 =	simm.s32 $0x5;
	[dreg:$0x4] =	wrdreg s24;
	s24 =	simm.s32 $0x8980  }
.LBB2_4:
0x13: {  	_ =	swait.ge [sflag:s2], $0x12C0  }
0x14: {  	[sflag:s2] =	ssyncset.done $0x0  }
0x15: {  	[sflag:s2] =	ssyncadd.s32 $0xFFFFED40  }
0x16: {  	[spmem:s3] =	stream.indirect.scatter.add.f32 [tilespmem:s29], [sflag:$0xA], $0x30, s22, s12, $0xb8;
	[tilespmem:$0x12700] =	vst v63  }
0x17: {  	_ =	swait.ge [sflag:s1], $0x12C0  }
0x18: {  	[sflag:s1] =	ssyncset.done $0x0  }
0x19: {  	[sflag:s1] =	ssyncadd.s32 $0xFFFFED40  }
0x1a: {  	_ =	swait.ge [sflag:s19], $0x12C0  }
0x1b: {  	[sflag:s19] =	ssyncset.done $0x0  }
0x1c: {  	[sflag:s19] =	ssyncadd.s32 $0xFFFFED40  }
0x1d: {  	_ =	swait.ge [sflag:s23], $0x12C0  }
0x1e: {  	[sflag:s23] =	ssyncset.done $0x0  }
0x1f: {  	[sflag:s23] =	ssyncadd.s32 $0xFFFFED40  }
0x20: {  	_ =	swait.ge [sflag:s26], $0x12C0  }
0x21: {  	[sflag:s26] =	ssyncset.done $0x0  }
0x22: {  	[sflag:s26] =	ssyncadd.s32 $0xFFFFED40  }
0x23: {  	_ =	swait.ge [sflag:s28], $0x12C0  }
0x24: {  	s31 =	sadd.s32 $0x1, s31;
	[sflag:s28] =	ssyncset.done $0x0  }
0x25: {  	p0 =	sne.s32 s31, s9;
	[sflag:s28] =	ssyncadd.s32 $0xFFFFED40  }
.Ltmp1:
0x26: {  	[bflag:$0x0] =	sbarrier.arrive $0xFFFF;
	(pc) =	sbr.rel @!p0 .LBB2_5-.Ltmp1, $4  }
0x27: {  	[hbm:s8], [sflag:s16] =	dma.local [spmem:s17], $0xF00  }
0x28: {  	_ =	swait.ge [sflag:s10], $0xF00  }
0x29: {  	[sflag:s10] =	ssyncset.done $0x0  }
0x2a: {  	[sflag:s10] =	ssyncadd.s32 $0xFFFFF100  }
.LBB2_1:
0x2b: {  	s0 =	rddreg [dreg:$0x4]  }
0x2c: {  	[tilespmem:s4], [sflag:$0xB] =	stream.linear.gather [hbm4b:s0+s4], $0x28A0, $0x38;
	[tilespmem:$0x12700] =	vst v63  }
0x2d: {  	_ =	swait.ge [sflag:s10], $0x28A0  }
0x2e: {  	[sflag:s10] =	ssyncset.done $0x0  }
0x2f: {  	[sflag:s10] =	ssyncadd.s32 $0xFFFFD760  }
0x30: {  	[tilespmem:s11], [sflag:$0xB] =	stream.linear.gather [hbm4b:s7+s4], $0x28A0, $0x38;
	[tilespmem:$0x12700] =	vst v63  }
0x31: {  	_ =	swait.ge [sflag:s10], $0x28A0  }
0x32: {  	[sflag:s10] =	ssyncset.done $0x0  }
0x33: {  	[sflag:s10] =	ssyncadd.s32 $0xFFFFD760  }
0x34: {  	[tilespmem:s13], [sflag:$0x1] =	stream.indirect.gather [hbm4b:s5+s12], $0x30, s4, s12, $0xb8;
	[tilespmem:$0x12700] =	vst v63  }
0x35: {  	s14 =	simm.s32 $0x68;
	s22 =	rddreg [dreg:$0x1]  }
0x36: {  	[tilespmem:s15], [sflag:$0x2] =	stream.indirect.gather [hbm4b:s5+s12], $0x30, s14, s12, $0xb8;
	[tilespmem:$0x12700] =	vst v63  }
0x37: {  	[spmem:s17], [sflag:s16] =	dma.local [hbm:s22], $0xF00  }
0x38: {  	_ =	swait.ge [sflag:s10], $0xF00  }
0x39: {  	[sflag:s10] =	ssyncset.done $0x0  }
0x3a: {  	[sflag:s10] =	ssyncadd.s32 $0xFFFFF100  }
0x3b: {  	[bflag:$0x0] =	sbarrier.arrive $0xFFFF  }
0x3c: {  	_ =	swait.ge [sflag:s18], $0x12C0  }
0x3d: {  	[sflag:s18] =	ssyncset.done $0x0  }
0x3e: {  	[sflag:s18] =	ssyncadd.s32 $0xFFFFED40  }
0x3f: {  	[spmem:s3] =	stream.indirect.scatter.add.f32 [tilespmem:s13], [sflag:$0x6], $0x30, s11, s12, $0xb8;
	[tilespmem:$0x12700] =	vst v63  }
0x40: {  	s6 =	simm.s32 $0xD0  }
0x41: {  	[tilespmem:s20], [sflag:$0x3] =	stream.indirect.gather [hbm4b:s5+s12], $0x30, s6, s12, $0xb8;
	[tilespmem:$0x12700] =	vst v63  }
0x42: {  	_ =	swait.ge [sflag:s21], $0x12C0  }
0x43: {  	[sflag:s21] =	ssyncset.done $0x0  }
0x44: {  	s14 =	simm.s32 $0x2908;
	[sflag:s21] =	ssyncadd.s32 $0xFFFFED40  }
0x45: {  	[spmem:s3] =	stream.indirect.scatter.add.f32 [tilespmem:s15], [sflag:$0x7], $0x30, s14, s12, $0xb8;
	[tilespmem:$0x12700] =	vst v63  }
0x46: {  	s22 =	simm.s32 $0x138  }
0x47: {  	[tilespmem:s24], [sflag:$0x4] =	stream.indirect.gather [hbm4b:s5+s12], $0x30, s22, s12, $0xb8;
	[tilespmem:$0x12700] =	vst v63  }
0x48: {  	_ =	swait.ge [sflag:s25], $0x12C0  }
0x49: {  	[sflag:s25] =	ssyncset.done $0x0  }
0x4a: {  	s6 =	simm.s32 $0x2970;
	[sflag:s25] =	ssyncadd.s32 $0xFFFFED40  }
0x4b: {  	[spmem:s3] =	stream.indirect.scatter.add.f32 [tilespmem:s20], [sflag:$0x8], $0x30, s6, s12, $0xb8;
	[tilespmem:$0x12700] =	vst v63  }
0x4c: {  	s14 =	simm.s32 $0x1A0  }
0x4d: {  	[tilespmem:s29], [sflag:$0x5] =	stream.indirect.gather [hbm4b:s5+s12], $0x30, s14, s12, $0xb8;
	[tilespmem:$0x12700] =	vst v63  }
0x4e: {  	_ =	swait.ge [sflag:s30], $0x12C0  }
0x4f: {  	[sflag:s30] =	ssyncset.done $0x0  }
0x50: {  	s22 =	simm.s32 $0x29D8;
	[sflag:s30] =	ssyncadd.s32 $0xFFFFED40  }
0x51: {  	[spmem:s3] =	stream.indirect.scatter.add.f32 [tilespmem:s24], [sflag:$0x9], $0x30, s22, s12, $0xb8;
	[tilespmem:$0x12700] =	vst v63  }
0x52: {  	_ =	swait.ge [sflag:s1], $0x12C0  }
0x53: {  	[sflag:s1] =	ssyncset.done $0x0  }
0x54: {  	s6 =	simm.s32 $0x208;
	[sflag:s1] =	ssyncadd.s32 $0xFFFFED40  }
0x55: {  	[tilespmem:s13], [sflag:$0x1] =	stream.indirect.gather [hbm4b:s5+s12], $0x30, s6, s12, $0xb8;
	[tilespmem:$0x12700] =	vst v63  }
0x56: {  	_ =	swait.ge [sflag:s2], $0x12C0  }
0x57: {  	[sflag:s2] =	ssyncset.done $0x0  }
0x58: {  	s14 =	simm.s32 $0x2A40;
	[sflag:s2] =	ssyncadd.s32 $0xFFFFED40  }
0x59: {  	[spmem:s3] =	stream.indirect.scatter.add.f32 [tilespmem:s29], [sflag:$0xA], $0x30, s14, s12, $0xb8;
	[tilespmem:$0x12700] =	vst v63  }
0x5a: {  	_ =	swait.ge [sflag:s19], $0x12C0  }
0x5b: {  	[sflag:s19] =	ssyncset.done $0x0  }
0x5c: {  	s0 =	simm.s32 $0x0;
	s22 =	simm.s32 $0x270;
	[sflag:s19] =	ssyncadd.s32 $0xFFFFED40  }
0x5d: {  	[tilespmem:s15], [sflag:$0x2] =	stream.indirect.gather [hbm4b:s5+s12], $0x30, s22, s12, $0xb8;
	[tilespmem:$0x12700] =	vst v63  }
.LBB2_2:
0x5e: {  	_ =	swait.ge [sflag:s18], $0x12C0  }
0x5f: {  	s14 =	sshra.s32 s0, $0x2;
	[sflag:s18] =	ssyncset.done $0x0  }
0x60: {  	s22 =	sadd.s32 $0x2AA8, s14;
	[sflag:s18] =	ssyncadd.s32 $0xFFFFED40  }
0x61: {  	[spmem:s3] =	stream.indirect.scatter.add.f32 [tilespmem:s13], [sflag:$0x6], $0x30, s22, s12, $0xb8;
	[tilespmem:$0x12700] =	vst v63  }
0x62: {  	_ =	swait.ge [sflag:s23], $0x12C0  }
0x63: {  	[sflag:s23] =	ssyncset.done $0x0  }
0x64: {  	s6 =	sadd.s32 $0x2D8, s14;
	[sflag:s23] =	ssyncadd.s32 $0xFFFFED40  }
0x65: {  	[tilespmem:s20], [sflag:$0x3] =	stream.indirect.gather [hbm4b:s5+s12], $0x30, s6, s12, $0xb8;
	[tilespmem:$0x12700] =	vst v63  }
0x66: {  	_ =	swait.ge [sflag:s21], $0x12C0  }
0x67: {  	[sflag:s21] =	ssyncset.done $0x0  }
0x68: {  	s6 =	sadd.s32 $0x2B10, s14;
	[sflag:s21] =	ssyncadd.s32 $0xFFFFED40  }
0x69: {  	[spmem:s3] =	stream.indirect.scatter.add.f32 [tilespmem:s15], [sflag:$0x7], $0x30, s6, s12, $0xb8;
	[tilespmem:$0x12700] =	vst v63  }
0x6a: {  	_ =	swait.ge [sflag:s26], $0x12C0  }
0x6b: {  	[sflag:s26] =	ssyncset.done $0x0  }
0x6c: {  	s6 =	sadd.s32 $0x340, s14;
	[sflag:s26] =	ssyncadd.s32 $0xFFFFED40  }
0x6d: {  	[tilespmem:s24], [sflag:$0x4] =	stream.indirect.gather [hbm4b:s5+s12], $0x30, s6, s12, $0xb8;
	[tilespmem:$0x12700] =	vst v63  }
0x6e: {  	_ =	swait.ge [sflag:s25], $0x12C0  }
0x6f: {  	[sflag:s25] =	ssyncset.done $0x0  }
0x70: {  	s6 =	sadd.s32 $0x2B78, s14;
	[sflag:s25] =	ssyncadd.s32 $0xFFFFED40  }
0x71: {  	[spmem:s3] =	stream.indirect.scatter.add.f32 [tilespmem:s20], [sflag:$0x8], $0x30, s6, s12, $0xb8;
	[tilespmem:$0x12700] =	vst v63  }
0x72: {  	_ =	swait.ge [sflag:s28], $0x12C0  }
0x73: {  	[sflag:s28] =	ssyncset.done $0x0  }
0x74: {  	p0 =	seq.s32 s0, $0x9240;
	s6 =	sadd.s32 $0x3A8, s14;
	[sflag:s28] =	ssyncadd.s32 $0xFFFFED40  }
0x75: {  	[tilespmem:s29], [sflag:$0x5] =	stream.indirect.gather [hbm4b:s5+s12], $0x30, s6, s12, $0xb8;
	[tilespmem:$0x12700] =	vst v63  }
.Ltmp2:
0x76: {  	_ = 	snop;
	(pc) =	sbr.rel @p0 .LBB2_4-.Ltmp2, $4  }
0x77: {  	_ =	swait.ge [sflag:s30], $0x12C0  }
0x78: {  	[sflag:s30] =	ssyncset.done $0x0  }
0x79: {  	s22 =	sadd.s32 $0x2C48, s14;
	s6 =	sadd.s32 $0x2BE0, s14;
	[sflag:s30] =	ssyncadd.s32 $0xFFFFED40  }
0x7a: {  	[spmem:s3] =	stream.indirect.scatter.add.f32 [tilespmem:s24], [sflag:$0x9], $0x30, s6, s12, $0xb8;
	[tilespmem:$0x12700] =	vst v63  }
0x7b: {  	_ =	swait.ge [sflag:s1], $0x12C0  }
0x7c: {  	[sflag:s1] =	ssyncset.done $0x0  }
0x7d: {  	s6 =	sadd.s32 $0x410, s14;
	[sflag:s1] =	ssyncadd.s32 $0xFFFFED40  }
0x7e: {  	[tilespmem:s13], [sflag:$0x1] =	stream.indirect.gather [hbm4b:s5+s12], $0x30, s6, s12, $0xb8;
	[tilespmem:$0x12700] =	vst v63  }
0x7f: {  	_ =	swait.ge [sflag:s2], $0x12C0  }
0x80: {  	[sflag:s2] =	ssyncset.done $0x0  }
0x81: {  	[sflag:s2] =	ssyncadd.s32 $0xFFFFED40  }
0x82: {  	[spmem:s3] =	stream.indirect.scatter.add.f32 [tilespmem:s29], [sflag:$0xA], $0x30, s22, s12, $0xb8;
	[tilespmem:$0x12700] =	vst v63  }
.Ltmp3:
0x83: {  	_ = 	snop;
	(pc) =	sbr.rel .LBB2_2-.Ltmp3, $4  }
0x84: {  	_ =	swait.ge [sflag:s19], $0x12C0  }
0x85: {  	[sflag:s19] =	ssyncset.done $0x0  }
0x86: {  	s0 =	sadd.s32 $0x820, s0;
	s22 =	sadd.s32 $0x478, s14;
	[sflag:s19] =	ssyncadd.s32 $0xFFFFED40  }
0x87: {  	[tilespmem:s15], [sflag:$0x2] =	stream.indirect.gather [hbm4b:s5+s12], $0x30, s22, s12, $0xb8;
	[tilespmem:$0x12700] =	vst v63  }
.LBB2_5:
0x88: {  	_ =	sfence.sel $0x180000  }
0x89: {  	[bflag:$0x0] =	sbarrier.arrive $0xFFFF  }
0x8a: {  	_ =	strace $0x90000053  }
0x8b: {  	s0 =	stileid.u32;
	[bflag:$0x2] =	sbarrier.arrive $0xFFFF  }
0x8c: {  	p0 =	sne.s32 s0, $0x0;
	s0 =	rddreg [dreg:$0x3]  }
0x8d: {  	s0 =	sadd.s32 @!p0 $0x100000, s0  }
0x8e: {  	[sflag:s0] =	ssyncadd.tile.s32 @!p0 $0x1;
	_ =	shalt  }
.Lfunc_end2:
_tile_overlayer_lowered:
.L_overlay_start_2:
0x8f: {  	(tag) =	ssettag $0x2  }
0x90: {  	s0 =	rddreg [dreg:$0x0];
	s2 =	stileid.u32  }
0x91: {  	s1 =	rddreg [dreg:$0x1];
	p0 =	sne.s32 s2, $0x0  }
0x92: {  	s3 =	rddreg [dreg:$0x2];
	[bflag:$0x3] =	sbarrier.arrive $0xFFFF;
	s2 =	simm.s32 @!p0 $0x1C0B  }
0x93: {  	[timem:s3], [sflag:s2] =	dma.local @!p0 [hbm:s0], s1  }
0x94: {  	s0 =	simm.s32 @!p0 $0xB  }
0x95: {  	_ =	swait.ge @!p0 [sflag:s0], s1  }
0x96: {  	s1 =	ssub.s32 @!p0 $0x0, s1;
	[sflag:s0] =	ssyncset.done @!p0 $0x0  }
0x97: {  	[sflag:s0] =	ssyncadd.s32 @!p0 s1  }
0x98: {  	[bflag:$0x3] =	sbarrier.arrive $0xFFFF  }
0x99: {  	_ =	shalt  }

</sc_bundles>
